<compile_context>
chip_gen: v7x
topology: tpu7x:2x2x1
jax: 0.10.2.dev20260603
libtpu: 0.0.44.dev20260713+nightly
codegen_flags: <defaults>
</compile_context>

<pallas_src>
import functools

import jax
import jax.numpy as jnp
from jax import lax
from jax.experimental import pallas as pl
from jax.experimental.pallas import tpu as pltpu
from jax.experimental.pallas import tpu_sc as plsc

N_NODES = 10000
D = 128
N_EDGES = 320000

NUM_CORES = 2
NUM_SUBCORES = 16
NW = NUM_CORES * NUM_SUBCORES

G = 80
NCHUNK = N_EDGES // (NW * G)
PADN = 10240
STRIPE = PADN // NUM_SUBCORES

NBUF = 3
NPHASE = 5
HC = NCHUNK // NPHASE


def _sc_agg_body(x_hbm, edge_hbm, out_hbm, src_v, dst_v, rows_v, acc, sems,
                 isems):
  c = lax.axis_index("c")
  s = lax.axis_index("s")
  wid = s * NUM_CORES + c

  zz = jnp.zeros((16,), jnp.float32)

  def zero_row(i, _):
    for j in range(D // 16):
      rows_v[0, i, pl.ds(j * 16, 16)] = zz
    return 0

  with jax.named_scope("zero_acc"):
    lax.fori_loop(0, G, zero_row, 0)
    for k in range(STRIPE // G):
      pltpu.sync_copy(rows_v.at[0], acc.at[pl.ds(s * STRIPE + k * G, G)])
    plsc.subcore_barrier()

  def gather(j, b, i):
    return pltpu.async_copy(x_hbm.at[src_v.at[i, j]], rows_v.at[b],
                            sems.at[b])

  def wait_gather(j, b, i):
    pltpu.make_async_copy(x_hbm.at[src_v.at[i, j]], rows_v.at[b],
                          sems.at[b]).wait()

  def scatter(j, b, i):
    pltpu.sync_copy(rows_v.at[b], acc.at[dst_v.at[i, j]], add=True)

  def stage_idx(p, i):
    pltpu.async_copy(edge_hbm.at[0, wid, p], src_v.at[i], isems.at[i])
    pltpu.async_copy(edge_hbm.at[1, wid, p], dst_v.at[i], isems.at[i])

  def wait_idx(i):
    pltpu.make_async_copy(edge_hbm.at[0, wid, 0], src_v.at[i],
                          isems.at[i]).wait()
    pltpu.make_async_copy(edge_hbm.at[1, wid, 0], dst_v.at[i],
                          isems.at[i]).wait()

  stage_idx(0, 0)
  for p in range(NPHASE):
    i = p % 2
    with jax.named_scope("idx_stage"):
      wait_idx(i)
      if p + 1 < NPHASE:
        stage_idx(p + 1, 1 - i)

    with jax.named_scope("edge_loop"):
      for b in range(NBUF):
        gather(b, b, i)

      nfull = (HC - NBUF) // NBUF

      def step(jo, _):
        for b in range(NBUF):
          jj = jo * NBUF + b
          wait_gather(jj, b, i)
          scatter(jj, b, i)
          gather(jj + NBUF, b, i)
        return 0

      lax.fori_loop(0, nfull, step, 0)
      for jj in range(nfull * NBUF, HC):
        b = jj % NBUF
        wait_gather(jj, b, i)
        scatter(jj, b, i)
        if jj + NBUF < HC:
          gather(jj + NBUF, b, i)
  plsc.subcore_barrier()

  with jax.named_scope("flush"):
    base = s * STRIPE
    pltpu.sync_copy(acc.at[pl.ds(base, STRIPE)],
                    out_hbm.at[c, pl.ds(base, STRIPE)])


_sc_agg = functools.partial(
    pl.kernel,
    out_type=jax.ShapeDtypeStruct((NUM_CORES, PADN, D), jnp.float32),
    mesh=plsc.VectorSubcoreMesh(core_axis_name="c", subcore_axis_name="s"),
    scratch_types=[
        pltpu.VMEM((2, HC, G), jnp.int32),
        pltpu.VMEM((2, HC, G), jnp.int32),
        pltpu.VMEM((NBUF, G, D), jnp.float32),
        pltpu.VMEM_SHARED((PADN, D), jnp.float32),
        pltpu.SemaphoreType.DMA((NBUF,)),
        pltpu.SemaphoreType.DMA((2,)),
    ],
)(_sc_agg_body)


def _tc_epilogue_body(p_ref, w_ref, o_ref):
  h = p_ref[0] + p_ref[1]
  h = jnp.dot(h, w_ref[...], preferred_element_type=jnp.float32)
  o_ref[...] = jnp.where(h > 0, h, jnp.exp(jnp.minimum(h, 0.0)) - 1.0)


_BR = 1000


@jax.jit
def kernel(x, edge_index, W):
  edges = edge_index.astype(jnp.int32).reshape(2, NW, NPHASE, HC, G)

  partials = _sc_agg(x, edges)

  out = pl.pallas_call(
      _tc_epilogue_body,
      grid=(N_NODES // _BR,),
      in_specs=[
          pl.BlockSpec((NUM_CORES, _BR, D), lambda i: (0, i, 0)),
          pl.BlockSpec((D, D), lambda i: (0, 0)),
      ],
      out_specs=pl.BlockSpec((_BR, D), lambda i: (i, 0)),
      out_shape=jax.ShapeDtypeStruct((N_NODES, D), jnp.float32),
  )(partials, W)
  return out

# --- scband reference (transcript-rebuilt; emitter-appended) ---
"""Pipeline reference for scband-recommender-91268055040562 (READ-ONLY COPY).

The authoritative reference and input builder live on the scoring server;
editing this copy changes nothing except your own understanding.
"""

import jax, jax.numpy as jnp
import numpy as np

N_NODES = 10000
D_FEAT = 128
N_EDGES = 320000

def setup_inputs(seed: int = 0) -> dict:
    key = jax.random.key(seed)
    k1, k2, k3 = jax.random.split(key, 3)
    x = jax.random.normal(k1, (N_NODES, D_FEAT), dtype=jnp.float32)
    edge_index = jax.random.randint(k2, (2, N_EDGES), 0, N_NODES, dtype=jnp.int64)
    # learned parameter of the encoder (single linear message-passing layer)
    W = jax.random.normal(k3, (D_FEAT, D_FEAT), dtype=jnp.float32) * (1.0 / np.sqrt(D_FEAT))
    return {"x": x, "edge_index": edge_index, "W": W}

def reference(x, edge_index, W):
    # _Recommender.forward for homogeneous Data:
    #   out = F.elu(self.encoder(data.x, data.edge_index))
    # encoder modeled as a linear graph-conv: aggregate neighbor features
    # (gather by src, scatter-add by dst), then linear transform.
    src = edge_index[0]
    dst = edge_index[1]
    msgs = jnp.take(x, src, axis=0)                      # gather  [E, d]
    agg = jax.ops.segment_sum(msgs, dst, num_segments=x.shape[0])  # scatter-add [N, d]
    h = agg @ W                                          # [N, d]
    out = jax.nn.elu(h)
    return out

if __name__ == "__main__":
    import jax
    _d = setup_inputs()
    print(jax.jit(kernel)(*tuple(_d.values())))

</pallas_src>

<mosaic_0001>
#map = affine_map<(d0, d1) -> (0, 0)>
#map1 = affine_map<(d0, d1) -> (0, 0, 0, 0, 0)>
#map2 = affine_map<(d0, d1) -> (0, 0, 0)>
module attributes {stable_mosaic.version = 14 : i64} {
  func.func @_sc_agg_body(%arg0: i32, %arg1: i32, %arg2: memref<10000x128xf32, #tpu.memory_space<hbm>>, %arg3: memref<2x32x5x25x80xi32, #tpu.memory_space<hbm>>, %arg4: memref<2x10240x128xf32, #tpu.memory_space<hbm>>, %arg5: memref<2x25x80xi32, #tpu.memory_space<vmem>>, %arg6: memref<2x25x80xi32, #tpu.memory_space<vmem>>, %arg7: memref<3x80x128xf32, #tpu.memory_space<vmem>>, %arg8: memref<10240x128xf32, #tpu.memory_space<vmem_shared>>, %arg9: memref<3x!tpu.dma_semaphore, #tpu.memory_space<semaphore_mem>>, %arg10: memref<2x!tpu.dma_semaphore, #tpu.memory_space<semaphore_mem>>) attributes {dimension_semantics = [#tpu.dimension_semantics<core_parallel>, #tpu.dimension_semantics<subcore_parallel>], iteration_bounds = array<i64: 2, 16>, scalar_prefetch = 0 : i64, scratch_operands = 6 : i64, tpu.core_type = #tpu.core_type<sc_vector_subcore>, window_params = [{transform_indices = #map}, {transform_indices = #map1}, {transform_indices = #map2}]} {
    %mul3A = arith.constant 2 : i32
    %mul3A_0 = arith.muli %arg1, %mul3A : i32
    %add3A = arith.addi %mul3A_0, %arg0 : i32
    %broadcast_in_dim3A = arith.constant 0.000000e+00 : f32
    %broadcast_in_dim3A_1 = vector.broadcast %broadcast_in_dim3A : f32 to vector<16xf32>
    "tpu.trace_start"() <{level = 10 : i32, message = "zero_acc"}> : () -> ()
    %scan3A = arith.constant 0 : i32
    %scan3A_2 = arith.constant 0 : i32
    %scan3A_3 = arith.constant 80 : i32
    %scan3A_4 = arith.addi %scan3A_2, %scan3A_3 : i32
    %scan3A_5 = arith.constant 1 : i32
    %scan3A_6 = scf.for %scan3A_1223 = %scan3A_2 to %scan3A_4 step %scan3A_5 iter_args(%scan3A_1224 = %scan3A) -> (i32)  : i32 {
      %swap3A = arith.constant 0 : i32
      %swap3A_1225 = arith.index_cast %swap3A : i32 to index
      %swap3A_1226 = arith.index_cast %scan3A_1223 : i32 to index
      %swap3A_1227 = arith.constant 0 : index
      %swap3A_1228 = tpu.vector_load %arg7[%swap3A_1225, %swap3A_1226, %swap3A_1227] {strides = array<i32>} : memref<3x80x128xf32, #tpu.memory_space<vmem>>, vector<1x1x16xf32>,
      %swap3A_1229 = vector.shape_cast %swap3A_1228 : vector<1x1x16xf32> to vector<16xf32>
      %swap3A_1230 = vector.shape_cast %broadcast_in_dim3A_1 : vector<16xf32> to vector<1x1x16xf32>
      tpu.vector_store %arg7[%swap3A_1225, %swap3A_1226, %swap3A_1227], %swap3A_1230 {strides = array<i32>} : memref<3x80x128xf32, #tpu.memory_space<vmem>>, vector<1x1x16xf32>,
      %swap3A_1231 = arith.constant 0 : i32
      %swap3A_1232 = arith.index_cast %swap3A_1231 : i32 to index
      %swap3A_1233 = arith.index_cast %scan3A_1223 : i32 to index
      %swap3A_1234 = arith.constant 16 : index
      %swap3A_1235 = tpu.vector_load %arg7[%swap3A_1232, %swap3A_1233, %swap3A_1234] {strides = array<i32>} : memref<3x80x128xf32, #tpu.memory_space<vmem>>, vector<1x1x16xf32>,
      %swap3A_1236 = vector.shape_cast %swap3A_1235 : vector<1x1x16xf32> to vector<16xf32>
      %swap3A_1237 = vector.shape_cast %broadcast_in_dim3A_1 : vector<16xf32> to vector<1x1x16xf32>
      tpu.vector_store %arg7[%swap3A_1232, %swap3A_1233, %swap3A_1234], %swap3A_1237 {strides = array<i32>} : memref<3x80x128xf32, #tpu.memory_space<vmem>>, vector<1x1x16xf32>,
      %swap3A_1238 = arith.constant 0 : i32
      %swap3A_1239 = arith.index_cast %swap3A_1238 : i32 to index
      %swap3A_1240 = arith.index_cast %scan3A_1223 : i32 to index
      %swap3A_1241 = arith.constant 32 : index
      %swap3A_1242 = tpu.vector_load %arg7[%swap3A_1239, %swap3A_1240, %swap3A_1241] {strides = array<i32>} : memref<3x80x128xf32, #tpu.memory_space<vmem>>, vector<1x1x16xf32>,
      %swap3A_1243 = vector.shape_cast %swap3A_1242 : vector<1x1x16xf32> to vector<16xf32>
      %swap3A_1244 = vector.shape_cast %broadcast_in_dim3A_1 : vector<16xf32> to vector<1x1x16xf32>
      tpu.vector_store %arg7[%swap3A_1239, %swap3A_1240, %swap3A_1241], %swap3A_1244 {strides = array<i32>} : memref<3x80x128xf32, #tpu.memory_space<vmem>>, vector<1x1x16xf32>,
      %swap3A_1245 = arith.constant 0 : i32
      %swap3A_1246 = arith.index_cast %swap3A_1245 : i32 to index
      %swap3A_1247 = arith.index_cast %scan3A_1223 : i32 to index
      %swap3A_1248 = arith.constant 48 : index
      %swap3A_1249 = tpu.vector_load %arg7[%swap3A_1246, %swap3A_1247, %swap3A_1248] {strides = array<i32>} : memref<3x80x128xf32, #tpu.memory_space<vmem>>, vector<1x1x16xf32>,
      %swap3A_1250 = vector.shape_cast %swap3A_1249 : vector<1x1x16xf32> to vector<16xf32>
      %swap3A_1251 = vector.shape_cast %broadcast_in_dim3A_1 : vector<16xf32> to vector<1x1x16xf32>
      tpu.vector_store %arg7[%swap3A_1246, %swap3A_1247, %swap3A_1248], %swap3A_1251 {strides = array<i32>} : memref<3x80x128xf32, #tpu.memory_space<vmem>>, vector<1x1x16xf32>,
      %swap3A_1252 = arith.constant 0 : i32
      %swap3A_1253 = arith.index_cast %swap3A_1252 : i32 to index
      %swap3A_1254 = arith.index_cast %scan3A_1223 : i32 to index
      %swap3A_1255 = arith.constant 64 : index
      %swap3A_1256 = tpu.vector_load %arg7[%swap3A_1253, %swap3A_1254, %swap3A_1255] {strides = array<i32>} : memref<3x80x128xf32, #tpu.memory_space<vmem>>, vector<1x1x16xf32>,
      %swap3A_1257 = vector.shape_cast %swap3A_1256 : vector<1x1x16xf32> to vector<16xf32>
      %swap3A_1258 = vector.shape_cast %broadcast_in_dim3A_1 : vector<16xf32> to vector<1x1x16xf32>
      tpu.vector_store %arg7[%swap3A_1253, %swap3A_1254, %swap3A_1255], %swap3A_1258 {strides = array<i32>} : memref<3x80x128xf32, #tpu.memory_space<vmem>>, vector<1x1x16xf32>,
      %swap3A_1259 = arith.constant 0 : i32
      %swap3A_1260 = arith.index_cast %swap3A_1259 : i32 to index
      %swap3A_1261 = arith.index_cast %scan3A_1223 : i32 to index
      %swap3A_1262 = arith.constant 80 : index
      %swap3A_1263 = tpu.vector_load %arg7[%swap3A_1260, %swap3A_1261, %swap3A_1262] {strides = array<i32>} : memref<3x80x128xf32, #tpu.memory_space<vmem>>, vector<1x1x16xf32>,
      %swap3A_1264 = vector.shape_cast %swap3A_1263 : vector<1x1x16xf32> to vector<16xf32>
      %swap3A_1265 = vector.shape_cast %broadcast_in_dim3A_1 : vector<16xf32> to vector<1x1x16xf32>
      tpu.vector_store %arg7[%swap3A_1260, %swap3A_1261, %swap3A_1262], %swap3A_1265 {strides = array<i32>} : memref<3x80x128xf32, #tpu.memory_space<vmem>>, vector<1x1x16xf32>,
      %swap3A_1266 = arith.constant 0 : i32
      %swap3A_1267 = arith.index_cast %swap3A_1266 : i32 to index
      %swap3A_1268 = arith.index_cast %scan3A_1223 : i32 to index
      %swap3A_1269 = arith.constant 96 : index
      %swap3A_1270 = tpu.vector_load %arg7[%swap3A_1267, %swap3A_1268, %swap3A_1269] {strides = array<i32>} : memref<3x80x128xf32, #tpu.memory_space<vmem>>, vector<1x1x16xf32>,
      %swap3A_1271 = vector.shape_cast %swap3A_1270 : vector<1x1x16xf32> to vector<16xf32>
      %swap3A_1272 = vector.shape_cast %broadcast_in_dim3A_1 : vector<16xf32> to vector<1x1x16xf32>
      tpu.vector_store %arg7[%swap3A_1267, %swap3A_1268, %swap3A_1269], %swap3A_1272 {strides = array<i32>} : memref<3x80x128xf32, #tpu.memory_space<vmem>>, vector<1x1x16xf32>,
      %swap3A_1273 = arith.constant 0 : i32
      %swap3A_1274 = arith.index_cast %swap3A_1273 : i32 to index
      %swap3A_1275 = arith.index_cast %scan3A_1223 : i32 to index
      %swap3A_1276 = arith.constant 112 : index
      %swap3A_1277 = tpu.vector_load %arg7[%swap3A_1274, %swap3A_1275, %swap3A_1276] {strides = array<i32>} : memref<3x80x128xf32, #tpu.memory_space<vmem>>, vector<1x1x16xf32>,
      %swap3A_1278 = vector.shape_cast %swap3A_1277 : vector<1x1x16xf32> to vector<16xf32>
      %swap3A_1279 = vector.shape_cast %broadcast_in_dim3A_1 : vector<16xf32> to vector<1x1x16xf32>
      tpu.vector_store %arg7[%swap3A_1274, %swap3A_1275, %swap3A_1276], %swap3A_1279 {strides = array<i32>} : memref<3x80x128xf32, #tpu.memory_space<vmem>>, vector<1x1x16xf32>,
      %scan3A_1280 = arith.constant 0 : i32
      scf.yield %scan3A_1280 : i32
    }
    %scan3A_7 = arith.constant 80 : i32
    %mul3A_8 = arith.constant 640 : i32
    %mul3A_9 = arith.muli %arg1, %mul3A_8 : i32
    %add3A_10 = arith.constant 0 : i32
    %add3A_11 = arith.addi %mul3A_9, %add3A_10 : i32
    %run_scoped3A = arith.constant 0 : i32
    "tpu.region"() ({
      %run_scoped3A_1223 = tpu.sem_alloc : memref<!tpu.dma_semaphore, #tpu.memory_space<semaphore_mem>>
      %dma_start3A_1224 = arith.constant 0 : i32
      %dma_start3A_1225 = arith.constant 0 : i32
      %dma_start3A_1226 = tpu.memref_slice %arg7[%run_scoped3A, %dma_start3A_1224, %dma_start3A_1225] : memref<3x80x128xf32, #tpu.memory_space<vmem>> -> memref<1x80x128xf32, #tpu.memory_space<vmem>>
      %dma_start3A_1227 = tpu.memref_squeeze %dma_start3A_1226 : memref<1x80x128xf32, #tpu.memory_space<vmem>> -> memref<80x128xf32, #tpu.memory_space<vmem>>
      %dma_start3A_1228 = arith.constant 0 : i32
      %dma_start3A_1229 = tpu.memref_slice %arg8[%add3A_11, %dma_start3A_1228] : memref<10240x128xf32, #tpu.memory_space<vmem_shared>> -> memref<80x128xf32, #tpu.memory_space<vmem_shared>>
      %dma_start3A_1230 = arith.constant 0 : i32
      %dma_start3A_1231 = tpu.memref_slice %arg8[%add3A_11, %dma_start3A_1230] : memref<10240x128xf32, #tpu.memory_space<vmem_shared>> -> memref<80x128xf32, #tpu.memory_space<vmem_shared>>
      %dma_start3A_1232 = arith.constant 0 : i32
      %dma_start3A_1233 = arith.constant 0 : i32
      %dma_start3A_1234 = tpu.memref_slice %arg7[%run_scoped3A, %dma_start3A_1232, %dma_start3A_1233] : memref<3x80x128xf32, #tpu.memory_space<vmem>> -> memref<1x80x128xf32, #tpu.memory_space<vmem>>
      %dma_start3A_1235 = tpu.memref_squeeze %dma_start3A_1234 : memref<1x80x128xf32, #tpu.memory_space<vmem>> -> memref<80x128xf32, #tpu.memory_space<vmem>>
      tpu.enqueue_dma source(%dma_start3A_1235 : memref<80x128xf32, #tpu.memory_space<vmem>>) target(%dma_start3A_1231 : memref<80x128xf32, #tpu.memory_space<vmem_shared>>) target_semaphore(%run_scoped3A_1223 : memref<!tpu.dma_semaphore, #tpu.memory_space<semaphore_mem>>)
      %dma_wait3A_1236 = arith.constant 0 : i32
      %dma_wait3A_1237 = arith.constant 0 : i32
      %dma_wait3A_1238 = tpu.memref_slice %arg7[%run_scoped3A, %dma_wait3A_1236, %dma_wait3A_1237] : memref<3x80x128xf32, #tpu.memory_space<vmem>> -> memref<1x80x128xf32, #tpu.memory_space<vmem>>
      %dma_wait3A_1239 = tpu.memref_squeeze %dma_wait3A_1238 : memref<1x80x128xf32, #tpu.memory_space<vmem>> -> memref<80x128xf32, #tpu.memory_space<vmem>>
      %dma_wait3A_1240 = arith.constant 0 : i32
      %dma_wait3A_1241 = tpu.memref_slice %arg8[%add3A_11, %dma_wait3A_1240] : memref<10240x128xf32, #tpu.memory_space<vmem_shared>> -> memref<80x128xf32, #tpu.memory_space<vmem_shared>>
      %dma_wait3A_1242 = arith.constant 0 : i32
      %dma_wait3A_1243 = tpu.memref_slice %arg8[%add3A_11, %dma_wait3A_1242] : memref<10240x128xf32, #tpu.memory_space<vmem_shared>> -> memref<80x128xf32, #tpu.memory_space<vmem_shared>>
      %dma_wait3A_1244 = arith.constant 0 : i32
      %dma_wait3A_1245 = arith.constant 0 : i32
      %dma_wait3A_1246 = tpu.memref_slice %arg7[%run_scoped3A, %dma_wait3A_1244, %dma_wait3A_1245] : memref<3x80x128xf32, #tpu.memory_space<vmem>> -> memref<1x80x128xf32, #tpu.memory_space<vmem>>
      %dma_wait3A_1247 = tpu.memref_squeeze %dma_wait3A_1246 : memref<1x80x128xf32, #tpu.memory_space<vmem>> -> memref<80x128xf32, #tpu.memory_space<vmem>>
      tpu.wait_dma2 semaphore(%run_scoped3A_1223 : memref<!tpu.dma_semaphore, #tpu.memory_space<semaphore_mem>>) src(%dma_wait3A_1247 : memref<80x128xf32, #tpu.memory_space<vmem>>) dst(%dma_wait3A_1243 : memref<80x128xf32, #tpu.memory_space<vmem_shared>>)
      tpu.yield
    }) : () -> ()
    %mul3A_12 = arith.constant 640 : i32
    %mul3A_13 = arith.muli %arg1, %mul3A_12 : i32
    %add3A_14 = arith.constant 80 : i32
    %add3A_15 = arith.addi %mul3A_13, %add3A_14 : i32
    %run_scoped3A_16 = arith.constant 0 : i32
    "tpu.region"() ({
      %run_scoped3A_1223 = tpu.sem_alloc : memref<!tpu.dma_semaphore, #tpu.memory_space<semaphore_mem>>
      %dma_start3A_1224 = arith.constant 0 : i32
      %dma_start3A_1225 = arith.constant 0 : i32
      %dma_start3A_1226 = tpu.memref_slice %arg7[%run_scoped3A_16, %dma_start3A_1224, %dma_start3A_1225] : memref<3x80x128xf32, #tpu.memory_space<vmem>> -> memref<1x80x128xf32, #tpu.memory_space<vmem>>
      %dma_start3A_1227 = tpu.memref_squeeze %dma_start3A_1226 : memref<1x80x128xf32, #tpu.memory_space<vmem>> -> memref<80x128xf32, #tpu.memory_space<vmem>>
      %dma_start3A_1228 = arith.constant 0 : i32
      %dma_start3A_1229 = tpu.memref_slice %arg8[%add3A_15, %dma_start3A_1228] : memref<10240x128xf32, #tpu.memory_space<vmem_shared>> -> memref<80x128xf32, #tpu.memory_space<vmem_shared>>
      %dma_start3A_1230 = arith.constant 0 : i32
      %dma_start3A_1231 = tpu.memref_slice %arg8[%add3A_15, %dma_start3A_1230] : memref<10240x128xf32, #tpu.memory_space<vmem_shared>> -> memref<80x128xf32, #tpu.memory_space<vmem_shared>>
      %dma_start3A_1232 = arith.constant 0 : i32
      %dma_start3A_1233 = arith.constant 0 : i32
      %dma_start3A_1234 = tpu.memref_slice %arg7[%run_scoped3A_16, %dma_start3A_1232, %dma_start3A_1233] : memref<3x80x128xf32, #tpu.memory_space<vmem>> -> memref<1x80x128xf32, #tpu.memory_space<vmem>>
      %dma_start3A_1235 = tpu.memref_squeeze %dma_start3A_1234 : memref<1x80x128xf32, #tpu.memory_space<vmem>> -> memref<80x128xf32, #tpu.memory_space<vmem>>
      tpu.enqueue_dma source(%dma_start3A_1235 : memref<80x128xf32, #tpu.memory_space<vmem>>) target(%dma_start3A_1231 : memref<80x128xf32, #tpu.memory_space<vmem_shared>>) target_semaphore(%run_scoped3A_1223 : memref<!tpu.dma_semaphore, #tpu.memory_space<semaphore_mem>>)
      %dma_wait3A_1236 = arith.constant 0 : i32
      %dma_wait3A_1237 = arith.constant 0 : i32
      %dma_wait3A_1238 = tpu.memref_slice %arg7[%run_scoped3A_16, %dma_wait3A_1236, %dma_wait3A_1237] : memref<3x80x128xf32, #tpu.memory_space<vmem>> -> memref<1x80x128xf32, #tpu.memory_space<vmem>>
      %dma_wait3A_1239 = tpu.memref_squeeze %dma_wait3A_1238 : memref<1x80x128xf32, #tpu.memory_space<vmem>> -> memref<80x128xf32, #tpu.memory_space<vmem>>
      %dma_wait3A_1240 = arith.constant 0 : i32
      %dma_wait3A_1241 = tpu.memref_slice %arg8[%add3A_15, %dma_wait3A_1240] : memref<10240x128xf32, #tpu.memory_space<vmem_shared>> -> memref<80x128xf32, #tpu.memory_space<vmem_shared>>
      %dma_wait3A_1242 = arith.constant 0 : i32
      %dma_wait3A_1243 = tpu.memref_slice %arg8[%add3A_15, %dma_wait3A_1242] : memref<10240x128xf32, #tpu.memory_space<vmem_shared>> -> memref<80x128xf32, #tpu.memory_space<vmem_shared>>
      %dma_wait3A_1244 = arith.constant 0 : i32
      %dma_wait3A_1245 = arith.constant 0 : i32
      %dma_wait3A_1246 = tpu.memref_slice %arg7[%run_scoped3A_16, %dma_wait3A_1244, %dma_wait3A_1245] : memref<3x80x128xf32, #tpu.memory_space<vmem>> -> memref<1x80x128xf32, #tpu.memory_space<vmem>>
      %dma_wait3A_1247 = tpu.memref_squeeze %dma_wait3A_1246 : memref<1x80x128xf32, #tpu.memory_space<vmem>> -> memref<80x128xf32, #tpu.memory_space<vmem>>
      tpu.wait_dma2 semaphore(%run_scoped3A_1223 : memref<!tpu.dma_semaphore, #tpu.memory_space<semaphore_mem>>) src(%dma_wait3A_1247 : memref<80x128xf32, #tpu.memory_space<vmem>>) dst(%dma_wait3A_1243 : memref<80x128xf32, #tpu.memory_space<vmem_shared>>)
      tpu.yield
    }) : () -> ()
    %mul3A_17 = arith.constant 640 : i32
    %mul3A_18 = arith.muli %arg1, %mul3A_17 : i32
    %add3A_19 = arith.constant 160 : i32
    %add3A_20 = arith.addi %mul3A_18, %add3A_19 : i32
    %run_scoped3A_21 = arith.constant 0 : i32
    "tpu.region"() ({
      %run_scoped3A_1223 = tpu.sem_alloc : memref<!tpu.dma_semaphore, #tpu.memory_space<semaphore_mem>>
      %dma_start3A_1224 = arith.constant 0 : i32
      %dma_start3A_1225 = arith.constant 0 : i32
      %dma_start3A_1226 = tpu.memref_slice %arg7[%run_scoped3A_21, %dma_start3A_1224, %dma_start3A_1225] : memref<3x80x128xf32, #tpu.memory_space<vmem>> -> memref<1x80x128xf32, #tpu.memory_space<vmem>>
      %dma_start3A_1227 = tpu.memref_squeeze %dma_start3A_1226 : memref<1x80x128xf32, #tpu.memory_space<vmem>> -> memref<80x128xf32, #tpu.memory_space<vmem>>
      %dma_start3A_1228 = arith.constant 0 : i32
      %dma_start3A_1229 = tpu.memref_slice %arg8[%add3A_20, %dma_start3A_1228] : memref<10240x128xf32, #tpu.memory_space<vmem_shared>> -> memref<80x128xf32, #tpu.memory_space<vmem_shared>>
      %dma_start3A_1230 = arith.constant 0 : i32
      %dma_start3A_1231 = tpu.memref_slice %arg8[%add3A_20, %dma_start3A_1230] : memref<10240x128xf32, #tpu.memory_space<vmem_shared>> -> memref<80x128xf32, #tpu.memory_space<vmem_shared>>
      %dma_start3A_1232 = arith.constant 0 : i32
      %dma_start3A_1233 = arith.constant 0 : i32
      %dma_start3A_1234 = tpu.memref_slice %arg7[%run_scoped3A_21, %dma_start3A_1232, %dma_start3A_1233] : memref<3x80x128xf32, #tpu.memory_space<vmem>> -> memref<1x80x128xf32, #tpu.memory_space<vmem>>
      %dma_start3A_1235 = tpu.memref_squeeze %dma_start3A_1234 : memref<1x80x128xf32, #tpu.memory_space<vmem>> -> memref<80x128xf32, #tpu.memory_space<vmem>>
      tpu.enqueue_dma source(%dma_start3A_1235 : memref<80x128xf32, #tpu.memory_space<vmem>>) target(%dma_start3A_1231 : memref<80x128xf32, #tpu.memory_space<vmem_shared>>) target_semaphore(%run_scoped3A_1223 : memref<!tpu.dma_semaphore, #tpu.memory_space<semaphore_mem>>)
      %dma_wait3A_1236 = arith.constant 0 : i32
      %dma_wait3A_1237 = arith.constant 0 : i32
      %dma_wait3A_1238 = tpu.memref_slice %arg7[%run_scoped3A_21, %dma_wait3A_1236, %dma_wait3A_1237] : memref<3x80x128xf32, #tpu.memory_space<vmem>> -> memref<1x80x128xf32, #tpu.memory_space<vmem>>
      %dma_wait3A_1239 = tpu.memref_squeeze %dma_wait3A_1238 : memref<1x80x128xf32, #tpu.memory_space<vmem>> -> memref<80x128xf32, #tpu.memory_space<vmem>>
      %dma_wait3A_1240 = arith.constant 0 : i32
      %dma_wait3A_1241 = tpu.memref_slice %arg8[%add3A_20, %dma_wait3A_1240] : memref<10240x128xf32, #tpu.memory_space<vmem_shared>> -> memref<80x128xf32, #tpu.memory_space<vmem_shared>>
      %dma_wait3A_1242 = arith.constant 0 : i32
      %dma_wait3A_1243 = tpu.memref_slice %arg8[%add3A_20, %dma_wait3A_1242] : memref<10240x128xf32, #tpu.memory_space<vmem_shared>> -> memref<80x128xf32, #tpu.memory_space<vmem_shared>>
      %dma_wait3A_1244 = arith.constant 0 : i32
      %dma_wait3A_1245 = arith.constant 0 : i32
      %dma_wait3A_1246 = tpu.memref_slice %arg7[%run_scoped3A_21, %dma_wait3A_1244, %dma_wait3A_1245] : memref<3x80x128xf32, #tpu.memory_space<vmem>> -> memref<1x80x128xf32, #tpu.memory_space<vmem>>
      %dma_wait3A_1247 = tpu.memref_squeeze %dma_wait3A_1246 : memref<1x80x128xf32, #tpu.memory_space<vmem>> -> memref<80x128xf32, #tpu.memory_space<vmem>>
      tpu.wait_dma2 semaphore(%run_scoped3A_1223 : memref<!tpu.dma_semaphore, #tpu.memory_space<semaphore_mem>>) src(%dma_wait3A_1247 : memref<80x128xf32, #tpu.memory_space<vmem>>) dst(%dma_wait3A_1243 : memref<80x128xf32, #tpu.memory_space<vmem_shared>>)
      tpu.yield
    }) : () -> ()
    %mul3A_22 = arith.constant 640 : i32
    %mul3A_23 = arith.muli %arg1, %mul3A_22 : i32
    %add3A_24 = arith.constant 240 : i32
    %add3A_25 = arith.addi %mul3A_23, %add3A_24 : i32
    %run_scoped3A_26 = arith.constant 0 : i32
    "tpu.region"() ({
      %run_scoped3A_1223 = tpu.sem_alloc : memref<!tpu.dma_semaphore, #tpu.memory_space<semaphore_mem>>
      %dma_start3A_1224 = arith.constant 0 : i32
      %dma_start3A_1225 = arith.constant 0 : i32
      %dma_start3A_1226 = tpu.memref_slice %arg7[%run_scoped3A_26, %dma_start3A_1224, %dma_start3A_1225] : memref<3x80x128xf32, #tpu.memory_space<vmem>> -> memref<1x80x128xf32, #tpu.memory_space<vmem>>
      %dma_start3A_1227 = tpu.memref_squeeze %dma_start3A_1226 : memref<1x80x128xf32, #tpu.memory_space<vmem>> -> memref<80x128xf32, #tpu.memory_space<vmem>>
      %dma_start3A_1228 = arith.constant 0 : i32
      %dma_start3A_1229 = tpu.memref_slice %arg8[%add3A_25, %dma_start3A_1228] : memref<10240x128xf32, #tpu.memory_space<vmem_shared>> -> memref<80x128xf32, #tpu.memory_space<vmem_shared>>
      %dma_start3A_1230 = arith.constant 0 : i32
      %dma_start3A_1231 = tpu.memref_slice %arg8[%add3A_25, %dma_start3A_1230] : memref<10240x128xf32, #tpu.memory_space<vmem_shared>> -> memref<80x128xf32, #tpu.memory_space<vmem_shared>>
      %dma_start3A_1232 = arith.constant 0 : i32
      %dma_start3A_1233 = arith.constant 0 : i32
      %dma_start3A_1234 = tpu.memref_slice %arg7[%run_scoped3A_26, %dma_start3A_1232, %dma_start3A_1233] : memref<3x80x128xf32, #tpu.memory_space<vmem>> -> memref<1x80x128xf32, #tpu.memory_space<vmem>>
      %dma_start3A_1235 = tpu.memref_squeeze %dma_start3A_1234 : memref<1x80x128xf32, #tpu.memory_space<vmem>> -> memref<80x128xf32, #tpu.memory_space<vmem>>
      tpu.enqueue_dma source(%dma_start3A_1235 : memref<80x128xf32, #tpu.memory_space<vmem>>) target(%dma_start3A_1231 : memref<80x128xf32, #tpu.memory_space<vmem_shared>>) target_semaphore(%run_scoped3A_1223 : memref<!tpu.dma_semaphore, #tpu.memory_space<semaphore_mem>>)
      %dma_wait3A_1236 = arith.constant 0 : i32
      %dma_wait3A_1237 = arith.constant 0 : i32
      %dma_wait3A_1238 = tpu.memref_slice %arg7[%run_scoped3A_26, %dma_wait3A_1236, %dma_wait3A_1237] : memref<3x80x128xf32, #tpu.memory_space<vmem>> -> memref<1x80x128xf32, #tpu.memory_space<vmem>>
      %dma_wait3A_1239 = tpu.memref_squeeze %dma_wait3A_1238 : memref<1x80x128xf32, #tpu.memory_space<vmem>> -> memref<80x128xf32, #tpu.memory_space<vmem>>
      %dma_wait3A_1240 = arith.constant 0 : i32
      %dma_wait3A_1241 = tpu.memref_slice %arg8[%add3A_25, %dma_wait3A_1240] : memref<10240x128xf32, #tpu.memory_space<vmem_shared>> -> memref<80x128xf32, #tpu.memory_space<vmem_shared>>
      %dma_wait3A_1242 = arith.constant 0 : i32
      %dma_wait3A_1243 = tpu.memref_slice %arg8[%add3A_25, %dma_wait3A_1242] : memref<10240x128xf32, #tpu.memory_space<vmem_shared>> -> memref<80x128xf32, #tpu.memory_space<vmem_shared>>
      %dma_wait3A_1244 = arith.constant 0 : i32
      %dma_wait3A_1245 = arith.constant 0 : i32
      %dma_wait3A_1246 = tpu.memref_slice %arg7[%run_scoped3A_26, %dma_wait3A_1244, %dma_wait3A_1245] : memref<3x80x128xf32, #tpu.memory_space<vmem>> -> memref<1x80x128xf32, #tpu.memory_space<vmem>>
      %dma_wait3A_1247 = tpu.memref_squeeze %dma_wait3A_1246 : memref<1x80x128xf32, #tpu.memory_space<vmem>> -> memref<80x128xf32, #tpu.memory_space<vmem>>
      tpu.wait_dma2 semaphore(%run_scoped3A_1223 : memref<!tpu.dma_semaphore, #tpu.memory_space<semaphore_mem>>) src(%dma_wait3A_1247 : memref<80x128xf32, #tpu.memory_space<vmem>>) dst(%dma_wait3A_1243 : memref<80x128xf32, #tpu.memory_space<vmem_shared>>)
      tpu.yield
    }) : () -> ()
    %mul3A_27 = arith.constant 640 : i32
    %mul3A_28 = arith.muli %arg1, %mul3A_27 : i32
    %add3A_29 = arith.constant 320 : i32
    %add3A_30 = arith.addi %mul3A_28, %add3A_29 : i32
    %run_scoped3A_31 = arith.constant 0 : i32
    "tpu.region"() ({
      %run_scoped3A_1223 = tpu.sem_alloc : memref<!tpu.dma_semaphore, #tpu.memory_space<semaphore_mem>>
      %dma_start3A_1224 = arith.constant 0 : i32
      %dma_start3A_1225 = arith.constant 0 : i32
      %dma_start3A_1226 = tpu.memref_slice %arg7[%run_scoped3A_31, %dma_start3A_1224, %dma_start3A_1225] : memref<3x80x128xf32, #tpu.memory_space<vmem>> -> memref<1x80x128xf32, #tpu.memory_space<vmem>>
      %dma_start3A_1227 = tpu.memref_squeeze %dma_start3A_1226 : memref<1x80x128xf32, #tpu.memory_space<vmem>> -> memref<80x128xf32, #tpu.memory_space<vmem>>
      %dma_start3A_1228 = arith.constant 0 : i32
      %dma_start3A_1229 = tpu.memref_slice %arg8[%add3A_30, %dma_start3A_1228] : memref<10240x128xf32, #tpu.memory_space<vmem_shared>> -> memref<80x128xf32, #tpu.memory_space<vmem_shared>>
      %dma_start3A_1230 = arith.constant 0 : i32
      %dma_start3A_1231 = tpu.memref_slice %arg8[%add3A_30, %dma_start3A_1230] : memref<10240x128xf32, #tpu.memory_space<vmem_shared>> -> memref<80x128xf32, #tpu.memory_space<vmem_shared>>
      %dma_start3A_1232 = arith.constant 0 : i32
      %dma_start3A_1233 = arith.constant 0 : i32
      %dma_start3A_1234 = tpu.memref_slice %arg7[%run_scoped3A_31, %dma_start3A_1232, %dma_start3A_1233] : memref<3x80x128xf32, #tpu.memory_space<vmem>> -> memref<1x80x128xf32, #tpu.memory_space<vmem>>
      %dma_start3A_1235 = tpu.memref_squeeze %dma_start3A_1234 : memref<1x80x128xf32, #tpu.memory_space<vmem>> -> memref<80x128xf32, #tpu.memory_space<vmem>>
      tpu.enqueue_dma source(%dma_start3A_1235 : memref<80x128xf32, #tpu.memory_space<vmem>>) target(%dma_start3A_1231 : memref<80x128xf32, #tpu.memory_space<vmem_shared>>) target_semaphore(%run_scoped3A_1223 : memref<!tpu.dma_semaphore, #tpu.memory_space<semaphore_mem>>)
      %dma_wait3A_1236 = arith.constant 0 : i32
      %dma_wait3A_1237 = arith.constant 0 : i32
      %dma_wait3A_1238 = tpu.memref_slice %arg7[%run_scoped3A_31, %dma_wait3A_1236, %dma_wait3A_1237] : memref<3x80x128xf32, #tpu.memory_space<vmem>> -> memref<1x80x128xf32, #tpu.memory_space<vmem>>
      %dma_wait3A_1239 = tpu.memref_squeeze %dma_wait3A_1238 : memref<1x80x128xf32, #tpu.memory_space<vmem>> -> memref<80x128xf32, #tpu.memory_space<vmem>>
      %dma_wait3A_1240 = arith.constant 0 : i32
      %dma_wait3A_1241 = tpu.memref_slice %arg8[%add3A_30, %dma_wait3A_1240] : memref<10240x128xf32, #tpu.memory_space<vmem_shared>> -> memref<80x128xf32, #tpu.memory_space<vmem_shared>>
      %dma_wait3A_1242 = arith.constant 0 : i32
      %dma_wait3A_1243 = tpu.memref_slice %arg8[%add3A_30, %dma_wait3A_1242] : memref<10240x128xf32, #tpu.memory_space<vmem_shared>> -> memref<80x128xf32, #tpu.memory_space<vmem_shared>>
      %dma_wait3A_1244 = arith.constant 0 : i32
      %dma_wait3A_1245 = arith.constant 0 : i32
      %dma_wait3A_1246 = tpu.memref_slice %arg7[%run_scoped3A_31, %dma_wait3A_1244, %dma_wait3A_1245] : memref<3x80x128xf32, #tpu.memory_space<vmem>> -> memref<1x80x128xf32, #tpu.memory_space<vmem>>
      %dma_wait3A_1247 = tpu.memref_squeeze %dma_wait3A_1246 : memref<1x80x128xf32, #tpu.memory_space<vmem>> -> memref<80x128xf32, #tpu.memory_space<vmem>>
      tpu.wait_dma2 semaphore(%run_scoped3A_1223 : memref<!tpu.dma_semaphore, #tpu.memory_space<semaphore_mem>>) src(%dma_wait3A_1247 : memref<80x128xf32, #tpu.memory_space<vmem>>) dst(%dma_wait3A_1243 : memref<80x128xf32, #tpu.memory_space<vmem_shared>>)
      tpu.yield
    }) : () -> ()
    %mul3A_32 = arith.constant 640 : i32
    %mul3A_33 = arith.muli %arg1, %mul3A_32 : i32
    %add3A_34 = arith.constant 400 : i32
    %add3A_35 = arith.addi %mul3A_33, %add3A_34 : i32
    %run_scoped3A_36 = arith.constant 0 : i32
    "tpu.region"() ({
      %run_scoped3A_1223 = tpu.sem_alloc : memref<!tpu.dma_semaphore, #tpu.memory_space<semaphore_mem>>
      %dma_start3A_1224 = arith.constant 0 : i32
      %dma_start3A_1225 = arith.constant 0 : i32
      %dma_start3A_1226 = tpu.memref_slice %arg7[%run_scoped3A_36, %dma_start3A_1224, %dma_start3A_1225] : memref<3x80x128xf32, #tpu.memory_space<vmem>> -> memref<1x80x128xf32, #tpu.memory_space<vmem>>
      %dma_start3A_1227 = tpu.memref_squeeze %dma_start3A_1226 : memref<1x80x128xf32, #tpu.memory_space<vmem>> -> memref<80x128xf32, #tpu.memory_space<vmem>>
      %dma_start3A_1228 = arith.constant 0 : i32
      %dma_start3A_1229 = tpu.memref_slice %arg8[%add3A_35, %dma_start3A_1228] : memref<10240x128xf32, #tpu.memory_space<vmem_shared>> -> memref<80x128xf32, #tpu.memory_space<vmem_shared>>
      %dma_start3A_1230 = arith.constant 0 : i32
      %dma_start3A_1231 = tpu.memref_slice %arg8[%add3A_35, %dma_start3A_1230] : memref<10240x128xf32, #tpu.memory_space<vmem_shared>> -> memref<80x128xf32, #tpu.memory_space<vmem_shared>>
      %dma_start3A_1232 = arith.constant 0 : i32
      %dma_start3A_1233 = arith.constant 0 : i32
      %dma_start3A_1234 = tpu.memref_slice %arg7[%run_scoped3A_36, %dma_start3A_1232, %dma_start3A_1233] : memref<3x80x128xf32, #tpu.memory_space<vmem>> -> memref<1x80x128xf32, #tpu.memory_space<vmem>>
      %dma_start3A_1235 = tpu.memref_squeeze %dma_start3A_1234 : memref<1x80x128xf32, #tpu.memory_space<vmem>> -> memref<80x128xf32, #tpu.memory_space<vmem>>
      tpu.enqueue_dma source(%dma_start3A_1235 : memref<80x128xf32, #tpu.memory_space<vmem>>) target(%dma_start3A_1231 : memref<80x128xf32, #tpu.memory_space<vmem_shared>>) target_semaphore(%run_scoped3A_1223 : memref<!tpu.dma_semaphore, #tpu.memory_space<semaphore_mem>>)
      %dma_wait3A_1236 = arith.constant 0 : i32
      %dma_wait3A_1237 = arith.constant 0 : i32
      %dma_wait3A_1238 = tpu.memref_slice %arg7[%run_scoped3A_36, %dma_wait3A_1236, %dma_wait3A_1237] : memref<3x80x128xf32, #tpu.memory_space<vmem>> -> memref<1x80x128xf32, #tpu.memory_space<vmem>>
      %dma_wait3A_1239 = tpu.memref_squeeze %dma_wait3A_1238 : memref<1x80x128xf32, #tpu.memory_space<vmem>> -> memref<80x128xf32, #tpu.memory_space<vmem>>
      %dma_wait3A_1240 = arith.constant 0 : i32
      %dma_wait3A_1241 = tpu.memref_slice %arg8[%add3A_35, %dma_wait3A_1240] : memref<10240x128xf32, #tpu.memory_space<vmem_shared>> -> memref<80x128xf32, #tpu.memory_space<vmem_shared>>
      %dma_wait3A_1242 = arith.constant 0 : i32
      %dma_wait3A_1243 = tpu.memref_slice %arg8[%add3A_35, %dma_wait3A_1242] : memref<10240x128xf32, #tpu.memory_space<vmem_shared>> -> memref<80x128xf32, #tpu.memory_space<vmem_shared>>
      %dma_wait3A_1244 = arith.constant 0 : i32
      %dma_wait3A_1245 = arith.constant 0 : i32
      %dma_wait3A_1246 = tpu.memref_slice %arg7[%run_scoped3A_36, %dma_wait3A_1244, %dma_wait3A_1245] : memref<3x80x128xf32, #tpu.memory_space<vmem>> -> memref<1x80x128xf32, #tpu.memory_space<vmem>>
      %dma_wait3A_1247 = tpu.memref_squeeze %dma_wait3A_1246 : memref<1x80x128xf32, #tpu.memory_space<vmem>> -> memref<80x128xf32, #tpu.memory_space<vmem>>
      tpu.wait_dma2 semaphore(%run_scoped3A_1223 : memref<!tpu.dma_semaphore, #tpu.memory_space<semaphore_mem>>) src(%dma_wait3A_1247 : memref<80x128xf32, #tpu.memory_space<vmem>>) dst(%dma_wait3A_1243 : memref<80x128xf32, #tpu.memory_space<vmem_shared>>)
      tpu.yield
    }) : () -> ()
    %mul3A_37 = arith.constant 640 : i32
    %mul3A_38 = arith.muli %arg1, %mul3A_37 : i32
    %add3A_39 = arith.constant 480 : i32
    %add3A_40 = arith.addi %mul3A_38, %add3A_39 : i32
    %run_scoped3A_41 = arith.constant 0 : i32
    "tpu.region"() ({
      %run_scoped3A_1223 = tpu.sem_alloc : memref<!tpu.dma_semaphore, #tpu.memory_space<semaphore_mem>>
      %dma_start3A_1224 = arith.constant 0 : i32
      %dma_start3A_1225 = arith.constant 0 : i32
      %dma_start3A_1226 = tpu.memref_slice %arg7[%run_scoped3A_41, %dma_start3A_1224, %dma_start3A_1225] : memref<3x80x128xf32, #tpu.memory_space<vmem>> -> memref<1x80x128xf32, #tpu.memory_space<vmem>>
      %dma_start3A_1227 = tpu.memref_squeeze %dma_start3A_1226 : memref<1x80x128xf32, #tpu.memory_space<vmem>> -> memref<80x128xf32, #tpu.memory_space<vmem>>
      %dma_start3A_1228 = arith.constant 0 : i32
      %dma_start3A_1229 = tpu.memref_slice %arg8[%add3A_40, %dma_start3A_1228] : memref<10240x128xf32, #tpu.memory_space<vmem_shared>> -> memref<80x128xf32, #tpu.memory_space<vmem_shared>>
      %dma_start3A_1230 = arith.constant 0 : i32
      %dma_start3A_1231 = tpu.memref_slice %arg8[%add3A_40, %dma_start3A_1230] : memref<10240x128xf32, #tpu.memory_space<vmem_shared>> -> memref<80x128xf32, #tpu.memory_space<vmem_shared>>
      %dma_start3A_1232 = arith.constant 0 : i32
      %dma_start3A_1233 = arith.constant 0 : i32
      %dma_start3A_1234 = tpu.memref_slice %arg7[%run_scoped3A_41, %dma_start3A_1232, %dma_start3A_1233] : memref<3x80x128xf32, #tpu.memory_space<vmem>> -> memref<1x80x128xf32, #tpu.memory_space<vmem>>
      %dma_start3A_1235 = tpu.memref_squeeze %dma_start3A_1234 : memref<1x80x128xf32, #tpu.memory_space<vmem>> -> memref<80x128xf32, #tpu.memory_space<vmem>>
      tpu.enqueue_dma source(%dma_start3A_1235 : memref<80x128xf32, #tpu.memory_space<vmem>>) target(%dma_start3A_1231 : memref<80x128xf32, #tpu.memory_space<vmem_shared>>) target_semaphore(%run_scoped3A_1223 : memref<!tpu.dma_semaphore, #tpu.memory_space<semaphore_mem>>)
      %dma_wait3A_1236 = arith.constant 0 : i32
      %dma_wait3A_1237 = arith.constant 0 : i32
      %dma_wait3A_1238 = tpu.memref_slice %arg7[%run_scoped3A_41, %dma_wait3A_1236, %dma_wait3A_1237] : memref<3x80x128xf32, #tpu.memory_space<vmem>> -> memref<1x80x128xf32, #tpu.memory_space<vmem>>
      %dma_wait3A_1239 = tpu.memref_squeeze %dma_wait3A_1238 : memref<1x80x128xf32, #tpu.memory_space<vmem>> -> memref<80x128xf32, #tpu.memory_space<vmem>>
      %dma_wait3A_1240 = arith.constant 0 : i32
      %dma_wait3A_1241 = tpu.memref_slice %arg8[%add3A_40, %dma_wait3A_1240] : memref<10240x128xf32, #tpu.memory_space<vmem_shared>> -> memref<80x128xf32, #tpu.memory_space<vmem_shared>>
      %dma_wait3A_1242 = arith.constant 0 : i32
      %dma_wait3A_1243 = tpu.memref_slice %arg8[%add3A_40, %dma_wait3A_1242] : memref<10240x128xf32, #tpu.memory_space<vmem_shared>> -> memref<80x128xf32, #tpu.memory_space<vmem_shared>>
      %dma_wait3A_1244 = arith.constant 0 : i32
      %dma_wait3A_1245 = arith.constant 0 : i32
      %dma_wait3A_1246 = tpu.memref_slice %arg7[%run_scoped3A_41, %dma_wait3A_1244, %dma_wait3A_1245] : memref<3x80x128xf32, #tpu.memory_space<vmem>> -> memref<1x80x128xf32, #tpu.memory_space<vmem>>
      %dma_wait3A_1247 = tpu.memref_squeeze %dma_wait3A_1246 : memref<1x80x128xf32, #tpu.memory_space<vmem>> -> memref<80x128xf32, #tpu.memory_space<vmem>>
      tpu.wait_dma2 semaphore(%run_scoped3A_1223 : memref<!tpu.dma_semaphore, #tpu.memory_space<semaphore_mem>>) src(%dma_wait3A_1247 : memref<80x128xf32, #tpu.memory_space<vmem>>) dst(%dma_wait3A_1243 : memref<80x128xf32, #tpu.memory_space<vmem_shared>>)
      tpu.yield
    }) : () -> ()
    %mul3A_42 = arith.constant 640 : i32
    %mul3A_43 = arith.muli %arg1, %mul3A_42 : i32
    %add3A_44 = arith.constant 560 : i32
    %add3A_45 = arith.addi %mul3A_43, %add3A_44 : i32
    %run_scoped3A_46 = arith.constant 0 : i32
    "tpu.region"() ({
      %run_scoped3A_1223 = tpu.sem_alloc : memref<!tpu.dma_semaphore, #tpu.memory_space<semaphore_mem>>
      %dma_start3A_1224 = arith.constant 0 : i32
      %dma_start3A_1225 = arith.constant 0 : i32
      %dma_start3A_1226 = tpu.memref_slice %arg7[%run_scoped3A_46, %dma_start3A_1224, %dma_start3A_1225] : memref<3x80x128xf32, #tpu.memory_space<vmem>> -> memref<1x80x128xf32, #tpu.memory_space<vmem>>
      %dma_start3A_1227 = tpu.memref_squeeze %dma_start3A_1226 : memref<1x80x128xf32, #tpu.memory_space<vmem>> -> memref<80x128xf32, #tpu.memory_space<vmem>>
      %dma_start3A_1228 = arith.constant 0 : i32
      %dma_start3A_1229 = tpu.memref_slice %arg8[%add3A_45, %dma_start3A_1228] : memref<10240x128xf32, #tpu.memory_space<vmem_shared>> -> memref<80x128xf32, #tpu.memory_space<vmem_shared>>
      %dma_start3A_1230 = arith.constant 0 : i32
      %dma_start3A_1231 = tpu.memref_slice %arg8[%add3A_45, %dma_start3A_1230] : memref<10240x128xf32, #tpu.memory_space<vmem_shared>> -> memref<80x128xf32, #tpu.memory_space<vmem_shared>>
      %dma_start3A_1232 = arith.constant 0 : i32
      %dma_start3A_1233 = arith.constant 0 : i32
      %dma_start3A_1234 = tpu.memref_slice %arg7[%run_scoped3A_46, %dma_start3A_1232, %dma_start3A_1233] : memref<3x80x128xf32, #tpu.memory_space<vmem>> -> memref<1x80x128xf32, #tpu.memory_space<vmem>>
      %dma_start3A_1235 = tpu.memref_squeeze %dma_start3A_1234 : memref<1x80x128xf32, #tpu.memory_space<vmem>> -> memref<80x128xf32, #tpu.memory_space<vmem>>
      tpu.enqueue_dma source(%dma_start3A_1235 : memref<80x128xf32, #tpu.memory_space<vmem>>) target(%dma_start3A_1231 : memref<80x128xf32, #tpu.memory_space<vmem_shared>>) target_semaphore(%run_scoped3A_1223 : memref<!tpu.dma_semaphore, #tpu.memory_space<semaphore_mem>>)
      %dma_wait3A_1236 = arith.constant 0 : i32
      %dma_wait3A_1237 = arith.constant 0 : i32
      %dma_wait3A_1238 = tpu.memref_slice %arg7[%run_scoped3A_46, %dma_wait3A_1236, %dma_wait3A_1237] : memref<3x80x128xf32, #tpu.memory_space<vmem>> -> memref<1x80x128xf32, #tpu.memory_space<vmem>>
      %dma_wait3A_1239 = tpu.memref_squeeze %dma_wait3A_1238 : memref<1x80x128xf32, #tpu.memory_space<vmem>> -> memref<80x128xf32, #tpu.memory_space<vmem>>
      %dma_wait3A_1240 = arith.constant 0 : i32
      %dma_wait3A_1241 = tpu.memref_slice %arg8[%add3A_45, %dma_wait3A_1240] : memref<10240x128xf32, #tpu.memory_space<vmem_shared>> -> memref<80x128xf32, #tpu.memory_space<vmem_shared>>
      %dma_wait3A_1242 = arith.constant 0 : i32
      %dma_wait3A_1243 = tpu.memref_slice %arg8[%add3A_45, %dma_wait3A_1242] : memref<10240x128xf32, #tpu.memory_space<vmem_shared>> -> memref<80x128xf32, #tpu.memory_space<vmem_shared>>
      %dma_wait3A_1244 = arith.constant 0 : i32
      %dma_wait3A_1245 = arith.constant 0 : i32
      %dma_wait3A_1246 = tpu.memref_slice %arg7[%run_scoped3A_46, %dma_wait3A_1244, %dma_wait3A_1245] : memref<3x80x128xf32, #tpu.memory_space<vmem>> -> memref<1x80x128xf32, #tpu.memory_space<vmem>>
      %dma_wait3A_1247 = tpu.memref_squeeze %dma_wait3A_1246 : memref<1x80x128xf32, #tpu.memory_space<vmem>> -> memref<80x128xf32, #tpu.memory_space<vmem>>
      tpu.wait_dma2 semaphore(%run_scoped3A_1223 : memref<!tpu.dma_semaphore, #tpu.memory_space<semaphore_mem>>) src(%dma_wait3A_1247 : memref<80x128xf32, #tpu.memory_space<vmem>>) dst(%dma_wait3A_1243 : memref<80x128xf32, #tpu.memory_space<vmem_shared>>)
      tpu.yield
    }) : () -> ()
    %barrier3A = arith.constant 0 : index
    tpu.barrier barrier_id(%barrier3A)
    %dma_start3A = arith.constant 0 : i32
    %dma_start3A_47 = arith.constant 0 : i32
    %dma_start3A_48 = arith.constant 0 : i32
    %dma_start3A_49 = arith.constant 0 : i32
    "tpu.trace_stop"() : () -> ()
    %dma_start3A_50 = arith.constant 0 : i32
    %dma_start3A_51 = arith.constant 0 : i32
    %dma_start3A_52 = tpu.memref_slice %arg5[%dma_start3A_48, %dma_start3A_50, %dma_start3A_51] : memref<2x25x80xi32, #tpu.memory_space<vmem>> -> memref<1x25x80xi32, #tpu.memory_space<vmem>>
    %dma_start3A_53 = tpu.memref_squeeze %dma_start3A_52 : memref<1x25x80xi32, #tpu.memory_space<vmem>> -> memref<25x80xi32, #tpu.memory_space<vmem>>
    %dma_start3A_54 = arith.constant 0 : i32
    %dma_start3A_55 = arith.constant 0 : i32
    %dma_start3A_56 = tpu.memref_slice %arg3[%dma_start3A, %add3A, %dma_start3A_47, %dma_start3A_54, %dma_start3A_55] : memref<2x32x5x25x80xi32, #tpu.memory_space<hbm>> -> memref<1x1x1x25x80xi32, #tpu.memory_space<hbm>>
    %dma_start3A_57 = tpu.memref_squeeze %dma_start3A_56 : memref<1x1x1x25x80xi32, #tpu.memory_space<hbm>> -> memref<25x80xi32, #tpu.memory_space<hbm>>
    %dma_start3A_58 = tpu.memref_slice %arg10[%dma_start3A_49] : memref<2x!tpu.dma_semaphore, #tpu.memory_space<semaphore_mem>> -> memref<1x!tpu.dma_semaphore, #tpu.memory_space<semaphore_mem>>
    %dma_start3A_59 = tpu.memref_squeeze %dma_start3A_58 : memref<1x!tpu.dma_semaphore, #tpu.memory_space<semaphore_mem>> -> memref<!tpu.dma_semaphore, #tpu.memory_space<semaphore_mem>>
    %dma_start3A_60 = arith.constant 0 : i32
    %dma_start3A_61 = arith.constant 0 : i32
    %dma_start3A_62 = tpu.memref_slice %arg5[%dma_start3A_48, %dma_start3A_60, %dma_start3A_61] : memref<2x25x80xi32, #tpu.memory_space<vmem>> -> memref<1x25x80xi32, #tpu.memory_space<vmem>>
    %dma_start3A_63 = tpu.memref_squeeze %dma_start3A_62 : memref<1x25x80xi32, #tpu.memory_space<vmem>> -> memref<25x80xi32, #tpu.memory_space<vmem>>
    %dma_start3A_64 = arith.constant 0 : i32
    %dma_start3A_65 = arith.constant 0 : i32
    %dma_start3A_66 = tpu.memref_slice %arg3[%dma_start3A, %add3A, %dma_start3A_47, %dma_start3A_64, %dma_start3A_65] : memref<2x32x5x25x80xi32, #tpu.memory_space<hbm>> -> memref<1x1x1x25x80xi32, #tpu.memory_space<hbm>>
    %dma_start3A_67 = tpu.memref_squeeze %dma_start3A_66 : memref<1x1x1x25x80xi32, #tpu.memory_space<hbm>> -> memref<25x80xi32, #tpu.memory_space<hbm>>
    tpu.enqueue_dma source(%dma_start3A_67 : memref<25x80xi32, #tpu.memory_space<hbm>>) target(%dma_start3A_63 : memref<25x80xi32, #tpu.memory_space<vmem>>) target_semaphore(%dma_start3A_59 : memref<!tpu.dma_semaphore, #tpu.memory_space<semaphore_mem>>)
    %dma_start3A_68 = arith.constant 1 : i32
    %dma_start3A_69 = arith.constant 0 : i32
    %dma_start3A_70 = arith.constant 0 : i32
    %dma_start3A_71 = arith.constant 0 : i32
    %dma_start3A_72 = arith.constant 0 : i32
    %dma_start3A_73 = arith.constant 0 : i32
    %dma_start3A_74 = tpu.memref_slice %arg6[%dma_start3A_70, %dma_start3A_72, %dma_start3A_73] : memref<2x25x80xi32, #tpu.memory_space<vmem>> -> memref<1x25x80xi32, #tpu.memory_space<vmem>>
    %dma_start3A_75 = tpu.memref_squeeze %dma_start3A_74 : memref<1x25x80xi32, #tpu.memory_space<vmem>> -> memref<25x80xi32, #tpu.memory_space<vmem>>
    %dma_start3A_76 = arith.constant 0 : i32
    %dma_start3A_77 = arith.constant 0 : i32
    %dma_start3A_78 = tpu.memref_slice %arg3[%dma_start3A_68, %add3A, %dma_start3A_69, %dma_start3A_76, %dma_start3A_77] : memref<2x32x5x25x80xi32, #tpu.memory_space<hbm>> -> memref<1x1x1x25x80xi32, #tpu.memory_space<hbm>>
    %dma_start3A_79 = tpu.memref_squeeze %dma_start3A_78 : memref<1x1x1x25x80xi32, #tpu.memory_space<hbm>> -> memref<25x80xi32, #tpu.memory_space<hbm>>
    %dma_start3A_80 = tpu.memref_slice %arg10[%dma_start3A_71] : memref<2x!tpu.dma_semaphore, #tpu.memory_space<semaphore_mem>> -> memref<1x!tpu.dma_semaphore, #tpu.memory_space<semaphore_mem>>
    %dma_start3A_81 = tpu.memref_squeeze %dma_start3A_80 : memref<1x!tpu.dma_semaphore, #tpu.memory_space<semaphore_mem>> -> memref<!tpu.dma_semaphore, #tpu.memory_space<semaphore_mem>>
    %dma_start3A_82 = arith.constant 0 : i32
    %dma_start3A_83 = arith.constant 0 : i32
    %dma_start3A_84 = tpu.memref_slice %arg6[%dma_start3A_70, %dma_start3A_82, %dma_start3A_83] : memref<2x25x80xi32, #tpu.memory_space<vmem>> -> memref<1x25x80xi32, #tpu.memory_space<vmem>>
    %dma_start3A_85 = tpu.memref_squeeze %dma_start3A_84 : memref<1x25x80xi32, #tpu.memory_space<vmem>> -> memref<25x80xi32, #tpu.memory_space<vmem>>
    %dma_start3A_86 = arith.constant 0 : i32
    %dma_start3A_87 = arith.constant 0 : i32
    %dma_start3A_88 = tpu.memref_slice %arg3[%dma_start3A_68, %add3A, %dma_start3A_69, %dma_start3A_86, %dma_start3A_87] : memref<2x32x5x25x80xi32, #tpu.memory_space<hbm>> -> memref<1x1x1x25x80xi32, #tpu.memory_space<hbm>>
    %dma_start3A_89 = tpu.memref_squeeze %dma_start3A_88 : memref<1x1x1x25x80xi32, #tpu.memory_space<hbm>> -> memref<25x80xi32, #tpu.memory_space<hbm>>
    tpu.enqueue_dma source(%dma_start3A_89 : memref<25x80xi32, #tpu.memory_space<hbm>>) target(%dma_start3A_85 : memref<25x80xi32, #tpu.memory_space<vmem>>) target_semaphore(%dma_start3A_81 : memref<!tpu.dma_semaphore, #tpu.memory_space<semaphore_mem>>)
    %dma_wait3A = arith.constant 0 : i32
    %dma_wait3A_90 = arith.constant 0 : i32
    %dma_wait3A_91 = arith.constant 0 : i32
    %dma_wait3A_92 = arith.constant 0 : i32
    "tpu.trace_start"() <{level = 10 : i32, message = "idx_stage"}> : () -> ()
    %dma_wait3A_93 = arith.constant 0 : i32
    %dma_wait3A_94 = arith.constant 0 : i32
    %dma_wait3A_95 = tpu.memref_slice %arg5[%dma_wait3A_91, %dma_wait3A_93, %dma_wait3A_94] : memref<2x25x80xi32, #tpu.memory_space<vmem>> -> memref<1x25x80xi32, #tpu.memory_space<vmem>>
    %dma_wait3A_96 = tpu.memref_squeeze %dma_wait3A_95 : memref<1x25x80xi32, #tpu.memory_space<vmem>> -> memref<25x80xi32, #tpu.memory_space<vmem>>
    %dma_wait3A_97 = arith.constant 0 : i32
    %dma_wait3A_98 = arith.constant 0 : i32
    %dma_wait3A_99 = tpu.memref_slice %arg3[%dma_wait3A, %add3A, %dma_wait3A_90, %dma_wait3A_97, %dma_wait3A_98] : memref<2x32x5x25x80xi32, #tpu.memory_space<hbm>> -> memref<1x1x1x25x80xi32, #tpu.memory_space<hbm>>
    %dma_wait3A_100 = tpu.memref_squeeze %dma_wait3A_99 : memref<1x1x1x25x80xi32, #tpu.memory_space<hbm>> -> memref<25x80xi32, #tpu.memory_space<hbm>>
    %dma_wait3A_101 = tpu.memref_slice %arg10[%dma_wait3A_92] : memref<2x!tpu.dma_semaphore, #tpu.memory_space<semaphore_mem>> -> memref<1x!tpu.dma_semaphore, #tpu.memory_space<semaphore_mem>>
    %dma_wait3A_102 = tpu.memref_squeeze %dma_wait3A_101 : memref<1x!tpu.dma_semaphore, #tpu.memory_space<semaphore_mem>> -> memref<!tpu.dma_semaphore, #tpu.memory_space<semaphore_mem>>
    %dma_wait3A_103 = arith.constant 0 : i32
    %dma_wait3A_104 = arith.constant 0 : i32
    %dma_wait3A_105 = tpu.memref_slice %arg5[%dma_wait3A_91, %dma_wait3A_103, %dma_wait3A_104] : memref<2x25x80xi32, #tpu.memory_space<vmem>> -> memref<1x25x80xi32, #tpu.memory_space<vmem>>
    %dma_wait3A_106 = tpu.memref_squeeze %dma_wait3A_105 : memref<1x25x80xi32, #tpu.memory_space<vmem>> -> memref<25x80xi32, #tpu.memory_space<vmem>>
    %dma_wait3A_107 = arith.constant 0 : i32
    %dma_wait3A_108 = arith.constant 0 : i32
    %dma_wait3A_109 = tpu.memref_slice %arg3[%dma_wait3A, %add3A, %dma_wait3A_90, %dma_wait3A_107, %dma_wait3A_108] : memref<2x32x5x25x80xi32, #tpu.memory_space<hbm>> -> memref<1x1x1x25x80xi32, #tpu.memory_space<hbm>>
    %dma_wait3A_110 = tpu.memref_squeeze %dma_wait3A_109 : memref<1x1x1x25x80xi32, #tpu.memory_space<hbm>> -> memref<25x80xi32, #tpu.memory_space<hbm>>
    tpu.wait_dma2 semaphore(%dma_wait3A_102 : memref<!tpu.dma_semaphore, #tpu.memory_space<semaphore_mem>>) src(%dma_wait3A_110 : memref<25x80xi32, #tpu.memory_space<hbm>>) dst(%dma_wait3A_106 : memref<25x80xi32, #tpu.memory_space<vmem>>)
    %dma_wait3A_111 = arith.constant 1 : i32
    %dma_wait3A_112 = arith.constant 0 : i32
    %dma_wait3A_113 = arith.constant 0 : i32
    %dma_wait3A_114 = arith.constant 0 : i32
    %dma_wait3A_115 = arith.constant 0 : i32
    %dma_wait3A_116 = arith.constant 0 : i32
    %dma_wait3A_117 = tpu.memref_slice %arg6[%dma_wait3A_113, %dma_wait3A_115, %dma_wait3A_116] : memref<2x25x80xi32, #tpu.memory_space<vmem>> -> memref<1x25x80xi32, #tpu.memory_space<vmem>>
    %dma_wait3A_118 = tpu.memref_squeeze %dma_wait3A_117 : memref<1x25x80xi32, #tpu.memory_space<vmem>> -> memref<25x80xi32, #tpu.memory_space<vmem>>
    %dma_wait3A_119 = arith.constant 0 : i32
    %dma_wait3A_120 = arith.constant 0 : i32
    %dma_wait3A_121 = tpu.memref_slice %arg3[%dma_wait3A_111, %add3A, %dma_wait3A_112, %dma_wait3A_119, %dma_wait3A_120] : memref<2x32x5x25x80xi32, #tpu.memory_space<hbm>> -> memref<1x1x1x25x80xi32, #tpu.memory_space<hbm>>
    %dma_wait3A_122 = tpu.memref_squeeze %dma_wait3A_121 : memref<1x1x1x25x80xi32, #tpu.memory_space<hbm>> -> memref<25x80xi32, #tpu.memory_space<hbm>>
    %dma_wait3A_123 = tpu.memref_slice %arg10[%dma_wait3A_114] : memref<2x!tpu.dma_semaphore, #tpu.memory_space<semaphore_mem>> -> memref<1x!tpu.dma_semaphore, #tpu.memory_space<semaphore_mem>>
    %dma_wait3A_124 = tpu.memref_squeeze %dma_wait3A_123 : memref<1x!tpu.dma_semaphore, #tpu.memory_space<semaphore_mem>> -> memref<!tpu.dma_semaphore, #tpu.memory_space<semaphore_mem>>
    %dma_wait3A_125 = arith.constant 0 : i32
    %dma_wait3A_126 = arith.constant 0 : i32
    %dma_wait3A_127 = tpu.memref_slice %arg6[%dma_wait3A_113, %dma_wait3A_125, %dma_wait3A_126] : memref<2x25x80xi32, #tpu.memory_space<vmem>> -> memref<1x25x80xi32, #tpu.memory_space<vmem>>
    %dma_wait3A_128 = tpu.memref_squeeze %dma_wait3A_127 : memref<1x25x80xi32, #tpu.memory_space<vmem>> -> memref<25x80xi32, #tpu.memory_space<vmem>>
    %dma_wait3A_129 = arith.constant 0 : i32
    %dma_wait3A_130 = arith.constant 0 : i32
    %dma_wait3A_131 = tpu.memref_slice %arg3[%dma_wait3A_111, %add3A, %dma_wait3A_112, %dma_wait3A_129, %dma_wait3A_130] : memref<2x32x5x25x80xi32, #tpu.memory_space<hbm>> -> memref<1x1x1x25x80xi32, #tpu.memory_space<hbm>>
    %dma_wait3A_132 = tpu.memref_squeeze %dma_wait3A_131 : memref<1x1x1x25x80xi32, #tpu.memory_space<hbm>> -> memref<25x80xi32, #tpu.memory_space<hbm>>
    tpu.wait_dma2 semaphore(%dma_wait3A_124 : memref<!tpu.dma_semaphore, #tpu.memory_space<semaphore_mem>>) src(%dma_wait3A_132 : memref<25x80xi32, #tpu.memory_space<hbm>>) dst(%dma_wait3A_128 : memref<25x80xi32, #tpu.memory_space<vmem>>)
    %dma_start3A_133 = arith.constant 0 : i32
    %dma_start3A_134 = arith.constant 1 : i32
    %dma_start3A_135 = arith.constant 1 : i32
    %dma_start3A_136 = arith.constant 1 : i32
    %dma_start3A_137 = arith.constant 0 : i32
    %dma_start3A_138 = arith.constant 0 : i32
    %dma_start3A_139 = tpu.memref_slice %arg5[%dma_start3A_135, %dma_start3A_137, %dma_start3A_138] : memref<2x25x80xi32, #tpu.memory_space<vmem>> -> memref<1x25x80xi32, #tpu.memory_space<vmem>>
    %dma_start3A_140 = tpu.memref_squeeze %dma_start3A_139 : memref<1x25x80xi32, #tpu.memory_space<vmem>> -> memref<25x80xi32, #tpu.memory_space<vmem>>
    %dma_start3A_141 = arith.constant 0 : i32
    %dma_start3A_142 = arith.constant 0 : i32
    %dma_start3A_143 = tpu.memref_slice %arg3[%dma_start3A_133, %add3A, %dma_start3A_134, %dma_start3A_141, %dma_start3A_142] : memref<2x32x5x25x80xi32, #tpu.memory_space<hbm>> -> memref<1x1x1x25x80xi32, #tpu.memory_space<hbm>>
    %dma_start3A_144 = tpu.memref_squeeze %dma_start3A_143 : memref<1x1x1x25x80xi32, #tpu.memory_space<hbm>> -> memref<25x80xi32, #tpu.memory_space<hbm>>
    %dma_start3A_145 = tpu.memref_slice %arg10[%dma_start3A_136] : memref<2x!tpu.dma_semaphore, #tpu.memory_space<semaphore_mem>> -> memref<1x!tpu.dma_semaphore, #tpu.memory_space<semaphore_mem>>
    %dma_start3A_146 = tpu.memref_squeeze %dma_start3A_145 : memref<1x!tpu.dma_semaphore, #tpu.memory_space<semaphore_mem>> -> memref<!tpu.dma_semaphore, #tpu.memory_space<semaphore_mem>>
    %dma_start3A_147 = arith.constant 0 : i32
    %dma_start3A_148 = arith.constant 0 : i32
    %dma_start3A_149 = tpu.memref_slice %arg5[%dma_start3A_135, %dma_start3A_147, %dma_start3A_148] : memref<2x25x80xi32, #tpu.memory_space<vmem>> -> memref<1x25x80xi32, #tpu.memory_space<vmem>>
    %dma_start3A_150 = tpu.memref_squeeze %dma_start3A_149 : memref<1x25x80xi32, #tpu.memory_space<vmem>> -> memref<25x80xi32, #tpu.memory_space<vmem>>
    %dma_start3A_151 = arith.constant 0 : i32
    %dma_start3A_152 = arith.constant 0 : i32
    %dma_start3A_153 = tpu.memref_slice %arg3[%dma_start3A_133, %add3A, %dma_start3A_134, %dma_start3A_151, %dma_start3A_152] : memref<2x32x5x25x80xi32, #tpu.memory_space<hbm>> -> memref<1x1x1x25x80xi32, #tpu.memory_space<hbm>>
    %dma_start3A_154 = tpu.memref_squeeze %dma_start3A_153 : memref<1x1x1x25x80xi32, #tpu.memory_space<hbm>> -> memref<25x80xi32, #tpu.memory_space<hbm>>
    tpu.enqueue_dma source(%dma_start3A_154 : memref<25x80xi32, #tpu.memory_space<hbm>>) target(%dma_start3A_150 : memref<25x80xi32, #tpu.memory_space<vmem>>) target_semaphore(%dma_start3A_146 : memref<!tpu.dma_semaphore, #tpu.memory_space<semaphore_mem>>)
    %dma_start3A_155 = arith.constant 1 : i32
    %dma_start3A_156 = arith.constant 1 : i32
    %dma_start3A_157 = arith.constant 1 : i32
    %dma_start3A_158 = arith.constant 1 : i32
    %dma_start3A_159 = arith.constant 0 : i32
    %dma_start3A_160 = arith.constant 0 : i32
    %dma_start3A_161 = tpu.memref_slice %arg6[%dma_start3A_157, %dma_start3A_159, %dma_start3A_160] : memref<2x25x80xi32, #tpu.memory_space<vmem>> -> memref<1x25x80xi32, #tpu.memory_space<vmem>>
    %dma_start3A_162 = tpu.memref_squeeze %dma_start3A_161 : memref<1x25x80xi32, #tpu.memory_space<vmem>> -> memref<25x80xi32, #tpu.memory_space<vmem>>
    %dma_start3A_163 = arith.constant 0 : i32
    %dma_start3A_164 = arith.constant 0 : i32
    %dma_start3A_165 = tpu.memref_slice %arg3[%dma_start3A_155, %add3A, %dma_start3A_156, %dma_start3A_163, %dma_start3A_164] : memref<2x32x5x25x80xi32, #tpu.memory_space<hbm>> -> memref<1x1x1x25x80xi32, #tpu.memory_space<hbm>>
    %dma_start3A_166 = tpu.memref_squeeze %dma_start3A_165 : memref<1x1x1x25x80xi32, #tpu.memory_space<hbm>> -> memref<25x80xi32, #tpu.memory_space<hbm>>
    %dma_start3A_167 = tpu.memref_slice %arg10[%dma_start3A_158] : memref<2x!tpu.dma_semaphore, #tpu.memory_space<semaphore_mem>> -> memref<1x!tpu.dma_semaphore, #tpu.memory_space<semaphore_mem>>
    %dma_start3A_168 = tpu.memref_squeeze %dma_start3A_167 : memref<1x!tpu.dma_semaphore, #tpu.memory_space<semaphore_mem>> -> memref<!tpu.dma_semaphore, #tpu.memory_space<semaphore_mem>>
    %dma_start3A_169 = arith.constant 0 : i32
    %dma_start3A_170 = arith.constant 0 : i32
    %dma_start3A_171 = tpu.memref_slice %arg6[%dma_start3A_157, %dma_start3A_169, %dma_start3A_170] : memref<2x25x80xi32, #tpu.memory_space<vmem>> -> memref<1x25x80xi32, #tpu.memory_space<vmem>>
    %dma_start3A_172 = tpu.memref_squeeze %dma_start3A_171 : memref<1x25x80xi32, #tpu.memory_space<vmem>> -> memref<25x80xi32, #tpu.memory_space<vmem>>
    %dma_start3A_173 = arith.constant 0 : i32
    %dma_start3A_174 = arith.constant 0 : i32
    %dma_start3A_175 = tpu.memref_slice %arg3[%dma_start3A_155, %add3A, %dma_start3A_156, %dma_start3A_173, %dma_start3A_174] : memref<2x32x5x25x80xi32, #tpu.memory_space<hbm>> -> memref<1x1x1x25x80xi32, #tpu.memory_space<hbm>>
    %dma_start3A_176 = tpu.memref_squeeze %dma_start3A_175 : memref<1x1x1x25x80xi32, #tpu.memory_space<hbm>> -> memref<25x80xi32, #tpu.memory_space<hbm>>
    tpu.enqueue_dma source(%dma_start3A_176 : memref<25x80xi32, #tpu.memory_space<hbm>>) target(%dma_start3A_172 : memref<25x80xi32, #tpu.memory_space<vmem>>) target_semaphore(%dma_start3A_168 : memref<!tpu.dma_semaphore, #tpu.memory_space<semaphore_mem>>)
    %dma_start3A_177 = arith.constant 0 : i32
    %dma_start3A_178 = arith.constant 0 : i32
    %dma_start3A_179 = arith.constant 0 : i32
    %dma_start3A_180 = arith.constant 0 : i32
    "tpu.trace_stop"() : () -> ()
    "tpu.trace_start"() <{level = 10 : i32, message = "edge_loop"}> : () -> ()
    %dma_start3A_181 = arith.constant 0 : i32
    %dma_start3A_182 = arith.constant 0 : i32
    %dma_start3A_183 = tpu.memref_slice %arg7[%dma_start3A_179, %dma_start3A_181, %dma_start3A_182] : memref<3x80x128xf32, #tpu.memory_space<vmem>> -> memref<1x80x128xf32, #tpu.memory_space<vmem>>
    %dma_start3A_184 = tpu.memref_squeeze %dma_start3A_183 : memref<1x80x128xf32, #tpu.memory_space<vmem>> -> memref<80x128xf32, #tpu.memory_space<vmem>>
    %dma_start3A_185 = arith.constant 0 : i32
    %dma_start3A_186 = tpu.memref_slice %arg5[%dma_start3A_177, %dma_start3A_178, %dma_start3A_185] : memref<2x25x80xi32, #tpu.memory_space<vmem>> -> memref<1x1x80xi32, #tpu.memory_space<vmem>>
    %dma_start3A_187 = tpu.memref_squeeze %dma_start3A_186 : memref<1x1x80xi32, #tpu.memory_space<vmem>> -> memref<80xi32, #tpu.memory_space<vmem>>
    %dma_start3A_188 = arith.constant 0 : i32
    %dma_start3A_189 = arith.constant 0 : i32
    %dma_start3A_190 = tpu.memref_slice %arg2[%dma_start3A_188, %dma_start3A_189] : memref<10000x128xf32, #tpu.memory_space<hbm>> -> memref<10000x128xf32, #tpu.memory_space<hbm>>
    %dma_start3A_191 = tpu.memref_slice %arg9[%dma_start3A_180] : memref<3x!tpu.dma_semaphore, #tpu.memory_space<semaphore_mem>> -> memref<1x!tpu.dma_semaphore, #tpu.memory_space<semaphore_mem>>
    %dma_start3A_192 = tpu.memref_squeeze %dma_start3A_191 : memref<1x!tpu.dma_semaphore, #tpu.memory_space<semaphore_mem>> -> memref<!tpu.dma_semaphore, #tpu.memory_space<semaphore_mem>>
    tpu.enqueue_indirect_dma source(%dma_start3A_190 : memref<10000x128xf32, #tpu.memory_space<hbm>>) target(%dma_start3A_184 : memref<80x128xf32, #tpu.memory_space<vmem>>) offsets(%dma_start3A_187 : memref<80xi32, #tpu.memory_space<vmem>>) semaphore(%dma_start3A_192 : memref<!tpu.dma_semaphore, #tpu.memory_space<semaphore_mem>>)
    %dma_start3A_193 = arith.constant 0 : i32
    %dma_start3A_194 = arith.constant 1 : i32
    %dma_start3A_195 = arith.constant 1 : i32
    %dma_start3A_196 = arith.constant 1 : i32
    %dma_start3A_197 = arith.constant 0 : i32
    %dma_start3A_198 = arith.constant 0 : i32
    %dma_start3A_199 = tpu.memref_slice %arg7[%dma_start3A_195, %dma_start3A_197, %dma_start3A_198] : memref<3x80x128xf32, #tpu.memory_space<vmem>> -> memref<1x80x128xf32, #tpu.memory_space<vmem>>
    %dma_start3A_200 = tpu.memref_squeeze %dma_start3A_199 : memref<1x80x128xf32, #tpu.memory_space<vmem>> -> memref<80x128xf32, #tpu.memory_space<vmem>>
    %dma_start3A_201 = arith.constant 0 : i32
    %dma_start3A_202 = tpu.memref_slice %arg5[%dma_start3A_193, %dma_start3A_194, %dma_start3A_201] : memref<2x25x80xi32, #tpu.memory_space<vmem>> -> memref<1x1x80xi32, #tpu.memory_space<vmem>>
    %dma_start3A_203 = tpu.memref_squeeze %dma_start3A_202 : memref<1x1x80xi32, #tpu.memory_space<vmem>> -> memref<80xi32, #tpu.memory_space<vmem>>
    %dma_start3A_204 = arith.constant 0 : i32
    %dma_start3A_205 = arith.constant 0 : i32
    %dma_start3A_206 = tpu.memref_slice %arg2[%dma_start3A_204, %dma_start3A_205] : memref<10000x128xf32, #tpu.memory_space<hbm>> -> memref<10000x128xf32, #tpu.memory_space<hbm>>
    %dma_start3A_207 = tpu.memref_slice %arg9[%dma_start3A_196] : memref<3x!tpu.dma_semaphore, #tpu.memory_space<semaphore_mem>> -> memref<1x!tpu.dma_semaphore, #tpu.memory_space<semaphore_mem>>
    %dma_start3A_208 = tpu.memref_squeeze %dma_start3A_207 : memref<1x!tpu.dma_semaphore, #tpu.memory_space<semaphore_mem>> -> memref<!tpu.dma_semaphore, #tpu.memory_space<semaphore_mem>>
    tpu.enqueue_indirect_dma source(%dma_start3A_206 : memref<10000x128xf32, #tpu.memory_space<hbm>>) target(%dma_start3A_200 : memref<80x128xf32, #tpu.memory_space<vmem>>) offsets(%dma_start3A_203 : memref<80xi32, #tpu.memory_space<vmem>>) semaphore(%dma_start3A_208 : memref<!tpu.dma_semaphore, #tpu.memory_space<semaphore_mem>>)
    %dma_start3A_209 = arith.constant 0 : i32
    %dma_start3A_210 = arith.constant 2 : i32
    %dma_start3A_211 = arith.constant 2 : i32
    %dma_start3A_212 = arith.constant 2 : i32
    %dma_start3A_213 = arith.constant 0 : i32
    %dma_start3A_214 = arith.constant 0 : i32
    %dma_start3A_215 = tpu.memref_slice %arg7[%dma_start3A_211, %dma_start3A_213, %dma_start3A_214] : memref<3x80x128xf32, #tpu.memory_space<vmem>> -> memref<1x80x128xf32, #tpu.memory_space<vmem>>
    %dma_start3A_216 = tpu.memref_squeeze %dma_start3A_215 : memref<1x80x128xf32, #tpu.memory_space<vmem>> -> memref<80x128xf32, #tpu.memory_space<vmem>>
    %dma_start3A_217 = arith.constant 0 : i32
    %dma_start3A_218 = tpu.memref_slice %arg5[%dma_start3A_209, %dma_start3A_210, %dma_start3A_217] : memref<2x25x80xi32, #tpu.memory_space<vmem>> -> memref<1x1x80xi32, #tpu.memory_space<vmem>>
    %dma_start3A_219 = tpu.memref_squeeze %dma_start3A_218 : memref<1x1x80xi32, #tpu.memory_space<vmem>> -> memref<80xi32, #tpu.memory_space<vmem>>
    %dma_start3A_220 = arith.constant 0 : i32
    %dma_start3A_221 = arith.constant 0 : i32
    %dma_start3A_222 = tpu.memref_slice %arg2[%dma_start3A_220, %dma_start3A_221] : memref<10000x128xf32, #tpu.memory_space<hbm>> -> memref<10000x128xf32, #tpu.memory_space<hbm>>
    %dma_start3A_223 = tpu.memref_slice %arg9[%dma_start3A_212] : memref<3x!tpu.dma_semaphore, #tpu.memory_space<semaphore_mem>> -> memref<1x!tpu.dma_semaphore, #tpu.memory_space<semaphore_mem>>
    %dma_start3A_224 = tpu.memref_squeeze %dma_start3A_223 : memref<1x!tpu.dma_semaphore, #tpu.memory_space<semaphore_mem>> -> memref<!tpu.dma_semaphore, #tpu.memory_space<semaphore_mem>>
    tpu.enqueue_indirect_dma source(%dma_start3A_222 : memref<10000x128xf32, #tpu.memory_space<hbm>>) target(%dma_start3A_216 : memref<80x128xf32, #tpu.memory_space<vmem>>) offsets(%dma_start3A_219 : memref<80xi32, #tpu.memory_space<vmem>>) semaphore(%dma_start3A_224 : memref<!tpu.dma_semaphore, #tpu.memory_space<semaphore_mem>>)
    %scan3A_225 = arith.constant 0 : i32
    %scan3A_226 = arith.constant 0 : i32
    %scan3A_227 = arith.constant 7 : i32
    %scan3A_228 = arith.addi %scan3A_226, %scan3A_227 : i32
    %scan3A_229 = arith.constant 1 : i32
    %scan3A_230 = scf.for %scan3A_1223 = %scan3A_226 to %scan3A_228 step %scan3A_229 iter_args(%scan3A_1224 = %scan3A_225) -> (i32)  : i32 {
      %mul3A_1225 = arith.constant 3 : i32
      %mul3A_1226 = arith.muli %scan3A_1223, %mul3A_1225 : i32
      %add3A_1227 = arith.constant 0 : i32
      %add3A_1228 = arith.addi %mul3A_1226, %add3A_1227 : i32
      %dma_wait3A_1229 = arith.constant 0 : i32
      %dma_wait3A_1230 = arith.constant 0 : i32
      %dma_wait3A_1231 = arith.constant 0 : i32
      %dma_wait3A_1232 = arith.constant 0 : i32
      %dma_wait3A_1233 = arith.constant 0 : i32
      %dma_wait3A_1234 = tpu.memref_slice %arg7[%dma_wait3A_1230, %dma_wait3A_1232, %dma_wait3A_1233] : memref<3x80x128xf32, #tpu.memory_space<vmem>> -> memref<1x80x128xf32, #tpu.memory_space<vmem>>
      %dma_wait3A_1235 = tpu.memref_squeeze %dma_wait3A_1234 : memref<1x80x128xf32, #tpu.memory_space<vmem>> -> memref<80x128xf32, #tpu.memory_space<vmem>>
      %dma_wait3A_1236 = arith.constant 0 : i32
      %dma_wait3A_1237 = tpu.memref_slice %arg5[%dma_wait3A_1229, %add3A_1228, %dma_wait3A_1236] : memref<2x25x80xi32, #tpu.memory_space<vmem>> -> memref<1x1x80xi32, #tpu.memory_space<vmem>>
      %dma_wait3A_1238 = tpu.memref_squeeze %dma_wait3A_1237 : memref<1x1x80xi32, #tpu.memory_space<vmem>> -> memref<80xi32, #tpu.memory_space<vmem>>
      %dma_wait3A_1239 = arith.constant 0 : i32
      %dma_wait3A_1240 = arith.constant 0 : i32
      %dma_wait3A_1241 = tpu.memref_slice %arg2[%dma_wait3A_1239, %dma_wait3A_1240] : memref<10000x128xf32, #tpu.memory_space<hbm>> -> memref<10000x128xf32, #tpu.memory_space<hbm>>
      %dma_wait3A_1242 = tpu.memref_slice %arg9[%dma_wait3A_1231] : memref<3x!tpu.dma_semaphore, #tpu.memory_space<semaphore_mem>> -> memref<1x!tpu.dma_semaphore, #tpu.memory_space<semaphore_mem>>
      %dma_wait3A_1243 = tpu.memref_squeeze %dma_wait3A_1242 : memref<1x!tpu.dma_semaphore, #tpu.memory_space<semaphore_mem>> -> memref<!tpu.dma_semaphore, #tpu.memory_space<semaphore_mem>>
      tpu.wait_indirect_dma semaphore(%dma_wait3A_1243 : memref<!tpu.dma_semaphore, #tpu.memory_space<semaphore_mem>>) src(%dma_wait3A_1241 : memref<10000x128xf32, #tpu.memory_space<hbm>>) dst(%dma_wait3A_1235 : memref<80x128xf32, #tpu.memory_space<vmem>>)
      %run_scoped3A_1244 = arith.constant 0 : i32
      %run_scoped3A_1245 = arith.constant 0 : i32
      "tpu.region"() ({
        %run_scoped3A_1340 = tpu.sem_alloc : memref<!tpu.dma_semaphore, #tpu.memory_space<semaphore_mem>>
        %dma_start3A_1341 = arith.constant 0 : i32
        %dma_start3A_1342 = arith.constant 0 : i32
        %dma_start3A_1343 = tpu.memref_slice %arg7[%run_scoped3A_1244, %dma_start3A_1341, %dma_start3A_1342] : memref<3x80x128xf32, #tpu.memory_space<vmem>> -> memref<1x80x128xf32, #tpu.memory_space<vmem>>
        %dma_start3A_1344 = tpu.memref_squeeze %dma_start3A_1343 : memref<1x80x128xf32, #tpu.memory_space<vmem>> -> memref<80x128xf32, #tpu.memory_space<vmem>>
        %dma_start3A_1345 = arith.constant 0 : i32
        %dma_start3A_1346 = tpu.memref_slice %arg6[%run_scoped3A_1245, %add3A_1228, %dma_start3A_1345] : memref<2x25x80xi32, #tpu.memory_space<vmem>> -> memref<1x1x80xi32, #tpu.memory_space<vmem>>
        %dma_start3A_1347 = tpu.memref_squeeze %dma_start3A_1346 : memref<1x1x80xi32, #tpu.memory_space<vmem>> -> memref<80xi32, #tpu.memory_space<vmem>>
        %dma_start3A_1348 = arith.constant 0 : i32
        %dma_start3A_1349 = arith.constant 0 : i32
        %dma_start3A_1350 = tpu.memref_slice %arg8[%dma_start3A_1348, %dma_start3A_1349] : memref<10240x128xf32, #tpu.memory_space<vmem_shared>> -> memref<10240x128xf32, #tpu.memory_space<vmem_shared>>
        tpu.enqueue_indirect_dma source(%dma_start3A_1344 : memref<80x128xf32, #tpu.memory_space<vmem>>) target(%dma_start3A_1350 : memref<10240x128xf32, #tpu.memory_space<vmem_shared>>) offsets(%dma_start3A_1347 : memref<80xi32, #tpu.memory_space<vmem>>) semaphore(%run_scoped3A_1340 : memref<!tpu.dma_semaphore, #tpu.memory_space<semaphore_mem>>) {add = true}
        %dma_wait3A_1351 = arith.constant 0 : i32
        %dma_wait3A_1352 = arith.constant 0 : i32
        %dma_wait3A_1353 = tpu.memref_slice %arg7[%run_scoped3A_1244, %dma_wait3A_1351, %dma_wait3A_1352] : memref<3x80x128xf32, #tpu.memory_space<vmem>> -> memref<1x80x128xf32, #tpu.memory_space<vmem>>
        %dma_wait3A_1354 = tpu.memref_squeeze %dma_wait3A_1353 : memref<1x80x128xf32, #tpu.memory_space<vmem>> -> memref<80x128xf32, #tpu.memory_space<vmem>>
        %dma_wait3A_1355 = arith.constant 0 : i32
        %dma_wait3A_1356 = tpu.memref_slice %arg6[%run_scoped3A_1245, %add3A_1228, %dma_wait3A_1355] : memref<2x25x80xi32, #tpu.memory_space<vmem>> -> memref<1x1x80xi32, #tpu.memory_space<vmem>>
        %dma_wait3A_1357 = tpu.memref_squeeze %dma_wait3A_1356 : memref<1x1x80xi32, #tpu.memory_space<vmem>> -> memref<80xi32, #tpu.memory_space<vmem>>
        %dma_wait3A_1358 = arith.constant 0 : i32
        %dma_wait3A_1359 = arith.constant 0 : i32
        %dma_wait3A_1360 = tpu.memref_slice %arg8[%dma_wait3A_1358, %dma_wait3A_1359] : memref<10240x128xf32, #tpu.memory_space<vmem_shared>> -> memref<10240x128xf32, #tpu.memory_space<vmem_shared>>
        tpu.wait_indirect_dma semaphore(%run_scoped3A_1340 : memref<!tpu.dma_semaphore, #tpu.memory_space<semaphore_mem>>) src(%dma_wait3A_1354 : memref<80x128xf32, #tpu.memory_space<vmem>>) dst(%dma_wait3A_1360 : memref<10240x128xf32, #tpu.memory_space<vmem_shared>>)
        tpu.yield
      }) : () -> ()
      %add3A_1246 = arith.constant 3 : i32
      %add3A_1247 = arith.addi %add3A_1228, %add3A_1246 : i32
      %dma_start3A_1248 = arith.constant 0 : i32
      %dma_start3A_1249 = arith.constant 0 : i32
      %dma_start3A_1250 = arith.constant 0 : i32
      %dma_start3A_1251 = arith.constant 0 : i32
      %dma_start3A_1252 = arith.constant 0 : i32
      %dma_start3A_1253 = tpu.memref_slice %arg7[%dma_start3A_1249, %dma_start3A_1251, %dma_start3A_1252] : memref<3x80x128xf32, #tpu.memory_space<vmem>> -> memref<1x80x128xf32, #tpu.memory_space<vmem>>
      %dma_start3A_1254 = tpu.memref_squeeze %dma_start3A_1253 : memref<1x80x128xf32, #tpu.memory_space<vmem>> -> memref<80x128xf32, #tpu.memory_space<vmem>>
      %dma_start3A_1255 = arith.constant 0 : i32
      %dma_start3A_1256 = tpu.memref_slice %arg5[%dma_start3A_1248, %add3A_1247, %dma_start3A_1255] : memref<2x25x80xi32, #tpu.memory_space<vmem>> -> memref<1x1x80xi32, #tpu.memory_space<vmem>>
      %dma_start3A_1257 = tpu.memref_squeeze %dma_start3A_1256 : memref<1x1x80xi32, #tpu.memory_space<vmem>> -> memref<80xi32, #tpu.memory_space<vmem>>
      %dma_start3A_1258 = arith.constant 0 : i32
      %dma_start3A_1259 = arith.constant 0 : i32
      %dma_start3A_1260 = tpu.memref_slice %arg2[%dma_start3A_1258, %dma_start3A_1259] : memref<10000x128xf32, #tpu.memory_space<hbm>> -> memref<10000x128xf32, #tpu.memory_space<hbm>>
      %dma_start3A_1261 = tpu.memref_slice %arg9[%dma_start3A_1250] : memref<3x!tpu.dma_semaphore, #tpu.memory_space<semaphore_mem>> -> memref<1x!tpu.dma_semaphore, #tpu.memory_space<semaphore_mem>>
      %dma_start3A_1262 = tpu.memref_squeeze %dma_start3A_1261 : memref<1x!tpu.dma_semaphore, #tpu.memory_space<semaphore_mem>> -> memref<!tpu.dma_semaphore, #tpu.memory_space<semaphore_mem>>
      tpu.enqueue_indirect_dma source(%dma_start3A_1260 : memref<10000x128xf32, #tpu.memory_space<hbm>>) target(%dma_start3A_1254 : memref<80x128xf32, #tpu.memory_space<vmem>>) offsets(%dma_start3A_1257 : memref<80xi32, #tpu.memory_space<vmem>>) semaphore(%dma_start3A_1262 : memref<!tpu.dma_semaphore, #tpu.memory_space<semaphore_mem>>)
      %mul3A_1263 = arith.constant 3 : i32
      %mul3A_1264 = arith.muli %scan3A_1223, %mul3A_1263 : i32
      %add3A_1265 = arith.constant 1 : i32
      %add3A_1266 = arith.addi %mul3A_1264, %add3A_1265 : i32
      %dma_wait3A_1267 = arith.constant 0 : i32
      %dma_wait3A_1268 = arith.constant 1 : i32
      %dma_wait3A_1269 = arith.constant 1 : i32
      %dma_wait3A_1270 = arith.constant 0 : i32
      %dma_wait3A_1271 = arith.constant 0 : i32
      %dma_wait3A_1272 = tpu.memref_slice %arg7[%dma_wait3A_1268, %dma_wait3A_1270, %dma_wait3A_1271] : memref<3x80x128xf32, #tpu.memory_space<vmem>> -> memref<1x80x128xf32, #tpu.memory_space<vmem>>
      %dma_wait3A_1273 = tpu.memref_squeeze %dma_wait3A_1272 : memref<1x80x128xf32, #tpu.memory_space<vmem>> -> memref<80x128xf32, #tpu.memory_space<vmem>>
      %dma_wait3A_1274 = arith.constant 0 : i32
      %dma_wait3A_1275 = tpu.memref_slice %arg5[%dma_wait3A_1267, %add3A_1266, %dma_wait3A_1274] : memref<2x25x80xi32, #tpu.memory_space<vmem>> -> memref<1x1x80xi32, #tpu.memory_space<vmem>>
      %dma_wait3A_1276 = tpu.memref_squeeze %dma_wait3A_1275 : memref<1x1x80xi32, #tpu.memory_space<vmem>> -> memref<80xi32, #tpu.memory_space<vmem>>
      %dma_wait3A_1277 = arith.constant 0 : i32
      %dma_wait3A_1278 = arith.constant 0 : i32
      %dma_wait3A_1279 = tpu.memref_slice %arg2[%dma_wait3A_1277, %dma_wait3A_1278] : memref<10000x128xf32, #tpu.memory_space<hbm>> -> memref<10000x128xf32, #tpu.memory_space<hbm>>
      %dma_wait3A_1280 = tpu.memref_slice %arg9[%dma_wait3A_1269] : memref<3x!tpu.dma_semaphore, #tpu.memory_space<semaphore_mem>> -> memref<1x!tpu.dma_semaphore, #tpu.memory_space<semaphore_mem>>
      %dma_wait3A_1281 = tpu.memref_squeeze %dma_wait3A_1280 : memref<1x!tpu.dma_semaphore, #tpu.memory_space<semaphore_mem>> -> memref<!tpu.dma_semaphore, #tpu.memory_space<semaphore_mem>>
      tpu.wait_indirect_dma semaphore(%dma_wait3A_1281 : memref<!tpu.dma_semaphore, #tpu.memory_space<semaphore_mem>>) src(%dma_wait3A_1279 : memref<10000x128xf32, #tpu.memory_space<hbm>>) dst(%dma_wait3A_1273 : memref<80x128xf32, #tpu.memory_space<vmem>>)
      %run_scoped3A_1282 = arith.constant 1 : i32
      %run_scoped3A_1283 = arith.constant 0 : i32
      "tpu.region"() ({
        %run_scoped3A_1340 = tpu.sem_alloc : memref<!tpu.dma_semaphore, #tpu.memory_space<semaphore_mem>>
        %dma_start3A_1341 = arith.constant 0 : i32
        %dma_start3A_1342 = arith.constant 0 : i32
        %dma_start3A_1343 = tpu.memref_slice %arg7[%run_scoped3A_1282, %dma_start3A_1341, %dma_start3A_1342] : memref<3x80x128xf32, #tpu.memory_space<vmem>> -> memref<1x80x128xf32, #tpu.memory_space<vmem>>
        %dma_start3A_1344 = tpu.memref_squeeze %dma_start3A_1343 : memref<1x80x128xf32, #tpu.memory_space<vmem>> -> memref<80x128xf32, #tpu.memory_space<vmem>>
        %dma_start3A_1345 = arith.constant 0 : i32
        %dma_start3A_1346 = tpu.memref_slice %arg6[%run_scoped3A_1283, %add3A_1266, %dma_start3A_1345] : memref<2x25x80xi32, #tpu.memory_space<vmem>> -> memref<1x1x80xi32, #tpu.memory_space<vmem>>
        %dma_start3A_1347 = tpu.memref_squeeze %dma_start3A_1346 : memref<1x1x80xi32, #tpu.memory_space<vmem>> -> memref<80xi32, #tpu.memory_space<vmem>>
        %dma_start3A_1348 = arith.constant 0 : i32
        %dma_start3A_1349 = arith.constant 0 : i32
        %dma_start3A_1350 = tpu.memref_slice %arg8[%dma_start3A_1348, %dma_start3A_1349] : memref<10240x128xf32, #tpu.memory_space<vmem_shared>> -> memref<10240x128xf32, #tpu.memory_space<vmem_shared>>
        tpu.enqueue_indirect_dma source(%dma_start3A_1344 : memref<80x128xf32, #tpu.memory_space<vmem>>) target(%dma_start3A_1350 : memref<10240x128xf32, #tpu.memory_space<vmem_shared>>) offsets(%dma_start3A_1347 : memref<80xi32, #tpu.memory_space<vmem>>) semaphore(%run_scoped3A_1340 : memref<!tpu.dma_semaphore, #tpu.memory_space<semaphore_mem>>) {add = true}
        %dma_wait3A_1351 = arith.constant 0 : i32
        %dma_wait3A_1352 = arith.constant 0 : i32
        %dma_wait3A_1353 = tpu.memref_slice %arg7[%run_scoped3A_1282, %dma_wait3A_1351, %dma_wait3A_1352] : memref<3x80x128xf32, #tpu.memory_space<vmem>> -> memref<1x80x128xf32, #tpu.memory_space<vmem>>
        %dma_wait3A_1354 = tpu.memref_squeeze %dma_wait3A_1353 : memref<1x80x128xf32, #tpu.memory_space<vmem>> -> memref<80x128xf32, #tpu.memory_space<vmem>>
        %dma_wait3A_1355 = arith.constant 0 : i32
        %dma_wait3A_1356 = tpu.memref_slice %arg6[%run_scoped3A_1283, %add3A_1266, %dma_wait3A_1355] : memref<2x25x80xi32, #tpu.memory_space<vmem>> -> memref<1x1x80xi32, #tpu.memory_space<vmem>>
        %dma_wait3A_1357 = tpu.memref_squeeze %dma_wait3A_1356 : memref<1x1x80xi32, #tpu.memory_space<vmem>> -> memref<80xi32, #tpu.memory_space<vmem>>
        %dma_wait3A_1358 = arith.constant 0 : i32
        %dma_wait3A_1359 = arith.constant 0 : i32
        %dma_wait3A_1360 = tpu.memref_slice %arg8[%dma_wait3A_1358, %dma_wait3A_1359] : memref<10240x128xf32, #tpu.memory_space<vmem_shared>> -> memref<10240x128xf32, #tpu.memory_space<vmem_shared>>
        tpu.wait_indirect_dma semaphore(%run_scoped3A_1340 : memref<!tpu.dma_semaphore, #tpu.memory_space<semaphore_mem>>) src(%dma_wait3A_1354 : memref<80x128xf32, #tpu.memory_space<vmem>>) dst(%dma_wait3A_1360 : memref<10240x128xf32, #tpu.memory_space<vmem_shared>>)
        tpu.yield
      }) : () -> ()
      %add3A_1284 = arith.constant 3 : i32
      %add3A_1285 = arith.addi %add3A_1266, %add3A_1284 : i32
      %dma_start3A_1286 = arith.constant 0 : i32
      %dma_start3A_1287 = arith.constant 1 : i32
      %dma_start3A_1288 = arith.constant 1 : i32
      %dma_start3A_1289 = arith.constant 0 : i32
      %dma_start3A_1290 = arith.constant 0 : i32
      %dma_start3A_1291 = tpu.memref_slice %arg7[%dma_start3A_1287, %dma_start3A_1289, %dma_start3A_1290] : memref<3x80x128xf32, #tpu.memory_space<vmem>> -> memref<1x80x128xf32, #tpu.memory_space<vmem>>
      %dma_start3A_1292 = tpu.memref_squeeze %dma_start3A_1291 : memref<1x80x128xf32, #tpu.memory_space<vmem>> -> memref<80x128xf32, #tpu.memory_space<vmem>>
      %dma_start3A_1293 = arith.constant 0 : i32
      %dma_start3A_1294 = tpu.memref_slice %arg5[%dma_start3A_1286, %add3A_1285, %dma_start3A_1293] : memref<2x25x80xi32, #tpu.memory_space<vmem>> -> memref<1x1x80xi32, #tpu.memory_space<vmem>>
      %dma_start3A_1295 = tpu.memref_squeeze %dma_start3A_1294 : memref<1x1x80xi32, #tpu.memory_space<vmem>> -> memref<80xi32, #tpu.memory_space<vmem>>
      %dma_start3A_1296 = arith.constant 0 : i32
      %dma_start3A_1297 = arith.constant 0 : i32
      %dma_start3A_1298 = tpu.memref_slice %arg2[%dma_start3A_1296, %dma_start3A_1297] : memref<10000x128xf32, #tpu.memory_space<hbm>> -> memref<10000x128xf32, #tpu.memory_space<hbm>>
      %dma_start3A_1299 = tpu.memref_slice %arg9[%dma_start3A_1288] : memref<3x!tpu.dma_semaphore, #tpu.memory_space<semaphore_mem>> -> memref<1x!tpu.dma_semaphore, #tpu.memory_space<semaphore_mem>>
      %dma_start3A_1300 = tpu.memref_squeeze %dma_start3A_1299 : memref<1x!tpu.dma_semaphore, #tpu.memory_space<semaphore_mem>> -> memref<!tpu.dma_semaphore, #tpu.memory_space<semaphore_mem>>
      tpu.enqueue_indirect_dma source(%dma_start3A_1298 : memref<10000x128xf32, #tpu.memory_space<hbm>>) target(%dma_start3A_1292 : memref<80x128xf32, #tpu.memory_space<vmem>>) offsets(%dma_start3A_1295 : memref<80xi32, #tpu.memory_space<vmem>>) semaphore(%dma_start3A_1300 : memref<!tpu.dma_semaphore, #tpu.memory_space<semaphore_mem>>)
      %mul3A_1301 = arith.constant 3 : i32
      %mul3A_1302 = arith.muli %scan3A_1223, %mul3A_1301 : i32
      %add3A_1303 = arith.constant 2 : i32
      %add3A_1304 = arith.addi %mul3A_1302, %add3A_1303 : i32
      %dma_wait3A_1305 = arith.constant 0 : i32
      %dma_wait3A_1306 = arith.constant 2 : i32
      %dma_wait3A_1307 = arith.constant 2 : i32
      %dma_wait3A_1308 = arith.constant 0 : i32
      %dma_wait3A_1309 = arith.constant 0 : i32
      %dma_wait3A_1310 = tpu.memref_slice %arg7[%dma_wait3A_1306, %dma_wait3A_1308, %dma_wait3A_1309] : memref<3x80x128xf32, #tpu.memory_space<vmem>> -> memref<1x80x128xf32, #tpu.memory_space<vmem>>
      %dma_wait3A_1311 = tpu.memref_squeeze %dma_wait3A_1310 : memref<1x80x128xf32, #tpu.memory_space<vmem>> -> memref<80x128xf32, #tpu.memory_space<vmem>>
      %dma_wait3A_1312 = arith.constant 0 : i32
      %dma_wait3A_1313 = tpu.memref_slice %arg5[%dma_wait3A_1305, %add3A_1304, %dma_wait3A_1312] : memref<2x25x80xi32, #tpu.memory_space<vmem>> -> memref<1x1x80xi32, #tpu.memory_space<vmem>>
      %dma_wait3A_1314 = tpu.memref_squeeze %dma_wait3A_1313 : memref<1x1x80xi32, #tpu.memory_space<vmem>> -> memref<80xi32, #tpu.memory_space<vmem>>
      %dma_wait3A_1315 = arith.constant 0 : i32
      %dma_wait3A_1316 = arith.constant 0 : i32
      %dma_wait3A_1317 = tpu.memref_slice %arg2[%dma_wait3A_1315, %dma_wait3A_1316] : memref<10000x128xf32, #tpu.memory_space<hbm>> -> memref<10000x128xf32, #tpu.memory_space<hbm>>
      %dma_wait3A_1318 = tpu.memref_slice %arg9[%dma_wait3A_1307] : memref<3x!tpu.dma_semaphore, #tpu.memory_space<semaphore_mem>> -> memref<1x!tpu.dma_semaphore, #tpu.memory_space<semaphore_mem>>
      %dma_wait3A_1319 = tpu.memref_squeeze %dma_wait3A_1318 : memref<1x!tpu.dma_semaphore, #tpu.memory_space<semaphore_mem>> -> memref<!tpu.dma_semaphore, #tpu.memory_space<semaphore_mem>>
      tpu.wait_indirect_dma semaphore(%dma_wait3A_1319 : memref<!tpu.dma_semaphore, #tpu.memory_space<semaphore_mem>>) src(%dma_wait3A_1317 : memref<10000x128xf32, #tpu.memory_space<hbm>>) dst(%dma_wait3A_1311 : memref<80x128xf32, #tpu.memory_space<vmem>>)
      %run_scoped3A_1320 = arith.constant 2 : i32
      %run_scoped3A_1321 = arith.constant 0 : i32
      "tpu.region"() ({
        %run_scoped3A_1340 = tpu.sem_alloc : memref<!tpu.dma_semaphore, #tpu.memory_space<semaphore_mem>>
        %dma_start3A_1341 = arith.constant 0 : i32
        %dma_start3A_1342 = arith.constant 0 : i32
        %dma_start3A_1343 = tpu.memref_slice %arg7[%run_scoped3A_1320, %dma_start3A_1341, %dma_start3A_1342] : memref<3x80x128xf32, #tpu.memory_space<vmem>> -> memref<1x80x128xf32, #tpu.memory_space<vmem>>
        %dma_start3A_1344 = tpu.memref_squeeze %dma_start3A_1343 : memref<1x80x128xf32, #tpu.memory_space<vmem>> -> memref<80x128xf32, #tpu.memory_space<vmem>>
        %dma_start3A_1345 = arith.constant 0 : i32
        %dma_start3A_1346 = tpu.memref_slice %arg6[%run_scoped3A_1321, %add3A_1304, %dma_start3A_1345] : memref<2x25x80xi32, #tpu.memory_space<vmem>> -> memref<1x1x80xi32, #tpu.memory_space<vmem>>
        %dma_start3A_1347 = tpu.memref_squeeze %dma_start3A_1346 : memref<1x1x80xi32, #tpu.memory_space<vmem>> -> memref<80xi32, #tpu.memory_space<vmem>>
        %dma_start3A_1348 = arith.constant 0 : i32
        %dma_start3A_1349 = arith.constant 0 : i32
        %dma_start3A_1350 = tpu.memref_slice %arg8[%dma_start3A_1348, %dma_start3A_1349] : memref<10240x128xf32, #tpu.memory_space<vmem_shared>> -> memref<10240x128xf32, #tpu.memory_space<vmem_shared>>
        tpu.enqueue_indirect_dma source(%dma_start3A_1344 : memref<80x128xf32, #tpu.memory_space<vmem>>) target(%dma_start3A_1350 : memref<10240x128xf32, #tpu.memory_space<vmem_shared>>) offsets(%dma_start3A_1347 : memref<80xi32, #tpu.memory_space<vmem>>) semaphore(%run_scoped3A_1340 : memref<!tpu.dma_semaphore, #tpu.memory_space<semaphore_mem>>) {add = true}
        %dma_wait3A_1351 = arith.constant 0 : i32
        %dma_wait3A_1352 = arith.constant 0 : i32
        %dma_wait3A_1353 = tpu.memref_slice %arg7[%run_scoped3A_1320, %dma_wait3A_1351, %dma_wait3A_1352] : memref<3x80x128xf32, #tpu.memory_space<vmem>> -> memref<1x80x128xf32, #tpu.memory_space<vmem>>
        %dma_wait3A_1354 = tpu.memref_squeeze %dma_wait3A_1353 : memref<1x80x128xf32, #tpu.memory_space<vmem>> -> memref<80x128xf32, #tpu.memory_space<vmem>>
        %dma_wait3A_1355 = arith.constant 0 : i32
        %dma_wait3A_1356 = tpu.memref_slice %arg6[%run_scoped3A_1321, %add3A_1304, %dma_wait3A_1355] : memref<2x25x80xi32, #tpu.memory_space<vmem>> -> memref<1x1x80xi32, #tpu.memory_space<vmem>>
        %dma_wait3A_1357 = tpu.memref_squeeze %dma_wait3A_1356 : memref<1x1x80xi32, #tpu.memory_space<vmem>> -> memref<80xi32, #tpu.memory_space<vmem>>
        %dma_wait3A_1358 = arith.constant 0 : i32
        %dma_wait3A_1359 = arith.constant 0 : i32
        %dma_wait3A_1360 = tpu.memref_slice %arg8[%dma_wait3A_1358, %dma_wait3A_1359] : memref<10240x128xf32, #tpu.memory_space<vmem_shared>> -> memref<10240x128xf32, #tpu.memory_space<vmem_shared>>
        tpu.wait_indirect_dma semaphore(%run_scoped3A_1340 : memref<!tpu.dma_semaphore, #tpu.memory_space<semaphore_mem>>) src(%dma_wait3A_1354 : memref<80x128xf32, #tpu.memory_space<vmem>>) dst(%dma_wait3A_1360 : memref<10240x128xf32, #tpu.memory_space<vmem_shared>>)
        tpu.yield
      }) : () -> ()
      %add3A_1322 = arith.constant 3 : i32
      %add3A_1323 = arith.addi %add3A_1304, %add3A_1322 : i32
      %dma_start3A_1324 = arith.constant 0 : i32
      %dma_start3A_1325 = arith.constant 2 : i32
      %dma_start3A_1326 = arith.constant 2 : i32
      %dma_start3A_1327 = arith.constant 0 : i32
      %dma_start3A_1328 = arith.constant 0 : i32
      %dma_start3A_1329 = tpu.memref_slice %arg7[%dma_start3A_1325, %dma_start3A_1327, %dma_start3A_1328] : memref<3x80x128xf32, #tpu.memory_space<vmem>> -> memref<1x80x128xf32, #tpu.memory_space<vmem>>
      %dma_start3A_1330 = tpu.memref_squeeze %dma_start3A_1329 : memref<1x80x128xf32, #tpu.memory_space<vmem>> -> memref<80x128xf32, #tpu.memory_space<vmem>>
      %dma_start3A_1331 = arith.constant 0 : i32
      %dma_start3A_1332 = tpu.memref_slice %arg5[%dma_start3A_1324, %add3A_1323, %dma_start3A_1331] : memref<2x25x80xi32, #tpu.memory_space<vmem>> -> memref<1x1x80xi32, #tpu.memory_space<vmem>>
      %dma_start3A_1333 = tpu.memref_squeeze %dma_start3A_1332 : memref<1x1x80xi32, #tpu.memory_space<vmem>> -> memref<80xi32, #tpu.memory_space<vmem>>
      %dma_start3A_1334 = arith.constant 0 : i32
      %dma_start3A_1335 = arith.constant 0 : i32
      %dma_start3A_1336 = tpu.memref_slice %arg2[%dma_start3A_1334, %dma_start3A_1335] : memref<10000x128xf32, #tpu.memory_space<hbm>> -> memref<10000x128xf32, #tpu.memory_space<hbm>>
      %dma_start3A_1337 = tpu.memref_slice %arg9[%dma_start3A_1326] : memref<3x!tpu.dma_semaphore, #tpu.memory_space<semaphore_mem>> -> memref<1x!tpu.dma_semaphore, #tpu.memory_space<semaphore_mem>>
      %dma_start3A_1338 = tpu.memref_squeeze %dma_start3A_1337 : memref<1x!tpu.dma_semaphore, #tpu.memory_space<semaphore_mem>> -> memref<!tpu.dma_semaphore, #tpu.memory_space<semaphore_mem>>
      tpu.enqueue_indirect_dma source(%dma_start3A_1336 : memref<10000x128xf32, #tpu.memory_space<hbm>>) target(%dma_start3A_1330 : memref<80x128xf32, #tpu.memory_space<vmem>>) offsets(%dma_start3A_1333 : memref<80xi32, #tpu.memory_space<vmem>>) semaphore(%dma_start3A_1338 : memref<!tpu.dma_semaphore, #tpu.memory_space<semaphore_mem>>)
      %scan3A_1339 = arith.constant 0 : i32
      scf.yield %scan3A_1339 : i32
    }
    %scan3A_231 = arith.constant 7 : i32
    %dma_wait3A_232 = arith.constant 0 : i32
    %dma_wait3A_233 = arith.constant 21 : i32
    %dma_wait3A_234 = arith.constant 0 : i32
    %dma_wait3A_235 = arith.constant 0 : i32
    %dma_wait3A_236 = arith.constant 0 : i32
    %dma_wait3A_237 = arith.constant 0 : i32
    %dma_wait3A_238 = tpu.memref_slice %arg7[%dma_wait3A_234, %dma_wait3A_236, %dma_wait3A_237] : memref<3x80x128xf32, #tpu.memory_space<vmem>> -> memref<1x80x128xf32, #tpu.memory_space<vmem>>
    %dma_wait3A_239 = tpu.memref_squeeze %dma_wait3A_238 : memref<1x80x128xf32, #tpu.memory_space<vmem>> -> memref<80x128xf32, #tpu.memory_space<vmem>>
    %dma_wait3A_240 = arith.constant 0 : i32
    %dma_wait3A_241 = tpu.memref_slice %arg5[%dma_wait3A_232, %dma_wait3A_233, %dma_wait3A_240] : memref<2x25x80xi32, #tpu.memory_space<vmem>> -> memref<1x1x80xi32, #tpu.memory_space<vmem>>
    %dma_wait3A_242 = tpu.memref_squeeze %dma_wait3A_241 : memref<1x1x80xi32, #tpu.memory_space<vmem>> -> memref<80xi32, #tpu.memory_space<vmem>>
    %dma_wait3A_243 = arith.constant 0 : i32
    %dma_wait3A_244 = arith.constant 0 : i32
    %dma_wait3A_245 = tpu.memref_slice %arg2[%dma_wait3A_243, %dma_wait3A_244] : memref<10000x128xf32, #tpu.memory_space<hbm>> -> memref<10000x128xf32, #tpu.memory_space<hbm>>
    %dma_wait3A_246 = tpu.memref_slice %arg9[%dma_wait3A_235] : memref<3x!tpu.dma_semaphore, #tpu.memory_space<semaphore_mem>> -> memref<1x!tpu.dma_semaphore, #tpu.memory_space<semaphore_mem>>
    %dma_wait3A_247 = tpu.memref_squeeze %dma_wait3A_246 : memref<1x!tpu.dma_semaphore, #tpu.memory_space<semaphore_mem>> -> memref<!tpu.dma_semaphore, #tpu.memory_space<semaphore_mem>>
    tpu.wait_indirect_dma semaphore(%dma_wait3A_247 : memref<!tpu.dma_semaphore, #tpu.memory_space<semaphore_mem>>) src(%dma_wait3A_245 : memref<10000x128xf32, #tpu.memory_space<hbm>>) dst(%dma_wait3A_239 : memref<80x128xf32, #tpu.memory_space<vmem>>)
    %run_scoped3A_248 = arith.constant 0 : i32
    %run_scoped3A_249 = arith.constant 0 : i32
    %run_scoped3A_250 = arith.constant 21 : i32
    "tpu.region"() ({
      %run_scoped3A_1223 = tpu.sem_alloc : memref<!tpu.dma_semaphore, #tpu.memory_space<semaphore_mem>>
      %dma_start3A_1224 = arith.constant 0 : i32
      %dma_start3A_1225 = arith.constant 0 : i32
      %dma_start3A_1226 = tpu.memref_slice %arg7[%run_scoped3A_248, %dma_start3A_1224, %dma_start3A_1225] : memref<3x80x128xf32, #tpu.memory_space<vmem>> -> memref<1x80x128xf32, #tpu.memory_space<vmem>>
      %dma_start3A_1227 = tpu.memref_squeeze %dma_start3A_1226 : memref<1x80x128xf32, #tpu.memory_space<vmem>> -> memref<80x128xf32, #tpu.memory_space<vmem>>
      %dma_start3A_1228 = arith.constant 0 : i32
      %dma_start3A_1229 = tpu.memref_slice %arg6[%run_scoped3A_249, %run_scoped3A_250, %dma_start3A_1228] : memref<2x25x80xi32, #tpu.memory_space<vmem>> -> memref<1x1x80xi32, #tpu.memory_space<vmem>>
      %dma_start3A_1230 = tpu.memref_squeeze %dma_start3A_1229 : memref<1x1x80xi32, #tpu.memory_space<vmem>> -> memref<80xi32, #tpu.memory_space<vmem>>
      %dma_start3A_1231 = arith.constant 0 : i32
      %dma_start3A_1232 = arith.constant 0 : i32
      %dma_start3A_1233 = tpu.memref_slice %arg8[%dma_start3A_1231, %dma_start3A_1232] : memref<10240x128xf32, #tpu.memory_space<vmem_shared>> -> memref<10240x128xf32, #tpu.memory_space<vmem_shared>>
      tpu.enqueue_indirect_dma source(%dma_start3A_1227 : memref<80x128xf32, #tpu.memory_space<vmem>>) target(%dma_start3A_1233 : memref<10240x128xf32, #tpu.memory_space<vmem_shared>>) offsets(%dma_start3A_1230 : memref<80xi32, #tpu.memory_space<vmem>>) semaphore(%run_scoped3A_1223 : memref<!tpu.dma_semaphore, #tpu.memory_space<semaphore_mem>>) {add = true}
      %dma_wait3A_1234 = arith.constant 0 : i32
      %dma_wait3A_1235 = arith.constant 0 : i32
      %dma_wait3A_1236 = tpu.memref_slice %arg7[%run_scoped3A_248, %dma_wait3A_1234, %dma_wait3A_1235] : memref<3x80x128xf32, #tpu.memory_space<vmem>> -> memref<1x80x128xf32, #tpu.memory_space<vmem>>
      %dma_wait3A_1237 = tpu.memref_squeeze %dma_wait3A_1236 : memref<1x80x128xf32, #tpu.memory_space<vmem>> -> memref<80x128xf32, #tpu.memory_space<vmem>>
      %dma_wait3A_1238 = arith.constant 0 : i32
      %dma_wait3A_1239 = tpu.memref_slice %arg6[%run_scoped3A_249, %run_scoped3A_250, %dma_wait3A_1238] : memref<2x25x80xi32, #tpu.memory_space<vmem>> -> memref<1x1x80xi32, #tpu.memory_space<vmem>>
      %dma_wait3A_1240 = tpu.memref_squeeze %dma_wait3A_1239 : memref<1x1x80xi32, #tpu.memory_space<vmem>> -> memref<80xi32, #tpu.memory_space<vmem>>
      %dma_wait3A_1241 = arith.constant 0 : i32
      %dma_wait3A_1242 = arith.constant 0 : i32
      %dma_wait3A_1243 = tpu.memref_slice %arg8[%dma_wait3A_1241, %dma_wait3A_1242] : memref<10240x128xf32, #tpu.memory_space<vmem_shared>> -> memref<10240x128xf32, #tpu.memory_space<vmem_shared>>
      tpu.wait_indirect_dma semaphore(%run_scoped3A_1223 : memref<!tpu.dma_semaphore, #tpu.memory_space<semaphore_mem>>) src(%dma_wait3A_1237 : memref<80x128xf32, #tpu.memory_space<vmem>>) dst(%dma_wait3A_1243 : memref<10240x128xf32, #tpu.memory_space<vmem_shared>>)
      tpu.yield
    }) : () -> ()
    %dma_start3A_251 = arith.constant 0 : i32
    %dma_start3A_252 = arith.constant 24 : i32
    %dma_start3A_253 = arith.constant 0 : i32
    %dma_start3A_254 = arith.constant 0 : i32
    %dma_start3A_255 = arith.constant 0 : i32
    %dma_start3A_256 = arith.constant 0 : i32
    %dma_start3A_257 = tpu.memref_slice %arg7[%dma_start3A_253, %dma_start3A_255, %dma_start3A_256] : memref<3x80x128xf32, #tpu.memory_space<vmem>> -> memref<1x80x128xf32, #tpu.memory_space<vmem>>
    %dma_start3A_258 = tpu.memref_squeeze %dma_start3A_257 : memref<1x80x128xf32, #tpu.memory_space<vmem>> -> memref<80x128xf32, #tpu.memory_space<vmem>>
    %dma_start3A_259 = arith.constant 0 : i32
    %dma_start3A_260 = tpu.memref_slice %arg5[%dma_start3A_251, %dma_start3A_252, %dma_start3A_259] : memref<2x25x80xi32, #tpu.memory_space<vmem>> -> memref<1x1x80xi32, #tpu.memory_space<vmem>>
    %dma_start3A_261 = tpu.memref_squeeze %dma_start3A_260 : memref<1x1x80xi32, #tpu.memory_space<vmem>> -> memref<80xi32, #tpu.memory_space<vmem>>
    %dma_start3A_262 = arith.constant 0 : i32
    %dma_start3A_263 = arith.constant 0 : i32
    %dma_start3A_264 = tpu.memref_slice %arg2[%dma_start3A_262, %dma_start3A_263] : memref<10000x128xf32, #tpu.memory_space<hbm>> -> memref<10000x128xf32, #tpu.memory_space<hbm>>
    %dma_start3A_265 = tpu.memref_slice %arg9[%dma_start3A_254] : memref<3x!tpu.dma_semaphore, #tpu.memory_space<semaphore_mem>> -> memref<1x!tpu.dma_semaphore, #tpu.memory_space<semaphore_mem>>
    %dma_start3A_266 = tpu.memref_squeeze %dma_start3A_265 : memref<1x!tpu.dma_semaphore, #tpu.memory_space<semaphore_mem>> -> memref<!tpu.dma_semaphore, #tpu.memory_space<semaphore_mem>>
    tpu.enqueue_indirect_dma source(%dma_start3A_264 : memref<10000x128xf32, #tpu.memory_space<hbm>>) target(%dma_start3A_258 : memref<80x128xf32, #tpu.memory_space<vmem>>) offsets(%dma_start3A_261 : memref<80xi32, #tpu.memory_space<vmem>>) semaphore(%dma_start3A_266 : memref<!tpu.dma_semaphore, #tpu.memory_space<semaphore_mem>>)
    %dma_wait3A_267 = arith.constant 0 : i32
    %dma_wait3A_268 = arith.constant 22 : i32
    %dma_wait3A_269 = arith.constant 1 : i32
    %dma_wait3A_270 = arith.constant 1 : i32
    %dma_wait3A_271 = arith.constant 0 : i32
    %dma_wait3A_272 = arith.constant 0 : i32
    %dma_wait3A_273 = tpu.memref_slice %arg7[%dma_wait3A_269, %dma_wait3A_271, %dma_wait3A_272] : memref<3x80x128xf32, #tpu.memory_space<vmem>> -> memref<1x80x128xf32, #tpu.memory_space<vmem>>
    %dma_wait3A_274 = tpu.memref_squeeze %dma_wait3A_273 : memref<1x80x128xf32, #tpu.memory_space<vmem>> -> memref<80x128xf32, #tpu.memory_space<vmem>>
    %dma_wait3A_275 = arith.constant 0 : i32
    %dma_wait3A_276 = tpu.memref_slice %arg5[%dma_wait3A_267, %dma_wait3A_268, %dma_wait3A_275] : memref<2x25x80xi32, #tpu.memory_space<vmem>> -> memref<1x1x80xi32, #tpu.memory_space<vmem>>
    %dma_wait3A_277 = tpu.memref_squeeze %dma_wait3A_276 : memref<1x1x80xi32, #tpu.memory_space<vmem>> -> memref<80xi32, #tpu.memory_space<vmem>>
    %dma_wait3A_278 = arith.constant 0 : i32
    %dma_wait3A_279 = arith.constant 0 : i32
    %dma_wait3A_280 = tpu.memref_slice %arg2[%dma_wait3A_278, %dma_wait3A_279] : memref<10000x128xf32, #tpu.memory_space<hbm>> -> memref<10000x128xf32, #tpu.memory_space<hbm>>
    %dma_wait3A_281 = tpu.memref_slice %arg9[%dma_wait3A_270] : memref<3x!tpu.dma_semaphore, #tpu.memory_space<semaphore_mem>> -> memref<1x!tpu.dma_semaphore, #tpu.memory_space<semaphore_mem>>
    %dma_wait3A_282 = tpu.memref_squeeze %dma_wait3A_281 : memref<1x!tpu.dma_semaphore, #tpu.memory_space<semaphore_mem>> -> memref<!tpu.dma_semaphore, #tpu.memory_space<semaphore_mem>>
    tpu.wait_indirect_dma semaphore(%dma_wait3A_282 : memref<!tpu.dma_semaphore, #tpu.memory_space<semaphore_mem>>) src(%dma_wait3A_280 : memref<10000x128xf32, #tpu.memory_space<hbm>>) dst(%dma_wait3A_274 : memref<80x128xf32, #tpu.memory_space<vmem>>)
    %run_scoped3A_283 = arith.constant 1 : i32
    %run_scoped3A_284 = arith.constant 0 : i32
    %run_scoped3A_285 = arith.constant 22 : i32
    "tpu.region"() ({
      %run_scoped3A_1223 = tpu.sem_alloc : memref<!tpu.dma_semaphore, #tpu.memory_space<semaphore_mem>>
      %dma_start3A_1224 = arith.constant 0 : i32
      %dma_start3A_1225 = arith.constant 0 : i32
      %dma_start3A_1226 = tpu.memref_slice %arg7[%run_scoped3A_283, %dma_start3A_1224, %dma_start3A_1225] : memref<3x80x128xf32, #tpu.memory_space<vmem>> -> memref<1x80x128xf32, #tpu.memory_space<vmem>>
      %dma_start3A_1227 = tpu.memref_squeeze %dma_start3A_1226 : memref<1x80x128xf32, #tpu.memory_space<vmem>> -> memref<80x128xf32, #tpu.memory_space<vmem>>
      %dma_start3A_1228 = arith.constant 0 : i32
      %dma_start3A_1229 = tpu.memref_slice %arg6[%run_scoped3A_284, %run_scoped3A_285, %dma_start3A_1228] : memref<2x25x80xi32, #tpu.memory_space<vmem>> -> memref<1x1x80xi32, #tpu.memory_space<vmem>>
      %dma_start3A_1230 = tpu.memref_squeeze %dma_start3A_1229 : memref<1x1x80xi32, #tpu.memory_space<vmem>> -> memref<80xi32, #tpu.memory_space<vmem>>
      %dma_start3A_1231 = arith.constant 0 : i32
      %dma_start3A_1232 = arith.constant 0 : i32
      %dma_start3A_1233 = tpu.memref_slice %arg8[%dma_start3A_1231, %dma_start3A_1232] : memref<10240x128xf32, #tpu.memory_space<vmem_shared>> -> memref<10240x128xf32, #tpu.memory_space<vmem_shared>>
      tpu.enqueue_indirect_dma source(%dma_start3A_1227 : memref<80x128xf32, #tpu.memory_space<vmem>>) target(%dma_start3A_1233 : memref<10240x128xf32, #tpu.memory_space<vmem_shared>>) offsets(%dma_start3A_1230 : memref<80xi32, #tpu.memory_space<vmem>>) semaphore(%run_scoped3A_1223 : memref<!tpu.dma_semaphore, #tpu.memory_space<semaphore_mem>>) {add = true}
      %dma_wait3A_1234 = arith.constant 0 : i32
      %dma_wait3A_1235 = arith.constant 0 : i32
      %dma_wait3A_1236 = tpu.memref_slice %arg7[%run_scoped3A_283, %dma_wait3A_1234, %dma_wait3A_1235] : memref<3x80x128xf32, #tpu.memory_space<vmem>> -> memref<1x80x128xf32, #tpu.memory_space<vmem>>
      %dma_wait3A_1237 = tpu.memref_squeeze %dma_wait3A_1236 : memref<1x80x128xf32, #tpu.memory_space<vmem>> -> memref<80x128xf32, #tpu.memory_space<vmem>>
      %dma_wait3A_1238 = arith.constant 0 : i32
      %dma_wait3A_1239 = tpu.memref_slice %arg6[%run_scoped3A_284, %run_scoped3A_285, %dma_wait3A_1238] : memref<2x25x80xi32, #tpu.memory_space<vmem>> -> memref<1x1x80xi32, #tpu.memory_space<vmem>>
      %dma_wait3A_1240 = tpu.memref_squeeze %dma_wait3A_1239 : memref<1x1x80xi32, #tpu.memory_space<vmem>> -> memref<80xi32, #tpu.memory_space<vmem>>
      %dma_wait3A_1241 = arith.constant 0 : i32
      %dma_wait3A_1242 = arith.constant 0 : i32
      %dma_wait3A_1243 = tpu.memref_slice %arg8[%dma_wait3A_1241, %dma_wait3A_1242] : memref<10240x128xf32, #tpu.memory_space<vmem_shared>> -> memref<10240x128xf32, #tpu.memory_space<vmem_shared>>
      tpu.wait_indirect_dma semaphore(%run_scoped3A_1223 : memref<!tpu.dma_semaphore, #tpu.memory_space<semaphore_mem>>) src(%dma_wait3A_1237 : memref<80x128xf32, #tpu.memory_space<vmem>>) dst(%dma_wait3A_1243 : memref<10240x128xf32, #tpu.memory_space<vmem_shared>>)
      tpu.yield
    }) : () -> ()
    %dma_wait3A_286 = arith.constant 0 : i32
    %dma_wait3A_287 = arith.constant 23 : i32
    %dma_wait3A_288 = arith.constant 2 : i32
    %dma_wait3A_289 = arith.constant 2 : i32
    %dma_wait3A_290 = arith.constant 0 : i32
    %dma_wait3A_291 = arith.constant 0 : i32
    %dma_wait3A_292 = tpu.memref_slice %arg7[%dma_wait3A_288, %dma_wait3A_290, %dma_wait3A_291] : memref<3x80x128xf32, #tpu.memory_space<vmem>> -> memref<1x80x128xf32, #tpu.memory_space<vmem>>
    %dma_wait3A_293 = tpu.memref_squeeze %dma_wait3A_292 : memref<1x80x128xf32, #tpu.memory_space<vmem>> -> memref<80x128xf32, #tpu.memory_space<vmem>>
    %dma_wait3A_294 = arith.constant 0 : i32
    %dma_wait3A_295 = tpu.memref_slice %arg5[%dma_wait3A_286, %dma_wait3A_287, %dma_wait3A_294] : memref<2x25x80xi32, #tpu.memory_space<vmem>> -> memref<1x1x80xi32, #tpu.memory_space<vmem>>
    %dma_wait3A_296 = tpu.memref_squeeze %dma_wait3A_295 : memref<1x1x80xi32, #tpu.memory_space<vmem>> -> memref<80xi32, #tpu.memory_space<vmem>>
    %dma_wait3A_297 = arith.constant 0 : i32
    %dma_wait3A_298 = arith.constant 0 : i32
    %dma_wait3A_299 = tpu.memref_slice %arg2[%dma_wait3A_297, %dma_wait3A_298] : memref<10000x128xf32, #tpu.memory_space<hbm>> -> memref<10000x128xf32, #tpu.memory_space<hbm>>
    %dma_wait3A_300 = tpu.memref_slice %arg9[%dma_wait3A_289] : memref<3x!tpu.dma_semaphore, #tpu.memory_space<semaphore_mem>> -> memref<1x!tpu.dma_semaphore, #tpu.memory_space<semaphore_mem>>
    %dma_wait3A_301 = tpu.memref_squeeze %dma_wait3A_300 : memref<1x!tpu.dma_semaphore, #tpu.memory_space<semaphore_mem>> -> memref<!tpu.dma_semaphore, #tpu.memory_space<semaphore_mem>>
    tpu.wait_indirect_dma semaphore(%dma_wait3A_301 : memref<!tpu.dma_semaphore, #tpu.memory_space<semaphore_mem>>) src(%dma_wait3A_299 : memref<10000x128xf32, #tpu.memory_space<hbm>>) dst(%dma_wait3A_293 : memref<80x128xf32, #tpu.memory_space<vmem>>)
    %run_scoped3A_302 = arith.constant 2 : i32
    %run_scoped3A_303 = arith.constant 0 : i32
    %run_scoped3A_304 = arith.constant 23 : i32
    "tpu.region"() ({
      %run_scoped3A_1223 = tpu.sem_alloc : memref<!tpu.dma_semaphore, #tpu.memory_space<semaphore_mem>>
      %dma_start3A_1224 = arith.constant 0 : i32
      %dma_start3A_1225 = arith.constant 0 : i32
      %dma_start3A_1226 = tpu.memref_slice %arg7[%run_scoped3A_302, %dma_start3A_1224, %dma_start3A_1225] : memref<3x80x128xf32, #tpu.memory_space<vmem>> -> memref<1x80x128xf32, #tpu.memory_space<vmem>>
      %dma_start3A_1227 = tpu.memref_squeeze %dma_start3A_1226 : memref<1x80x128xf32, #tpu.memory_space<vmem>> -> memref<80x128xf32, #tpu.memory_space<vmem>>
      %dma_start3A_1228 = arith.constant 0 : i32
      %dma_start3A_1229 = tpu.memref_slice %arg6[%run_scoped3A_303, %run_scoped3A_304, %dma_start3A_1228] : memref<2x25x80xi32, #tpu.memory_space<vmem>> -> memref<1x1x80xi32, #tpu.memory_space<vmem>>
      %dma_start3A_1230 = tpu.memref_squeeze %dma_start3A_1229 : memref<1x1x80xi32, #tpu.memory_space<vmem>> -> memref<80xi32, #tpu.memory_space<vmem>>
      %dma_start3A_1231 = arith.constant 0 : i32
      %dma_start3A_1232 = arith.constant 0 : i32
      %dma_start3A_1233 = tpu.memref_slice %arg8[%dma_start3A_1231, %dma_start3A_1232] : memref<10240x128xf32, #tpu.memory_space<vmem_shared>> -> memref<10240x128xf32, #tpu.memory_space<vmem_shared>>
      tpu.enqueue_indirect_dma source(%dma_start3A_1227 : memref<80x128xf32, #tpu.memory_space<vmem>>) target(%dma_start3A_1233 : memref<10240x128xf32, #tpu.memory_space<vmem_shared>>) offsets(%dma_start3A_1230 : memref<80xi32, #tpu.memory_space<vmem>>) semaphore(%run_scoped3A_1223 : memref<!tpu.dma_semaphore, #tpu.memory_space<semaphore_mem>>) {add = true}
      %dma_wait3A_1234 = arith.constant 0 : i32
      %dma_wait3A_1235 = arith.constant 0 : i32
      %dma_wait3A_1236 = tpu.memref_slice %arg7[%run_scoped3A_302, %dma_wait3A_1234, %dma_wait3A_1235] : memref<3x80x128xf32, #tpu.memory_space<vmem>> -> memref<1x80x128xf32, #tpu.memory_space<vmem>>
      %dma_wait3A_1237 = tpu.memref_squeeze %dma_wait3A_1236 : memref<1x80x128xf32, #tpu.memory_space<vmem>> -> memref<80x128xf32, #tpu.memory_space<vmem>>
      %dma_wait3A_1238 = arith.constant 0 : i32
      %dma_wait3A_1239 = tpu.memref_slice %arg6[%run_scoped3A_303, %run_scoped3A_304, %dma_wait3A_1238] : memref<2x25x80xi32, #tpu.memory_space<vmem>> -> memref<1x1x80xi32, #tpu.memory_space<vmem>>
      %dma_wait3A_1240 = tpu.memref_squeeze %dma_wait3A_1239 : memref<1x1x80xi32, #tpu.memory_space<vmem>> -> memref<80xi32, #tpu.memory_space<vmem>>
      %dma_wait3A_1241 = arith.constant 0 : i32
      %dma_wait3A_1242 = arith.constant 0 : i32
      %dma_wait3A_1243 = tpu.memref_slice %arg8[%dma_wait3A_1241, %dma_wait3A_1242] : memref<10240x128xf32, #tpu.memory_space<vmem_shared>> -> memref<10240x128xf32, #tpu.memory_space<vmem_shared>>
      tpu.wait_indirect_dma semaphore(%run_scoped3A_1223 : memref<!tpu.dma_semaphore, #tpu.memory_space<semaphore_mem>>) src(%dma_wait3A_1237 : memref<80x128xf32, #tpu.memory_space<vmem>>) dst(%dma_wait3A_1243 : memref<10240x128xf32, #tpu.memory_space<vmem_shared>>)
      tpu.yield
    }) : () -> ()
    %dma_wait3A_305 = arith.constant 0 : i32
    %dma_wait3A_306 = arith.constant 24 : i32
    %dma_wait3A_307 = arith.constant 0 : i32
    %dma_wait3A_308 = arith.constant 0 : i32
    %dma_wait3A_309 = arith.constant 0 : i32
    %dma_wait3A_310 = arith.constant 0 : i32
    %dma_wait3A_311 = tpu.memref_slice %arg7[%dma_wait3A_307, %dma_wait3A_309, %dma_wait3A_310] : memref<3x80x128xf32, #tpu.memory_space<vmem>> -> memref<1x80x128xf32, #tpu.memory_space<vmem>>
    %dma_wait3A_312 = tpu.memref_squeeze %dma_wait3A_311 : memref<1x80x128xf32, #tpu.memory_space<vmem>> -> memref<80x128xf32, #tpu.memory_space<vmem>>
    %dma_wait3A_313 = arith.constant 0 : i32
    %dma_wait3A_314 = tpu.memref_slice %arg5[%dma_wait3A_305, %dma_wait3A_306, %dma_wait3A_313] : memref<2x25x80xi32, #tpu.memory_space<vmem>> -> memref<1x1x80xi32, #tpu.memory_space<vmem>>
    %dma_wait3A_315 = tpu.memref_squeeze %dma_wait3A_314 : memref<1x1x80xi32, #tpu.memory_space<vmem>> -> memref<80xi32, #tpu.memory_space<vmem>>
    %dma_wait3A_316 = arith.constant 0 : i32
    %dma_wait3A_317 = arith.constant 0 : i32
    %dma_wait3A_318 = tpu.memref_slice %arg2[%dma_wait3A_316, %dma_wait3A_317] : memref<10000x128xf32, #tpu.memory_space<hbm>> -> memref<10000x128xf32, #tpu.memory_space<hbm>>
    %dma_wait3A_319 = tpu.memref_slice %arg9[%dma_wait3A_308] : memref<3x!tpu.dma_semaphore, #tpu.memory_space<semaphore_mem>> -> memref<1x!tpu.dma_semaphore, #tpu.memory_space<semaphore_mem>>
    %dma_wait3A_320 = tpu.memref_squeeze %dma_wait3A_319 : memref<1x!tpu.dma_semaphore, #tpu.memory_space<semaphore_mem>> -> memref<!tpu.dma_semaphore, #tpu.memory_space<semaphore_mem>>
    tpu.wait_indirect_dma semaphore(%dma_wait3A_320 : memref<!tpu.dma_semaphore, #tpu.memory_space<semaphore_mem>>) src(%dma_wait3A_318 : memref<10000x128xf32, #tpu.memory_space<hbm>>) dst(%dma_wait3A_312 : memref<80x128xf32, #tpu.memory_space<vmem>>)
    %run_scoped3A_321 = arith.constant 0 : i32
    %run_scoped3A_322 = arith.constant 0 : i32
    %run_scoped3A_323 = arith.constant 24 : i32
    "tpu.region"() ({
      %run_scoped3A_1223 = tpu.sem_alloc : memref<!tpu.dma_semaphore, #tpu.memory_space<semaphore_mem>>
      %dma_start3A_1224 = arith.constant 0 : i32
      %dma_start3A_1225 = arith.constant 0 : i32
      %dma_start3A_1226 = tpu.memref_slice %arg7[%run_scoped3A_321, %dma_start3A_1224, %dma_start3A_1225] : memref<3x80x128xf32, #tpu.memory_space<vmem>> -> memref<1x80x128xf32, #tpu.memory_space<vmem>>
      %dma_start3A_1227 = tpu.memref_squeeze %dma_start3A_1226 : memref<1x80x128xf32, #tpu.memory_space<vmem>> -> memref<80x128xf32, #tpu.memory_space<vmem>>
      %dma_start3A_1228 = arith.constant 0 : i32
      %dma_start3A_1229 = tpu.memref_slice %arg6[%run_scoped3A_322, %run_scoped3A_323, %dma_start3A_1228] : memref<2x25x80xi32, #tpu.memory_space<vmem>> -> memref<1x1x80xi32, #tpu.memory_space<vmem>>
      %dma_start3A_1230 = tpu.memref_squeeze %dma_start3A_1229 : memref<1x1x80xi32, #tpu.memory_space<vmem>> -> memref<80xi32, #tpu.memory_space<vmem>>
      %dma_start3A_1231 = arith.constant 0 : i32
      %dma_start3A_1232 = arith.constant 0 : i32
      %dma_start3A_1233 = tpu.memref_slice %arg8[%dma_start3A_1231, %dma_start3A_1232] : memref<10240x128xf32, #tpu.memory_space<vmem_shared>> -> memref<10240x128xf32, #tpu.memory_space<vmem_shared>>
      tpu.enqueue_indirect_dma source(%dma_start3A_1227 : memref<80x128xf32, #tpu.memory_space<vmem>>) target(%dma_start3A_1233 : memref<10240x128xf32, #tpu.memory_space<vmem_shared>>) offsets(%dma_start3A_1230 : memref<80xi32, #tpu.memory_space<vmem>>) semaphore(%run_scoped3A_1223 : memref<!tpu.dma_semaphore, #tpu.memory_space<semaphore_mem>>) {add = true}
      %dma_wait3A_1234 = arith.constant 0 : i32
      %dma_wait3A_1235 = arith.constant 0 : i32
      %dma_wait3A_1236 = tpu.memref_slice %arg7[%run_scoped3A_321, %dma_wait3A_1234, %dma_wait3A_1235] : memref<3x80x128xf32, #tpu.memory_space<vmem>> -> memref<1x80x128xf32, #tpu.memory_space<vmem>>
      %dma_wait3A_1237 = tpu.memref_squeeze %dma_wait3A_1236 : memref<1x80x128xf32, #tpu.memory_space<vmem>> -> memref<80x128xf32, #tpu.memory_space<vmem>>
      %dma_wait3A_1238 = arith.constant 0 : i32
      %dma_wait3A_1239 = tpu.memref_slice %arg6[%run_scoped3A_322, %run_scoped3A_323, %dma_wait3A_1238] : memref<2x25x80xi32, #tpu.memory_space<vmem>> -> memref<1x1x80xi32, #tpu.memory_space<vmem>>
      %dma_wait3A_1240 = tpu.memref_squeeze %dma_wait3A_1239 : memref<1x1x80xi32, #tpu.memory_space<vmem>> -> memref<80xi32, #tpu.memory_space<vmem>>
      %dma_wait3A_1241 = arith.constant 0 : i32
      %dma_wait3A_1242 = arith.constant 0 : i32
      %dma_wait3A_1243 = tpu.memref_slice %arg8[%dma_wait3A_1241, %dma_wait3A_1242] : memref<10240x128xf32, #tpu.memory_space<vmem_shared>> -> memref<10240x128xf32, #tpu.memory_space<vmem_shared>>
      tpu.wait_indirect_dma semaphore(%run_scoped3A_1223 : memref<!tpu.dma_semaphore, #tpu.memory_space<semaphore_mem>>) src(%dma_wait3A_1237 : memref<80x128xf32, #tpu.memory_space<vmem>>) dst(%dma_wait3A_1243 : memref<10240x128xf32, #tpu.memory_space<vmem_shared>>)
      tpu.yield
    }) : () -> ()
    %dma_wait3A_324 = arith.constant 0 : i32
    %dma_wait3A_325 = arith.constant 0 : i32
    %dma_wait3A_326 = arith.constant 1 : i32
    %dma_wait3A_327 = arith.constant 1 : i32
    "tpu.trace_stop"() : () -> ()
    "tpu.trace_start"() <{level = 10 : i32, message = "idx_stage"}> : () -> ()
    %dma_wait3A_328 = arith.constant 0 : i32
    %dma_wait3A_329 = arith.constant 0 : i32
    %dma_wait3A_330 = tpu.memref_slice %arg5[%dma_wait3A_326, %dma_wait3A_328, %dma_wait3A_329] : memref<2x25x80xi32, #tpu.memory_space<vmem>> -> memref<1x25x80xi32, #tpu.memory_space<vmem>>
    %dma_wait3A_331 = tpu.memref_squeeze %dma_wait3A_330 : memref<1x25x80xi32, #tpu.memory_space<vmem>> -> memref<25x80xi32, #tpu.memory_space<vmem>>
    %dma_wait3A_332 = arith.constant 0 : i32
    %dma_wait3A_333 = arith.constant 0 : i32
    %dma_wait3A_334 = tpu.memref_slice %arg3[%dma_wait3A_324, %add3A, %dma_wait3A_325, %dma_wait3A_332, %dma_wait3A_333] : memref<2x32x5x25x80xi32, #tpu.memory_space<hbm>> -> memref<1x1x1x25x80xi32, #tpu.memory_space<hbm>>
    %dma_wait3A_335 = tpu.memref_squeeze %dma_wait3A_334 : memref<1x1x1x25x80xi32, #tpu.memory_space<hbm>> -> memref<25x80xi32, #tpu.memory_space<hbm>>
    %dma_wait3A_336 = tpu.memref_slice %arg10[%dma_wait3A_327] : memref<2x!tpu.dma_semaphore, #tpu.memory_space<semaphore_mem>> -> memref<1x!tpu.dma_semaphore, #tpu.memory_space<semaphore_mem>>
    %dma_wait3A_337 = tpu.memref_squeeze %dma_wait3A_336 : memref<1x!tpu.dma_semaphore, #tpu.memory_space<semaphore_mem>> -> memref<!tpu.dma_semaphore, #tpu.memory_space<semaphore_mem>>
    %dma_wait3A_338 = arith.constant 0 : i32
    %dma_wait3A_339 = arith.constant 0 : i32
    %dma_wait3A_340 = tpu.memref_slice %arg5[%dma_wait3A_326, %dma_wait3A_338, %dma_wait3A_339] : memref<2x25x80xi32, #tpu.memory_space<vmem>> -> memref<1x25x80xi32, #tpu.memory_space<vmem>>
    %dma_wait3A_341 = tpu.memref_squeeze %dma_wait3A_340 : memref<1x25x80xi32, #tpu.memory_space<vmem>> -> memref<25x80xi32, #tpu.memory_space<vmem>>
    %dma_wait3A_342 = arith.constant 0 : i32
    %dma_wait3A_343 = arith.constant 0 : i32
    %dma_wait3A_344 = tpu.memref_slice %arg3[%dma_wait3A_324, %add3A, %dma_wait3A_325, %dma_wait3A_342, %dma_wait3A_343] : memref<2x32x5x25x80xi32, #tpu.memory_space<hbm>> -> memref<1x1x1x25x80xi32, #tpu.memory_space<hbm>>
    %dma_wait3A_345 = tpu.memref_squeeze %dma_wait3A_344 : memref<1x1x1x25x80xi32, #tpu.memory_space<hbm>> -> memref<25x80xi32, #tpu.memory_space<hbm>>
    tpu.wait_dma2 semaphore(%dma_wait3A_337 : memref<!tpu.dma_semaphore, #tpu.memory_space<semaphore_mem>>) src(%dma_wait3A_345 : memref<25x80xi32, #tpu.memory_space<hbm>>) dst(%dma_wait3A_341 : memref<25x80xi32, #tpu.memory_space<vmem>>)
    %dma_wait3A_346 = arith.constant 1 : i32
    %dma_wait3A_347 = arith.constant 0 : i32
    %dma_wait3A_348 = arith.constant 1 : i32
    %dma_wait3A_349 = arith.constant 1 : i32
    %dma_wait3A_350 = arith.constant 0 : i32
    %dma_wait3A_351 = arith.constant 0 : i32
    %dma_wait3A_352 = tpu.memref_slice %arg6[%dma_wait3A_348, %dma_wait3A_350, %dma_wait3A_351] : memref<2x25x80xi32, #tpu.memory_space<vmem>> -> memref<1x25x80xi32, #tpu.memory_space<vmem>>
    %dma_wait3A_353 = tpu.memref_squeeze %dma_wait3A_352 : memref<1x25x80xi32, #tpu.memory_space<vmem>> -> memref<25x80xi32, #tpu.memory_space<vmem>>
    %dma_wait3A_354 = arith.constant 0 : i32
    %dma_wait3A_355 = arith.constant 0 : i32
    %dma_wait3A_356 = tpu.memref_slice %arg3[%dma_wait3A_346, %add3A, %dma_wait3A_347, %dma_wait3A_354, %dma_wait3A_355] : memref<2x32x5x25x80xi32, #tpu.memory_space<hbm>> -> memref<1x1x1x25x80xi32, #tpu.memory_space<hbm>>
    %dma_wait3A_357 = tpu.memref_squeeze %dma_wait3A_356 : memref<1x1x1x25x80xi32, #tpu.memory_space<hbm>> -> memref<25x80xi32, #tpu.memory_space<hbm>>
    %dma_wait3A_358 = tpu.memref_slice %arg10[%dma_wait3A_349] : memref<2x!tpu.dma_semaphore, #tpu.memory_space<semaphore_mem>> -> memref<1x!tpu.dma_semaphore, #tpu.memory_space<semaphore_mem>>
    %dma_wait3A_359 = tpu.memref_squeeze %dma_wait3A_358 : memref<1x!tpu.dma_semaphore, #tpu.memory_space<semaphore_mem>> -> memref<!tpu.dma_semaphore, #tpu.memory_space<semaphore_mem>>
    %dma_wait3A_360 = arith.constant 0 : i32
    %dma_wait3A_361 = arith.constant 0 : i32
    %dma_wait3A_362 = tpu.memref_slice %arg6[%dma_wait3A_348, %dma_wait3A_360, %dma_wait3A_361] : memref<2x25x80xi32, #tpu.memory_space<vmem>> -> memref<1x25x80xi32, #tpu.memory_space<vmem>>
    %dma_wait3A_363 = tpu.memref_squeeze %dma_wait3A_362 : memref<1x25x80xi32, #tpu.memory_space<vmem>> -> memref<25x80xi32, #tpu.memory_space<vmem>>
    %dma_wait3A_364 = arith.constant 0 : i32
    %dma_wait3A_365 = arith.constant 0 : i32
    %dma_wait3A_366 = tpu.memref_slice %arg3[%dma_wait3A_346, %add3A, %dma_wait3A_347, %dma_wait3A_364, %dma_wait3A_365] : memref<2x32x5x25x80xi32, #tpu.memory_space<hbm>> -> memref<1x1x1x25x80xi32, #tpu.memory_space<hbm>>
    %dma_wait3A_367 = tpu.memref_squeeze %dma_wait3A_366 : memref<1x1x1x25x80xi32, #tpu.memory_space<hbm>> -> memref<25x80xi32, #tpu.memory_space<hbm>>
    tpu.wait_dma2 semaphore(%dma_wait3A_359 : memref<!tpu.dma_semaphore, #tpu.memory_space<semaphore_mem>>) src(%dma_wait3A_367 : memref<25x80xi32, #tpu.memory_space<hbm>>) dst(%dma_wait3A_363 : memref<25x80xi32, #tpu.memory_space<vmem>>)
    %dma_start3A_368 = arith.constant 0 : i32
    %dma_start3A_369 = arith.constant 2 : i32
    %dma_start3A_370 = arith.constant 0 : i32
    %dma_start3A_371 = arith.constant 0 : i32
    %dma_start3A_372 = arith.constant 0 : i32
    %dma_start3A_373 = arith.constant 0 : i32
    %dma_start3A_374 = tpu.memref_slice %arg5[%dma_start3A_370, %dma_start3A_372, %dma_start3A_373] : memref<2x25x80xi32, #tpu.memory_space<vmem>> -> memref<1x25x80xi32, #tpu.memory_space<vmem>>
    %dma_start3A_375 = tpu.memref_squeeze %dma_start3A_374 : memref<1x25x80xi32, #tpu.memory_space<vmem>> -> memref<25x80xi32, #tpu.memory_space<vmem>>
    %dma_start3A_376 = arith.constant 0 : i32
    %dma_start3A_377 = arith.constant 0 : i32
    %dma_start3A_378 = tpu.memref_slice %arg3[%dma_start3A_368, %add3A, %dma_start3A_369, %dma_start3A_376, %dma_start3A_377] : memref<2x32x5x25x80xi32, #tpu.memory_space<hbm>> -> memref<1x1x1x25x80xi32, #tpu.memory_space<hbm>>
    %dma_start3A_379 = tpu.memref_squeeze %dma_start3A_378 : memref<1x1x1x25x80xi32, #tpu.memory_space<hbm>> -> memref<25x80xi32, #tpu.memory_space<hbm>>
    %dma_start3A_380 = tpu.memref_slice %arg10[%dma_start3A_371] : memref<2x!tpu.dma_semaphore, #tpu.memory_space<semaphore_mem>> -> memref<1x!tpu.dma_semaphore, #tpu.memory_space<semaphore_mem>>
    %dma_start3A_381 = tpu.memref_squeeze %dma_start3A_380 : memref<1x!tpu.dma_semaphore, #tpu.memory_space<semaphore_mem>> -> memref<!tpu.dma_semaphore, #tpu.memory_space<semaphore_mem>>
    %dma_start3A_382 = arith.constant 0 : i32
    %dma_start3A_383 = arith.constant 0 : i32
    %dma_start3A_384 = tpu.memref_slice %arg5[%dma_start3A_370, %dma_start3A_382, %dma_start3A_383] : memref<2x25x80xi32, #tpu.memory_space<vmem>> -> memref<1x25x80xi32, #tpu.memory_space<vmem>>
    %dma_start3A_385 = tpu.memref_squeeze %dma_start3A_384 : memref<1x25x80xi32, #tpu.memory_space<vmem>> -> memref<25x80xi32, #tpu.memory_space<vmem>>
    %dma_start3A_386 = arith.constant 0 : i32
    %dma_start3A_387 = arith.constant 0 : i32
    %dma_start3A_388 = tpu.memref_slice %arg3[%dma_start3A_368, %add3A, %dma_start3A_369, %dma_start3A_386, %dma_start3A_387] : memref<2x32x5x25x80xi32, #tpu.memory_space<hbm>> -> memref<1x1x1x25x80xi32, #tpu.memory_space<hbm>>
    %dma_start3A_389 = tpu.memref_squeeze %dma_start3A_388 : memref<1x1x1x25x80xi32, #tpu.memory_space<hbm>> -> memref<25x80xi32, #tpu.memory_space<hbm>>
    tpu.enqueue_dma source(%dma_start3A_389 : memref<25x80xi32, #tpu.memory_space<hbm>>) target(%dma_start3A_385 : memref<25x80xi32, #tpu.memory_space<vmem>>) target_semaphore(%dma_start3A_381 : memref<!tpu.dma_semaphore, #tpu.memory_space<semaphore_mem>>)
    %dma_start3A_390 = arith.constant 1 : i32
    %dma_start3A_391 = arith.constant 2 : i32
    %dma_start3A_392 = arith.constant 0 : i32
    %dma_start3A_393 = arith.constant 0 : i32
    %dma_start3A_394 = arith.constant 0 : i32
    %dma_start3A_395 = arith.constant 0 : i32
    %dma_start3A_396 = tpu.memref_slice %arg6[%dma_start3A_392, %dma_start3A_394, %dma_start3A_395] : memref<2x25x80xi32, #tpu.memory_space<vmem>> -> memref<1x25x80xi32, #tpu.memory_space<vmem>>
    %dma_start3A_397 = tpu.memref_squeeze %dma_start3A_396 : memref<1x25x80xi32, #tpu.memory_space<vmem>> -> memref<25x80xi32, #tpu.memory_space<vmem>>
    %dma_start3A_398 = arith.constant 0 : i32
    %dma_start3A_399 = arith.constant 0 : i32
    %dma_start3A_400 = tpu.memref_slice %arg3[%dma_start3A_390, %add3A, %dma_start3A_391, %dma_start3A_398, %dma_start3A_399] : memref<2x32x5x25x80xi32, #tpu.memory_space<hbm>> -> memref<1x1x1x25x80xi32, #tpu.memory_space<hbm>>
    %dma_start3A_401 = tpu.memref_squeeze %dma_start3A_400 : memref<1x1x1x25x80xi32, #tpu.memory_space<hbm>> -> memref<25x80xi32, #tpu.memory_space<hbm>>
    %dma_start3A_402 = tpu.memref_slice %arg10[%dma_start3A_393] : memref<2x!tpu.dma_semaphore, #tpu.memory_space<semaphore_mem>> -> memref<1x!tpu.dma_semaphore, #tpu.memory_space<semaphore_mem>>
    %dma_start3A_403 = tpu.memref_squeeze %dma_start3A_402 : memref<1x!tpu.dma_semaphore, #tpu.memory_space<semaphore_mem>> -> memref<!tpu.dma_semaphore, #tpu.memory_space<semaphore_mem>>
    %dma_start3A_404 = arith.constant 0 : i32
    %dma_start3A_405 = arith.constant 0 : i32
    %dma_start3A_406 = tpu.memref_slice %arg6[%dma_start3A_392, %dma_start3A_404, %dma_start3A_405] : memref<2x25x80xi32, #tpu.memory_space<vmem>> -> memref<1x25x80xi32, #tpu.memory_space<vmem>>
    %dma_start3A_407 = tpu.memref_squeeze %dma_start3A_406 : memref<1x25x80xi32, #tpu.memory_space<vmem>> -> memref<25x80xi32, #tpu.memory_space<vmem>>
    %dma_start3A_408 = arith.constant 0 : i32
    %dma_start3A_409 = arith.constant 0 : i32
    %dma_start3A_410 = tpu.memref_slice %arg3[%dma_start3A_390, %add3A, %dma_start3A_391, %dma_start3A_408, %dma_start3A_409] : memref<2x32x5x25x80xi32, #tpu.memory_space<hbm>> -> memref<1x1x1x25x80xi32, #tpu.memory_space<hbm>>
    %dma_start3A_411 = tpu.memref_squeeze %dma_start3A_410 : memref<1x1x1x25x80xi32, #tpu.memory_space<hbm>> -> memref<25x80xi32, #tpu.memory_space<hbm>>
    tpu.enqueue_dma source(%dma_start3A_411 : memref<25x80xi32, #tpu.memory_space<hbm>>) target(%dma_start3A_407 : memref<25x80xi32, #tpu.memory_space<vmem>>) target_semaphore(%dma_start3A_403 : memref<!tpu.dma_semaphore, #tpu.memory_space<semaphore_mem>>)
    %dma_start3A_412 = arith.constant 1 : i32
    %dma_start3A_413 = arith.constant 0 : i32
    %dma_start3A_414 = arith.constant 0 : i32
    %dma_start3A_415 = arith.constant 0 : i32
    "tpu.trace_stop"() : () -> ()
    "tpu.trace_start"() <{level = 10 : i32, message = "edge_loop"}> : () -> ()
    %dma_start3A_416 = arith.constant 0 : i32
    %dma_start3A_417 = arith.constant 0 : i32
    %dma_start3A_418 = tpu.memref_slice %arg7[%dma_start3A_414, %dma_start3A_416, %dma_start3A_417] : memref<3x80x128xf32, #tpu.memory_space<vmem>> -> memref<1x80x128xf32, #tpu.memory_space<vmem>>
    %dma_start3A_419 = tpu.memref_squeeze %dma_start3A_418 : memref<1x80x128xf32, #tpu.memory_space<vmem>> -> memref<80x128xf32, #tpu.memory_space<vmem>>
    %dma_start3A_420 = arith.constant 0 : i32
    %dma_start3A_421 = tpu.memref_slice %arg5[%dma_start3A_412, %dma_start3A_413, %dma_start3A_420] : memref<2x25x80xi32, #tpu.memory_space<vmem>> -> memref<1x1x80xi32, #tpu.memory_space<vmem>>
    %dma_start3A_422 = tpu.memref_squeeze %dma_start3A_421 : memref<1x1x80xi32, #tpu.memory_space<vmem>> -> memref<80xi32, #tpu.memory_space<vmem>>
    %dma_start3A_423 = arith.constant 0 : i32
    %dma_start3A_424 = arith.constant 0 : i32
    %dma_start3A_425 = tpu.memref_slice %arg2[%dma_start3A_423, %dma_start3A_424] : memref<10000x128xf32, #tpu.memory_space<hbm>> -> memref<10000x128xf32, #tpu.memory_space<hbm>>
    %dma_start3A_426 = tpu.memref_slice %arg9[%dma_start3A_415] : memref<3x!tpu.dma_semaphore, #tpu.memory_space<semaphore_mem>> -> memref<1x!tpu.dma_semaphore, #tpu.memory_space<semaphore_mem>>
    %dma_start3A_427 = tpu.memref_squeeze %dma_start3A_426 : memref<1x!tpu.dma_semaphore, #tpu.memory_space<semaphore_mem>> -> memref<!tpu.dma_semaphore, #tpu.memory_space<semaphore_mem>>
    tpu.enqueue_indirect_dma source(%dma_start3A_425 : memref<10000x128xf32, #tpu.memory_space<hbm>>) target(%dma_start3A_419 : memref<80x128xf32, #tpu.memory_space<vmem>>) offsets(%dma_start3A_422 : memref<80xi32, #tpu.memory_space<vmem>>) semaphore(%dma_start3A_427 : memref<!tpu.dma_semaphore, #tpu.memory_space<semaphore_mem>>)
    %dma_start3A_428 = arith.constant 1 : i32
    %dma_start3A_429 = arith.constant 1 : i32
    %dma_start3A_430 = arith.constant 1 : i32
    %dma_start3A_431 = arith.constant 1 : i32
    %dma_start3A_432 = arith.constant 0 : i32
    %dma_start3A_433 = arith.constant 0 : i32
    %dma_start3A_434 = tpu.memref_slice %arg7[%dma_start3A_430, %dma_start3A_432, %dma_start3A_433] : memref<3x80x128xf32, #tpu.memory_space<vmem>> -> memref<1x80x128xf32, #tpu.memory_space<vmem>>
    %dma_start3A_435 = tpu.memref_squeeze %dma_start3A_434 : memref<1x80x128xf32, #tpu.memory_space<vmem>> -> memref<80x128xf32, #tpu.memory_space<vmem>>
    %dma_start3A_436 = arith.constant 0 : i32
    %dma_start3A_437 = tpu.memref_slice %arg5[%dma_start3A_428, %dma_start3A_429, %dma_start3A_436] : memref<2x25x80xi32, #tpu.memory_space<vmem>> -> memref<1x1x80xi32, #tpu.memory_space<vmem>>
    %dma_start3A_438 = tpu.memref_squeeze %dma_start3A_437 : memref<1x1x80xi32, #tpu.memory_space<vmem>> -> memref<80xi32, #tpu.memory_space<vmem>>
    %dma_start3A_439 = arith.constant 0 : i32
    %dma_start3A_440 = arith.constant 0 : i32
    %dma_start3A_441 = tpu.memref_slice %arg2[%dma_start3A_439, %dma_start3A_440] : memref<10000x128xf32, #tpu.memory_space<hbm>> -> memref<10000x128xf32, #tpu.memory_space<hbm>>
    %dma_start3A_442 = tpu.memref_slice %arg9[%dma_start3A_431] : memref<3x!tpu.dma_semaphore, #tpu.memory_space<semaphore_mem>> -> memref<1x!tpu.dma_semaphore, #tpu.memory_space<semaphore_mem>>
    %dma_start3A_443 = tpu.memref_squeeze %dma_start3A_442 : memref<1x!tpu.dma_semaphore, #tpu.memory_space<semaphore_mem>> -> memref<!tpu.dma_semaphore, #tpu.memory_space<semaphore_mem>>
    tpu.enqueue_indirect_dma source(%dma_start3A_441 : memref<10000x128xf32, #tpu.memory_space<hbm>>) target(%dma_start3A_435 : memref<80x128xf32, #tpu.memory_space<vmem>>) offsets(%dma_start3A_438 : memref<80xi32, #tpu.memory_space<vmem>>) semaphore(%dma_start3A_443 : memref<!tpu.dma_semaphore, #tpu.memory_space<semaphore_mem>>)
    %dma_start3A_444 = arith.constant 1 : i32
    %dma_start3A_445 = arith.constant 2 : i32
    %dma_start3A_446 = arith.constant 2 : i32
    %dma_start3A_447 = arith.constant 2 : i32
    %dma_start3A_448 = arith.constant 0 : i32
    %dma_start3A_449 = arith.constant 0 : i32
    %dma_start3A_450 = tpu.memref_slice %arg7[%dma_start3A_446, %dma_start3A_448, %dma_start3A_449] : memref<3x80x128xf32, #tpu.memory_space<vmem>> -> memref<1x80x128xf32, #tpu.memory_space<vmem>>
    %dma_start3A_451 = tpu.memref_squeeze %dma_start3A_450 : memref<1x80x128xf32, #tpu.memory_space<vmem>> -> memref<80x128xf32, #tpu.memory_space<vmem>>
    %dma_start3A_452 = arith.constant 0 : i32
    %dma_start3A_453 = tpu.memref_slice %arg5[%dma_start3A_444, %dma_start3A_445, %dma_start3A_452] : memref<2x25x80xi32, #tpu.memory_space<vmem>> -> memref<1x1x80xi32, #tpu.memory_space<vmem>>
    %dma_start3A_454 = tpu.memref_squeeze %dma_start3A_453 : memref<1x1x80xi32, #tpu.memory_space<vmem>> -> memref<80xi32, #tpu.memory_space<vmem>>
    %dma_start3A_455 = arith.constant 0 : i32
    %dma_start3A_456 = arith.constant 0 : i32
    %dma_start3A_457 = tpu.memref_slice %arg2[%dma_start3A_455, %dma_start3A_456] : memref<10000x128xf32, #tpu.memory_space<hbm>> -> memref<10000x128xf32, #tpu.memory_space<hbm>>
    %dma_start3A_458 = tpu.memref_slice %arg9[%dma_start3A_447] : memref<3x!tpu.dma_semaphore, #tpu.memory_space<semaphore_mem>> -> memref<1x!tpu.dma_semaphore, #tpu.memory_space<semaphore_mem>>
    %dma_start3A_459 = tpu.memref_squeeze %dma_start3A_458 : memref<1x!tpu.dma_semaphore, #tpu.memory_space<semaphore_mem>> -> memref<!tpu.dma_semaphore, #tpu.memory_space<semaphore_mem>>
    tpu.enqueue_indirect_dma source(%dma_start3A_457 : memref<10000x128xf32, #tpu.memory_space<hbm>>) target(%dma_start3A_451 : memref<80x128xf32, #tpu.memory_space<vmem>>) offsets(%dma_start3A_454 : memref<80xi32, #tpu.memory_space<vmem>>) semaphore(%dma_start3A_459 : memref<!tpu.dma_semaphore, #tpu.memory_space<semaphore_mem>>)
    %scan3A_460 = arith.constant 0 : i32
    %scan3A_461 = arith.constant 0 : i32
    %scan3A_462 = arith.constant 7 : i32
    %scan3A_463 = arith.addi %scan3A_461, %scan3A_462 : i32
    %scan3A_464 = arith.constant 1 : i32
    %scan3A_465 = scf.for %scan3A_1223 = %scan3A_461 to %scan3A_463 step %scan3A_464 iter_args(%scan3A_1224 = %scan3A_460) -> (i32)  : i32 {
      %mul3A_1225 = arith.constant 3 : i32
      %mul3A_1226 = arith.muli %scan3A_1223, %mul3A_1225 : i32
      %add3A_1227 = arith.constant 0 : i32
      %add3A_1228 = arith.addi %mul3A_1226, %add3A_1227 : i32
      %dma_wait3A_1229 = arith.constant 1 : i32
      %dma_wait3A_1230 = arith.constant 0 : i32
      %dma_wait3A_1231 = arith.constant 0 : i32
      %dma_wait3A_1232 = arith.constant 0 : i32
      %dma_wait3A_1233 = arith.constant 0 : i32
      %dma_wait3A_1234 = tpu.memref_slice %arg7[%dma_wait3A_1230, %dma_wait3A_1232, %dma_wait3A_1233] : memref<3x80x128xf32, #tpu.memory_space<vmem>> -> memref<1x80x128xf32, #tpu.memory_space<vmem>>
      %dma_wait3A_1235 = tpu.memref_squeeze %dma_wait3A_1234 : memref<1x80x128xf32, #tpu.memory_space<vmem>> -> memref<80x128xf32, #tpu.memory_space<vmem>>
      %dma_wait3A_1236 = arith.constant 0 : i32
      %dma_wait3A_1237 = tpu.memref_slice %arg5[%dma_wait3A_1229, %add3A_1228, %dma_wait3A_1236] : memref<2x25x80xi32, #tpu.memory_space<vmem>> -> memref<1x1x80xi32, #tpu.memory_space<vmem>>
      %dma_wait3A_1238 = tpu.memref_squeeze %dma_wait3A_1237 : memref<1x1x80xi32, #tpu.memory_space<vmem>> -> memref<80xi32, #tpu.memory_space<vmem>>
      %dma_wait3A_1239 = arith.constant 0 : i32
      %dma_wait3A_1240 = arith.constant 0 : i32
      %dma_wait3A_1241 = tpu.memref_slice %arg2[%dma_wait3A_1239, %dma_wait3A_1240] : memref<10000x128xf32, #tpu.memory_space<hbm>> -> memref<10000x128xf32, #tpu.memory_space<hbm>>
      %dma_wait3A_1242 = tpu.memref_slice %arg9[%dma_wait3A_1231] : memref<3x!tpu.dma_semaphore, #tpu.memory_space<semaphore_mem>> -> memref<1x!tpu.dma_semaphore, #tpu.memory_space<semaphore_mem>>
      %dma_wait3A_1243 = tpu.memref_squeeze %dma_wait3A_1242 : memref<1x!tpu.dma_semaphore, #tpu.memory_space<semaphore_mem>> -> memref<!tpu.dma_semaphore, #tpu.memory_space<semaphore_mem>>
      tpu.wait_indirect_dma semaphore(%dma_wait3A_1243 : memref<!tpu.dma_semaphore, #tpu.memory_space<semaphore_mem>>) src(%dma_wait3A_1241 : memref<10000x128xf32, #tpu.memory_space<hbm>>) dst(%dma_wait3A_1235 : memref<80x128xf32, #tpu.memory_space<vmem>>)
      %run_scoped3A_1244 = arith.constant 0 : i32
      %run_scoped3A_1245 = arith.constant 1 : i32
      "tpu.region"() ({
        %run_scoped3A_1340 = tpu.sem_alloc : memref<!tpu.dma_semaphore, #tpu.memory_space<semaphore_mem>>
        %dma_start3A_1341 = arith.constant 0 : i32
        %dma_start3A_1342 = arith.constant 0 : i32
        %dma_start3A_1343 = tpu.memref_slice %arg7[%run_scoped3A_1244, %dma_start3A_1341, %dma_start3A_1342] : memref<3x80x128xf32, #tpu.memory_space<vmem>> -> memref<1x80x128xf32, #tpu.memory_space<vmem>>
        %dma_start3A_1344 = tpu.memref_squeeze %dma_start3A_1343 : memref<1x80x128xf32, #tpu.memory_space<vmem>> -> memref<80x128xf32, #tpu.memory_space<vmem>>
        %dma_start3A_1345 = arith.constant 0 : i32
        %dma_start3A_1346 = tpu.memref_slice %arg6[%run_scoped3A_1245, %add3A_1228, %dma_start3A_1345] : memref<2x25x80xi32, #tpu.memory_space<vmem>> -> memref<1x1x80xi32, #tpu.memory_space<vmem>>
        %dma_start3A_1347 = tpu.memref_squeeze %dma_start3A_1346 : memref<1x1x80xi32, #tpu.memory_space<vmem>> -> memref<80xi32, #tpu.memory_space<vmem>>
        %dma_start3A_1348 = arith.constant 0 : i32
        %dma_start3A_1349 = arith.constant 0 : i32
        %dma_start3A_1350 = tpu.memref_slice %arg8[%dma_start3A_1348, %dma_start3A_1349] : memref<10240x128xf32, #tpu.memory_space<vmem_shared>> -> memref<10240x128xf32, #tpu.memory_space<vmem_shared>>
        tpu.enqueue_indirect_dma source(%dma_start3A_1344 : memref<80x128xf32, #tpu.memory_space<vmem>>) target(%dma_start3A_1350 : memref<10240x128xf32, #tpu.memory_space<vmem_shared>>) offsets(%dma_start3A_1347 : memref<80xi32, #tpu.memory_space<vmem>>) semaphore(%run_scoped3A_1340 : memref<!tpu.dma_semaphore, #tpu.memory_space<semaphore_mem>>) {add = true}
        %dma_wait3A_1351 = arith.constant 0 : i32
        %dma_wait3A_1352 = arith.constant 0 : i32
        %dma_wait3A_1353 = tpu.memref_slice %arg7[%run_scoped3A_1244, %dma_wait3A_1351, %dma_wait3A_1352] : memref<3x80x128xf32, #tpu.memory_space<vmem>> -> memref<1x80x128xf32, #tpu.memory_space<vmem>>
        %dma_wait3A_1354 = tpu.memref_squeeze %dma_wait3A_1353 : memref<1x80x128xf32, #tpu.memory_space<vmem>> -> memref<80x128xf32, #tpu.memory_space<vmem>>
        %dma_wait3A_1355 = arith.constant 0 : i32
        %dma_wait3A_1356 = tpu.memref_slice %arg6[%run_scoped3A_1245, %add3A_1228, %dma_wait3A_1355] : memref<2x25x80xi32, #tpu.memory_space<vmem>> -> memref<1x1x80xi32, #tpu.memory_space<vmem>>
        %dma_wait3A_1357 = tpu.memref_squeeze %dma_wait3A_1356 : memref<1x1x80xi32, #tpu.memory_space<vmem>> -> memref<80xi32, #tpu.memory_space<vmem>>
        %dma_wait3A_1358 = arith.constant 0 : i32
        %dma_wait3A_1359 = arith.constant 0 : i32
        %dma_wait3A_1360 = tpu.memref_slice %arg8[%dma_wait3A_1358, %dma_wait3A_1359] : memref<10240x128xf32, #tpu.memory_space<vmem_shared>> -> memref<10240x128xf32, #tpu.memory_space<vmem_shared>>
        tpu.wait_indirect_dma semaphore(%run_scoped3A_1340 : memref<!tpu.dma_semaphore, #tpu.memory_space<semaphore_mem>>) src(%dma_wait3A_1354 : memref<80x128xf32, #tpu.memory_space<vmem>>) dst(%dma_wait3A_1360 : memref<10240x128xf32, #tpu.memory_space<vmem_shared>>)
        tpu.yield
      }) : () -> ()
      %add3A_1246 = arith.constant 3 : i32
      %add3A_1247 = arith.addi %add3A_1228, %add3A_1246 : i32
      %dma_start3A_1248 = arith.constant 1 : i32
      %dma_start3A_1249 = arith.constant 0 : i32
      %dma_start3A_1250 = arith.constant 0 : i32
      %dma_start3A_1251 = arith.constant 0 : i32
      %dma_start3A_1252 = arith.constant 0 : i32
      %dma_start3A_1253 = tpu.memref_slice %arg7[%dma_start3A_1249, %dma_start3A_1251, %dma_start3A_1252] : memref<3x80x128xf32, #tpu.memory_space<vmem>> -> memref<1x80x128xf32, #tpu.memory_space<vmem>>
      %dma_start3A_1254 = tpu.memref_squeeze %dma_start3A_1253 : memref<1x80x128xf32, #tpu.memory_space<vmem>> -> memref<80x128xf32, #tpu.memory_space<vmem>>
      %dma_start3A_1255 = arith.constant 0 : i32
      %dma_start3A_1256 = tpu.memref_slice %arg5[%dma_start3A_1248, %add3A_1247, %dma_start3A_1255] : memref<2x25x80xi32, #tpu.memory_space<vmem>> -> memref<1x1x80xi32, #tpu.memory_space<vmem>>
      %dma_start3A_1257 = tpu.memref_squeeze %dma_start3A_1256 : memref<1x1x80xi32, #tpu.memory_space<vmem>> -> memref<80xi32, #tpu.memory_space<vmem>>
      %dma_start3A_1258 = arith.constant 0 : i32
      %dma_start3A_1259 = arith.constant 0 : i32
      %dma_start3A_1260 = tpu.memref_slice %arg2[%dma_start3A_1258, %dma_start3A_1259] : memref<10000x128xf32, #tpu.memory_space<hbm>> -> memref<10000x128xf32, #tpu.memory_space<hbm>>
      %dma_start3A_1261 = tpu.memref_slice %arg9[%dma_start3A_1250] : memref<3x!tpu.dma_semaphore, #tpu.memory_space<semaphore_mem>> -> memref<1x!tpu.dma_semaphore, #tpu.memory_space<semaphore_mem>>
      %dma_start3A_1262 = tpu.memref_squeeze %dma_start3A_1261 : memref<1x!tpu.dma_semaphore, #tpu.memory_space<semaphore_mem>> -> memref<!tpu.dma_semaphore, #tpu.memory_space<semaphore_mem>>
      tpu.enqueue_indirect_dma source(%dma_start3A_1260 : memref<10000x128xf32, #tpu.memory_space<hbm>>) target(%dma_start3A_1254 : memref<80x128xf32, #tpu.memory_space<vmem>>) offsets(%dma_start3A_1257 : memref<80xi32, #tpu.memory_space<vmem>>) semaphore(%dma_start3A_1262 : memref<!tpu.dma_semaphore, #tpu.memory_space<semaphore_mem>>)
      %mul3A_1263 = arith.constant 3 : i32
      %mul3A_1264 = arith.muli %scan3A_1223, %mul3A_1263 : i32
      %add3A_1265 = arith.constant 1 : i32
      %add3A_1266 = arith.addi %mul3A_1264, %add3A_1265 : i32
      %dma_wait3A_1267 = arith.constant 1 : i32
      %dma_wait3A_1268 = arith.constant 1 : i32
      %dma_wait3A_1269 = arith.constant 1 : i32
      %dma_wait3A_1270 = arith.constant 0 : i32
      %dma_wait3A_1271 = arith.constant 0 : i32
      %dma_wait3A_1272 = tpu.memref_slice %arg7[%dma_wait3A_1268, %dma_wait3A_1270, %dma_wait3A_1271] : memref<3x80x128xf32, #tpu.memory_space<vmem>> -> memref<1x80x128xf32, #tpu.memory_space<vmem>>
      %dma_wait3A_1273 = tpu.memref_squeeze %dma_wait3A_1272 : memref<1x80x128xf32, #tpu.memory_space<vmem>> -> memref<80x128xf32, #tpu.memory_space<vmem>>
      %dma_wait3A_1274 = arith.constant 0 : i32
      %dma_wait3A_1275 = tpu.memref_slice %arg5[%dma_wait3A_1267, %add3A_1266, %dma_wait3A_1274] : memref<2x25x80xi32, #tpu.memory_space<vmem>> -> memref<1x1x80xi32, #tpu.memory_space<vmem>>
      %dma_wait3A_1276 = tpu.memref_squeeze %dma_wait3A_1275 : memref<1x1x80xi32, #tpu.memory_space<vmem>> -> memref<80xi32, #tpu.memory_space<vmem>>
      %dma_wait3A_1277 = arith.constant 0 : i32
      %dma_wait3A_1278 = arith.constant 0 : i32
      %dma_wait3A_1279 = tpu.memref_slice %arg2[%dma_wait3A_1277, %dma_wait3A_1278] : memref<10000x128xf32, #tpu.memory_space<hbm>> -> memref<10000x128xf32, #tpu.memory_space<hbm>>
      %dma_wait3A_1280 = tpu.memref_slice %arg9[%dma_wait3A_1269] : memref<3x!tpu.dma_semaphore, #tpu.memory_space<semaphore_mem>> -> memref<1x!tpu.dma_semaphore, #tpu.memory_space<semaphore_mem>>
      %dma_wait3A_1281 = tpu.memref_squeeze %dma_wait3A_1280 : memref<1x!tpu.dma_semaphore, #tpu.memory_space<semaphore_mem>> -> memref<!tpu.dma_semaphore, #tpu.memory_space<semaphore_mem>>
      tpu.wait_indirect_dma semaphore(%dma_wait3A_1281 : memref<!tpu.dma_semaphore, #tpu.memory_space<semaphore_mem>>) src(%dma_wait3A_1279 : memref<10000x128xf32, #tpu.memory_space<hbm>>) dst(%dma_wait3A_1273 : memref<80x128xf32, #tpu.memory_space<vmem>>)
      %run_scoped3A_1282 = arith.constant 1 : i32
      %run_scoped3A_1283 = arith.constant 1 : i32
      "tpu.region"() ({
        %run_scoped3A_1340 = tpu.sem_alloc : memref<!tpu.dma_semaphore, #tpu.memory_space<semaphore_mem>>
        %dma_start3A_1341 = arith.constant 0 : i32
        %dma_start3A_1342 = arith.constant 0 : i32
        %dma_start3A_1343 = tpu.memref_slice %arg7[%run_scoped3A_1282, %dma_start3A_1341, %dma_start3A_1342] : memref<3x80x128xf32, #tpu.memory_space<vmem>> -> memref<1x80x128xf32, #tpu.memory_space<vmem>>
        %dma_start3A_1344 = tpu.memref_squeeze %dma_start3A_1343 : memref<1x80x128xf32, #tpu.memory_space<vmem>> -> memref<80x128xf32, #tpu.memory_space<vmem>>
        %dma_start3A_1345 = arith.constant 0 : i32
        %dma_start3A_1346 = tpu.memref_slice %arg6[%run_scoped3A_1283, %add3A_1266, %dma_start3A_1345] : memref<2x25x80xi32, #tpu.memory_space<vmem>> -> memref<1x1x80xi32, #tpu.memory_space<vmem>>
        %dma_start3A_1347 = tpu.memref_squeeze %dma_start3A_1346 : memref<1x1x80xi32, #tpu.memory_space<vmem>> -> memref<80xi32, #tpu.memory_space<vmem>>
        %dma_start3A_1348 = arith.constant 0 : i32
        %dma_start3A_1349 = arith.constant 0 : i32
        %dma_start3A_1350 = tpu.memref_slice %arg8[%dma_start3A_1348, %dma_start3A_1349] : memref<10240x128xf32, #tpu.memory_space<vmem_shared>> -> memref<10240x128xf32, #tpu.memory_space<vmem_shared>>
        tpu.enqueue_indirect_dma source(%dma_start3A_1344 : memref<80x128xf32, #tpu.memory_space<vmem>>) target(%dma_start3A_1350 : memref<10240x128xf32, #tpu.memory_space<vmem_shared>>) offsets(%dma_start3A_1347 : memref<80xi32, #tpu.memory_space<vmem>>) semaphore(%run_scoped3A_1340 : memref<!tpu.dma_semaphore, #tpu.memory_space<semaphore_mem>>) {add = true}
        %dma_wait3A_1351 = arith.constant 0 : i32
        %dma_wait3A_1352 = arith.constant 0 : i32
        %dma_wait3A_1353 = tpu.memref_slice %arg7[%run_scoped3A_1282, %dma_wait3A_1351, %dma_wait3A_1352] : memref<3x80x128xf32, #tpu.memory_space<vmem>> -> memref<1x80x128xf32, #tpu.memory_space<vmem>>
        %dma_wait3A_1354 = tpu.memref_squeeze %dma_wait3A_1353 : memref<1x80x128xf32, #tpu.memory_space<vmem>> -> memref<80x128xf32, #tpu.memory_space<vmem>>
        %dma_wait3A_1355 = arith.constant 0 : i32
        %dma_wait3A_1356 = tpu.memref_slice %arg6[%run_scoped3A_1283, %add3A_1266, %dma_wait3A_1355] : memref<2x25x80xi32, #tpu.memory_space<vmem>> -> memref<1x1x80xi32, #tpu.memory_space<vmem>>
        %dma_wait3A_1357 = tpu.memref_squeeze %dma_wait3A_1356 : memref<1x1x80xi32, #tpu.memory_space<vmem>> -> memref<80xi32, #tpu.memory_space<vmem>>
        %dma_wait3A_1358 = arith.constant 0 : i32
        %dma_wait3A_1359 = arith.constant 0 : i32
        %dma_wait3A_1360 = tpu.memref_slice %arg8[%dma_wait3A_1358, %dma_wait3A_1359] : memref<10240x128xf32, #tpu.memory_space<vmem_shared>> -> memref<10240x128xf32, #tpu.memory_space<vmem_shared>>
        tpu.wait_indirect_dma semaphore(%run_scoped3A_1340 : memref<!tpu.dma_semaphore, #tpu.memory_space<semaphore_mem>>) src(%dma_wait3A_1354 : memref<80x128xf32, #tpu.memory_space<vmem>>) dst(%dma_wait3A_1360 : memref<10240x128xf32, #tpu.memory_space<vmem_shared>>)
        tpu.yield
      }) : () -> ()
      %add3A_1284 = arith.constant 3 : i32
      %add3A_1285 = arith.addi %add3A_1266, %add3A_1284 : i32
      %dma_start3A_1286 = arith.constant 1 : i32
      %dma_start3A_1287 = arith.constant 1 : i32
      %dma_start3A_1288 = arith.constant 1 : i32
      %dma_start3A_1289 = arith.constant 0 : i32
      %dma_start3A_1290 = arith.constant 0 : i32
      %dma_start3A_1291 = tpu.memref_slice %arg7[%dma_start3A_1287, %dma_start3A_1289, %dma_start3A_1290] : memref<3x80x128xf32, #tpu.memory_space<vmem>> -> memref<1x80x128xf32, #tpu.memory_space<vmem>>
      %dma_start3A_1292 = tpu.memref_squeeze %dma_start3A_1291 : memref<1x80x128xf32, #tpu.memory_space<vmem>> -> memref<80x128xf32, #tpu.memory_space<vmem>>
      %dma_start3A_1293 = arith.constant 0 : i32
      %dma_start3A_1294 = tpu.memref_slice %arg5[%dma_start3A_1286, %add3A_1285, %dma_start3A_1293] : memref<2x25x80xi32, #tpu.memory_space<vmem>> -> memref<1x1x80xi32, #tpu.memory_space<vmem>>
      %dma_start3A_1295 = tpu.memref_squeeze %dma_start3A_1294 : memref<1x1x80xi32, #tpu.memory_space<vmem>> -> memref<80xi32, #tpu.memory_space<vmem>>
      %dma_start3A_1296 = arith.constant 0 : i32
      %dma_start3A_1297 = arith.constant 0 : i32
      %dma_start3A_1298 = tpu.memref_slice %arg2[%dma_start3A_1296, %dma_start3A_1297] : memref<10000x128xf32, #tpu.memory_space<hbm>> -> memref<10000x128xf32, #tpu.memory_space<hbm>>
      %dma_start3A_1299 = tpu.memref_slice %arg9[%dma_start3A_1288] : memref<3x!tpu.dma_semaphore, #tpu.memory_space<semaphore_mem>> -> memref<1x!tpu.dma_semaphore, #tpu.memory_space<semaphore_mem>>
      %dma_start3A_1300 = tpu.memref_squeeze %dma_start3A_1299 : memref<1x!tpu.dma_semaphore, #tpu.memory_space<semaphore_mem>> -> memref<!tpu.dma_semaphore, #tpu.memory_space<semaphore_mem>>
      tpu.enqueue_indirect_dma source(%dma_start3A_1298 : memref<10000x128xf32, #tpu.memory_space<hbm>>) target(%dma_start3A_1292 : memref<80x128xf32, #tpu.memory_space<vmem>>) offsets(%dma_start3A_1295 : memref<80xi32, #tpu.memory_space<vmem>>) semaphore(%dma_start3A_1300 : memref<!tpu.dma_semaphore, #tpu.memory_space<semaphore_mem>>)
      %mul3A_1301 = arith.constant 3 : i32
      %mul3A_1302 = arith.muli %scan3A_1223, %mul3A_1301 : i32
      %add3A_1303 = arith.constant 2 : i32
      %add3A_1304 = arith.addi %mul3A_1302, %add3A_1303 : i32
      %dma_wait3A_1305 = arith.constant 1 : i32
      %dma_wait3A_1306 = arith.constant 2 : i32
      %dma_wait3A_1307 = arith.constant 2 : i32
      %dma_wait3A_1308 = arith.constant 0 : i32
      %dma_wait3A_1309 = arith.constant 0 : i32
      %dma_wait3A_1310 = tpu.memref_slice %arg7[%dma_wait3A_1306, %dma_wait3A_1308, %dma_wait3A_1309] : memref<3x80x128xf32, #tpu.memory_space<vmem>> -> memref<1x80x128xf32, #tpu.memory_space<vmem>>
      %dma_wait3A_1311 = tpu.memref_squeeze %dma_wait3A_1310 : memref<1x80x128xf32, #tpu.memory_space<vmem>> -> memref<80x128xf32, #tpu.memory_space<vmem>>
      %dma_wait3A_1312 = arith.constant 0 : i32
      %dma_wait3A_1313 = tpu.memref_slice %arg5[%dma_wait3A_1305, %add3A_1304, %dma_wait3A_1312] : memref<2x25x80xi32, #tpu.memory_space<vmem>> -> memref<1x1x80xi32, #tpu.memory_space<vmem>>
      %dma_wait3A_1314 = tpu.memref_squeeze %dma_wait3A_1313 : memref<1x1x80xi32, #tpu.memory_space<vmem>> -> memref<80xi32, #tpu.memory_space<vmem>>
      %dma_wait3A_1315 = arith.constant 0 : i32
      %dma_wait3A_1316 = arith.constant 0 : i32
      %dma_wait3A_1317 = tpu.memref_slice %arg2[%dma_wait3A_1315, %dma_wait3A_1316] : memref<10000x128xf32, #tpu.memory_space<hbm>> -> memref<10000x128xf32, #tpu.memory_space<hbm>>
      %dma_wait3A_1318 = tpu.memref_slice %arg9[%dma_wait3A_1307] : memref<3x!tpu.dma_semaphore, #tpu.memory_space<semaphore_mem>> -> memref<1x!tpu.dma_semaphore, #tpu.memory_space<semaphore_mem>>
      %dma_wait3A_1319 = tpu.memref_squeeze %dma_wait3A_1318 : memref<1x!tpu.dma_semaphore, #tpu.memory_space<semaphore_mem>> -> memref<!tpu.dma_semaphore, #tpu.memory_space<semaphore_mem>>
      tpu.wait_indirect_dma semaphore(%dma_wait3A_1319 : memref<!tpu.dma_semaphore, #tpu.memory_space<semaphore_mem>>) src(%dma_wait3A_1317 : memref<10000x128xf32, #tpu.memory_space<hbm>>) dst(%dma_wait3A_1311 : memref<80x128xf32, #tpu.memory_space<vmem>>)
      %run_scoped3A_1320 = arith.constant 2 : i32
      %run_scoped3A_1321 = arith.constant 1 : i32
      "tpu.region"() ({
        %run_scoped3A_1340 = tpu.sem_alloc : memref<!tpu.dma_semaphore, #tpu.memory_space<semaphore_mem>>
        %dma_start3A_1341 = arith.constant 0 : i32
        %dma_start3A_1342 = arith.constant 0 : i32
        %dma_start3A_1343 = tpu.memref_slice %arg7[%run_scoped3A_1320, %dma_start3A_1341, %dma_start3A_1342] : memref<3x80x128xf32, #tpu.memory_space<vmem>> -> memref<1x80x128xf32, #tpu.memory_space<vmem>>
        %dma_start3A_1344 = tpu.memref_squeeze %dma_start3A_1343 : memref<1x80x128xf32, #tpu.memory_space<vmem>> -> memref<80x128xf32, #tpu.memory_space<vmem>>
        %dma_start3A_1345 = arith.constant 0 : i32
        %dma_start3A_1346 = tpu.memref_slice %arg6[%run_scoped3A_1321, %add3A_1304, %dma_start3A_1345] : memref<2x25x80xi32, #tpu.memory_space<vmem>> -> memref<1x1x80xi32, #tpu.memory_space<vmem>>
        %dma_start3A_1347 = tpu.memref_squeeze %dma_start3A_1346 : memref<1x1x80xi32, #tpu.memory_space<vmem>> -> memref<80xi32, #tpu.memory_space<vmem>>
        %dma_start3A_1348 = arith.constant 0 : i32
        %dma_start3A_1349 = arith.constant 0 : i32
        %dma_start3A_1350 = tpu.memref_slice %arg8[%dma_start3A_1348, %dma_start3A_1349] : memref<10240x128xf32, #tpu.memory_space<vmem_shared>> -> memref<10240x128xf32, #tpu.memory_space<vmem_shared>>
        tpu.enqueue_indirect_dma source(%dma_start3A_1344 : memref<80x128xf32, #tpu.memory_space<vmem>>) target(%dma_start3A_1350 : memref<10240x128xf32, #tpu.memory_space<vmem_shared>>) offsets(%dma_start3A_1347 : memref<80xi32, #tpu.memory_space<vmem>>) semaphore(%run_scoped3A_1340 : memref<!tpu.dma_semaphore, #tpu.memory_space<semaphore_mem>>) {add = true}
        %dma_wait3A_1351 = arith.constant 0 : i32
        %dma_wait3A_1352 = arith.constant 0 : i32
        %dma_wait3A_1353 = tpu.memref_slice %arg7[%run_scoped3A_1320, %dma_wait3A_1351, %dma_wait3A_1352] : memref<3x80x128xf32, #tpu.memory_space<vmem>> -> memref<1x80x128xf32, #tpu.memory_space<vmem>>
        %dma_wait3A_1354 = tpu.memref_squeeze %dma_wait3A_1353 : memref<1x80x128xf32, #tpu.memory_space<vmem>> -> memref<80x128xf32, #tpu.memory_space<vmem>>
        %dma_wait3A_1355 = arith.constant 0 : i32
        %dma_wait3A_1356 = tpu.memref_slice %arg6[%run_scoped3A_1321, %add3A_1304, %dma_wait3A_1355] : memref<2x25x80xi32, #tpu.memory_space<vmem>> -> memref<1x1x80xi32, #tpu.memory_space<vmem>>
        %dma_wait3A_1357 = tpu.memref_squeeze %dma_wait3A_1356 : memref<1x1x80xi32, #tpu.memory_space<vmem>> -> memref<80xi32, #tpu.memory_space<vmem>>
        %dma_wait3A_1358 = arith.constant 0 : i32
        %dma_wait3A_1359 = arith.constant 0 : i32
        %dma_wait3A_1360 = tpu.memref_slice %arg8[%dma_wait3A_1358, %dma_wait3A_1359] : memref<10240x128xf32, #tpu.memory_space<vmem_shared>> -> memref<10240x128xf32, #tpu.memory_space<vmem_shared>>
        tpu.wait_indirect_dma semaphore(%run_scoped3A_1340 : memref<!tpu.dma_semaphore, #tpu.memory_space<semaphore_mem>>) src(%dma_wait3A_1354 : memref<80x128xf32, #tpu.memory_space<vmem>>) dst(%dma_wait3A_1360 : memref<10240x128xf32, #tpu.memory_space<vmem_shared>>)
        tpu.yield
      }) : () -> ()
      %add3A_1322 = arith.constant 3 : i32
      %add3A_1323 = arith.addi %add3A_1304, %add3A_1322 : i32
      %dma_start3A_1324 = arith.constant 1 : i32
      %dma_start3A_1325 = arith.constant 2 : i32
      %dma_start3A_1326 = arith.constant 2 : i32
      %dma_start3A_1327 = arith.constant 0 : i32
      %dma_start3A_1328 = arith.constant 0 : i32
      %dma_start3A_1329 = tpu.memref_slice %arg7[%dma_start3A_1325, %dma_start3A_1327, %dma_start3A_1328] : memref<3x80x128xf32, #tpu.memory_space<vmem>> -> memref<1x80x128xf32, #tpu.memory_space<vmem>>
      %dma_start3A_1330 = tpu.memref_squeeze %dma_start3A_1329 : memref<1x80x128xf32, #tpu.memory_space<vmem>> -> memref<80x128xf32, #tpu.memory_space<vmem>>
      %dma_start3A_1331 = arith.constant 0 : i32
      %dma_start3A_1332 = tpu.memref_slice %arg5[%dma_start3A_1324, %add3A_1323, %dma_start3A_1331] : memref<2x25x80xi32, #tpu.memory_space<vmem>> -> memref<1x1x80xi32, #tpu.memory_space<vmem>>
      %dma_start3A_1333 = tpu.memref_squeeze %dma_start3A_1332 : memref<1x1x80xi32, #tpu.memory_space<vmem>> -> memref<80xi32, #tpu.memory_space<vmem>>
      %dma_start3A_1334 = arith.constant 0 : i32
      %dma_start3A_1335 = arith.constant 0 : i32
      %dma_start3A_1336 = tpu.memref_slice %arg2[%dma_start3A_1334, %dma_start3A_1335] : memref<10000x128xf32, #tpu.memory_space<hbm>> -> memref<10000x128xf32, #tpu.memory_space<hbm>>
      %dma_start3A_1337 = tpu.memref_slice %arg9[%dma_start3A_1326] : memref<3x!tpu.dma_semaphore, #tpu.memory_space<semaphore_mem>> -> memref<1x!tpu.dma_semaphore, #tpu.memory_space<semaphore_mem>>
      %dma_start3A_1338 = tpu.memref_squeeze %dma_start3A_1337 : memref<1x!tpu.dma_semaphore, #tpu.memory_space<semaphore_mem>> -> memref<!tpu.dma_semaphore, #tpu.memory_space<semaphore_mem>>
      tpu.enqueue_indirect_dma source(%dma_start3A_1336 : memref<10000x128xf32, #tpu.memory_space<hbm>>) target(%dma_start3A_1330 : memref<80x128xf32, #tpu.memory_space<vmem>>) offsets(%dma_start3A_1333 : memref<80xi32, #tpu.memory_space<vmem>>) semaphore(%dma_start3A_1338 : memref<!tpu.dma_semaphore, #tpu.memory_space<semaphore_mem>>)
      %scan3A_1339 = arith.constant 0 : i32
      scf.yield %scan3A_1339 : i32
    }
    %scan3A_466 = arith.constant 7 : i32
    %dma_wait3A_467 = arith.constant 1 : i32
    %dma_wait3A_468 = arith.constant 21 : i32
    %dma_wait3A_469 = arith.constant 0 : i32
    %dma_wait3A_470 = arith.constant 0 : i32
    %dma_wait3A_471 = arith.constant 0 : i32
    %dma_wait3A_472 = arith.constant 0 : i32
    %dma_wait3A_473 = tpu.memref_slice %arg7[%dma_wait3A_469, %dma_wait3A_471, %dma_wait3A_472] : memref<3x80x128xf32, #tpu.memory_space<vmem>> -> memref<1x80x128xf32, #tpu.memory_space<vmem>>
    %dma_wait3A_474 = tpu.memref_squeeze %dma_wait3A_473 : memref<1x80x128xf32, #tpu.memory_space<vmem>> -> memref<80x128xf32, #tpu.memory_space<vmem>>
    %dma_wait3A_475 = arith.constant 0 : i32
    %dma_wait3A_476 = tpu.memref_slice %arg5[%dma_wait3A_467, %dma_wait3A_468, %dma_wait3A_475] : memref<2x25x80xi32, #tpu.memory_space<vmem>> -> memref<1x1x80xi32, #tpu.memory_space<vmem>>
    %dma_wait3A_477 = tpu.memref_squeeze %dma_wait3A_476 : memref<1x1x80xi32, #tpu.memory_space<vmem>> -> memref<80xi32, #tpu.memory_space<vmem>>
    %dma_wait3A_478 = arith.constant 0 : i32
    %dma_wait3A_479 = arith.constant 0 : i32
    %dma_wait3A_480 = tpu.memref_slice %arg2[%dma_wait3A_478, %dma_wait3A_479] : memref<10000x128xf32, #tpu.memory_space<hbm>> -> memref<10000x128xf32, #tpu.memory_space<hbm>>
    %dma_wait3A_481 = tpu.memref_slice %arg9[%dma_wait3A_470] : memref<3x!tpu.dma_semaphore, #tpu.memory_space<semaphore_mem>> -> memref<1x!tpu.dma_semaphore, #tpu.memory_space<semaphore_mem>>
    %dma_wait3A_482 = tpu.memref_squeeze %dma_wait3A_481 : memref<1x!tpu.dma_semaphore, #tpu.memory_space<semaphore_mem>> -> memref<!tpu.dma_semaphore, #tpu.memory_space<semaphore_mem>>
    tpu.wait_indirect_dma semaphore(%dma_wait3A_482 : memref<!tpu.dma_semaphore, #tpu.memory_space<semaphore_mem>>) src(%dma_wait3A_480 : memref<10000x128xf32, #tpu.memory_space<hbm>>) dst(%dma_wait3A_474 : memref<80x128xf32, #tpu.memory_space<vmem>>)
    %run_scoped3A_483 = arith.constant 0 : i32
    %run_scoped3A_484 = arith.constant 1 : i32
    %run_scoped3A_485 = arith.constant 21 : i32
    "tpu.region"() ({
      %run_scoped3A_1223 = tpu.sem_alloc : memref<!tpu.dma_semaphore, #tpu.memory_space<semaphore_mem>>
      %dma_start3A_1224 = arith.constant 0 : i32
      %dma_start3A_1225 = arith.constant 0 : i32
      %dma_start3A_1226 = tpu.memref_slice %arg7[%run_scoped3A_483, %dma_start3A_1224, %dma_start3A_1225] : memref<3x80x128xf32, #tpu.memory_space<vmem>> -> memref<1x80x128xf32, #tpu.memory_space<vmem>>
      %dma_start3A_1227 = tpu.memref_squeeze %dma_start3A_1226 : memref<1x80x128xf32, #tpu.memory_space<vmem>> -> memref<80x128xf32, #tpu.memory_space<vmem>>
      %dma_start3A_1228 = arith.constant 0 : i32
      %dma_start3A_1229 = tpu.memref_slice %arg6[%run_scoped3A_484, %run_scoped3A_485, %dma_start3A_1228] : memref<2x25x80xi32, #tpu.memory_space<vmem>> -> memref<1x1x80xi32, #tpu.memory_space<vmem>>
      %dma_start3A_1230 = tpu.memref_squeeze %dma_start3A_1229 : memref<1x1x80xi32, #tpu.memory_space<vmem>> -> memref<80xi32, #tpu.memory_space<vmem>>
      %dma_start3A_1231 = arith.constant 0 : i32
      %dma_start3A_1232 = arith.constant 0 : i32
      %dma_start3A_1233 = tpu.memref_slice %arg8[%dma_start3A_1231, %dma_start3A_1232] : memref<10240x128xf32, #tpu.memory_space<vmem_shared>> -> memref<10240x128xf32, #tpu.memory_space<vmem_shared>>
      tpu.enqueue_indirect_dma source(%dma_start3A_1227 : memref<80x128xf32, #tpu.memory_space<vmem>>) target(%dma_start3A_1233 : memref<10240x128xf32, #tpu.memory_space<vmem_shared>>) offsets(%dma_start3A_1230 : memref<80xi32, #tpu.memory_space<vmem>>) semaphore(%run_scoped3A_1223 : memref<!tpu.dma_semaphore, #tpu.memory_space<semaphore_mem>>) {add = true}
      %dma_wait3A_1234 = arith.constant 0 : i32
      %dma_wait3A_1235 = arith.constant 0 : i32
      %dma_wait3A_1236 = tpu.memref_slice %arg7[%run_scoped3A_483, %dma_wait3A_1234, %dma_wait3A_1235] : memref<3x80x128xf32, #tpu.memory_space<vmem>> -> memref<1x80x128xf32, #tpu.memory_space<vmem>>
      %dma_wait3A_1237 = tpu.memref_squeeze %dma_wait3A_1236 : memref<1x80x128xf32, #tpu.memory_space<vmem>> -> memref<80x128xf32, #tpu.memory_space<vmem>>
      %dma_wait3A_1238 = arith.constant 0 : i32
      %dma_wait3A_1239 = tpu.memref_slice %arg6[%run_scoped3A_484, %run_scoped3A_485, %dma_wait3A_1238] : memref<2x25x80xi32, #tpu.memory_space<vmem>> -> memref<1x1x80xi32, #tpu.memory_space<vmem>>
      %dma_wait3A_1240 = tpu.memref_squeeze %dma_wait3A_1239 : memref<1x1x80xi32, #tpu.memory_space<vmem>> -> memref<80xi32, #tpu.memory_space<vmem>>
      %dma_wait3A_1241 = arith.constant 0 : i32
      %dma_wait3A_1242 = arith.constant 0 : i32
      %dma_wait3A_1243 = tpu.memref_slice %arg8[%dma_wait3A_1241, %dma_wait3A_1242] : memref<10240x128xf32, #tpu.memory_space<vmem_shared>> -> memref<10240x128xf32, #tpu.memory_space<vmem_shared>>
      tpu.wait_indirect_dma semaphore(%run_scoped3A_1223 : memref<!tpu.dma_semaphore, #tpu.memory_space<semaphore_mem>>) src(%dma_wait3A_1237 : memref<80x128xf32, #tpu.memory_space<vmem>>) dst(%dma_wait3A_1243 : memref<10240x128xf32, #tpu.memory_space<vmem_shared>>)
      tpu.yield
    }) : () -> ()
    %dma_start3A_486 = arith.constant 1 : i32
    %dma_start3A_487 = arith.constant 24 : i32
    %dma_start3A_488 = arith.constant 0 : i32
    %dma_start3A_489 = arith.constant 0 : i32
    %dma_start3A_490 = arith.constant 0 : i32
    %dma_start3A_491 = arith.constant 0 : i32
    %dma_start3A_492 = tpu.memref_slice %arg7[%dma_start3A_488, %dma_start3A_490, %dma_start3A_491] : memref<3x80x128xf32, #tpu.memory_space<vmem>> -> memref<1x80x128xf32, #tpu.memory_space<vmem>>
    %dma_start3A_493 = tpu.memref_squeeze %dma_start3A_492 : memref<1x80x128xf32, #tpu.memory_space<vmem>> -> memref<80x128xf32, #tpu.memory_space<vmem>>
    %dma_start3A_494 = arith.constant 0 : i32
    %dma_start3A_495 = tpu.memref_slice %arg5[%dma_start3A_486, %dma_start3A_487, %dma_start3A_494] : memref<2x25x80xi32, #tpu.memory_space<vmem>> -> memref<1x1x80xi32, #tpu.memory_space<vmem>>
    %dma_start3A_496 = tpu.memref_squeeze %dma_start3A_495 : memref<1x1x80xi32, #tpu.memory_space<vmem>> -> memref<80xi32, #tpu.memory_space<vmem>>
    %dma_start3A_497 = arith.constant 0 : i32
    %dma_start3A_498 = arith.constant 0 : i32
    %dma_start3A_499 = tpu.memref_slice %arg2[%dma_start3A_497, %dma_start3A_498] : memref<10000x128xf32, #tpu.memory_space<hbm>> -> memref<10000x128xf32, #tpu.memory_space<hbm>>
    %dma_start3A_500 = tpu.memref_slice %arg9[%dma_start3A_489] : memref<3x!tpu.dma_semaphore, #tpu.memory_space<semaphore_mem>> -> memref<1x!tpu.dma_semaphore, #tpu.memory_space<semaphore_mem>>
    %dma_start3A_501 = tpu.memref_squeeze %dma_start3A_500 : memref<1x!tpu.dma_semaphore, #tpu.memory_space<semaphore_mem>> -> memref<!tpu.dma_semaphore, #tpu.memory_space<semaphore_mem>>
    tpu.enqueue_indirect_dma source(%dma_start3A_499 : memref<10000x128xf32, #tpu.memory_space<hbm>>) target(%dma_start3A_493 : memref<80x128xf32, #tpu.memory_space<vmem>>) offsets(%dma_start3A_496 : memref<80xi32, #tpu.memory_space<vmem>>) semaphore(%dma_start3A_501 : memref<!tpu.dma_semaphore, #tpu.memory_space<semaphore_mem>>)
    %dma_wait3A_502 = arith.constant 1 : i32
    %dma_wait3A_503 = arith.constant 22 : i32
    %dma_wait3A_504 = arith.constant 1 : i32
    %dma_wait3A_505 = arith.constant 1 : i32
    %dma_wait3A_506 = arith.constant 0 : i32
    %dma_wait3A_507 = arith.constant 0 : i32
    %dma_wait3A_508 = tpu.memref_slice %arg7[%dma_wait3A_504, %dma_wait3A_506, %dma_wait3A_507] : memref<3x80x128xf32, #tpu.memory_space<vmem>> -> memref<1x80x128xf32, #tpu.memory_space<vmem>>
    %dma_wait3A_509 = tpu.memref_squeeze %dma_wait3A_508 : memref<1x80x128xf32, #tpu.memory_space<vmem>> -> memref<80x128xf32, #tpu.memory_space<vmem>>
    %dma_wait3A_510 = arith.constant 0 : i32
    %dma_wait3A_511 = tpu.memref_slice %arg5[%dma_wait3A_502, %dma_wait3A_503, %dma_wait3A_510] : memref<2x25x80xi32, #tpu.memory_space<vmem>> -> memref<1x1x80xi32, #tpu.memory_space<vmem>>
    %dma_wait3A_512 = tpu.memref_squeeze %dma_wait3A_511 : memref<1x1x80xi32, #tpu.memory_space<vmem>> -> memref<80xi32, #tpu.memory_space<vmem>>
    %dma_wait3A_513 = arith.constant 0 : i32
    %dma_wait3A_514 = arith.constant 0 : i32
    %dma_wait3A_515 = tpu.memref_slice %arg2[%dma_wait3A_513, %dma_wait3A_514] : memref<10000x128xf32, #tpu.memory_space<hbm>> -> memref<10000x128xf32, #tpu.memory_space<hbm>>
    %dma_wait3A_516 = tpu.memref_slice %arg9[%dma_wait3A_505] : memref<3x!tpu.dma_semaphore, #tpu.memory_space<semaphore_mem>> -> memref<1x!tpu.dma_semaphore, #tpu.memory_space<semaphore_mem>>
    %dma_wait3A_517 = tpu.memref_squeeze %dma_wait3A_516 : memref<1x!tpu.dma_semaphore, #tpu.memory_space<semaphore_mem>> -> memref<!tpu.dma_semaphore, #tpu.memory_space<semaphore_mem>>
    tpu.wait_indirect_dma semaphore(%dma_wait3A_517 : memref<!tpu.dma_semaphore, #tpu.memory_space<semaphore_mem>>) src(%dma_wait3A_515 : memref<10000x128xf32, #tpu.memory_space<hbm>>) dst(%dma_wait3A_509 : memref<80x128xf32, #tpu.memory_space<vmem>>)
    %run_scoped3A_518 = arith.constant 1 : i32
    %run_scoped3A_519 = arith.constant 1 : i32
    %run_scoped3A_520 = arith.constant 22 : i32
    "tpu.region"() ({
      %run_scoped3A_1223 = tpu.sem_alloc : memref<!tpu.dma_semaphore, #tpu.memory_space<semaphore_mem>>
      %dma_start3A_1224 = arith.constant 0 : i32
      %dma_start3A_1225 = arith.constant 0 : i32
      %dma_start3A_1226 = tpu.memref_slice %arg7[%run_scoped3A_518, %dma_start3A_1224, %dma_start3A_1225] : memref<3x80x128xf32, #tpu.memory_space<vmem>> -> memref<1x80x128xf32, #tpu.memory_space<vmem>>
      %dma_start3A_1227 = tpu.memref_squeeze %dma_start3A_1226 : memref<1x80x128xf32, #tpu.memory_space<vmem>> -> memref<80x128xf32, #tpu.memory_space<vmem>>
      %dma_start3A_1228 = arith.constant 0 : i32
      %dma_start3A_1229 = tpu.memref_slice %arg6[%run_scoped3A_519, %run_scoped3A_520, %dma_start3A_1228] : memref<2x25x80xi32, #tpu.memory_space<vmem>> -> memref<1x1x80xi32, #tpu.memory_space<vmem>>
      %dma_start3A_1230 = tpu.memref_squeeze %dma_start3A_1229 : memref<1x1x80xi32, #tpu.memory_space<vmem>> -> memref<80xi32, #tpu.memory_space<vmem>>
      %dma_start3A_1231 = arith.constant 0 : i32
      %dma_start3A_1232 = arith.constant 0 : i32
      %dma_start3A_1233 = tpu.memref_slice %arg8[%dma_start3A_1231, %dma_start3A_1232] : memref<10240x128xf32, #tpu.memory_space<vmem_shared>> -> memref<10240x128xf32, #tpu.memory_space<vmem_shared>>
      tpu.enqueue_indirect_dma source(%dma_start3A_1227 : memref<80x128xf32, #tpu.memory_space<vmem>>) target(%dma_start3A_1233 : memref<10240x128xf32, #tpu.memory_space<vmem_shared>>) offsets(%dma_start3A_1230 : memref<80xi32, #tpu.memory_space<vmem>>) semaphore(%run_scoped3A_1223 : memref<!tpu.dma_semaphore, #tpu.memory_space<semaphore_mem>>) {add = true}
      %dma_wait3A_1234 = arith.constant 0 : i32
      %dma_wait3A_1235 = arith.constant 0 : i32
      %dma_wait3A_1236 = tpu.memref_slice %arg7[%run_scoped3A_518, %dma_wait3A_1234, %dma_wait3A_1235] : memref<3x80x128xf32, #tpu.memory_space<vmem>> -> memref<1x80x128xf32, #tpu.memory_space<vmem>>
      %dma_wait3A_1237 = tpu.memref_squeeze %dma_wait3A_1236 : memref<1x80x128xf32, #tpu.memory_space<vmem>> -> memref<80x128xf32, #tpu.memory_space<vmem>>
      %dma_wait3A_1238 = arith.constant 0 : i32
      %dma_wait3A_1239 = tpu.memref_slice %arg6[%run_scoped3A_519, %run_scoped3A_520, %dma_wait3A_1238] : memref<2x25x80xi32, #tpu.memory_space<vmem>> -> memref<1x1x80xi32, #tpu.memory_space<vmem>>
      %dma_wait3A_1240 = tpu.memref_squeeze %dma_wait3A_1239 : memref<1x1x80xi32, #tpu.memory_space<vmem>> -> memref<80xi32, #tpu.memory_space<vmem>>
      %dma_wait3A_1241 = arith.constant 0 : i32
      %dma_wait3A_1242 = arith.constant 0 : i32
      %dma_wait3A_1243 = tpu.memref_slice %arg8[%dma_wait3A_1241, %dma_wait3A_1242] : memref<10240x128xf32, #tpu.memory_space<vmem_shared>> -> memref<10240x128xf32, #tpu.memory_space<vmem_shared>>
      tpu.wait_indirect_dma semaphore(%run_scoped3A_1223 : memref<!tpu.dma_semaphore, #tpu.memory_space<semaphore_mem>>) src(%dma_wait3A_1237 : memref<80x128xf32, #tpu.memory_space<vmem>>) dst(%dma_wait3A_1243 : memref<10240x128xf32, #tpu.memory_space<vmem_shared>>)
      tpu.yield
    }) : () -> ()
    %dma_wait3A_521 = arith.constant 1 : i32
    %dma_wait3A_522 = arith.constant 23 : i32
    %dma_wait3A_523 = arith.constant 2 : i32
    %dma_wait3A_524 = arith.constant 2 : i32
    %dma_wait3A_525 = arith.constant 0 : i32
    %dma_wait3A_526 = arith.constant 0 : i32
    %dma_wait3A_527 = tpu.memref_slice %arg7[%dma_wait3A_523, %dma_wait3A_525, %dma_wait3A_526] : memref<3x80x128xf32, #tpu.memory_space<vmem>> -> memref<1x80x128xf32, #tpu.memory_space<vmem>>
    %dma_wait3A_528 = tpu.memref_squeeze %dma_wait3A_527 : memref<1x80x128xf32, #tpu.memory_space<vmem>> -> memref<80x128xf32, #tpu.memory_space<vmem>>
    %dma_wait3A_529 = arith.constant 0 : i32
    %dma_wait3A_530 = tpu.memref_slice %arg5[%dma_wait3A_521, %dma_wait3A_522, %dma_wait3A_529] : memref<2x25x80xi32, #tpu.memory_space<vmem>> -> memref<1x1x80xi32, #tpu.memory_space<vmem>>
    %dma_wait3A_531 = tpu.memref_squeeze %dma_wait3A_530 : memref<1x1x80xi32, #tpu.memory_space<vmem>> -> memref<80xi32, #tpu.memory_space<vmem>>
    %dma_wait3A_532 = arith.constant 0 : i32
    %dma_wait3A_533 = arith.constant 0 : i32
    %dma_wait3A_534 = tpu.memref_slice %arg2[%dma_wait3A_532, %dma_wait3A_533] : memref<10000x128xf32, #tpu.memory_space<hbm>> -> memref<10000x128xf32, #tpu.memory_space<hbm>>
    %dma_wait3A_535 = tpu.memref_slice %arg9[%dma_wait3A_524] : memref<3x!tpu.dma_semaphore, #tpu.memory_space<semaphore_mem>> -> memref<1x!tpu.dma_semaphore, #tpu.memory_space<semaphore_mem>>
    %dma_wait3A_536 = tpu.memref_squeeze %dma_wait3A_535 : memref<1x!tpu.dma_semaphore, #tpu.memory_space<semaphore_mem>> -> memref<!tpu.dma_semaphore, #tpu.memory_space<semaphore_mem>>
    tpu.wait_indirect_dma semaphore(%dma_wait3A_536 : memref<!tpu.dma_semaphore, #tpu.memory_space<semaphore_mem>>) src(%dma_wait3A_534 : memref<10000x128xf32, #tpu.memory_space<hbm>>) dst(%dma_wait3A_528 : memref<80x128xf32, #tpu.memory_space<vmem>>)
    %run_scoped3A_537 = arith.constant 2 : i32
    %run_scoped3A_538 = arith.constant 1 : i32
    %run_scoped3A_539 = arith.constant 23 : i32
    "tpu.region"() ({
      %run_scoped3A_1223 = tpu.sem_alloc : memref<!tpu.dma_semaphore, #tpu.memory_space<semaphore_mem>>
      %dma_start3A_1224 = arith.constant 0 : i32
      %dma_start3A_1225 = arith.constant 0 : i32
      %dma_start3A_1226 = tpu.memref_slice %arg7[%run_scoped3A_537, %dma_start3A_1224, %dma_start3A_1225] : memref<3x80x128xf32, #tpu.memory_space<vmem>> -> memref<1x80x128xf32, #tpu.memory_space<vmem>>
      %dma_start3A_1227 = tpu.memref_squeeze %dma_start3A_1226 : memref<1x80x128xf32, #tpu.memory_space<vmem>> -> memref<80x128xf32, #tpu.memory_space<vmem>>
      %dma_start3A_1228 = arith.constant 0 : i32
      %dma_start3A_1229 = tpu.memref_slice %arg6[%run_scoped3A_538, %run_scoped3A_539, %dma_start3A_1228] : memref<2x25x80xi32, #tpu.memory_space<vmem>> -> memref<1x1x80xi32, #tpu.memory_space<vmem>>
      %dma_start3A_1230 = tpu.memref_squeeze %dma_start3A_1229 : memref<1x1x80xi32, #tpu.memory_space<vmem>> -> memref<80xi32, #tpu.memory_space<vmem>>
      %dma_start3A_1231 = arith.constant 0 : i32
      %dma_start3A_1232 = arith.constant 0 : i32
      %dma_start3A_1233 = tpu.memref_slice %arg8[%dma_start3A_1231, %dma_start3A_1232] : memref<10240x128xf32, #tpu.memory_space<vmem_shared>> -> memref<10240x128xf32, #tpu.memory_space<vmem_shared>>
      tpu.enqueue_indirect_dma source(%dma_start3A_1227 : memref<80x128xf32, #tpu.memory_space<vmem>>) target(%dma_start3A_1233 : memref<10240x128xf32, #tpu.memory_space<vmem_shared>>) offsets(%dma_start3A_1230 : memref<80xi32, #tpu.memory_space<vmem>>) semaphore(%run_scoped3A_1223 : memref<!tpu.dma_semaphore, #tpu.memory_space<semaphore_mem>>) {add = true}
      %dma_wait3A_1234 = arith.constant 0 : i32
      %dma_wait3A_1235 = arith.constant 0 : i32
      %dma_wait3A_1236 = tpu.memref_slice %arg7[%run_scoped3A_537, %dma_wait3A_1234, %dma_wait3A_1235] : memref<3x80x128xf32, #tpu.memory_space<vmem>> -> memref<1x80x128xf32, #tpu.memory_space<vmem>>
      %dma_wait3A_1237 = tpu.memref_squeeze %dma_wait3A_1236 : memref<1x80x128xf32, #tpu.memory_space<vmem>> -> memref<80x128xf32, #tpu.memory_space<vmem>>
      %dma_wait3A_1238 = arith.constant 0 : i32
      %dma_wait3A_1239 = tpu.memref_slice %arg6[%run_scoped3A_538, %run_scoped3A_539, %dma_wait3A_1238] : memref<2x25x80xi32, #tpu.memory_space<vmem>> -> memref<1x1x80xi32, #tpu.memory_space<vmem>>
      %dma_wait3A_1240 = tpu.memref_squeeze %dma_wait3A_1239 : memref<1x1x80xi32, #tpu.memory_space<vmem>> -> memref<80xi32, #tpu.memory_space<vmem>>
      %dma_wait3A_1241 = arith.constant 0 : i32
      %dma_wait3A_1242 = arith.constant 0 : i32
      %dma_wait3A_1243 = tpu.memref_slice %arg8[%dma_wait3A_1241, %dma_wait3A_1242] : memref<10240x128xf32, #tpu.memory_space<vmem_shared>> -> memref<10240x128xf32, #tpu.memory_space<vmem_shared>>
      tpu.wait_indirect_dma semaphore(%run_scoped3A_1223 : memref<!tpu.dma_semaphore, #tpu.memory_space<semaphore_mem>>) src(%dma_wait3A_1237 : memref<80x128xf32, #tpu.memory_space<vmem>>) dst(%dma_wait3A_1243 : memref<10240x128xf32, #tpu.memory_space<vmem_shared>>)
      tpu.yield
    }) : () -> ()
    %dma_wait3A_540 = arith.constant 1 : i32
    %dma_wait3A_541 = arith.constant 24 : i32
    %dma_wait3A_542 = arith.constant 0 : i32
    %dma_wait3A_543 = arith.constant 0 : i32
    %dma_wait3A_544 = arith.constant 0 : i32
    %dma_wait3A_545 = arith.constant 0 : i32
    %dma_wait3A_546 = tpu.memref_slice %arg7[%dma_wait3A_542, %dma_wait3A_544, %dma_wait3A_545] : memref<3x80x128xf32, #tpu.memory_space<vmem>> -> memref<1x80x128xf32, #tpu.memory_space<vmem>>
    %dma_wait3A_547 = tpu.memref_squeeze %dma_wait3A_546 : memref<1x80x128xf32, #tpu.memory_space<vmem>> -> memref<80x128xf32, #tpu.memory_space<vmem>>
    %dma_wait3A_548 = arith.constant 0 : i32
    %dma_wait3A_549 = tpu.memref_slice %arg5[%dma_wait3A_540, %dma_wait3A_541, %dma_wait3A_548] : memref<2x25x80xi32, #tpu.memory_space<vmem>> -> memref<1x1x80xi32, #tpu.memory_space<vmem>>
    %dma_wait3A_550 = tpu.memref_squeeze %dma_wait3A_549 : memref<1x1x80xi32, #tpu.memory_space<vmem>> -> memref<80xi32, #tpu.memory_space<vmem>>
    %dma_wait3A_551 = arith.constant 0 : i32
    %dma_wait3A_552 = arith.constant 0 : i32
    %dma_wait3A_553 = tpu.memref_slice %arg2[%dma_wait3A_551, %dma_wait3A_552] : memref<10000x128xf32, #tpu.memory_space<hbm>> -> memref<10000x128xf32, #tpu.memory_space<hbm>>
    %dma_wait3A_554 = tpu.memref_slice %arg9[%dma_wait3A_543] : memref<3x!tpu.dma_semaphore, #tpu.memory_space<semaphore_mem>> -> memref<1x!tpu.dma_semaphore, #tpu.memory_space<semaphore_mem>>
    %dma_wait3A_555 = tpu.memref_squeeze %dma_wait3A_554 : memref<1x!tpu.dma_semaphore, #tpu.memory_space<semaphore_mem>> -> memref<!tpu.dma_semaphore, #tpu.memory_space<semaphore_mem>>
    tpu.wait_indirect_dma semaphore(%dma_wait3A_555 : memref<!tpu.dma_semaphore, #tpu.memory_space<semaphore_mem>>) src(%dma_wait3A_553 : memref<10000x128xf32, #tpu.memory_space<hbm>>) dst(%dma_wait3A_547 : memref<80x128xf32, #tpu.memory_space<vmem>>)
    %run_scoped3A_556 = arith.constant 0 : i32
    %run_scoped3A_557 = arith.constant 1 : i32
    %run_scoped3A_558 = arith.constant 24 : i32
    "tpu.region"() ({
      %run_scoped3A_1223 = tpu.sem_alloc : memref<!tpu.dma_semaphore, #tpu.memory_space<semaphore_mem>>
      %dma_start3A_1224 = arith.constant 0 : i32
      %dma_start3A_1225 = arith.constant 0 : i32
      %dma_start3A_1226 = tpu.memref_slice %arg7[%run_scoped3A_556, %dma_start3A_1224, %dma_start3A_1225] : memref<3x80x128xf32, #tpu.memory_space<vmem>> -> memref<1x80x128xf32, #tpu.memory_space<vmem>>
      %dma_start3A_1227 = tpu.memref_squeeze %dma_start3A_1226 : memref<1x80x128xf32, #tpu.memory_space<vmem>> -> memref<80x128xf32, #tpu.memory_space<vmem>>
      %dma_start3A_1228 = arith.constant 0 : i32
      %dma_start3A_1229 = tpu.memref_slice %arg6[%run_scoped3A_557, %run_scoped3A_558, %dma_start3A_1228] : memref<2x25x80xi32, #tpu.memory_space<vmem>> -> memref<1x1x80xi32, #tpu.memory_space<vmem>>
      %dma_start3A_1230 = tpu.memref_squeeze %dma_start3A_1229 : memref<1x1x80xi32, #tpu.memory_space<vmem>> -> memref<80xi32, #tpu.memory_space<vmem>>
      %dma_start3A_1231 = arith.constant 0 : i32
      %dma_start3A_1232 = arith.constant 0 : i32
      %dma_start3A_1233 = tpu.memref_slice %arg8[%dma_start3A_1231, %dma_start3A_1232] : memref<10240x128xf32, #tpu.memory_space<vmem_shared>> -> memref<10240x128xf32, #tpu.memory_space<vmem_shared>>
      tpu.enqueue_indirect_dma source(%dma_start3A_1227 : memref<80x128xf32, #tpu.memory_space<vmem>>) target(%dma_start3A_1233 : memref<10240x128xf32, #tpu.memory_space<vmem_shared>>) offsets(%dma_start3A_1230 : memref<80xi32, #tpu.memory_space<vmem>>) semaphore(%run_scoped3A_1223 : memref<!tpu.dma_semaphore, #tpu.memory_space<semaphore_mem>>) {add = true}
      %dma_wait3A_1234 = arith.constant 0 : i32
      %dma_wait3A_1235 = arith.constant 0 : i32
      %dma_wait3A_1236 = tpu.memref_slice %arg7[%run_scoped3A_556, %dma_wait3A_1234, %dma_wait3A_1235] : memref<3x80x128xf32, #tpu.memory_space<vmem>> -> memref<1x80x128xf32, #tpu.memory_space<vmem>>
      %dma_wait3A_1237 = tpu.memref_squeeze %dma_wait3A_1236 : memref<1x80x128xf32, #tpu.memory_space<vmem>> -> memref<80x128xf32, #tpu.memory_space<vmem>>
      %dma_wait3A_1238 = arith.constant 0 : i32
      %dma_wait3A_1239 = tpu.memref_slice %arg6[%run_scoped3A_557, %run_scoped3A_558, %dma_wait3A_1238] : memref<2x25x80xi32, #tpu.memory_space<vmem>> -> memref<1x1x80xi32, #tpu.memory_space<vmem>>
      %dma_wait3A_1240 = tpu.memref_squeeze %dma_wait3A_1239 : memref<1x1x80xi32, #tpu.memory_space<vmem>> -> memref<80xi32, #tpu.memory_space<vmem>>
      %dma_wait3A_1241 = arith.constant 0 : i32
      %dma_wait3A_1242 = arith.constant 0 : i32
      %dma_wait3A_1243 = tpu.memref_slice %arg8[%dma_wait3A_1241, %dma_wait3A_1242] : memref<10240x128xf32, #tpu.memory_space<vmem_shared>> -> memref<10240x128xf32, #tpu.memory_space<vmem_shared>>
      tpu.wait_indirect_dma semaphore(%run_scoped3A_1223 : memref<!tpu.dma_semaphore, #tpu.memory_space<semaphore_mem>>) src(%dma_wait3A_1237 : memref<80x128xf32, #tpu.memory_space<vmem>>) dst(%dma_wait3A_1243 : memref<10240x128xf32, #tpu.memory_space<vmem_shared>>)
      tpu.yield
    }) : () -> ()
    %dma_wait3A_559 = arith.constant 0 : i32
    %dma_wait3A_560 = arith.constant 0 : i32
    %dma_wait3A_561 = arith.constant 0 : i32
    %dma_wait3A_562 = arith.constant 0 : i32
    "tpu.trace_stop"() : () -> ()
    "tpu.trace_start"() <{level = 10 : i32, message = "idx_stage"}> : () -> ()
    %dma_wait3A_563 = arith.constant 0 : i32
    %dma_wait3A_564 = arith.constant 0 : i32
    %dma_wait3A_565 = tpu.memref_slice %arg5[%dma_wait3A_561, %dma_wait3A_563, %dma_wait3A_564] : memref<2x25x80xi32, #tpu.memory_space<vmem>> -> memref<1x25x80xi32, #tpu.memory_space<vmem>>
    %dma_wait3A_566 = tpu.memref_squeeze %dma_wait3A_565 : memref<1x25x80xi32, #tpu.memory_space<vmem>> -> memref<25x80xi32, #tpu.memory_space<vmem>>
    %dma_wait3A_567 = arith.constant 0 : i32
    %dma_wait3A_568 = arith.constant 0 : i32
    %dma_wait3A_569 = tpu.memref_slice %arg3[%dma_wait3A_559, %add3A, %dma_wait3A_560, %dma_wait3A_567, %dma_wait3A_568] : memref<2x32x5x25x80xi32, #tpu.memory_space<hbm>> -> memref<1x1x1x25x80xi32, #tpu.memory_space<hbm>>
    %dma_wait3A_570 = tpu.memref_squeeze %dma_wait3A_569 : memref<1x1x1x25x80xi32, #tpu.memory_space<hbm>> -> memref<25x80xi32, #tpu.memory_space<hbm>>
    %dma_wait3A_571 = tpu.memref_slice %arg10[%dma_wait3A_562] : memref<2x!tpu.dma_semaphore, #tpu.memory_space<semaphore_mem>> -> memref<1x!tpu.dma_semaphore, #tpu.memory_space<semaphore_mem>>
    %dma_wait3A_572 = tpu.memref_squeeze %dma_wait3A_571 : memref<1x!tpu.dma_semaphore, #tpu.memory_space<semaphore_mem>> -> memref<!tpu.dma_semaphore, #tpu.memory_space<semaphore_mem>>
    %dma_wait3A_573 = arith.constant 0 : i32
    %dma_wait3A_574 = arith.constant 0 : i32
    %dma_wait3A_575 = tpu.memref_slice %arg5[%dma_wait3A_561, %dma_wait3A_573, %dma_wait3A_574] : memref<2x25x80xi32, #tpu.memory_space<vmem>> -> memref<1x25x80xi32, #tpu.memory_space<vmem>>
    %dma_wait3A_576 = tpu.memref_squeeze %dma_wait3A_575 : memref<1x25x80xi32, #tpu.memory_space<vmem>> -> memref<25x80xi32, #tpu.memory_space<vmem>>
    %dma_wait3A_577 = arith.constant 0 : i32
    %dma_wait3A_578 = arith.constant 0 : i32
    %dma_wait3A_579 = tpu.memref_slice %arg3[%dma_wait3A_559, %add3A, %dma_wait3A_560, %dma_wait3A_577, %dma_wait3A_578] : memref<2x32x5x25x80xi32, #tpu.memory_space<hbm>> -> memref<1x1x1x25x80xi32, #tpu.memory_space<hbm>>
    %dma_wait3A_580 = tpu.memref_squeeze %dma_wait3A_579 : memref<1x1x1x25x80xi32, #tpu.memory_space<hbm>> -> memref<25x80xi32, #tpu.memory_space<hbm>>
    tpu.wait_dma2 semaphore(%dma_wait3A_572 : memref<!tpu.dma_semaphore, #tpu.memory_space<semaphore_mem>>) src(%dma_wait3A_580 : memref<25x80xi32, #tpu.memory_space<hbm>>) dst(%dma_wait3A_576 : memref<25x80xi32, #tpu.memory_space<vmem>>)
    %dma_wait3A_581 = arith.constant 1 : i32
    %dma_wait3A_582 = arith.constant 0 : i32
    %dma_wait3A_583 = arith.constant 0 : i32
    %dma_wait3A_584 = arith.constant 0 : i32
    %dma_wait3A_585 = arith.constant 0 : i32
    %dma_wait3A_586 = arith.constant 0 : i32
    %dma_wait3A_587 = tpu.memref_slice %arg6[%dma_wait3A_583, %dma_wait3A_585, %dma_wait3A_586] : memref<2x25x80xi32, #tpu.memory_space<vmem>> -> memref<1x25x80xi32, #tpu.memory_space<vmem>>
    %dma_wait3A_588 = tpu.memref_squeeze %dma_wait3A_587 : memref<1x25x80xi32, #tpu.memory_space<vmem>> -> memref<25x80xi32, #tpu.memory_space<vmem>>
    %dma_wait3A_589 = arith.constant 0 : i32
    %dma_wait3A_590 = arith.constant 0 : i32
    %dma_wait3A_591 = tpu.memref_slice %arg3[%dma_wait3A_581, %add3A, %dma_wait3A_582, %dma_wait3A_589, %dma_wait3A_590] : memref<2x32x5x25x80xi32, #tpu.memory_space<hbm>> -> memref<1x1x1x25x80xi32, #tpu.memory_space<hbm>>
    %dma_wait3A_592 = tpu.memref_squeeze %dma_wait3A_591 : memref<1x1x1x25x80xi32, #tpu.memory_space<hbm>> -> memref<25x80xi32, #tpu.memory_space<hbm>>
    %dma_wait3A_593 = tpu.memref_slice %arg10[%dma_wait3A_584] : memref<2x!tpu.dma_semaphore, #tpu.memory_space<semaphore_mem>> -> memref<1x!tpu.dma_semaphore, #tpu.memory_space<semaphore_mem>>
    %dma_wait3A_594 = tpu.memref_squeeze %dma_wait3A_593 : memref<1x!tpu.dma_semaphore, #tpu.memory_space<semaphore_mem>> -> memref<!tpu.dma_semaphore, #tpu.memory_space<semaphore_mem>>
    %dma_wait3A_595 = arith.constant 0 : i32
    %dma_wait3A_596 = arith.constant 0 : i32
    %dma_wait3A_597 = tpu.memref_slice %arg6[%dma_wait3A_583, %dma_wait3A_595, %dma_wait3A_596] : memref<2x25x80xi32, #tpu.memory_space<vmem>> -> memref<1x25x80xi32, #tpu.memory_space<vmem>>
    %dma_wait3A_598 = tpu.memref_squeeze %dma_wait3A_597 : memref<1x25x80xi32, #tpu.memory_space<vmem>> -> memref<25x80xi32, #tpu.memory_space<vmem>>
    %dma_wait3A_599 = arith.constant 0 : i32
    %dma_wait3A_600 = arith.constant 0 : i32
    %dma_wait3A_601 = tpu.memref_slice %arg3[%dma_wait3A_581, %add3A, %dma_wait3A_582, %dma_wait3A_599, %dma_wait3A_600] : memref<2x32x5x25x80xi32, #tpu.memory_space<hbm>> -> memref<1x1x1x25x80xi32, #tpu.memory_space<hbm>>
    %dma_wait3A_602 = tpu.memref_squeeze %dma_wait3A_601 : memref<1x1x1x25x80xi32, #tpu.memory_space<hbm>> -> memref<25x80xi32, #tpu.memory_space<hbm>>
    tpu.wait_dma2 semaphore(%dma_wait3A_594 : memref<!tpu.dma_semaphore, #tpu.memory_space<semaphore_mem>>) src(%dma_wait3A_602 : memref<25x80xi32, #tpu.memory_space<hbm>>) dst(%dma_wait3A_598 : memref<25x80xi32, #tpu.memory_space<vmem>>)
    %dma_start3A_603 = arith.constant 0 : i32
    %dma_start3A_604 = arith.constant 3 : i32
    %dma_start3A_605 = arith.constant 1 : i32
    %dma_start3A_606 = arith.constant 1 : i32
    %dma_start3A_607 = arith.constant 0 : i32
    %dma_start3A_608 = arith.constant 0 : i32
    %dma_start3A_609 = tpu.memref_slice %arg5[%dma_start3A_605, %dma_start3A_607, %dma_start3A_608] : memref<2x25x80xi32, #tpu.memory_space<vmem>> -> memref<1x25x80xi32, #tpu.memory_space<vmem>>
    %dma_start3A_610 = tpu.memref_squeeze %dma_start3A_609 : memref<1x25x80xi32, #tpu.memory_space<vmem>> -> memref<25x80xi32, #tpu.memory_space<vmem>>
    %dma_start3A_611 = arith.constant 0 : i32
    %dma_start3A_612 = arith.constant 0 : i32
    %dma_start3A_613 = tpu.memref_slice %arg3[%dma_start3A_603, %add3A, %dma_start3A_604, %dma_start3A_611, %dma_start3A_612] : memref<2x32x5x25x80xi32, #tpu.memory_space<hbm>> -> memref<1x1x1x25x80xi32, #tpu.memory_space<hbm>>
    %dma_start3A_614 = tpu.memref_squeeze %dma_start3A_613 : memref<1x1x1x25x80xi32, #tpu.memory_space<hbm>> -> memref<25x80xi32, #tpu.memory_space<hbm>>
    %dma_start3A_615 = tpu.memref_slice %arg10[%dma_start3A_606] : memref<2x!tpu.dma_semaphore, #tpu.memory_space<semaphore_mem>> -> memref<1x!tpu.dma_semaphore, #tpu.memory_space<semaphore_mem>>
    %dma_start3A_616 = tpu.memref_squeeze %dma_start3A_615 : memref<1x!tpu.dma_semaphore, #tpu.memory_space<semaphore_mem>> -> memref<!tpu.dma_semaphore, #tpu.memory_space<semaphore_mem>>
    %dma_start3A_617 = arith.constant 0 : i32
    %dma_start3A_618 = arith.constant 0 : i32
    %dma_start3A_619 = tpu.memref_slice %arg5[%dma_start3A_605, %dma_start3A_617, %dma_start3A_618] : memref<2x25x80xi32, #tpu.memory_space<vmem>> -> memref<1x25x80xi32, #tpu.memory_space<vmem>>
    %dma_start3A_620 = tpu.memref_squeeze %dma_start3A_619 : memref<1x25x80xi32, #tpu.memory_space<vmem>> -> memref<25x80xi32, #tpu.memory_space<vmem>>
    %dma_start3A_621 = arith.constant 0 : i32
    %dma_start3A_622 = arith.constant 0 : i32
    %dma_start3A_623 = tpu.memref_slice %arg3[%dma_start3A_603, %add3A, %dma_start3A_604, %dma_start3A_621, %dma_start3A_622] : memref<2x32x5x25x80xi32, #tpu.memory_space<hbm>> -> memref<1x1x1x25x80xi32, #tpu.memory_space<hbm>>
    %dma_start3A_624 = tpu.memref_squeeze %dma_start3A_623 : memref<1x1x1x25x80xi32, #tpu.memory_space<hbm>> -> memref<25x80xi32, #tpu.memory_space<hbm>>
    tpu.enqueue_dma source(%dma_start3A_624 : memref<25x80xi32, #tpu.memory_space<hbm>>) target(%dma_start3A_620 : memref<25x80xi32, #tpu.memory_space<vmem>>) target_semaphore(%dma_start3A_616 : memref<!tpu.dma_semaphore, #tpu.memory_space<semaphore_mem>>)
    %dma_start3A_625 = arith.constant 1 : i32
    %dma_start3A_626 = arith.constant 3 : i32
    %dma_start3A_627 = arith.constant 1 : i32
    %dma_start3A_628 = arith.constant 1 : i32
    %dma_start3A_629 = arith.constant 0 : i32
    %dma_start3A_630 = arith.constant 0 : i32
    %dma_start3A_631 = tpu.memref_slice %arg6[%dma_start3A_627, %dma_start3A_629, %dma_start3A_630] : memref<2x25x80xi32, #tpu.memory_space<vmem>> -> memref<1x25x80xi32, #tpu.memory_space<vmem>>
    %dma_start3A_632 = tpu.memref_squeeze %dma_start3A_631 : memref<1x25x80xi32, #tpu.memory_space<vmem>> -> memref<25x80xi32, #tpu.memory_space<vmem>>
    %dma_start3A_633 = arith.constant 0 : i32
    %dma_start3A_634 = arith.constant 0 : i32
    %dma_start3A_635 = tpu.memref_slice %arg3[%dma_start3A_625, %add3A, %dma_start3A_626, %dma_start3A_633, %dma_start3A_634] : memref<2x32x5x25x80xi32, #tpu.memory_space<hbm>> -> memref<1x1x1x25x80xi32, #tpu.memory_space<hbm>>
    %dma_start3A_636 = tpu.memref_squeeze %dma_start3A_635 : memref<1x1x1x25x80xi32, #tpu.memory_space<hbm>> -> memref<25x80xi32, #tpu.memory_space<hbm>>
    %dma_start3A_637 = tpu.memref_slice %arg10[%dma_start3A_628] : memref<2x!tpu.dma_semaphore, #tpu.memory_space<semaphore_mem>> -> memref<1x!tpu.dma_semaphore, #tpu.memory_space<semaphore_mem>>
    %dma_start3A_638 = tpu.memref_squeeze %dma_start3A_637 : memref<1x!tpu.dma_semaphore, #tpu.memory_space<semaphore_mem>> -> memref<!tpu.dma_semaphore, #tpu.memory_space<semaphore_mem>>
    %dma_start3A_639 = arith.constant 0 : i32
    %dma_start3A_640 = arith.constant 0 : i32
    %dma_start3A_641 = tpu.memref_slice %arg6[%dma_start3A_627, %dma_start3A_639, %dma_start3A_640] : memref<2x25x80xi32, #tpu.memory_space<vmem>> -> memref<1x25x80xi32, #tpu.memory_space<vmem>>
    %dma_start3A_642 = tpu.memref_squeeze %dma_start3A_641 : memref<1x25x80xi32, #tpu.memory_space<vmem>> -> memref<25x80xi32, #tpu.memory_space<vmem>>
    %dma_start3A_643 = arith.constant 0 : i32
    %dma_start3A_644 = arith.constant 0 : i32
    %dma_start3A_645 = tpu.memref_slice %arg3[%dma_start3A_625, %add3A, %dma_start3A_626, %dma_start3A_643, %dma_start3A_644] : memref<2x32x5x25x80xi32, #tpu.memory_space<hbm>> -> memref<1x1x1x25x80xi32, #tpu.memory_space<hbm>>
    %dma_start3A_646 = tpu.memref_squeeze %dma_start3A_645 : memref<1x1x1x25x80xi32, #tpu.memory_space<hbm>> -> memref<25x80xi32, #tpu.memory_space<hbm>>
    tpu.enqueue_dma source(%dma_start3A_646 : memref<25x80xi32, #tpu.memory_space<hbm>>) target(%dma_start3A_642 : memref<25x80xi32, #tpu.memory_space<vmem>>) target_semaphore(%dma_start3A_638 : memref<!tpu.dma_semaphore, #tpu.memory_space<semaphore_mem>>)
    %dma_start3A_647 = arith.constant 0 : i32
    %dma_start3A_648 = arith.constant 0 : i32
    %dma_start3A_649 = arith.constant 0 : i32
    %dma_start3A_650 = arith.constant 0 : i32
    "tpu.trace_stop"() : () -> ()
    "tpu.trace_start"() <{level = 10 : i32, message = "edge_loop"}> : () -> ()
    %dma_start3A_651 = arith.constant 0 : i32
    %dma_start3A_652 = arith.constant 0 : i32
    %dma_start3A_653 = tpu.memref_slice %arg7[%dma_start3A_649, %dma_start3A_651, %dma_start3A_652] : memref<3x80x128xf32, #tpu.memory_space<vmem>> -> memref<1x80x128xf32, #tpu.memory_space<vmem>>
    %dma_start3A_654 = tpu.memref_squeeze %dma_start3A_653 : memref<1x80x128xf32, #tpu.memory_space<vmem>> -> memref<80x128xf32, #tpu.memory_space<vmem>>
    %dma_start3A_655 = arith.constant 0 : i32
    %dma_start3A_656 = tpu.memref_slice %arg5[%dma_start3A_647, %dma_start3A_648, %dma_start3A_655] : memref<2x25x80xi32, #tpu.memory_space<vmem>> -> memref<1x1x80xi32, #tpu.memory_space<vmem>>
    %dma_start3A_657 = tpu.memref_squeeze %dma_start3A_656 : memref<1x1x80xi32, #tpu.memory_space<vmem>> -> memref<80xi32, #tpu.memory_space<vmem>>
    %dma_start3A_658 = arith.constant 0 : i32
    %dma_start3A_659 = arith.constant 0 : i32
    %dma_start3A_660 = tpu.memref_slice %arg2[%dma_start3A_658, %dma_start3A_659] : memref<10000x128xf32, #tpu.memory_space<hbm>> -> memref<10000x128xf32, #tpu.memory_space<hbm>>
    %dma_start3A_661 = tpu.memref_slice %arg9[%dma_start3A_650] : memref<3x!tpu.dma_semaphore, #tpu.memory_space<semaphore_mem>> -> memref<1x!tpu.dma_semaphore, #tpu.memory_space<semaphore_mem>>
    %dma_start3A_662 = tpu.memref_squeeze %dma_start3A_661 : memref<1x!tpu.dma_semaphore, #tpu.memory_space<semaphore_mem>> -> memref<!tpu.dma_semaphore, #tpu.memory_space<semaphore_mem>>
    tpu.enqueue_indirect_dma source(%dma_start3A_660 : memref<10000x128xf32, #tpu.memory_space<hbm>>) target(%dma_start3A_654 : memref<80x128xf32, #tpu.memory_space<vmem>>) offsets(%dma_start3A_657 : memref<80xi32, #tpu.memory_space<vmem>>) semaphore(%dma_start3A_662 : memref<!tpu.dma_semaphore, #tpu.memory_space<semaphore_mem>>)
    %dma_start3A_663 = arith.constant 0 : i32
    %dma_start3A_664 = arith.constant 1 : i32
    %dma_start3A_665 = arith.constant 1 : i32
    %dma_start3A_666 = arith.constant 1 : i32
    %dma_start3A_667 = arith.constant 0 : i32
    %dma_start3A_668 = arith.constant 0 : i32
    %dma_start3A_669 = tpu.memref_slice %arg7[%dma_start3A_665, %dma_start3A_667, %dma_start3A_668] : memref<3x80x128xf32, #tpu.memory_space<vmem>> -> memref<1x80x128xf32, #tpu.memory_space<vmem>>
    %dma_start3A_670 = tpu.memref_squeeze %dma_start3A_669 : memref<1x80x128xf32, #tpu.memory_space<vmem>> -> memref<80x128xf32, #tpu.memory_space<vmem>>
    %dma_start3A_671 = arith.constant 0 : i32
    %dma_start3A_672 = tpu.memref_slice %arg5[%dma_start3A_663, %dma_start3A_664, %dma_start3A_671] : memref<2x25x80xi32, #tpu.memory_space<vmem>> -> memref<1x1x80xi32, #tpu.memory_space<vmem>>
    %dma_start3A_673 = tpu.memref_squeeze %dma_start3A_672 : memref<1x1x80xi32, #tpu.memory_space<vmem>> -> memref<80xi32, #tpu.memory_space<vmem>>
    %dma_start3A_674 = arith.constant 0 : i32
    %dma_start3A_675 = arith.constant 0 : i32
    %dma_start3A_676 = tpu.memref_slice %arg2[%dma_start3A_674, %dma_start3A_675] : memref<10000x128xf32, #tpu.memory_space<hbm>> -> memref<10000x128xf32, #tpu.memory_space<hbm>>
    %dma_start3A_677 = tpu.memref_slice %arg9[%dma_start3A_666] : memref<3x!tpu.dma_semaphore, #tpu.memory_space<semaphore_mem>> -> memref<1x!tpu.dma_semaphore, #tpu.memory_space<semaphore_mem>>
    %dma_start3A_678 = tpu.memref_squeeze %dma_start3A_677 : memref<1x!tpu.dma_semaphore, #tpu.memory_space<semaphore_mem>> -> memref<!tpu.dma_semaphore, #tpu.memory_space<semaphore_mem>>
    tpu.enqueue_indirect_dma source(%dma_start3A_676 : memref<10000x128xf32, #tpu.memory_space<hbm>>) target(%dma_start3A_670 : memref<80x128xf32, #tpu.memory_space<vmem>>) offsets(%dma_start3A_673 : memref<80xi32, #tpu.memory_space<vmem>>) semaphore(%dma_start3A_678 : memref<!tpu.dma_semaphore, #tpu.memory_space<semaphore_mem>>)
    %dma_start3A_679 = arith.constant 0 : i32
    %dma_start3A_680 = arith.constant 2 : i32
    %dma_start3A_681 = arith.constant 2 : i32
    %dma_start3A_682 = arith.constant 2 : i32
    %dma_start3A_683 = arith.constant 0 : i32
    %dma_start3A_684 = arith.constant 0 : i32
    %dma_start3A_685 = tpu.memref_slice %arg7[%dma_start3A_681, %dma_start3A_683, %dma_start3A_684] : memref<3x80x128xf32, #tpu.memory_space<vmem>> -> memref<1x80x128xf32, #tpu.memory_space<vmem>>
    %dma_start3A_686 = tpu.memref_squeeze %dma_start3A_685 : memref<1x80x128xf32, #tpu.memory_space<vmem>> -> memref<80x128xf32, #tpu.memory_space<vmem>>
    %dma_start3A_687 = arith.constant 0 : i32
    %dma_start3A_688 = tpu.memref_slice %arg5[%dma_start3A_679, %dma_start3A_680, %dma_start3A_687] : memref<2x25x80xi32, #tpu.memory_space<vmem>> -> memref<1x1x80xi32, #tpu.memory_space<vmem>>
    %dma_start3A_689 = tpu.memref_squeeze %dma_start3A_688 : memref<1x1x80xi32, #tpu.memory_space<vmem>> -> memref<80xi32, #tpu.memory_space<vmem>>
    %dma_start3A_690 = arith.constant 0 : i32
    %dma_start3A_691 = arith.constant 0 : i32
    %dma_start3A_692 = tpu.memref_slice %arg2[%dma_start3A_690, %dma_start3A_691] : memref<10000x128xf32, #tpu.memory_space<hbm>> -> memref<10000x128xf32, #tpu.memory_space<hbm>>
    %dma_start3A_693 = tpu.memref_slice %arg9[%dma_start3A_682] : memref<3x!tpu.dma_semaphore, #tpu.memory_space<semaphore_mem>> -> memref<1x!tpu.dma_semaphore, #tpu.memory_space<semaphore_mem>>
    %dma_start3A_694 = tpu.memref_squeeze %dma_start3A_693 : memref<1x!tpu.dma_semaphore, #tpu.memory_space<semaphore_mem>> -> memref<!tpu.dma_semaphore, #tpu.memory_space<semaphore_mem>>
    tpu.enqueue_indirect_dma source(%dma_start3A_692 : memref<10000x128xf32, #tpu.memory_space<hbm>>) target(%dma_start3A_686 : memref<80x128xf32, #tpu.memory_space<vmem>>) offsets(%dma_start3A_689 : memref<80xi32, #tpu.memory_space<vmem>>) semaphore(%dma_start3A_694 : memref<!tpu.dma_semaphore, #tpu.memory_space<semaphore_mem>>)
    %scan3A_695 = arith.constant 0 : i32
    %scan3A_696 = arith.constant 0 : i32
    %scan3A_697 = arith.constant 7 : i32
    %scan3A_698 = arith.addi %scan3A_696, %scan3A_697 : i32
    %scan3A_699 = arith.constant 1 : i32
    %scan3A_700 = scf.for %scan3A_1223 = %scan3A_696 to %scan3A_698 step %scan3A_699 iter_args(%scan3A_1224 = %scan3A_695) -> (i32)  : i32 {
      %mul3A_1225 = arith.constant 3 : i32
      %mul3A_1226 = arith.muli %scan3A_1223, %mul3A_1225 : i32
      %add3A_1227 = arith.constant 0 : i32
      %add3A_1228 = arith.addi %mul3A_1226, %add3A_1227 : i32
      %dma_wait3A_1229 = arith.constant 0 : i32
      %dma_wait3A_1230 = arith.constant 0 : i32
      %dma_wait3A_1231 = arith.constant 0 : i32
      %dma_wait3A_1232 = arith.constant 0 : i32
      %dma_wait3A_1233 = arith.constant 0 : i32
      %dma_wait3A_1234 = tpu.memref_slice %arg7[%dma_wait3A_1230, %dma_wait3A_1232, %dma_wait3A_1233] : memref<3x80x128xf32, #tpu.memory_space<vmem>> -> memref<1x80x128xf32, #tpu.memory_space<vmem>>
      %dma_wait3A_1235 = tpu.memref_squeeze %dma_wait3A_1234 : memref<1x80x128xf32, #tpu.memory_space<vmem>> -> memref<80x128xf32, #tpu.memory_space<vmem>>
      %dma_wait3A_1236 = arith.constant 0 : i32
      %dma_wait3A_1237 = tpu.memref_slice %arg5[%dma_wait3A_1229, %add3A_1228, %dma_wait3A_1236] : memref<2x25x80xi32, #tpu.memory_space<vmem>> -> memref<1x1x80xi32, #tpu.memory_space<vmem>>
      %dma_wait3A_1238 = tpu.memref_squeeze %dma_wait3A_1237 : memref<1x1x80xi32, #tpu.memory_space<vmem>> -> memref<80xi32, #tpu.memory_space<vmem>>
      %dma_wait3A_1239 = arith.constant 0 : i32
      %dma_wait3A_1240 = arith.constant 0 : i32
      %dma_wait3A_1241 = tpu.memref_slice %arg2[%dma_wait3A_1239, %dma_wait3A_1240] : memref<10000x128xf32, #tpu.memory_space<hbm>> -> memref<10000x128xf32, #tpu.memory_space<hbm>>
      %dma_wait3A_1242 = tpu.memref_slice %arg9[%dma_wait3A_1231] : memref<3x!tpu.dma_semaphore, #tpu.memory_space<semaphore_mem>> -> memref<1x!tpu.dma_semaphore, #tpu.memory_space<semaphore_mem>>
      %dma_wait3A_1243 = tpu.memref_squeeze %dma_wait3A_1242 : memref<1x!tpu.dma_semaphore, #tpu.memory_space<semaphore_mem>> -> memref<!tpu.dma_semaphore, #tpu.memory_space<semaphore_mem>>
      tpu.wait_indirect_dma semaphore(%dma_wait3A_1243 : memref<!tpu.dma_semaphore, #tpu.memory_space<semaphore_mem>>) src(%dma_wait3A_1241 : memref<10000x128xf32, #tpu.memory_space<hbm>>) dst(%dma_wait3A_1235 : memref<80x128xf32, #tpu.memory_space<vmem>>)
      %run_scoped3A_1244 = arith.constant 0 : i32
      %run_scoped3A_1245 = arith.constant 0 : i32
      "tpu.region"() ({
        %run_scoped3A_1340 = tpu.sem_alloc : memref<!tpu.dma_semaphore, #tpu.memory_space<semaphore_mem>>
        %dma_start3A_1341 = arith.constant 0 : i32
        %dma_start3A_1342 = arith.constant 0 : i32
        %dma_start3A_1343 = tpu.memref_slice %arg7[%run_scoped3A_1244, %dma_start3A_1341, %dma_start3A_1342] : memref<3x80x128xf32, #tpu.memory_space<vmem>> -> memref<1x80x128xf32, #tpu.memory_space<vmem>>
        %dma_start3A_1344 = tpu.memref_squeeze %dma_start3A_1343 : memref<1x80x128xf32, #tpu.memory_space<vmem>> -> memref<80x128xf32, #tpu.memory_space<vmem>>
        %dma_start3A_1345 = arith.constant 0 : i32
        %dma_start3A_1346 = tpu.memref_slice %arg6[%run_scoped3A_1245, %add3A_1228, %dma_start3A_1345] : memref<2x25x80xi32, #tpu.memory_space<vmem>> -> memref<1x1x80xi32, #tpu.memory_space<vmem>>
        %dma_start3A_1347 = tpu.memref_squeeze %dma_start3A_1346 : memref<1x1x80xi32, #tpu.memory_space<vmem>> -> memref<80xi32, #tpu.memory_space<vmem>>
        %dma_start3A_1348 = arith.constant 0 : i32
        %dma_start3A_1349 = arith.constant 0 : i32
        %dma_start3A_1350 = tpu.memref_slice %arg8[%dma_start3A_1348, %dma_start3A_1349] : memref<10240x128xf32, #tpu.memory_space<vmem_shared>> -> memref<10240x128xf32, #tpu.memory_space<vmem_shared>>
        tpu.enqueue_indirect_dma source(%dma_start3A_1344 : memref<80x128xf32, #tpu.memory_space<vmem>>) target(%dma_start3A_1350 : memref<10240x128xf32, #tpu.memory_space<vmem_shared>>) offsets(%dma_start3A_1347 : memref<80xi32, #tpu.memory_space<vmem>>) semaphore(%run_scoped3A_1340 : memref<!tpu.dma_semaphore, #tpu.memory_space<semaphore_mem>>) {add = true}
        %dma_wait3A_1351 = arith.constant 0 : i32
        %dma_wait3A_1352 = arith.constant 0 : i32
        %dma_wait3A_1353 = tpu.memref_slice %arg7[%run_scoped3A_1244, %dma_wait3A_1351, %dma_wait3A_1352] : memref<3x80x128xf32, #tpu.memory_space<vmem>> -> memref<1x80x128xf32, #tpu.memory_space<vmem>>
        %dma_wait3A_1354 = tpu.memref_squeeze %dma_wait3A_1353 : memref<1x80x128xf32, #tpu.memory_space<vmem>> -> memref<80x128xf32, #tpu.memory_space<vmem>>
        %dma_wait3A_1355 = arith.constant 0 : i32
        %dma_wait3A_1356 = tpu.memref_slice %arg6[%run_scoped3A_1245, %add3A_1228, %dma_wait3A_1355] : memref<2x25x80xi32, #tpu.memory_space<vmem>> -> memref<1x1x80xi32, #tpu.memory_space<vmem>>
        %dma_wait3A_1357 = tpu.memref_squeeze %dma_wait3A_1356 : memref<1x1x80xi32, #tpu.memory_space<vmem>> -> memref<80xi32, #tpu.memory_space<vmem>>
        %dma_wait3A_1358 = arith.constant 0 : i32
        %dma_wait3A_1359 = arith.constant 0 : i32
        %dma_wait3A_1360 = tpu.memref_slice %arg8[%dma_wait3A_1358, %dma_wait3A_1359] : memref<10240x128xf32, #tpu.memory_space<vmem_shared>> -> memref<10240x128xf32, #tpu.memory_space<vmem_shared>>
        tpu.wait_indirect_dma semaphore(%run_scoped3A_1340 : memref<!tpu.dma_semaphore, #tpu.memory_space<semaphore_mem>>) src(%dma_wait3A_1354 : memref<80x128xf32, #tpu.memory_space<vmem>>) dst(%dma_wait3A_1360 : memref<10240x128xf32, #tpu.memory_space<vmem_shared>>)
        tpu.yield
      }) : () -> ()
      %add3A_1246 = arith.constant 3 : i32
      %add3A_1247 = arith.addi %add3A_1228, %add3A_1246 : i32
      %dma_start3A_1248 = arith.constant 0 : i32
      %dma_start3A_1249 = arith.constant 0 : i32
      %dma_start3A_1250 = arith.constant 0 : i32
      %dma_start3A_1251 = arith.constant 0 : i32
      %dma_start3A_1252 = arith.constant 0 : i32
      %dma_start3A_1253 = tpu.memref_slice %arg7[%dma_start3A_1249, %dma_start3A_1251, %dma_start3A_1252] : memref<3x80x128xf32, #tpu.memory_space<vmem>> -> memref<1x80x128xf32, #tpu.memory_space<vmem>>
      %dma_start3A_1254 = tpu.memref_squeeze %dma_start3A_1253 : memref<1x80x128xf32, #tpu.memory_space<vmem>> -> memref<80x128xf32, #tpu.memory_space<vmem>>
      %dma_start3A_1255 = arith.constant 0 : i32
      %dma_start3A_1256 = tpu.memref_slice %arg5[%dma_start3A_1248, %add3A_1247, %dma_start3A_1255] : memref<2x25x80xi32, #tpu.memory_space<vmem>> -> memref<1x1x80xi32, #tpu.memory_space<vmem>>
      %dma_start3A_1257 = tpu.memref_squeeze %dma_start3A_1256 : memref<1x1x80xi32, #tpu.memory_space<vmem>> -> memref<80xi32, #tpu.memory_space<vmem>>
      %dma_start3A_1258 = arith.constant 0 : i32
      %dma_start3A_1259 = arith.constant 0 : i32
      %dma_start3A_1260 = tpu.memref_slice %arg2[%dma_start3A_1258, %dma_start3A_1259] : memref<10000x128xf32, #tpu.memory_space<hbm>> -> memref<10000x128xf32, #tpu.memory_space<hbm>>
      %dma_start3A_1261 = tpu.memref_slice %arg9[%dma_start3A_1250] : memref<3x!tpu.dma_semaphore, #tpu.memory_space<semaphore_mem>> -> memref<1x!tpu.dma_semaphore, #tpu.memory_space<semaphore_mem>>
      %dma_start3A_1262 = tpu.memref_squeeze %dma_start3A_1261 : memref<1x!tpu.dma_semaphore, #tpu.memory_space<semaphore_mem>> -> memref<!tpu.dma_semaphore, #tpu.memory_space<semaphore_mem>>
      tpu.enqueue_indirect_dma source(%dma_start3A_1260 : memref<10000x128xf32, #tpu.memory_space<hbm>>) target(%dma_start3A_1254 : memref<80x128xf32, #tpu.memory_space<vmem>>) offsets(%dma_start3A_1257 : memref<80xi32, #tpu.memory_space<vmem>>) semaphore(%dma_start3A_1262 : memref<!tpu.dma_semaphore, #tpu.memory_space<semaphore_mem>>)
      %mul3A_1263 = arith.constant 3 : i32
      %mul3A_1264 = arith.muli %scan3A_1223, %mul3A_1263 : i32
      %add3A_1265 = arith.constant 1 : i32
      %add3A_1266 = arith.addi %mul3A_1264, %add3A_1265 : i32
      %dma_wait3A_1267 = arith.constant 0 : i32
      %dma_wait3A_1268 = arith.constant 1 : i32
      %dma_wait3A_1269 = arith.constant 1 : i32
      %dma_wait3A_1270 = arith.constant 0 : i32
      %dma_wait3A_1271 = arith.constant 0 : i32
      %dma_wait3A_1272 = tpu.memref_slice %arg7[%dma_wait3A_1268, %dma_wait3A_1270, %dma_wait3A_1271] : memref<3x80x128xf32, #tpu.memory_space<vmem>> -> memref<1x80x128xf32, #tpu.memory_space<vmem>>
      %dma_wait3A_1273 = tpu.memref_squeeze %dma_wait3A_1272 : memref<1x80x128xf32, #tpu.memory_space<vmem>> -> memref<80x128xf32, #tpu.memory_space<vmem>>
      %dma_wait3A_1274 = arith.constant 0 : i32
      %dma_wait3A_1275 = tpu.memref_slice %arg5[%dma_wait3A_1267, %add3A_1266, %dma_wait3A_1274] : memref<2x25x80xi32, #tpu.memory_space<vmem>> -> memref<1x1x80xi32, #tpu.memory_space<vmem>>
      %dma_wait3A_1276 = tpu.memref_squeeze %dma_wait3A_1275 : memref<1x1x80xi32, #tpu.memory_space<vmem>> -> memref<80xi32, #tpu.memory_space<vmem>>
      %dma_wait3A_1277 = arith.constant 0 : i32
      %dma_wait3A_1278 = arith.constant 0 : i32
      %dma_wait3A_1279 = tpu.memref_slice %arg2[%dma_wait3A_1277, %dma_wait3A_1278] : memref<10000x128xf32, #tpu.memory_space<hbm>> -> memref<10000x128xf32, #tpu.memory_space<hbm>>
      %dma_wait3A_1280 = tpu.memref_slice %arg9[%dma_wait3A_1269] : memref<3x!tpu.dma_semaphore, #tpu.memory_space<semaphore_mem>> -> memref<1x!tpu.dma_semaphore, #tpu.memory_space<semaphore_mem>>
      %dma_wait3A_1281 = tpu.memref_squeeze %dma_wait3A_1280 : memref<1x!tpu.dma_semaphore, #tpu.memory_space<semaphore_mem>> -> memref<!tpu.dma_semaphore, #tpu.memory_space<semaphore_mem>>
      tpu.wait_indirect_dma semaphore(%dma_wait3A_1281 : memref<!tpu.dma_semaphore, #tpu.memory_space<semaphore_mem>>) src(%dma_wait3A_1279 : memref<10000x128xf32, #tpu.memory_space<hbm>>) dst(%dma_wait3A_1273 : memref<80x128xf32, #tpu.memory_space<vmem>>)
      %run_scoped3A_1282 = arith.constant 1 : i32
      %run_scoped3A_1283 = arith.constant 0 : i32
      "tpu.region"() ({
        %run_scoped3A_1340 = tpu.sem_alloc : memref<!tpu.dma_semaphore, #tpu.memory_space<semaphore_mem>>
        %dma_start3A_1341 = arith.constant 0 : i32
        %dma_start3A_1342 = arith.constant 0 : i32
        %dma_start3A_1343 = tpu.memref_slice %arg7[%run_scoped3A_1282, %dma_start3A_1341, %dma_start3A_1342] : memref<3x80x128xf32, #tpu.memory_space<vmem>> -> memref<1x80x128xf32, #tpu.memory_space<vmem>>
        %dma_start3A_1344 = tpu.memref_squeeze %dma_start3A_1343 : memref<1x80x128xf32, #tpu.memory_space<vmem>> -> memref<80x128xf32, #tpu.memory_space<vmem>>
        %dma_start3A_1345 = arith.constant 0 : i32
        %dma_start3A_1346 = tpu.memref_slice %arg6[%run_scoped3A_1283, %add3A_1266, %dma_start3A_1345] : memref<2x25x80xi32, #tpu.memory_space<vmem>> -> memref<1x1x80xi32, #tpu.memory_space<vmem>>
        %dma_start3A_1347 = tpu.memref_squeeze %dma_start3A_1346 : memref<1x1x80xi32, #tpu.memory_space<vmem>> -> memref<80xi32, #tpu.memory_space<vmem>>
        %dma_start3A_1348 = arith.constant 0 : i32
        %dma_start3A_1349 = arith.constant 0 : i32
        %dma_start3A_1350 = tpu.memref_slice %arg8[%dma_start3A_1348, %dma_start3A_1349] : memref<10240x128xf32, #tpu.memory_space<vmem_shared>> -> memref<10240x128xf32, #tpu.memory_space<vmem_shared>>
        tpu.enqueue_indirect_dma source(%dma_start3A_1344 : memref<80x128xf32, #tpu.memory_space<vmem>>) target(%dma_start3A_1350 : memref<10240x128xf32, #tpu.memory_space<vmem_shared>>) offsets(%dma_start3A_1347 : memref<80xi32, #tpu.memory_space<vmem>>) semaphore(%run_scoped3A_1340 : memref<!tpu.dma_semaphore, #tpu.memory_space<semaphore_mem>>) {add = true}
        %dma_wait3A_1351 = arith.constant 0 : i32
        %dma_wait3A_1352 = arith.constant 0 : i32
        %dma_wait3A_1353 = tpu.memref_slice %arg7[%run_scoped3A_1282, %dma_wait3A_1351, %dma_wait3A_1352] : memref<3x80x128xf32, #tpu.memory_space<vmem>> -> memref<1x80x128xf32, #tpu.memory_space<vmem>>
        %dma_wait3A_1354 = tpu.memref_squeeze %dma_wait3A_1353 : memref<1x80x128xf32, #tpu.memory_space<vmem>> -> memref<80x128xf32, #tpu.memory_space<vmem>>
        %dma_wait3A_1355 = arith.constant 0 : i32
        %dma_wait3A_1356 = tpu.memref_slice %arg6[%run_scoped3A_1283, %add3A_1266, %dma_wait3A_1355] : memref<2x25x80xi32, #tpu.memory_space<vmem>> -> memref<1x1x80xi32, #tpu.memory_space<vmem>>
        %dma_wait3A_1357 = tpu.memref_squeeze %dma_wait3A_1356 : memref<1x1x80xi32, #tpu.memory_space<vmem>> -> memref<80xi32, #tpu.memory_space<vmem>>
        %dma_wait3A_1358 = arith.constant 0 : i32
        %dma_wait3A_1359 = arith.constant 0 : i32
        %dma_wait3A_1360 = tpu.memref_slice %arg8[%dma_wait3A_1358, %dma_wait3A_1359] : memref<10240x128xf32, #tpu.memory_space<vmem_shared>> -> memref<10240x128xf32, #tpu.memory_space<vmem_shared>>
        tpu.wait_indirect_dma semaphore(%run_scoped3A_1340 : memref<!tpu.dma_semaphore, #tpu.memory_space<semaphore_mem>>) src(%dma_wait3A_1354 : memref<80x128xf32, #tpu.memory_space<vmem>>) dst(%dma_wait3A_1360 : memref<10240x128xf32, #tpu.memory_space<vmem_shared>>)
        tpu.yield
      }) : () -> ()
      %add3A_1284 = arith.constant 3 : i32
      %add3A_1285 = arith.addi %add3A_1266, %add3A_1284 : i32
      %dma_start3A_1286 = arith.constant 0 : i32
      %dma_start3A_1287 = arith.constant 1 : i32
      %dma_start3A_1288 = arith.constant 1 : i32
      %dma_start3A_1289 = arith.constant 0 : i32
      %dma_start3A_1290 = arith.constant 0 : i32
      %dma_start3A_1291 = tpu.memref_slice %arg7[%dma_start3A_1287, %dma_start3A_1289, %dma_start3A_1290] : memref<3x80x128xf32, #tpu.memory_space<vmem>> -> memref<1x80x128xf32, #tpu.memory_space<vmem>>
      %dma_start3A_1292 = tpu.memref_squeeze %dma_start3A_1291 : memref<1x80x128xf32, #tpu.memory_space<vmem>> -> memref<80x128xf32, #tpu.memory_space<vmem>>
      %dma_start3A_1293 = arith.constant 0 : i32
      %dma_start3A_1294 = tpu.memref_slice %arg5[%dma_start3A_1286, %add3A_1285, %dma_start3A_1293] : memref<2x25x80xi32, #tpu.memory_space<vmem>> -> memref<1x1x80xi32, #tpu.memory_space<vmem>>
      %dma_start3A_1295 = tpu.memref_squeeze %dma_start3A_1294 : memref<1x1x80xi32, #tpu.memory_space<vmem>> -> memref<80xi32, #tpu.memory_space<vmem>>
      %dma_start3A_1296 = arith.constant 0 : i32
      %dma_start3A_1297 = arith.constant 0 : i32
      %dma_start3A_1298 = tpu.memref_slice %arg2[%dma_start3A_1296, %dma_start3A_1297] : memref<10000x128xf32, #tpu.memory_space<hbm>> -> memref<10000x128xf32, #tpu.memory_space<hbm>>
      %dma_start3A_1299 = tpu.memref_slice %arg9[%dma_start3A_1288] : memref<3x!tpu.dma_semaphore, #tpu.memory_space<semaphore_mem>> -> memref<1x!tpu.dma_semaphore, #tpu.memory_space<semaphore_mem>>
      %dma_start3A_1300 = tpu.memref_squeeze %dma_start3A_1299 : memref<1x!tpu.dma_semaphore, #tpu.memory_space<semaphore_mem>> -> memref<!tpu.dma_semaphore, #tpu.memory_space<semaphore_mem>>
      tpu.enqueue_indirect_dma source(%dma_start3A_1298 : memref<10000x128xf32, #tpu.memory_space<hbm>>) target(%dma_start3A_1292 : memref<80x128xf32, #tpu.memory_space<vmem>>) offsets(%dma_start3A_1295 : memref<80xi32, #tpu.memory_space<vmem>>) semaphore(%dma_start3A_1300 : memref<!tpu.dma_semaphore, #tpu.memory_space<semaphore_mem>>)
      %mul3A_1301 = arith.constant 3 : i32
      %mul3A_1302 = arith.muli %scan3A_1223, %mul3A_1301 : i32
      %add3A_1303 = arith.constant 2 : i32
      %add3A_1304 = arith.addi %mul3A_1302, %add3A_1303 : i32
      %dma_wait3A_1305 = arith.constant 0 : i32
      %dma_wait3A_1306 = arith.constant 2 : i32
      %dma_wait3A_1307 = arith.constant 2 : i32
      %dma_wait3A_1308 = arith.constant 0 : i32
      %dma_wait3A_1309 = arith.constant 0 : i32
      %dma_wait3A_1310 = tpu.memref_slice %arg7[%dma_wait3A_1306, %dma_wait3A_1308, %dma_wait3A_1309] : memref<3x80x128xf32, #tpu.memory_space<vmem>> -> memref<1x80x128xf32, #tpu.memory_space<vmem>>
      %dma_wait3A_1311 = tpu.memref_squeeze %dma_wait3A_1310 : memref<1x80x128xf32, #tpu.memory_space<vmem>> -> memref<80x128xf32, #tpu.memory_space<vmem>>
      %dma_wait3A_1312 = arith.constant 0 : i32
      %dma_wait3A_1313 = tpu.memref_slice %arg5[%dma_wait3A_1305, %add3A_1304, %dma_wait3A_1312] : memref<2x25x80xi32, #tpu.memory_space<vmem>> -> memref<1x1x80xi32, #tpu.memory_space<vmem>>
      %dma_wait3A_1314 = tpu.memref_squeeze %dma_wait3A_1313 : memref<1x1x80xi32, #tpu.memory_space<vmem>> -> memref<80xi32, #tpu.memory_space<vmem>>
      %dma_wait3A_1315 = arith.constant 0 : i32
      %dma_wait3A_1316 = arith.constant 0 : i32
      %dma_wait3A_1317 = tpu.memref_slice %arg2[%dma_wait3A_1315, %dma_wait3A_1316] : memref<10000x128xf32, #tpu.memory_space<hbm>> -> memref<10000x128xf32, #tpu.memory_space<hbm>>
      %dma_wait3A_1318 = tpu.memref_slice %arg9[%dma_wait3A_1307] : memref<3x!tpu.dma_semaphore, #tpu.memory_space<semaphore_mem>> -> memref<1x!tpu.dma_semaphore, #tpu.memory_space<semaphore_mem>>
      %dma_wait3A_1319 = tpu.memref_squeeze %dma_wait3A_1318 : memref<1x!tpu.dma_semaphore, #tpu.memory_space<semaphore_mem>> -> memref<!tpu.dma_semaphore, #tpu.memory_space<semaphore_mem>>
      tpu.wait_indirect_dma semaphore(%dma_wait3A_1319 : memref<!tpu.dma_semaphore, #tpu.memory_space<semaphore_mem>>) src(%dma_wait3A_1317 : memref<10000x128xf32, #tpu.memory_space<hbm>>) dst(%dma_wait3A_1311 : memref<80x128xf32, #tpu.memory_space<vmem>>)
      %run_scoped3A_1320 = arith.constant 2 : i32
      %run_scoped3A_1321 = arith.constant 0 : i32
      "tpu.region"() ({
        %run_scoped3A_1340 = tpu.sem_alloc : memref<!tpu.dma_semaphore, #tpu.memory_space<semaphore_mem>>
        %dma_start3A_1341 = arith.constant 0 : i32
        %dma_start3A_1342 = arith.constant 0 : i32
        %dma_start3A_1343 = tpu.memref_slice %arg7[%run_scoped3A_1320, %dma_start3A_1341, %dma_start3A_1342] : memref<3x80x128xf32, #tpu.memory_space<vmem>> -> memref<1x80x128xf32, #tpu.memory_space<vmem>>
        %dma_start3A_1344 = tpu.memref_squeeze %dma_start3A_1343 : memref<1x80x128xf32, #tpu.memory_space<vmem>> -> memref<80x128xf32, #tpu.memory_space<vmem>>
        %dma_start3A_1345 = arith.constant 0 : i32
        %dma_start3A_1346 = tpu.memref_slice %arg6[%run_scoped3A_1321, %add3A_1304, %dma_start3A_1345] : memref<2x25x80xi32, #tpu.memory_space<vmem>> -> memref<1x1x80xi32, #tpu.memory_space<vmem>>
        %dma_start3A_1347 = tpu.memref_squeeze %dma_start3A_1346 : memref<1x1x80xi32, #tpu.memory_space<vmem>> -> memref<80xi32, #tpu.memory_space<vmem>>
        %dma_start3A_1348 = arith.constant 0 : i32
        %dma_start3A_1349 = arith.constant 0 : i32
        %dma_start3A_1350 = tpu.memref_slice %arg8[%dma_start3A_1348, %dma_start3A_1349] : memref<10240x128xf32, #tpu.memory_space<vmem_shared>> -> memref<10240x128xf32, #tpu.memory_space<vmem_shared>>
        tpu.enqueue_indirect_dma source(%dma_start3A_1344 : memref<80x128xf32, #tpu.memory_space<vmem>>) target(%dma_start3A_1350 : memref<10240x128xf32, #tpu.memory_space<vmem_shared>>) offsets(%dma_start3A_1347 : memref<80xi32, #tpu.memory_space<vmem>>) semaphore(%run_scoped3A_1340 : memref<!tpu.dma_semaphore, #tpu.memory_space<semaphore_mem>>) {add = true}
        %dma_wait3A_1351 = arith.constant 0 : i32
        %dma_wait3A_1352 = arith.constant 0 : i32
        %dma_wait3A_1353 = tpu.memref_slice %arg7[%run_scoped3A_1320, %dma_wait3A_1351, %dma_wait3A_1352] : memref<3x80x128xf32, #tpu.memory_space<vmem>> -> memref<1x80x128xf32, #tpu.memory_space<vmem>>
        %dma_wait3A_1354 = tpu.memref_squeeze %dma_wait3A_1353 : memref<1x80x128xf32, #tpu.memory_space<vmem>> -> memref<80x128xf32, #tpu.memory_space<vmem>>
        %dma_wait3A_1355 = arith.constant 0 : i32
        %dma_wait3A_1356 = tpu.memref_slice %arg6[%run_scoped3A_1321, %add3A_1304, %dma_wait3A_1355] : memref<2x25x80xi32, #tpu.memory_space<vmem>> -> memref<1x1x80xi32, #tpu.memory_space<vmem>>
        %dma_wait3A_1357 = tpu.memref_squeeze %dma_wait3A_1356 : memref<1x1x80xi32, #tpu.memory_space<vmem>> -> memref<80xi32, #tpu.memory_space<vmem>>
        %dma_wait3A_1358 = arith.constant 0 : i32
        %dma_wait3A_1359 = arith.constant 0 : i32
        %dma_wait3A_1360 = tpu.memref_slice %arg8[%dma_wait3A_1358, %dma_wait3A_1359] : memref<10240x128xf32, #tpu.memory_space<vmem_shared>> -> memref<10240x128xf32, #tpu.memory_space<vmem_shared>>
        tpu.wait_indirect_dma semaphore(%run_scoped3A_1340 : memref<!tpu.dma_semaphore, #tpu.memory_space<semaphore_mem>>) src(%dma_wait3A_1354 : memref<80x128xf32, #tpu.memory_space<vmem>>) dst(%dma_wait3A_1360 : memref<10240x128xf32, #tpu.memory_space<vmem_shared>>)
        tpu.yield
      }) : () -> ()
      %add3A_1322 = arith.constant 3 : i32
      %add3A_1323 = arith.addi %add3A_1304, %add3A_1322 : i32
      %dma_start3A_1324 = arith.constant 0 : i32
      %dma_start3A_1325 = arith.constant 2 : i32
      %dma_start3A_1326 = arith.constant 2 : i32
      %dma_start3A_1327 = arith.constant 0 : i32
      %dma_start3A_1328 = arith.constant 0 : i32
      %dma_start3A_1329 = tpu.memref_slice %arg7[%dma_start3A_1325, %dma_start3A_1327, %dma_start3A_1328] : memref<3x80x128xf32, #tpu.memory_space<vmem>> -> memref<1x80x128xf32, #tpu.memory_space<vmem>>
      %dma_start3A_1330 = tpu.memref_squeeze %dma_start3A_1329 : memref<1x80x128xf32, #tpu.memory_space<vmem>> -> memref<80x128xf32, #tpu.memory_space<vmem>>
      %dma_start3A_1331 = arith.constant 0 : i32
      %dma_start3A_1332 = tpu.memref_slice %arg5[%dma_start3A_1324, %add3A_1323, %dma_start3A_1331] : memref<2x25x80xi32, #tpu.memory_space<vmem>> -> memref<1x1x80xi32, #tpu.memory_space<vmem>>
      %dma_start3A_1333 = tpu.memref_squeeze %dma_start3A_1332 : memref<1x1x80xi32, #tpu.memory_space<vmem>> -> memref<80xi32, #tpu.memory_space<vmem>>
      %dma_start3A_1334 = arith.constant 0 : i32
      %dma_start3A_1335 = arith.constant 0 : i32
      %dma_start3A_1336 = tpu.memref_slice %arg2[%dma_start3A_1334, %dma_start3A_1335] : memref<10000x128xf32, #tpu.memory_space<hbm>> -> memref<10000x128xf32, #tpu.memory_space<hbm>>
      %dma_start3A_1337 = tpu.memref_slice %arg9[%dma_start3A_1326] : memref<3x!tpu.dma_semaphore, #tpu.memory_space<semaphore_mem>> -> memref<1x!tpu.dma_semaphore, #tpu.memory_space<semaphore_mem>>
      %dma_start3A_1338 = tpu.memref_squeeze %dma_start3A_1337 : memref<1x!tpu.dma_semaphore, #tpu.memory_space<semaphore_mem>> -> memref<!tpu.dma_semaphore, #tpu.memory_space<semaphore_mem>>
      tpu.enqueue_indirect_dma source(%dma_start3A_1336 : memref<10000x128xf32, #tpu.memory_space<hbm>>) target(%dma_start3A_1330 : memref<80x128xf32, #tpu.memory_space<vmem>>) offsets(%dma_start3A_1333 : memref<80xi32, #tpu.memory_space<vmem>>) semaphore(%dma_start3A_1338 : memref<!tpu.dma_semaphore, #tpu.memory_space<semaphore_mem>>)
      %scan3A_1339 = arith.constant 0 : i32
      scf.yield %scan3A_1339 : i32
    }
    %scan3A_701 = arith.constant 7 : i32
    %dma_wait3A_702 = arith.constant 0 : i32
    %dma_wait3A_703 = arith.constant 21 : i32
    %dma_wait3A_704 = arith.constant 0 : i32
    %dma_wait3A_705 = arith.constant 0 : i32
    %dma_wait3A_706 = arith.constant 0 : i32
    %dma_wait3A_707 = arith.constant 0 : i32
    %dma_wait3A_708 = tpu.memref_slice %arg7[%dma_wait3A_704, %dma_wait3A_706, %dma_wait3A_707] : memref<3x80x128xf32, #tpu.memory_space<vmem>> -> memref<1x80x128xf32, #tpu.memory_space<vmem>>
    %dma_wait3A_709 = tpu.memref_squeeze %dma_wait3A_708 : memref<1x80x128xf32, #tpu.memory_space<vmem>> -> memref<80x128xf32, #tpu.memory_space<vmem>>
    %dma_wait3A_710 = arith.constant 0 : i32
    %dma_wait3A_711 = tpu.memref_slice %arg5[%dma_wait3A_702, %dma_wait3A_703, %dma_wait3A_710] : memref<2x25x80xi32, #tpu.memory_space<vmem>> -> memref<1x1x80xi32, #tpu.memory_space<vmem>>
    %dma_wait3A_712 = tpu.memref_squeeze %dma_wait3A_711 : memref<1x1x80xi32, #tpu.memory_space<vmem>> -> memref<80xi32, #tpu.memory_space<vmem>>
    %dma_wait3A_713 = arith.constant 0 : i32
    %dma_wait3A_714 = arith.constant 0 : i32
    %dma_wait3A_715 = tpu.memref_slice %arg2[%dma_wait3A_713, %dma_wait3A_714] : memref<10000x128xf32, #tpu.memory_space<hbm>> -> memref<10000x128xf32, #tpu.memory_space<hbm>>
    %dma_wait3A_716 = tpu.memref_slice %arg9[%dma_wait3A_705] : memref<3x!tpu.dma_semaphore, #tpu.memory_space<semaphore_mem>> -> memref<1x!tpu.dma_semaphore, #tpu.memory_space<semaphore_mem>>
    %dma_wait3A_717 = tpu.memref_squeeze %dma_wait3A_716 : memref<1x!tpu.dma_semaphore, #tpu.memory_space<semaphore_mem>> -> memref<!tpu.dma_semaphore, #tpu.memory_space<semaphore_mem>>
    tpu.wait_indirect_dma semaphore(%dma_wait3A_717 : memref<!tpu.dma_semaphore, #tpu.memory_space<semaphore_mem>>) src(%dma_wait3A_715 : memref<10000x128xf32, #tpu.memory_space<hbm>>) dst(%dma_wait3A_709 : memref<80x128xf32, #tpu.memory_space<vmem>>)
    %run_scoped3A_718 = arith.constant 0 : i32
    %run_scoped3A_719 = arith.constant 0 : i32
    %run_scoped3A_720 = arith.constant 21 : i32
    "tpu.region"() ({
      %run_scoped3A_1223 = tpu.sem_alloc : memref<!tpu.dma_semaphore, #tpu.memory_space<semaphore_mem>>
      %dma_start3A_1224 = arith.constant 0 : i32
      %dma_start3A_1225 = arith.constant 0 : i32
      %dma_start3A_1226 = tpu.memref_slice %arg7[%run_scoped3A_718, %dma_start3A_1224, %dma_start3A_1225] : memref<3x80x128xf32, #tpu.memory_space<vmem>> -> memref<1x80x128xf32, #tpu.memory_space<vmem>>
      %dma_start3A_1227 = tpu.memref_squeeze %dma_start3A_1226 : memref<1x80x128xf32, #tpu.memory_space<vmem>> -> memref<80x128xf32, #tpu.memory_space<vmem>>
      %dma_start3A_1228 = arith.constant 0 : i32
      %dma_start3A_1229 = tpu.memref_slice %arg6[%run_scoped3A_719, %run_scoped3A_720, %dma_start3A_1228] : memref<2x25x80xi32, #tpu.memory_space<vmem>> -> memref<1x1x80xi32, #tpu.memory_space<vmem>>
      %dma_start3A_1230 = tpu.memref_squeeze %dma_start3A_1229 : memref<1x1x80xi32, #tpu.memory_space<vmem>> -> memref<80xi32, #tpu.memory_space<vmem>>
      %dma_start3A_1231 = arith.constant 0 : i32
      %dma_start3A_1232 = arith.constant 0 : i32
      %dma_start3A_1233 = tpu.memref_slice %arg8[%dma_start3A_1231, %dma_start3A_1232] : memref<10240x128xf32, #tpu.memory_space<vmem_shared>> -> memref<10240x128xf32, #tpu.memory_space<vmem_shared>>
      tpu.enqueue_indirect_dma source(%dma_start3A_1227 : memref<80x128xf32, #tpu.memory_space<vmem>>) target(%dma_start3A_1233 : memref<10240x128xf32, #tpu.memory_space<vmem_shared>>) offsets(%dma_start3A_1230 : memref<80xi32, #tpu.memory_space<vmem>>) semaphore(%run_scoped3A_1223 : memref<!tpu.dma_semaphore, #tpu.memory_space<semaphore_mem>>) {add = true}
      %dma_wait3A_1234 = arith.constant 0 : i32
      %dma_wait3A_1235 = arith.constant 0 : i32
      %dma_wait3A_1236 = tpu.memref_slice %arg7[%run_scoped3A_718, %dma_wait3A_1234, %dma_wait3A_1235] : memref<3x80x128xf32, #tpu.memory_space<vmem>> -> memref<1x80x128xf32, #tpu.memory_space<vmem>>
      %dma_wait3A_1237 = tpu.memref_squeeze %dma_wait3A_1236 : memref<1x80x128xf32, #tpu.memory_space<vmem>> -> memref<80x128xf32, #tpu.memory_space<vmem>>
      %dma_wait3A_1238 = arith.constant 0 : i32
      %dma_wait3A_1239 = tpu.memref_slice %arg6[%run_scoped3A_719, %run_scoped3A_720, %dma_wait3A_1238] : memref<2x25x80xi32, #tpu.memory_space<vmem>> -> memref<1x1x80xi32, #tpu.memory_space<vmem>>
      %dma_wait3A_1240 = tpu.memref_squeeze %dma_wait3A_1239 : memref<1x1x80xi32, #tpu.memory_space<vmem>> -> memref<80xi32, #tpu.memory_space<vmem>>
      %dma_wait3A_1241 = arith.constant 0 : i32
      %dma_wait3A_1242 = arith.constant 0 : i32
      %dma_wait3A_1243 = tpu.memref_slice %arg8[%dma_wait3A_1241, %dma_wait3A_1242] : memref<10240x128xf32, #tpu.memory_space<vmem_shared>> -> memref<10240x128xf32, #tpu.memory_space<vmem_shared>>
      tpu.wait_indirect_dma semaphore(%run_scoped3A_1223 : memref<!tpu.dma_semaphore, #tpu.memory_space<semaphore_mem>>) src(%dma_wait3A_1237 : memref<80x128xf32, #tpu.memory_space<vmem>>) dst(%dma_wait3A_1243 : memref<10240x128xf32, #tpu.memory_space<vmem_shared>>)
      tpu.yield
    }) : () -> ()
    %dma_start3A_721 = arith.constant 0 : i32
    %dma_start3A_722 = arith.constant 24 : i32
    %dma_start3A_723 = arith.constant 0 : i32
    %dma_start3A_724 = arith.constant 0 : i32
    %dma_start3A_725 = arith.constant 0 : i32
    %dma_start3A_726 = arith.constant 0 : i32
    %dma_start3A_727 = tpu.memref_slice %arg7[%dma_start3A_723, %dma_start3A_725, %dma_start3A_726] : memref<3x80x128xf32, #tpu.memory_space<vmem>> -> memref<1x80x128xf32, #tpu.memory_space<vmem>>
    %dma_start3A_728 = tpu.memref_squeeze %dma_start3A_727 : memref<1x80x128xf32, #tpu.memory_space<vmem>> -> memref<80x128xf32, #tpu.memory_space<vmem>>
    %dma_start3A_729 = arith.constant 0 : i32
    %dma_start3A_730 = tpu.memref_slice %arg5[%dma_start3A_721, %dma_start3A_722, %dma_start3A_729] : memref<2x25x80xi32, #tpu.memory_space<vmem>> -> memref<1x1x80xi32, #tpu.memory_space<vmem>>
    %dma_start3A_731 = tpu.memref_squeeze %dma_start3A_730 : memref<1x1x80xi32, #tpu.memory_space<vmem>> -> memref<80xi32, #tpu.memory_space<vmem>>
    %dma_start3A_732 = arith.constant 0 : i32
    %dma_start3A_733 = arith.constant 0 : i32
    %dma_start3A_734 = tpu.memref_slice %arg2[%dma_start3A_732, %dma_start3A_733] : memref<10000x128xf32, #tpu.memory_space<hbm>> -> memref<10000x128xf32, #tpu.memory_space<hbm>>
    %dma_start3A_735 = tpu.memref_slice %arg9[%dma_start3A_724] : memref<3x!tpu.dma_semaphore, #tpu.memory_space<semaphore_mem>> -> memref<1x!tpu.dma_semaphore, #tpu.memory_space<semaphore_mem>>
    %dma_start3A_736 = tpu.memref_squeeze %dma_start3A_735 : memref<1x!tpu.dma_semaphore, #tpu.memory_space<semaphore_mem>> -> memref<!tpu.dma_semaphore, #tpu.memory_space<semaphore_mem>>
    tpu.enqueue_indirect_dma source(%dma_start3A_734 : memref<10000x128xf32, #tpu.memory_space<hbm>>) target(%dma_start3A_728 : memref<80x128xf32, #tpu.memory_space<vmem>>) offsets(%dma_start3A_731 : memref<80xi32, #tpu.memory_space<vmem>>) semaphore(%dma_start3A_736 : memref<!tpu.dma_semaphore, #tpu.memory_space<semaphore_mem>>)
    %dma_wait3A_737 = arith.constant 0 : i32
    %dma_wait3A_738 = arith.constant 22 : i32
    %dma_wait3A_739 = arith.constant 1 : i32
    %dma_wait3A_740 = arith.constant 1 : i32
    %dma_wait3A_741 = arith.constant 0 : i32
    %dma_wait3A_742 = arith.constant 0 : i32
    %dma_wait3A_743 = tpu.memref_slice %arg7[%dma_wait3A_739, %dma_wait3A_741, %dma_wait3A_742] : memref<3x80x128xf32, #tpu.memory_space<vmem>> -> memref<1x80x128xf32, #tpu.memory_space<vmem>>
    %dma_wait3A_744 = tpu.memref_squeeze %dma_wait3A_743 : memref<1x80x128xf32, #tpu.memory_space<vmem>> -> memref<80x128xf32, #tpu.memory_space<vmem>>
    %dma_wait3A_745 = arith.constant 0 : i32
    %dma_wait3A_746 = tpu.memref_slice %arg5[%dma_wait3A_737, %dma_wait3A_738, %dma_wait3A_745] : memref<2x25x80xi32, #tpu.memory_space<vmem>> -> memref<1x1x80xi32, #tpu.memory_space<vmem>>
    %dma_wait3A_747 = tpu.memref_squeeze %dma_wait3A_746 : memref<1x1x80xi32, #tpu.memory_space<vmem>> -> memref<80xi32, #tpu.memory_space<vmem>>
    %dma_wait3A_748 = arith.constant 0 : i32
    %dma_wait3A_749 = arith.constant 0 : i32
    %dma_wait3A_750 = tpu.memref_slice %arg2[%dma_wait3A_748, %dma_wait3A_749] : memref<10000x128xf32, #tpu.memory_space<hbm>> -> memref<10000x128xf32, #tpu.memory_space<hbm>>
    %dma_wait3A_751 = tpu.memref_slice %arg9[%dma_wait3A_740] : memref<3x!tpu.dma_semaphore, #tpu.memory_space<semaphore_mem>> -> memref<1x!tpu.dma_semaphore, #tpu.memory_space<semaphore_mem>>
    %dma_wait3A_752 = tpu.memref_squeeze %dma_wait3A_751 : memref<1x!tpu.dma_semaphore, #tpu.memory_space<semaphore_mem>> -> memref<!tpu.dma_semaphore, #tpu.memory_space<semaphore_mem>>
    tpu.wait_indirect_dma semaphore(%dma_wait3A_752 : memref<!tpu.dma_semaphore, #tpu.memory_space<semaphore_mem>>) src(%dma_wait3A_750 : memref<10000x128xf32, #tpu.memory_space<hbm>>) dst(%dma_wait3A_744 : memref<80x128xf32, #tpu.memory_space<vmem>>)
    %run_scoped3A_753 = arith.constant 1 : i32
    %run_scoped3A_754 = arith.constant 0 : i32
    %run_scoped3A_755 = arith.constant 22 : i32
    "tpu.region"() ({
      %run_scoped3A_1223 = tpu.sem_alloc : memref<!tpu.dma_semaphore, #tpu.memory_space<semaphore_mem>>
      %dma_start3A_1224 = arith.constant 0 : i32
      %dma_start3A_1225 = arith.constant 0 : i32
      %dma_start3A_1226 = tpu.memref_slice %arg7[%run_scoped3A_753, %dma_start3A_1224, %dma_start3A_1225] : memref<3x80x128xf32, #tpu.memory_space<vmem>> -> memref<1x80x128xf32, #tpu.memory_space<vmem>>
      %dma_start3A_1227 = tpu.memref_squeeze %dma_start3A_1226 : memref<1x80x128xf32, #tpu.memory_space<vmem>> -> memref<80x128xf32, #tpu.memory_space<vmem>>
      %dma_start3A_1228 = arith.constant 0 : i32
      %dma_start3A_1229 = tpu.memref_slice %arg6[%run_scoped3A_754, %run_scoped3A_755, %dma_start3A_1228] : memref<2x25x80xi32, #tpu.memory_space<vmem>> -> memref<1x1x80xi32, #tpu.memory_space<vmem>>
      %dma_start3A_1230 = tpu.memref_squeeze %dma_start3A_1229 : memref<1x1x80xi32, #tpu.memory_space<vmem>> -> memref<80xi32, #tpu.memory_space<vmem>>
      %dma_start3A_1231 = arith.constant 0 : i32
      %dma_start3A_1232 = arith.constant 0 : i32
      %dma_start3A_1233 = tpu.memref_slice %arg8[%dma_start3A_1231, %dma_start3A_1232] : memref<10240x128xf32, #tpu.memory_space<vmem_shared>> -> memref<10240x128xf32, #tpu.memory_space<vmem_shared>>
      tpu.enqueue_indirect_dma source(%dma_start3A_1227 : memref<80x128xf32, #tpu.memory_space<vmem>>) target(%dma_start3A_1233 : memref<10240x128xf32, #tpu.memory_space<vmem_shared>>) offsets(%dma_start3A_1230 : memref<80xi32, #tpu.memory_space<vmem>>) semaphore(%run_scoped3A_1223 : memref<!tpu.dma_semaphore, #tpu.memory_space<semaphore_mem>>) {add = true}
      %dma_wait3A_1234 = arith.constant 0 : i32
      %dma_wait3A_1235 = arith.constant 0 : i32
      %dma_wait3A_1236 = tpu.memref_slice %arg7[%run_scoped3A_753, %dma_wait3A_1234, %dma_wait3A_1235] : memref<3x80x128xf32, #tpu.memory_space<vmem>> -> memref<1x80x128xf32, #tpu.memory_space<vmem>>
      %dma_wait3A_1237 = tpu.memref_squeeze %dma_wait3A_1236 : memref<1x80x128xf32, #tpu.memory_space<vmem>> -> memref<80x128xf32, #tpu.memory_space<vmem>>
      %dma_wait3A_1238 = arith.constant 0 : i32
      %dma_wait3A_1239 = tpu.memref_slice %arg6[%run_scoped3A_754, %run_scoped3A_755, %dma_wait3A_1238] : memref<2x25x80xi32, #tpu.memory_space<vmem>> -> memref<1x1x80xi32, #tpu.memory_space<vmem>>
      %dma_wait3A_1240 = tpu.memref_squeeze %dma_wait3A_1239 : memref<1x1x80xi32, #tpu.memory_space<vmem>> -> memref<80xi32, #tpu.memory_space<vmem>>
      %dma_wait3A_1241 = arith.constant 0 : i32
      %dma_wait3A_1242 = arith.constant 0 : i32
      %dma_wait3A_1243 = tpu.memref_slice %arg8[%dma_wait3A_1241, %dma_wait3A_1242] : memref<10240x128xf32, #tpu.memory_space<vmem_shared>> -> memref<10240x128xf32, #tpu.memory_space<vmem_shared>>
      tpu.wait_indirect_dma semaphore(%run_scoped3A_1223 : memref<!tpu.dma_semaphore, #tpu.memory_space<semaphore_mem>>) src(%dma_wait3A_1237 : memref<80x128xf32, #tpu.memory_space<vmem>>) dst(%dma_wait3A_1243 : memref<10240x128xf32, #tpu.memory_space<vmem_shared>>)
      tpu.yield
    }) : () -> ()
    %dma_wait3A_756 = arith.constant 0 : i32
    %dma_wait3A_757 = arith.constant 23 : i32
    %dma_wait3A_758 = arith.constant 2 : i32
    %dma_wait3A_759 = arith.constant 2 : i32
    %dma_wait3A_760 = arith.constant 0 : i32
    %dma_wait3A_761 = arith.constant 0 : i32
    %dma_wait3A_762 = tpu.memref_slice %arg7[%dma_wait3A_758, %dma_wait3A_760, %dma_wait3A_761] : memref<3x80x128xf32, #tpu.memory_space<vmem>> -> memref<1x80x128xf32, #tpu.memory_space<vmem>>
    %dma_wait3A_763 = tpu.memref_squeeze %dma_wait3A_762 : memref<1x80x128xf32, #tpu.memory_space<vmem>> -> memref<80x128xf32, #tpu.memory_space<vmem>>
    %dma_wait3A_764 = arith.constant 0 : i32
    %dma_wait3A_765 = tpu.memref_slice %arg5[%dma_wait3A_756, %dma_wait3A_757, %dma_wait3A_764] : memref<2x25x80xi32, #tpu.memory_space<vmem>> -> memref<1x1x80xi32, #tpu.memory_space<vmem>>
    %dma_wait3A_766 = tpu.memref_squeeze %dma_wait3A_765 : memref<1x1x80xi32, #tpu.memory_space<vmem>> -> memref<80xi32, #tpu.memory_space<vmem>>
    %dma_wait3A_767 = arith.constant 0 : i32
    %dma_wait3A_768 = arith.constant 0 : i32
    %dma_wait3A_769 = tpu.memref_slice %arg2[%dma_wait3A_767, %dma_wait3A_768] : memref<10000x128xf32, #tpu.memory_space<hbm>> -> memref<10000x128xf32, #tpu.memory_space<hbm>>
    %dma_wait3A_770 = tpu.memref_slice %arg9[%dma_wait3A_759] : memref<3x!tpu.dma_semaphore, #tpu.memory_space<semaphore_mem>> -> memref<1x!tpu.dma_semaphore, #tpu.memory_space<semaphore_mem>>
    %dma_wait3A_771 = tpu.memref_squeeze %dma_wait3A_770 : memref<1x!tpu.dma_semaphore, #tpu.memory_space<semaphore_mem>> -> memref<!tpu.dma_semaphore, #tpu.memory_space<semaphore_mem>>
    tpu.wait_indirect_dma semaphore(%dma_wait3A_771 : memref<!tpu.dma_semaphore, #tpu.memory_space<semaphore_mem>>) src(%dma_wait3A_769 : memref<10000x128xf32, #tpu.memory_space<hbm>>) dst(%dma_wait3A_763 : memref<80x128xf32, #tpu.memory_space<vmem>>)
    %run_scoped3A_772 = arith.constant 2 : i32
    %run_scoped3A_773 = arith.constant 0 : i32
    %run_scoped3A_774 = arith.constant 23 : i32
    "tpu.region"() ({
      %run_scoped3A_1223 = tpu.sem_alloc : memref<!tpu.dma_semaphore, #tpu.memory_space<semaphore_mem>>
      %dma_start3A_1224 = arith.constant 0 : i32
      %dma_start3A_1225 = arith.constant 0 : i32
      %dma_start3A_1226 = tpu.memref_slice %arg7[%run_scoped3A_772, %dma_start3A_1224, %dma_start3A_1225] : memref<3x80x128xf32, #tpu.memory_space<vmem>> -> memref<1x80x128xf32, #tpu.memory_space<vmem>>
      %dma_start3A_1227 = tpu.memref_squeeze %dma_start3A_1226 : memref<1x80x128xf32, #tpu.memory_space<vmem>> -> memref<80x128xf32, #tpu.memory_space<vmem>>
      %dma_start3A_1228 = arith.constant 0 : i32
      %dma_start3A_1229 = tpu.memref_slice %arg6[%run_scoped3A_773, %run_scoped3A_774, %dma_start3A_1228] : memref<2x25x80xi32, #tpu.memory_space<vmem>> -> memref<1x1x80xi32, #tpu.memory_space<vmem>>
      %dma_start3A_1230 = tpu.memref_squeeze %dma_start3A_1229 : memref<1x1x80xi32, #tpu.memory_space<vmem>> -> memref<80xi32, #tpu.memory_space<vmem>>
      %dma_start3A_1231 = arith.constant 0 : i32
      %dma_start3A_1232 = arith.constant 0 : i32
      %dma_start3A_1233 = tpu.memref_slice %arg8[%dma_start3A_1231, %dma_start3A_1232] : memref<10240x128xf32, #tpu.memory_space<vmem_shared>> -> memref<10240x128xf32, #tpu.memory_space<vmem_shared>>
      tpu.enqueue_indirect_dma source(%dma_start3A_1227 : memref<80x128xf32, #tpu.memory_space<vmem>>) target(%dma_start3A_1233 : memref<10240x128xf32, #tpu.memory_space<vmem_shared>>) offsets(%dma_start3A_1230 : memref<80xi32, #tpu.memory_space<vmem>>) semaphore(%run_scoped3A_1223 : memref<!tpu.dma_semaphore, #tpu.memory_space<semaphore_mem>>) {add = true}
      %dma_wait3A_1234 = arith.constant 0 : i32
      %dma_wait3A_1235 = arith.constant 0 : i32
      %dma_wait3A_1236 = tpu.memref_slice %arg7[%run_scoped3A_772, %dma_wait3A_1234, %dma_wait3A_1235] : memref<3x80x128xf32, #tpu.memory_space<vmem>> -> memref<1x80x128xf32, #tpu.memory_space<vmem>>
      %dma_wait3A_1237 = tpu.memref_squeeze %dma_wait3A_1236 : memref<1x80x128xf32, #tpu.memory_space<vmem>> -> memref<80x128xf32, #tpu.memory_space<vmem>>
      %dma_wait3A_1238 = arith.constant 0 : i32
      %dma_wait3A_1239 = tpu.memref_slice %arg6[%run_scoped3A_773, %run_scoped3A_774, %dma_wait3A_1238] : memref<2x25x80xi32, #tpu.memory_space<vmem>> -> memref<1x1x80xi32, #tpu.memory_space<vmem>>
      %dma_wait3A_1240 = tpu.memref_squeeze %dma_wait3A_1239 : memref<1x1x80xi32, #tpu.memory_space<vmem>> -> memref<80xi32, #tpu.memory_space<vmem>>
      %dma_wait3A_1241 = arith.constant 0 : i32
      %dma_wait3A_1242 = arith.constant 0 : i32
      %dma_wait3A_1243 = tpu.memref_slice %arg8[%dma_wait3A_1241, %dma_wait3A_1242] : memref<10240x128xf32, #tpu.memory_space<vmem_shared>> -> memref<10240x128xf32, #tpu.memory_space<vmem_shared>>
      tpu.wait_indirect_dma semaphore(%run_scoped3A_1223 : memref<!tpu.dma_semaphore, #tpu.memory_space<semaphore_mem>>) src(%dma_wait3A_1237 : memref<80x128xf32, #tpu.memory_space<vmem>>) dst(%dma_wait3A_1243 : memref<10240x128xf32, #tpu.memory_space<vmem_shared>>)
      tpu.yield
    }) : () -> ()
    %dma_wait3A_775 = arith.constant 0 : i32
    %dma_wait3A_776 = arith.constant 24 : i32
    %dma_wait3A_777 = arith.constant 0 : i32
    %dma_wait3A_778 = arith.constant 0 : i32
    %dma_wait3A_779 = arith.constant 0 : i32
    %dma_wait3A_780 = arith.constant 0 : i32
    %dma_wait3A_781 = tpu.memref_slice %arg7[%dma_wait3A_777, %dma_wait3A_779, %dma_wait3A_780] : memref<3x80x128xf32, #tpu.memory_space<vmem>> -> memref<1x80x128xf32, #tpu.memory_space<vmem>>
    %dma_wait3A_782 = tpu.memref_squeeze %dma_wait3A_781 : memref<1x80x128xf32, #tpu.memory_space<vmem>> -> memref<80x128xf32, #tpu.memory_space<vmem>>
    %dma_wait3A_783 = arith.constant 0 : i32
    %dma_wait3A_784 = tpu.memref_slice %arg5[%dma_wait3A_775, %dma_wait3A_776, %dma_wait3A_783] : memref<2x25x80xi32, #tpu.memory_space<vmem>> -> memref<1x1x80xi32, #tpu.memory_space<vmem>>
    %dma_wait3A_785 = tpu.memref_squeeze %dma_wait3A_784 : memref<1x1x80xi32, #tpu.memory_space<vmem>> -> memref<80xi32, #tpu.memory_space<vmem>>
    %dma_wait3A_786 = arith.constant 0 : i32
    %dma_wait3A_787 = arith.constant 0 : i32
    %dma_wait3A_788 = tpu.memref_slice %arg2[%dma_wait3A_786, %dma_wait3A_787] : memref<10000x128xf32, #tpu.memory_space<hbm>> -> memref<10000x128xf32, #tpu.memory_space<hbm>>
    %dma_wait3A_789 = tpu.memref_slice %arg9[%dma_wait3A_778] : memref<3x!tpu.dma_semaphore, #tpu.memory_space<semaphore_mem>> -> memref<1x!tpu.dma_semaphore, #tpu.memory_space<semaphore_mem>>
    %dma_wait3A_790 = tpu.memref_squeeze %dma_wait3A_789 : memref<1x!tpu.dma_semaphore, #tpu.memory_space<semaphore_mem>> -> memref<!tpu.dma_semaphore, #tpu.memory_space<semaphore_mem>>
    tpu.wait_indirect_dma semaphore(%dma_wait3A_790 : memref<!tpu.dma_semaphore, #tpu.memory_space<semaphore_mem>>) src(%dma_wait3A_788 : memref<10000x128xf32, #tpu.memory_space<hbm>>) dst(%dma_wait3A_782 : memref<80x128xf32, #tpu.memory_space<vmem>>)
    %run_scoped3A_791 = arith.constant 0 : i32
    %run_scoped3A_792 = arith.constant 0 : i32
    %run_scoped3A_793 = arith.constant 24 : i32
    "tpu.region"() ({
      %run_scoped3A_1223 = tpu.sem_alloc : memref<!tpu.dma_semaphore, #tpu.memory_space<semaphore_mem>>
      %dma_start3A_1224 = arith.constant 0 : i32
      %dma_start3A_1225 = arith.constant 0 : i32
      %dma_start3A_1226 = tpu.memref_slice %arg7[%run_scoped3A_791, %dma_start3A_1224, %dma_start3A_1225] : memref<3x80x128xf32, #tpu.memory_space<vmem>> -> memref<1x80x128xf32, #tpu.memory_space<vmem>>
      %dma_start3A_1227 = tpu.memref_squeeze %dma_start3A_1226 : memref<1x80x128xf32, #tpu.memory_space<vmem>> -> memref<80x128xf32, #tpu.memory_space<vmem>>
      %dma_start3A_1228 = arith.constant 0 : i32
      %dma_start3A_1229 = tpu.memref_slice %arg6[%run_scoped3A_792, %run_scoped3A_793, %dma_start3A_1228] : memref<2x25x80xi32, #tpu.memory_space<vmem>> -> memref<1x1x80xi32, #tpu.memory_space<vmem>>
      %dma_start3A_1230 = tpu.memref_squeeze %dma_start3A_1229 : memref<1x1x80xi32, #tpu.memory_space<vmem>> -> memref<80xi32, #tpu.memory_space<vmem>>
      %dma_start3A_1231 = arith.constant 0 : i32
      %dma_start3A_1232 = arith.constant 0 : i32
      %dma_start3A_1233 = tpu.memref_slice %arg8[%dma_start3A_1231, %dma_start3A_1232] : memref<10240x128xf32, #tpu.memory_space<vmem_shared>> -> memref<10240x128xf32, #tpu.memory_space<vmem_shared>>
      tpu.enqueue_indirect_dma source(%dma_start3A_1227 : memref<80x128xf32, #tpu.memory_space<vmem>>) target(%dma_start3A_1233 : memref<10240x128xf32, #tpu.memory_space<vmem_shared>>) offsets(%dma_start3A_1230 : memref<80xi32, #tpu.memory_space<vmem>>) semaphore(%run_scoped3A_1223 : memref<!tpu.dma_semaphore, #tpu.memory_space<semaphore_mem>>) {add = true}
      %dma_wait3A_1234 = arith.constant 0 : i32
      %dma_wait3A_1235 = arith.constant 0 : i32
      %dma_wait3A_1236 = tpu.memref_slice %arg7[%run_scoped3A_791, %dma_wait3A_1234, %dma_wait3A_1235] : memref<3x80x128xf32, #tpu.memory_space<vmem>> -> memref<1x80x128xf32, #tpu.memory_space<vmem>>
      %dma_wait3A_1237 = tpu.memref_squeeze %dma_wait3A_1236 : memref<1x80x128xf32, #tpu.memory_space<vmem>> -> memref<80x128xf32, #tpu.memory_space<vmem>>
      %dma_wait3A_1238 = arith.constant 0 : i32
      %dma_wait3A_1239 = tpu.memref_slice %arg6[%run_scoped3A_792, %run_scoped3A_793, %dma_wait3A_1238] : memref<2x25x80xi32, #tpu.memory_space<vmem>> -> memref<1x1x80xi32, #tpu.memory_space<vmem>>
      %dma_wait3A_1240 = tpu.memref_squeeze %dma_wait3A_1239 : memref<1x1x80xi32, #tpu.memory_space<vmem>> -> memref<80xi32, #tpu.memory_space<vmem>>
      %dma_wait3A_1241 = arith.constant 0 : i32
      %dma_wait3A_1242 = arith.constant 0 : i32
      %dma_wait3A_1243 = tpu.memref_slice %arg8[%dma_wait3A_1241, %dma_wait3A_1242] : memref<10240x128xf32, #tpu.memory_space<vmem_shared>> -> memref<10240x128xf32, #tpu.memory_space<vmem_shared>>
      tpu.wait_indirect_dma semaphore(%run_scoped3A_1223 : memref<!tpu.dma_semaphore, #tpu.memory_space<semaphore_mem>>) src(%dma_wait3A_1237 : memref<80x128xf32, #tpu.memory_space<vmem>>) dst(%dma_wait3A_1243 : memref<10240x128xf32, #tpu.memory_space<vmem_shared>>)
      tpu.yield
    }) : () -> ()
    %dma_wait3A_794 = arith.constant 0 : i32
    %dma_wait3A_795 = arith.constant 0 : i32
    %dma_wait3A_796 = arith.constant 1 : i32
    %dma_wait3A_797 = arith.constant 1 : i32
    "tpu.trace_stop"() : () -> ()
    "tpu.trace_start"() <{level = 10 : i32, message = "idx_stage"}> : () -> ()
    %dma_wait3A_798 = arith.constant 0 : i32
    %dma_wait3A_799 = arith.constant 0 : i32
    %dma_wait3A_800 = tpu.memref_slice %arg5[%dma_wait3A_796, %dma_wait3A_798, %dma_wait3A_799] : memref<2x25x80xi32, #tpu.memory_space<vmem>> -> memref<1x25x80xi32, #tpu.memory_space<vmem>>
    %dma_wait3A_801 = tpu.memref_squeeze %dma_wait3A_800 : memref<1x25x80xi32, #tpu.memory_space<vmem>> -> memref<25x80xi32, #tpu.memory_space<vmem>>
    %dma_wait3A_802 = arith.constant 0 : i32
    %dma_wait3A_803 = arith.constant 0 : i32
    %dma_wait3A_804 = tpu.memref_slice %arg3[%dma_wait3A_794, %add3A, %dma_wait3A_795, %dma_wait3A_802, %dma_wait3A_803] : memref<2x32x5x25x80xi32, #tpu.memory_space<hbm>> -> memref<1x1x1x25x80xi32, #tpu.memory_space<hbm>>
    %dma_wait3A_805 = tpu.memref_squeeze %dma_wait3A_804 : memref<1x1x1x25x80xi32, #tpu.memory_space<hbm>> -> memref<25x80xi32, #tpu.memory_space<hbm>>
    %dma_wait3A_806 = tpu.memref_slice %arg10[%dma_wait3A_797] : memref<2x!tpu.dma_semaphore, #tpu.memory_space<semaphore_mem>> -> memref<1x!tpu.dma_semaphore, #tpu.memory_space<semaphore_mem>>
    %dma_wait3A_807 = tpu.memref_squeeze %dma_wait3A_806 : memref<1x!tpu.dma_semaphore, #tpu.memory_space<semaphore_mem>> -> memref<!tpu.dma_semaphore, #tpu.memory_space<semaphore_mem>>
    %dma_wait3A_808 = arith.constant 0 : i32
    %dma_wait3A_809 = arith.constant 0 : i32
    %dma_wait3A_810 = tpu.memref_slice %arg5[%dma_wait3A_796, %dma_wait3A_808, %dma_wait3A_809] : memref<2x25x80xi32, #tpu.memory_space<vmem>> -> memref<1x25x80xi32, #tpu.memory_space<vmem>>
    %dma_wait3A_811 = tpu.memref_squeeze %dma_wait3A_810 : memref<1x25x80xi32, #tpu.memory_space<vmem>> -> memref<25x80xi32, #tpu.memory_space<vmem>>
    %dma_wait3A_812 = arith.constant 0 : i32
    %dma_wait3A_813 = arith.constant 0 : i32
    %dma_wait3A_814 = tpu.memref_slice %arg3[%dma_wait3A_794, %add3A, %dma_wait3A_795, %dma_wait3A_812, %dma_wait3A_813] : memref<2x32x5x25x80xi32, #tpu.memory_space<hbm>> -> memref<1x1x1x25x80xi32, #tpu.memory_space<hbm>>
    %dma_wait3A_815 = tpu.memref_squeeze %dma_wait3A_814 : memref<1x1x1x25x80xi32, #tpu.memory_space<hbm>> -> memref<25x80xi32, #tpu.memory_space<hbm>>
    tpu.wait_dma2 semaphore(%dma_wait3A_807 : memref<!tpu.dma_semaphore, #tpu.memory_space<semaphore_mem>>) src(%dma_wait3A_815 : memref<25x80xi32, #tpu.memory_space<hbm>>) dst(%dma_wait3A_811 : memref<25x80xi32, #tpu.memory_space<vmem>>)
    %dma_wait3A_816 = arith.constant 1 : i32
    %dma_wait3A_817 = arith.constant 0 : i32
    %dma_wait3A_818 = arith.constant 1 : i32
    %dma_wait3A_819 = arith.constant 1 : i32
    %dma_wait3A_820 = arith.constant 0 : i32
    %dma_wait3A_821 = arith.constant 0 : i32
    %dma_wait3A_822 = tpu.memref_slice %arg6[%dma_wait3A_818, %dma_wait3A_820, %dma_wait3A_821] : memref<2x25x80xi32, #tpu.memory_space<vmem>> -> memref<1x25x80xi32, #tpu.memory_space<vmem>>
    %dma_wait3A_823 = tpu.memref_squeeze %dma_wait3A_822 : memref<1x25x80xi32, #tpu.memory_space<vmem>> -> memref<25x80xi32, #tpu.memory_space<vmem>>
    %dma_wait3A_824 = arith.constant 0 : i32
    %dma_wait3A_825 = arith.constant 0 : i32
    %dma_wait3A_826 = tpu.memref_slice %arg3[%dma_wait3A_816, %add3A, %dma_wait3A_817, %dma_wait3A_824, %dma_wait3A_825] : memref<2x32x5x25x80xi32, #tpu.memory_space<hbm>> -> memref<1x1x1x25x80xi32, #tpu.memory_space<hbm>>
    %dma_wait3A_827 = tpu.memref_squeeze %dma_wait3A_826 : memref<1x1x1x25x80xi32, #tpu.memory_space<hbm>> -> memref<25x80xi32, #tpu.memory_space<hbm>>
    %dma_wait3A_828 = tpu.memref_slice %arg10[%dma_wait3A_819] : memref<2x!tpu.dma_semaphore, #tpu.memory_space<semaphore_mem>> -> memref<1x!tpu.dma_semaphore, #tpu.memory_space<semaphore_mem>>
    %dma_wait3A_829 = tpu.memref_squeeze %dma_wait3A_828 : memref<1x!tpu.dma_semaphore, #tpu.memory_space<semaphore_mem>> -> memref<!tpu.dma_semaphore, #tpu.memory_space<semaphore_mem>>
    %dma_wait3A_830 = arith.constant 0 : i32
    %dma_wait3A_831 = arith.constant 0 : i32
    %dma_wait3A_832 = tpu.memref_slice %arg6[%dma_wait3A_818, %dma_wait3A_830, %dma_wait3A_831] : memref<2x25x80xi32, #tpu.memory_space<vmem>> -> memref<1x25x80xi32, #tpu.memory_space<vmem>>
    %dma_wait3A_833 = tpu.memref_squeeze %dma_wait3A_832 : memref<1x25x80xi32, #tpu.memory_space<vmem>> -> memref<25x80xi32, #tpu.memory_space<vmem>>
    %dma_wait3A_834 = arith.constant 0 : i32
    %dma_wait3A_835 = arith.constant 0 : i32
    %dma_wait3A_836 = tpu.memref_slice %arg3[%dma_wait3A_816, %add3A, %dma_wait3A_817, %dma_wait3A_834, %dma_wait3A_835] : memref<2x32x5x25x80xi32, #tpu.memory_space<hbm>> -> memref<1x1x1x25x80xi32, #tpu.memory_space<hbm>>
    %dma_wait3A_837 = tpu.memref_squeeze %dma_wait3A_836 : memref<1x1x1x25x80xi32, #tpu.memory_space<hbm>> -> memref<25x80xi32, #tpu.memory_space<hbm>>
    tpu.wait_dma2 semaphore(%dma_wait3A_829 : memref<!tpu.dma_semaphore, #tpu.memory_space<semaphore_mem>>) src(%dma_wait3A_837 : memref<25x80xi32, #tpu.memory_space<hbm>>) dst(%dma_wait3A_833 : memref<25x80xi32, #tpu.memory_space<vmem>>)
    %dma_start3A_838 = arith.constant 0 : i32
    %dma_start3A_839 = arith.constant 4 : i32
    %dma_start3A_840 = arith.constant 0 : i32
    %dma_start3A_841 = arith.constant 0 : i32
    %dma_start3A_842 = arith.constant 0 : i32
    %dma_start3A_843 = arith.constant 0 : i32
    %dma_start3A_844 = tpu.memref_slice %arg5[%dma_start3A_840, %dma_start3A_842, %dma_start3A_843] : memref<2x25x80xi32, #tpu.memory_space<vmem>> -> memref<1x25x80xi32, #tpu.memory_space<vmem>>
    %dma_start3A_845 = tpu.memref_squeeze %dma_start3A_844 : memref<1x25x80xi32, #tpu.memory_space<vmem>> -> memref<25x80xi32, #tpu.memory_space<vmem>>
    %dma_start3A_846 = arith.constant 0 : i32
    %dma_start3A_847 = arith.constant 0 : i32
    %dma_start3A_848 = tpu.memref_slice %arg3[%dma_start3A_838, %add3A, %dma_start3A_839, %dma_start3A_846, %dma_start3A_847] : memref<2x32x5x25x80xi32, #tpu.memory_space<hbm>> -> memref<1x1x1x25x80xi32, #tpu.memory_space<hbm>>
    %dma_start3A_849 = tpu.memref_squeeze %dma_start3A_848 : memref<1x1x1x25x80xi32, #tpu.memory_space<hbm>> -> memref<25x80xi32, #tpu.memory_space<hbm>>
    %dma_start3A_850 = tpu.memref_slice %arg10[%dma_start3A_841] : memref<2x!tpu.dma_semaphore, #tpu.memory_space<semaphore_mem>> -> memref<1x!tpu.dma_semaphore, #tpu.memory_space<semaphore_mem>>
    %dma_start3A_851 = tpu.memref_squeeze %dma_start3A_850 : memref<1x!tpu.dma_semaphore, #tpu.memory_space<semaphore_mem>> -> memref<!tpu.dma_semaphore, #tpu.memory_space<semaphore_mem>>
    %dma_start3A_852 = arith.constant 0 : i32
    %dma_start3A_853 = arith.constant 0 : i32
    %dma_start3A_854 = tpu.memref_slice %arg5[%dma_start3A_840, %dma_start3A_852, %dma_start3A_853] : memref<2x25x80xi32, #tpu.memory_space<vmem>> -> memref<1x25x80xi32, #tpu.memory_space<vmem>>
    %dma_start3A_855 = tpu.memref_squeeze %dma_start3A_854 : memref<1x25x80xi32, #tpu.memory_space<vmem>> -> memref<25x80xi32, #tpu.memory_space<vmem>>
    %dma_start3A_856 = arith.constant 0 : i32
    %dma_start3A_857 = arith.constant 0 : i32
    %dma_start3A_858 = tpu.memref_slice %arg3[%dma_start3A_838, %add3A, %dma_start3A_839, %dma_start3A_856, %dma_start3A_857] : memref<2x32x5x25x80xi32, #tpu.memory_space<hbm>> -> memref<1x1x1x25x80xi32, #tpu.memory_space<hbm>>
    %dma_start3A_859 = tpu.memref_squeeze %dma_start3A_858 : memref<1x1x1x25x80xi32, #tpu.memory_space<hbm>> -> memref<25x80xi32, #tpu.memory_space<hbm>>
    tpu.enqueue_dma source(%dma_start3A_859 : memref<25x80xi32, #tpu.memory_space<hbm>>) target(%dma_start3A_855 : memref<25x80xi32, #tpu.memory_space<vmem>>) target_semaphore(%dma_start3A_851 : memref<!tpu.dma_semaphore, #tpu.memory_space<semaphore_mem>>)
    %dma_start3A_860 = arith.constant 1 : i32
    %dma_start3A_861 = arith.constant 4 : i32
    %dma_start3A_862 = arith.constant 0 : i32
    %dma_start3A_863 = arith.constant 0 : i32
    %dma_start3A_864 = arith.constant 0 : i32
    %dma_start3A_865 = arith.constant 0 : i32
    %dma_start3A_866 = tpu.memref_slice %arg6[%dma_start3A_862, %dma_start3A_864, %dma_start3A_865] : memref<2x25x80xi32, #tpu.memory_space<vmem>> -> memref<1x25x80xi32, #tpu.memory_space<vmem>>
    %dma_start3A_867 = tpu.memref_squeeze %dma_start3A_866 : memref<1x25x80xi32, #tpu.memory_space<vmem>> -> memref<25x80xi32, #tpu.memory_space<vmem>>
    %dma_start3A_868 = arith.constant 0 : i32
    %dma_start3A_869 = arith.constant 0 : i32
    %dma_start3A_870 = tpu.memref_slice %arg3[%dma_start3A_860, %add3A, %dma_start3A_861, %dma_start3A_868, %dma_start3A_869] : memref<2x32x5x25x80xi32, #tpu.memory_space<hbm>> -> memref<1x1x1x25x80xi32, #tpu.memory_space<hbm>>
    %dma_start3A_871 = tpu.memref_squeeze %dma_start3A_870 : memref<1x1x1x25x80xi32, #tpu.memory_space<hbm>> -> memref<25x80xi32, #tpu.memory_space<hbm>>
    %dma_start3A_872 = tpu.memref_slice %arg10[%dma_start3A_863] : memref<2x!tpu.dma_semaphore, #tpu.memory_space<semaphore_mem>> -> memref<1x!tpu.dma_semaphore, #tpu.memory_space<semaphore_mem>>
    %dma_start3A_873 = tpu.memref_squeeze %dma_start3A_872 : memref<1x!tpu.dma_semaphore, #tpu.memory_space<semaphore_mem>> -> memref<!tpu.dma_semaphore, #tpu.memory_space<semaphore_mem>>
    %dma_start3A_874 = arith.constant 0 : i32
    %dma_start3A_875 = arith.constant 0 : i32
    %dma_start3A_876 = tpu.memref_slice %arg6[%dma_start3A_862, %dma_start3A_874, %dma_start3A_875] : memref<2x25x80xi32, #tpu.memory_space<vmem>> -> memref<1x25x80xi32, #tpu.memory_space<vmem>>
    %dma_start3A_877 = tpu.memref_squeeze %dma_start3A_876 : memref<1x25x80xi32, #tpu.memory_space<vmem>> -> memref<25x80xi32, #tpu.memory_space<vmem>>
    %dma_start3A_878 = arith.constant 0 : i32
    %dma_start3A_879 = arith.constant 0 : i32
    %dma_start3A_880 = tpu.memref_slice %arg3[%dma_start3A_860, %add3A, %dma_start3A_861, %dma_start3A_878, %dma_start3A_879] : memref<2x32x5x25x80xi32, #tpu.memory_space<hbm>> -> memref<1x1x1x25x80xi32, #tpu.memory_space<hbm>>
    %dma_start3A_881 = tpu.memref_squeeze %dma_start3A_880 : memref<1x1x1x25x80xi32, #tpu.memory_space<hbm>> -> memref<25x80xi32, #tpu.memory_space<hbm>>
    tpu.enqueue_dma source(%dma_start3A_881 : memref<25x80xi32, #tpu.memory_space<hbm>>) target(%dma_start3A_877 : memref<25x80xi32, #tpu.memory_space<vmem>>) target_semaphore(%dma_start3A_873 : memref<!tpu.dma_semaphore, #tpu.memory_space<semaphore_mem>>)
    %dma_start3A_882 = arith.constant 1 : i32
    %dma_start3A_883 = arith.constant 0 : i32
    %dma_start3A_884 = arith.constant 0 : i32
    %dma_start3A_885 = arith.constant 0 : i32
    "tpu.trace_stop"() : () -> ()
    "tpu.trace_start"() <{level = 10 : i32, message = "edge_loop"}> : () -> ()
    %dma_start3A_886 = arith.constant 0 : i32
    %dma_start3A_887 = arith.constant 0 : i32
    %dma_start3A_888 = tpu.memref_slice %arg7[%dma_start3A_884, %dma_start3A_886, %dma_start3A_887] : memref<3x80x128xf32, #tpu.memory_space<vmem>> -> memref<1x80x128xf32, #tpu.memory_space<vmem>>
    %dma_start3A_889 = tpu.memref_squeeze %dma_start3A_888 : memref<1x80x128xf32, #tpu.memory_space<vmem>> -> memref<80x128xf32, #tpu.memory_space<vmem>>
    %dma_start3A_890 = arith.constant 0 : i32
    %dma_start3A_891 = tpu.memref_slice %arg5[%dma_start3A_882, %dma_start3A_883, %dma_start3A_890] : memref<2x25x80xi32, #tpu.memory_space<vmem>> -> memref<1x1x80xi32, #tpu.memory_space<vmem>>
    %dma_start3A_892 = tpu.memref_squeeze %dma_start3A_891 : memref<1x1x80xi32, #tpu.memory_space<vmem>> -> memref<80xi32, #tpu.memory_space<vmem>>
    %dma_start3A_893 = arith.constant 0 : i32
    %dma_start3A_894 = arith.constant 0 : i32
    %dma_start3A_895 = tpu.memref_slice %arg2[%dma_start3A_893, %dma_start3A_894] : memref<10000x128xf32, #tpu.memory_space<hbm>> -> memref<10000x128xf32, #tpu.memory_space<hbm>>
    %dma_start3A_896 = tpu.memref_slice %arg9[%dma_start3A_885] : memref<3x!tpu.dma_semaphore, #tpu.memory_space<semaphore_mem>> -> memref<1x!tpu.dma_semaphore, #tpu.memory_space<semaphore_mem>>
    %dma_start3A_897 = tpu.memref_squeeze %dma_start3A_896 : memref<1x!tpu.dma_semaphore, #tpu.memory_space<semaphore_mem>> -> memref<!tpu.dma_semaphore, #tpu.memory_space<semaphore_mem>>
    tpu.enqueue_indirect_dma source(%dma_start3A_895 : memref<10000x128xf32, #tpu.memory_space<hbm>>) target(%dma_start3A_889 : memref<80x128xf32, #tpu.memory_space<vmem>>) offsets(%dma_start3A_892 : memref<80xi32, #tpu.memory_space<vmem>>) semaphore(%dma_start3A_897 : memref<!tpu.dma_semaphore, #tpu.memory_space<semaphore_mem>>)
    %dma_start3A_898 = arith.constant 1 : i32
    %dma_start3A_899 = arith.constant 1 : i32
    %dma_start3A_900 = arith.constant 1 : i32
    %dma_start3A_901 = arith.constant 1 : i32
    %dma_start3A_902 = arith.constant 0 : i32
    %dma_start3A_903 = arith.constant 0 : i32
    %dma_start3A_904 = tpu.memref_slice %arg7[%dma_start3A_900, %dma_start3A_902, %dma_start3A_903] : memref<3x80x128xf32, #tpu.memory_space<vmem>> -> memref<1x80x128xf32, #tpu.memory_space<vmem>>
    %dma_start3A_905 = tpu.memref_squeeze %dma_start3A_904 : memref<1x80x128xf32, #tpu.memory_space<vmem>> -> memref<80x128xf32, #tpu.memory_space<vmem>>
    %dma_start3A_906 = arith.constant 0 : i32
    %dma_start3A_907 = tpu.memref_slice %arg5[%dma_start3A_898, %dma_start3A_899, %dma_start3A_906] : memref<2x25x80xi32, #tpu.memory_space<vmem>> -> memref<1x1x80xi32, #tpu.memory_space<vmem>>
    %dma_start3A_908 = tpu.memref_squeeze %dma_start3A_907 : memref<1x1x80xi32, #tpu.memory_space<vmem>> -> memref<80xi32, #tpu.memory_space<vmem>>
    %dma_start3A_909 = arith.constant 0 : i32
    %dma_start3A_910 = arith.constant 0 : i32
    %dma_start3A_911 = tpu.memref_slice %arg2[%dma_start3A_909, %dma_start3A_910] : memref<10000x128xf32, #tpu.memory_space<hbm>> -> memref<10000x128xf32, #tpu.memory_space<hbm>>
    %dma_start3A_912 = tpu.memref_slice %arg9[%dma_start3A_901] : memref<3x!tpu.dma_semaphore, #tpu.memory_space<semaphore_mem>> -> memref<1x!tpu.dma_semaphore, #tpu.memory_space<semaphore_mem>>
    %dma_start3A_913 = tpu.memref_squeeze %dma_start3A_912 : memref<1x!tpu.dma_semaphore, #tpu.memory_space<semaphore_mem>> -> memref<!tpu.dma_semaphore, #tpu.memory_space<semaphore_mem>>
    tpu.enqueue_indirect_dma source(%dma_start3A_911 : memref<10000x128xf32, #tpu.memory_space<hbm>>) target(%dma_start3A_905 : memref<80x128xf32, #tpu.memory_space<vmem>>) offsets(%dma_start3A_908 : memref<80xi32, #tpu.memory_space<vmem>>) semaphore(%dma_start3A_913 : memref<!tpu.dma_semaphore, #tpu.memory_space<semaphore_mem>>)
    %dma_start3A_914 = arith.constant 1 : i32
    %dma_start3A_915 = arith.constant 2 : i32
    %dma_start3A_916 = arith.constant 2 : i32
    %dma_start3A_917 = arith.constant 2 : i32
    %dma_start3A_918 = arith.constant 0 : i32
    %dma_start3A_919 = arith.constant 0 : i32
    %dma_start3A_920 = tpu.memref_slice %arg7[%dma_start3A_916, %dma_start3A_918, %dma_start3A_919] : memref<3x80x128xf32, #tpu.memory_space<vmem>> -> memref<1x80x128xf32, #tpu.memory_space<vmem>>
    %dma_start3A_921 = tpu.memref_squeeze %dma_start3A_920 : memref<1x80x128xf32, #tpu.memory_space<vmem>> -> memref<80x128xf32, #tpu.memory_space<vmem>>
    %dma_start3A_922 = arith.constant 0 : i32
    %dma_start3A_923 = tpu.memref_slice %arg5[%dma_start3A_914, %dma_start3A_915, %dma_start3A_922] : memref<2x25x80xi32, #tpu.memory_space<vmem>> -> memref<1x1x80xi32, #tpu.memory_space<vmem>>
    %dma_start3A_924 = tpu.memref_squeeze %dma_start3A_923 : memref<1x1x80xi32, #tpu.memory_space<vmem>> -> memref<80xi32, #tpu.memory_space<vmem>>
    %dma_start3A_925 = arith.constant 0 : i32
    %dma_start3A_926 = arith.constant 0 : i32
    %dma_start3A_927 = tpu.memref_slice %arg2[%dma_start3A_925, %dma_start3A_926] : memref<10000x128xf32, #tpu.memory_space<hbm>> -> memref<10000x128xf32, #tpu.memory_space<hbm>>
    %dma_start3A_928 = tpu.memref_slice %arg9[%dma_start3A_917] : memref<3x!tpu.dma_semaphore, #tpu.memory_space<semaphore_mem>> -> memref<1x!tpu.dma_semaphore, #tpu.memory_space<semaphore_mem>>
    %dma_start3A_929 = tpu.memref_squeeze %dma_start3A_928 : memref<1x!tpu.dma_semaphore, #tpu.memory_space<semaphore_mem>> -> memref<!tpu.dma_semaphore, #tpu.memory_space<semaphore_mem>>
    tpu.enqueue_indirect_dma source(%dma_start3A_927 : memref<10000x128xf32, #tpu.memory_space<hbm>>) target(%dma_start3A_921 : memref<80x128xf32, #tpu.memory_space<vmem>>) offsets(%dma_start3A_924 : memref<80xi32, #tpu.memory_space<vmem>>) semaphore(%dma_start3A_929 : memref<!tpu.dma_semaphore, #tpu.memory_space<semaphore_mem>>)
    %scan3A_930 = arith.constant 0 : i32
    %scan3A_931 = arith.constant 0 : i32
    %scan3A_932 = arith.constant 7 : i32
    %scan3A_933 = arith.addi %scan3A_931, %scan3A_932 : i32
    %scan3A_934 = arith.constant 1 : i32
    %scan3A_935 = scf.for %scan3A_1223 = %scan3A_931 to %scan3A_933 step %scan3A_934 iter_args(%scan3A_1224 = %scan3A_930) -> (i32)  : i32 {
      %mul3A_1225 = arith.constant 3 : i32
      %mul3A_1226 = arith.muli %scan3A_1223, %mul3A_1225 : i32
      %add3A_1227 = arith.constant 0 : i32
      %add3A_1228 = arith.addi %mul3A_1226, %add3A_1227 : i32
      %dma_wait3A_1229 = arith.constant 1 : i32
      %dma_wait3A_1230 = arith.constant 0 : i32
      %dma_wait3A_1231 = arith.constant 0 : i32
      %dma_wait3A_1232 = arith.constant 0 : i32
      %dma_wait3A_1233 = arith.constant 0 : i32
      %dma_wait3A_1234 = tpu.memref_slice %arg7[%dma_wait3A_1230, %dma_wait3A_1232, %dma_wait3A_1233] : memref<3x80x128xf32, #tpu.memory_space<vmem>> -> memref<1x80x128xf32, #tpu.memory_space<vmem>>
      %dma_wait3A_1235 = tpu.memref_squeeze %dma_wait3A_1234 : memref<1x80x128xf32, #tpu.memory_space<vmem>> -> memref<80x128xf32, #tpu.memory_space<vmem>>
      %dma_wait3A_1236 = arith.constant 0 : i32
      %dma_wait3A_1237 = tpu.memref_slice %arg5[%dma_wait3A_1229, %add3A_1228, %dma_wait3A_1236] : memref<2x25x80xi32, #tpu.memory_space<vmem>> -> memref<1x1x80xi32, #tpu.memory_space<vmem>>
      %dma_wait3A_1238 = tpu.memref_squeeze %dma_wait3A_1237 : memref<1x1x80xi32, #tpu.memory_space<vmem>> -> memref<80xi32, #tpu.memory_space<vmem>>
      %dma_wait3A_1239 = arith.constant 0 : i32
      %dma_wait3A_1240 = arith.constant 0 : i32
      %dma_wait3A_1241 = tpu.memref_slice %arg2[%dma_wait3A_1239, %dma_wait3A_1240] : memref<10000x128xf32, #tpu.memory_space<hbm>> -> memref<10000x128xf32, #tpu.memory_space<hbm>>
      %dma_wait3A_1242 = tpu.memref_slice %arg9[%dma_wait3A_1231] : memref<3x!tpu.dma_semaphore, #tpu.memory_space<semaphore_mem>> -> memref<1x!tpu.dma_semaphore, #tpu.memory_space<semaphore_mem>>
      %dma_wait3A_1243 = tpu.memref_squeeze %dma_wait3A_1242 : memref<1x!tpu.dma_semaphore, #tpu.memory_space<semaphore_mem>> -> memref<!tpu.dma_semaphore, #tpu.memory_space<semaphore_mem>>
      tpu.wait_indirect_dma semaphore(%dma_wait3A_1243 : memref<!tpu.dma_semaphore, #tpu.memory_space<semaphore_mem>>) src(%dma_wait3A_1241 : memref<10000x128xf32, #tpu.memory_space<hbm>>) dst(%dma_wait3A_1235 : memref<80x128xf32, #tpu.memory_space<vmem>>)
      %run_scoped3A_1244 = arith.constant 0 : i32
      %run_scoped3A_1245 = arith.constant 1 : i32
      "tpu.region"() ({
        %run_scoped3A_1340 = tpu.sem_alloc : memref<!tpu.dma_semaphore, #tpu.memory_space<semaphore_mem>>
        %dma_start3A_1341 = arith.constant 0 : i32
        %dma_start3A_1342 = arith.constant 0 : i32
        %dma_start3A_1343 = tpu.memref_slice %arg7[%run_scoped3A_1244, %dma_start3A_1341, %dma_start3A_1342] : memref<3x80x128xf32, #tpu.memory_space<vmem>> -> memref<1x80x128xf32, #tpu.memory_space<vmem>>
        %dma_start3A_1344 = tpu.memref_squeeze %dma_start3A_1343 : memref<1x80x128xf32, #tpu.memory_space<vmem>> -> memref<80x128xf32, #tpu.memory_space<vmem>>
        %dma_start3A_1345 = arith.constant 0 : i32
        %dma_start3A_1346 = tpu.memref_slice %arg6[%run_scoped3A_1245, %add3A_1228, %dma_start3A_1345] : memref<2x25x80xi32, #tpu.memory_space<vmem>> -> memref<1x1x80xi32, #tpu.memory_space<vmem>>
        %dma_start3A_1347 = tpu.memref_squeeze %dma_start3A_1346 : memref<1x1x80xi32, #tpu.memory_space<vmem>> -> memref<80xi32, #tpu.memory_space<vmem>>
        %dma_start3A_1348 = arith.constant 0 : i32
        %dma_start3A_1349 = arith.constant 0 : i32
        %dma_start3A_1350 = tpu.memref_slice %arg8[%dma_start3A_1348, %dma_start3A_1349] : memref<10240x128xf32, #tpu.memory_space<vmem_shared>> -> memref<10240x128xf32, #tpu.memory_space<vmem_shared>>
        tpu.enqueue_indirect_dma source(%dma_start3A_1344 : memref<80x128xf32, #tpu.memory_space<vmem>>) target(%dma_start3A_1350 : memref<10240x128xf32, #tpu.memory_space<vmem_shared>>) offsets(%dma_start3A_1347 : memref<80xi32, #tpu.memory_space<vmem>>) semaphore(%run_scoped3A_1340 : memref<!tpu.dma_semaphore, #tpu.memory_space<semaphore_mem>>) {add = true}
        %dma_wait3A_1351 = arith.constant 0 : i32
        %dma_wait3A_1352 = arith.constant 0 : i32
        %dma_wait3A_1353 = tpu.memref_slice %arg7[%run_scoped3A_1244, %dma_wait3A_1351, %dma_wait3A_1352] : memref<3x80x128xf32, #tpu.memory_space<vmem>> -> memref<1x80x128xf32, #tpu.memory_space<vmem>>
        %dma_wait3A_1354 = tpu.memref_squeeze %dma_wait3A_1353 : memref<1x80x128xf32, #tpu.memory_space<vmem>> -> memref<80x128xf32, #tpu.memory_space<vmem>>
        %dma_wait3A_1355 = arith.constant 0 : i32
        %dma_wait3A_1356 = tpu.memref_slice %arg6[%run_scoped3A_1245, %add3A_1228, %dma_wait3A_1355] : memref<2x25x80xi32, #tpu.memory_space<vmem>> -> memref<1x1x80xi32, #tpu.memory_space<vmem>>
        %dma_wait3A_1357 = tpu.memref_squeeze %dma_wait3A_1356 : memref<1x1x80xi32, #tpu.memory_space<vmem>> -> memref<80xi32, #tpu.memory_space<vmem>>
        %dma_wait3A_1358 = arith.constant 0 : i32
        %dma_wait3A_1359 = arith.constant 0 : i32
        %dma_wait3A_1360 = tpu.memref_slice %arg8[%dma_wait3A_1358, %dma_wait3A_1359] : memref<10240x128xf32, #tpu.memory_space<vmem_shared>> -> memref<10240x128xf32, #tpu.memory_space<vmem_shared>>
        tpu.wait_indirect_dma semaphore(%run_scoped3A_1340 : memref<!tpu.dma_semaphore, #tpu.memory_space<semaphore_mem>>) src(%dma_wait3A_1354 : memref<80x128xf32, #tpu.memory_space<vmem>>) dst(%dma_wait3A_1360 : memref<10240x128xf32, #tpu.memory_space<vmem_shared>>)
        tpu.yield
      }) : () -> ()
      %add3A_1246 = arith.constant 3 : i32
      %add3A_1247 = arith.addi %add3A_1228, %add3A_1246 : i32
      %dma_start3A_1248 = arith.constant 1 : i32
      %dma_start3A_1249 = arith.constant 0 : i32
      %dma_start3A_1250 = arith.constant 0 : i32
      %dma_start3A_1251 = arith.constant 0 : i32
      %dma_start3A_1252 = arith.constant 0 : i32
      %dma_start3A_1253 = tpu.memref_slice %arg7[%dma_start3A_1249, %dma_start3A_1251, %dma_start3A_1252] : memref<3x80x128xf32, #tpu.memory_space<vmem>> -> memref<1x80x128xf32, #tpu.memory_space<vmem>>
      %dma_start3A_1254 = tpu.memref_squeeze %dma_start3A_1253 : memref<1x80x128xf32, #tpu.memory_space<vmem>> -> memref<80x128xf32, #tpu.memory_space<vmem>>
      %dma_start3A_1255 = arith.constant 0 : i32
      %dma_start3A_1256 = tpu.memref_slice %arg5[%dma_start3A_1248, %add3A_1247, %dma_start3A_1255] : memref<2x25x80xi32, #tpu.memory_space<vmem>> -> memref<1x1x80xi32, #tpu.memory_space<vmem>>
      %dma_start3A_1257 = tpu.memref_squeeze %dma_start3A_1256 : memref<1x1x80xi32, #tpu.memory_space<vmem>> -> memref<80xi32, #tpu.memory_space<vmem>>
      %dma_start3A_1258 = arith.constant 0 : i32
      %dma_start3A_1259 = arith.constant 0 : i32
      %dma_start3A_1260 = tpu.memref_slice %arg2[%dma_start3A_1258, %dma_start3A_1259] : memref<10000x128xf32, #tpu.memory_space<hbm>> -> memref<10000x128xf32, #tpu.memory_space<hbm>>
      %dma_start3A_1261 = tpu.memref_slice %arg9[%dma_start3A_1250] : memref<3x!tpu.dma_semaphore, #tpu.memory_space<semaphore_mem>> -> memref<1x!tpu.dma_semaphore, #tpu.memory_space<semaphore_mem>>
      %dma_start3A_1262 = tpu.memref_squeeze %dma_start3A_1261 : memref<1x!tpu.dma_semaphore, #tpu.memory_space<semaphore_mem>> -> memref<!tpu.dma_semaphore, #tpu.memory_space<semaphore_mem>>
      tpu.enqueue_indirect_dma source(%dma_start3A_1260 : memref<10000x128xf32, #tpu.memory_space<hbm>>) target(%dma_start3A_1254 : memref<80x128xf32, #tpu.memory_space<vmem>>) offsets(%dma_start3A_1257 : memref<80xi32, #tpu.memory_space<vmem>>) semaphore(%dma_start3A_1262 : memref<!tpu.dma_semaphore, #tpu.memory_space<semaphore_mem>>)
      %mul3A_1263 = arith.constant 3 : i32
      %mul3A_1264 = arith.muli %scan3A_1223, %mul3A_1263 : i32
      %add3A_1265 = arith.constant 1 : i32
      %add3A_1266 = arith.addi %mul3A_1264, %add3A_1265 : i32
      %dma_wait3A_1267 = arith.constant 1 : i32
      %dma_wait3A_1268 = arith.constant 1 : i32
      %dma_wait3A_1269 = arith.constant 1 : i32
      %dma_wait3A_1270 = arith.constant 0 : i32
      %dma_wait3A_1271 = arith.constant 0 : i32
      %dma_wait3A_1272 = tpu.memref_slice %arg7[%dma_wait3A_1268, %dma_wait3A_1270, %dma_wait3A_1271] : memref<3x80x128xf32, #tpu.memory_space<vmem>> -> memref<1x80x128xf32, #tpu.memory_space<vmem>>
      %dma_wait3A_1273 = tpu.memref_squeeze %dma_wait3A_1272 : memref<1x80x128xf32, #tpu.memory_space<vmem>> -> memref<80x128xf32, #tpu.memory_space<vmem>>
      %dma_wait3A_1274 = arith.constant 0 : i32
      %dma_wait3A_1275 = tpu.memref_slice %arg5[%dma_wait3A_1267, %add3A_1266, %dma_wait3A_1274] : memref<2x25x80xi32, #tpu.memory_space<vmem>> -> memref<1x1x80xi32, #tpu.memory_space<vmem>>
      %dma_wait3A_1276 = tpu.memref_squeeze %dma_wait3A_1275 : memref<1x1x80xi32, #tpu.memory_space<vmem>> -> memref<80xi32, #tpu.memory_space<vmem>>
      %dma_wait3A_1277 = arith.constant 0 : i32
      %dma_wait3A_1278 = arith.constant 0 : i32
      %dma_wait3A_1279 = tpu.memref_slice %arg2[%dma_wait3A_1277, %dma_wait3A_1278] : memref<10000x128xf32, #tpu.memory_space<hbm>> -> memref<10000x128xf32, #tpu.memory_space<hbm>>
      %dma_wait3A_1280 = tpu.memref_slice %arg9[%dma_wait3A_1269] : memref<3x!tpu.dma_semaphore, #tpu.memory_space<semaphore_mem>> -> memref<1x!tpu.dma_semaphore, #tpu.memory_space<semaphore_mem>>
      %dma_wait3A_1281 = tpu.memref_squeeze %dma_wait3A_1280 : memref<1x!tpu.dma_semaphore, #tpu.memory_space<semaphore_mem>> -> memref<!tpu.dma_semaphore, #tpu.memory_space<semaphore_mem>>
      tpu.wait_indirect_dma semaphore(%dma_wait3A_1281 : memref<!tpu.dma_semaphore, #tpu.memory_space<semaphore_mem>>) src(%dma_wait3A_1279 : memref<10000x128xf32, #tpu.memory_space<hbm>>) dst(%dma_wait3A_1273 : memref<80x128xf32, #tpu.memory_space<vmem>>)
      %run_scoped3A_1282 = arith.constant 1 : i32
      %run_scoped3A_1283 = arith.constant 1 : i32
      "tpu.region"() ({
        %run_scoped3A_1340 = tpu.sem_alloc : memref<!tpu.dma_semaphore, #tpu.memory_space<semaphore_mem>>
        %dma_start3A_1341 = arith.constant 0 : i32
        %dma_start3A_1342 = arith.constant 0 : i32
        %dma_start3A_1343 = tpu.memref_slice %arg7[%run_scoped3A_1282, %dma_start3A_1341, %dma_start3A_1342] : memref<3x80x128xf32, #tpu.memory_space<vmem>> -> memref<1x80x128xf32, #tpu.memory_space<vmem>>
        %dma_start3A_1344 = tpu.memref_squeeze %dma_start3A_1343 : memref<1x80x128xf32, #tpu.memory_space<vmem>> -> memref<80x128xf32, #tpu.memory_space<vmem>>
        %dma_start3A_1345 = arith.constant 0 : i32
        %dma_start3A_1346 = tpu.memref_slice %arg6[%run_scoped3A_1283, %add3A_1266, %dma_start3A_1345] : memref<2x25x80xi32, #tpu.memory_space<vmem>> -> memref<1x1x80xi32, #tpu.memory_space<vmem>>
        %dma_start3A_1347 = tpu.memref_squeeze %dma_start3A_1346 : memref<1x1x80xi32, #tpu.memory_space<vmem>> -> memref<80xi32, #tpu.memory_space<vmem>>
        %dma_start3A_1348 = arith.constant 0 : i32
        %dma_start3A_1349 = arith.constant 0 : i32
        %dma_start3A_1350 = tpu.memref_slice %arg8[%dma_start3A_1348, %dma_start3A_1349] : memref<10240x128xf32, #tpu.memory_space<vmem_shared>> -> memref<10240x128xf32, #tpu.memory_space<vmem_shared>>
        tpu.enqueue_indirect_dma source(%dma_start3A_1344 : memref<80x128xf32, #tpu.memory_space<vmem>>) target(%dma_start3A_1350 : memref<10240x128xf32, #tpu.memory_space<vmem_shared>>) offsets(%dma_start3A_1347 : memref<80xi32, #tpu.memory_space<vmem>>) semaphore(%run_scoped3A_1340 : memref<!tpu.dma_semaphore, #tpu.memory_space<semaphore_mem>>) {add = true}
        %dma_wait3A_1351 = arith.constant 0 : i32
        %dma_wait3A_1352 = arith.constant 0 : i32
        %dma_wait3A_1353 = tpu.memref_slice %arg7[%run_scoped3A_1282, %dma_wait3A_1351, %dma_wait3A_1352] : memref<3x80x128xf32, #tpu.memory_space<vmem>> -> memref<1x80x128xf32, #tpu.memory_space<vmem>>
        %dma_wait3A_1354 = tpu.memref_squeeze %dma_wait3A_1353 : memref<1x80x128xf32, #tpu.memory_space<vmem>> -> memref<80x128xf32, #tpu.memory_space<vmem>>
        %dma_wait3A_1355 = arith.constant 0 : i32
        %dma_wait3A_1356 = tpu.memref_slice %arg6[%run_scoped3A_1283, %add3A_1266, %dma_wait3A_1355] : memref<2x25x80xi32, #tpu.memory_space<vmem>> -> memref<1x1x80xi32, #tpu.memory_space<vmem>>
        %dma_wait3A_1357 = tpu.memref_squeeze %dma_wait3A_1356 : memref<1x1x80xi32, #tpu.memory_space<vmem>> -> memref<80xi32, #tpu.memory_space<vmem>>
        %dma_wait3A_1358 = arith.constant 0 : i32
        %dma_wait3A_1359 = arith.constant 0 : i32
        %dma_wait3A_1360 = tpu.memref_slice %arg8[%dma_wait3A_1358, %dma_wait3A_1359] : memref<10240x128xf32, #tpu.memory_space<vmem_shared>> -> memref<10240x128xf32, #tpu.memory_space<vmem_shared>>
        tpu.wait_indirect_dma semaphore(%run_scoped3A_1340 : memref<!tpu.dma_semaphore, #tpu.memory_space<semaphore_mem>>) src(%dma_wait3A_1354 : memref<80x128xf32, #tpu.memory_space<vmem>>) dst(%dma_wait3A_1360 : memref<10240x128xf32, #tpu.memory_space<vmem_shared>>)
        tpu.yield
      }) : () -> ()
      %add3A_1284 = arith.constant 3 : i32
      %add3A_1285 = arith.addi %add3A_1266, %add3A_1284 : i32
      %dma_start3A_1286 = arith.constant 1 : i32
      %dma_start3A_1287 = arith.constant 1 : i32
      %dma_start3A_1288 = arith.constant 1 : i32
      %dma_start3A_1289 = arith.constant 0 : i32
      %dma_start3A_1290 = arith.constant 0 : i32
      %dma_start3A_1291 = tpu.memref_slice %arg7[%dma_start3A_1287, %dma_start3A_1289, %dma_start3A_1290] : memref<3x80x128xf32, #tpu.memory_space<vmem>> -> memref<1x80x128xf32, #tpu.memory_space<vmem>>
      %dma_start3A_1292 = tpu.memref_squeeze %dma_start3A_1291 : memref<1x80x128xf32, #tpu.memory_space<vmem>> -> memref<80x128xf32, #tpu.memory_space<vmem>>
      %dma_start3A_1293 = arith.constant 0 : i32
      %dma_start3A_1294 = tpu.memref_slice %arg5[%dma_start3A_1286, %add3A_1285, %dma_start3A_1293] : memref<2x25x80xi32, #tpu.memory_space<vmem>> -> memref<1x1x80xi32, #tpu.memory_space<vmem>>
      %dma_start3A_1295 = tpu.memref_squeeze %dma_start3A_1294 : memref<1x1x80xi32, #tpu.memory_space<vmem>> -> memref<80xi32, #tpu.memory_space<vmem>>
      %dma_start3A_1296 = arith.constant 0 : i32
      %dma_start3A_1297 = arith.constant 0 : i32
      %dma_start3A_1298 = tpu.memref_slice %arg2[%dma_start3A_1296, %dma_start3A_1297] : memref<10000x128xf32, #tpu.memory_space<hbm>> -> memref<10000x128xf32, #tpu.memory_space<hbm>>
      %dma_start3A_1299 = tpu.memref_slice %arg9[%dma_start3A_1288] : memref<3x!tpu.dma_semaphore, #tpu.memory_space<semaphore_mem>> -> memref<1x!tpu.dma_semaphore, #tpu.memory_space<semaphore_mem>>
      %dma_start3A_1300 = tpu.memref_squeeze %dma_start3A_1299 : memref<1x!tpu.dma_semaphore, #tpu.memory_space<semaphore_mem>> -> memref<!tpu.dma_semaphore, #tpu.memory_space<semaphore_mem>>
      tpu.enqueue_indirect_dma source(%dma_start3A_1298 : memref<10000x128xf32, #tpu.memory_space<hbm>>) target(%dma_start3A_1292 : memref<80x128xf32, #tpu.memory_space<vmem>>) offsets(%dma_start3A_1295 : memref<80xi32, #tpu.memory_space<vmem>>) semaphore(%dma_start3A_1300 : memref<!tpu.dma_semaphore, #tpu.memory_space<semaphore_mem>>)
      %mul3A_1301 = arith.constant 3 : i32
      %mul3A_1302 = arith.muli %scan3A_1223, %mul3A_1301 : i32
      %add3A_1303 = arith.constant 2 : i32
      %add3A_1304 = arith.addi %mul3A_1302, %add3A_1303 : i32
      %dma_wait3A_1305 = arith.constant 1 : i32
      %dma_wait3A_1306 = arith.constant 2 : i32
      %dma_wait3A_1307 = arith.constant 2 : i32
      %dma_wait3A_1308 = arith.constant 0 : i32
      %dma_wait3A_1309 = arith.constant 0 : i32
      %dma_wait3A_1310 = tpu.memref_slice %arg7[%dma_wait3A_1306, %dma_wait3A_1308, %dma_wait3A_1309] : memref<3x80x128xf32, #tpu.memory_space<vmem>> -> memref<1x80x128xf32, #tpu.memory_space<vmem>>
      %dma_wait3A_1311 = tpu.memref_squeeze %dma_wait3A_1310 : memref<1x80x128xf32, #tpu.memory_space<vmem>> -> memref<80x128xf32, #tpu.memory_space<vmem>>
      %dma_wait3A_1312 = arith.constant 0 : i32
      %dma_wait3A_1313 = tpu.memref_slice %arg5[%dma_wait3A_1305, %add3A_1304, %dma_wait3A_1312] : memref<2x25x80xi32, #tpu.memory_space<vmem>> -> memref<1x1x80xi32, #tpu.memory_space<vmem>>
      %dma_wait3A_1314 = tpu.memref_squeeze %dma_wait3A_1313 : memref<1x1x80xi32, #tpu.memory_space<vmem>> -> memref<80xi32, #tpu.memory_space<vmem>>
      %dma_wait3A_1315 = arith.constant 0 : i32
      %dma_wait3A_1316 = arith.constant 0 : i32
      %dma_wait3A_1317 = tpu.memref_slice %arg2[%dma_wait3A_1315, %dma_wait3A_1316] : memref<10000x128xf32, #tpu.memory_space<hbm>> -> memref<10000x128xf32, #tpu.memory_space<hbm>>
      %dma_wait3A_1318 = tpu.memref_slice %arg9[%dma_wait3A_1307] : memref<3x!tpu.dma_semaphore, #tpu.memory_space<semaphore_mem>> -> memref<1x!tpu.dma_semaphore, #tpu.memory_space<semaphore_mem>>
      %dma_wait3A_1319 = tpu.memref_squeeze %dma_wait3A_1318 : memref<1x!tpu.dma_semaphore, #tpu.memory_space<semaphore_mem>> -> memref<!tpu.dma_semaphore, #tpu.memory_space<semaphore_mem>>
      tpu.wait_indirect_dma semaphore(%dma_wait3A_1319 : memref<!tpu.dma_semaphore, #tpu.memory_space<semaphore_mem>>) src(%dma_wait3A_1317 : memref<10000x128xf32, #tpu.memory_space<hbm>>) dst(%dma_wait3A_1311 : memref<80x128xf32, #tpu.memory_space<vmem>>)
      %run_scoped3A_1320 = arith.constant 2 : i32
      %run_scoped3A_1321 = arith.constant 1 : i32
      "tpu.region"() ({
        %run_scoped3A_1340 = tpu.sem_alloc : memref<!tpu.dma_semaphore, #tpu.memory_space<semaphore_mem>>
        %dma_start3A_1341 = arith.constant 0 : i32
        %dma_start3A_1342 = arith.constant 0 : i32
        %dma_start3A_1343 = tpu.memref_slice %arg7[%run_scoped3A_1320, %dma_start3A_1341, %dma_start3A_1342] : memref<3x80x128xf32, #tpu.memory_space<vmem>> -> memref<1x80x128xf32, #tpu.memory_space<vmem>>
        %dma_start3A_1344 = tpu.memref_squeeze %dma_start3A_1343 : memref<1x80x128xf32, #tpu.memory_space<vmem>> -> memref<80x128xf32, #tpu.memory_space<vmem>>
        %dma_start3A_1345 = arith.constant 0 : i32
        %dma_start3A_1346 = tpu.memref_slice %arg6[%run_scoped3A_1321, %add3A_1304, %dma_start3A_1345] : memref<2x25x80xi32, #tpu.memory_space<vmem>> -> memref<1x1x80xi32, #tpu.memory_space<vmem>>
        %dma_start3A_1347 = tpu.memref_squeeze %dma_start3A_1346 : memref<1x1x80xi32, #tpu.memory_space<vmem>> -> memref<80xi32, #tpu.memory_space<vmem>>
        %dma_start3A_1348 = arith.constant 0 : i32
        %dma_start3A_1349 = arith.constant 0 : i32
        %dma_start3A_1350 = tpu.memref_slice %arg8[%dma_start3A_1348, %dma_start3A_1349] : memref<10240x128xf32, #tpu.memory_space<vmem_shared>> -> memref<10240x128xf32, #tpu.memory_space<vmem_shared>>
        tpu.enqueue_indirect_dma source(%dma_start3A_1344 : memref<80x128xf32, #tpu.memory_space<vmem>>) target(%dma_start3A_1350 : memref<10240x128xf32, #tpu.memory_space<vmem_shared>>) offsets(%dma_start3A_1347 : memref<80xi32, #tpu.memory_space<vmem>>) semaphore(%run_scoped3A_1340 : memref<!tpu.dma_semaphore, #tpu.memory_space<semaphore_mem>>) {add = true}
        %dma_wait3A_1351 = arith.constant 0 : i32
        %dma_wait3A_1352 = arith.constant 0 : i32
        %dma_wait3A_1353 = tpu.memref_slice %arg7[%run_scoped3A_1320, %dma_wait3A_1351, %dma_wait3A_1352] : memref<3x80x128xf32, #tpu.memory_space<vmem>> -> memref<1x80x128xf32, #tpu.memory_space<vmem>>
        %dma_wait3A_1354 = tpu.memref_squeeze %dma_wait3A_1353 : memref<1x80x128xf32, #tpu.memory_space<vmem>> -> memref<80x128xf32, #tpu.memory_space<vmem>>
        %dma_wait3A_1355 = arith.constant 0 : i32
        %dma_wait3A_1356 = tpu.memref_slice %arg6[%run_scoped3A_1321, %add3A_1304, %dma_wait3A_1355] : memref<2x25x80xi32, #tpu.memory_space<vmem>> -> memref<1x1x80xi32, #tpu.memory_space<vmem>>
        %dma_wait3A_1357 = tpu.memref_squeeze %dma_wait3A_1356 : memref<1x1x80xi32, #tpu.memory_space<vmem>> -> memref<80xi32, #tpu.memory_space<vmem>>
        %dma_wait3A_1358 = arith.constant 0 : i32
        %dma_wait3A_1359 = arith.constant 0 : i32
        %dma_wait3A_1360 = tpu.memref_slice %arg8[%dma_wait3A_1358, %dma_wait3A_1359] : memref<10240x128xf32, #tpu.memory_space<vmem_shared>> -> memref<10240x128xf32, #tpu.memory_space<vmem_shared>>
        tpu.wait_indirect_dma semaphore(%run_scoped3A_1340 : memref<!tpu.dma_semaphore, #tpu.memory_space<semaphore_mem>>) src(%dma_wait3A_1354 : memref<80x128xf32, #tpu.memory_space<vmem>>) dst(%dma_wait3A_1360 : memref<10240x128xf32, #tpu.memory_space<vmem_shared>>)
        tpu.yield
      }) : () -> ()
      %add3A_1322 = arith.constant 3 : i32
      %add3A_1323 = arith.addi %add3A_1304, %add3A_1322 : i32
      %dma_start3A_1324 = arith.constant 1 : i32
      %dma_start3A_1325 = arith.constant 2 : i32
      %dma_start3A_1326 = arith.constant 2 : i32
      %dma_start3A_1327 = arith.constant 0 : i32
      %dma_start3A_1328 = arith.constant 0 : i32
      %dma_start3A_1329 = tpu.memref_slice %arg7[%dma_start3A_1325, %dma_start3A_1327, %dma_start3A_1328] : memref<3x80x128xf32, #tpu.memory_space<vmem>> -> memref<1x80x128xf32, #tpu.memory_space<vmem>>
      %dma_start3A_1330 = tpu.memref_squeeze %dma_start3A_1329 : memref<1x80x128xf32, #tpu.memory_space<vmem>> -> memref<80x128xf32, #tpu.memory_space<vmem>>
      %dma_start3A_1331 = arith.constant 0 : i32
      %dma_start3A_1332 = tpu.memref_slice %arg5[%dma_start3A_1324, %add3A_1323, %dma_start3A_1331] : memref<2x25x80xi32, #tpu.memory_space<vmem>> -> memref<1x1x80xi32, #tpu.memory_space<vmem>>
      %dma_start3A_1333 = tpu.memref_squeeze %dma_start3A_1332 : memref<1x1x80xi32, #tpu.memory_space<vmem>> -> memref<80xi32, #tpu.memory_space<vmem>>
      %dma_start3A_1334 = arith.constant 0 : i32
      %dma_start3A_1335 = arith.constant 0 : i32
      %dma_start3A_1336 = tpu.memref_slice %arg2[%dma_start3A_1334, %dma_start3A_1335] : memref<10000x128xf32, #tpu.memory_space<hbm>> -> memref<10000x128xf32, #tpu.memory_space<hbm>>
      %dma_start3A_1337 = tpu.memref_slice %arg9[%dma_start3A_1326] : memref<3x!tpu.dma_semaphore, #tpu.memory_space<semaphore_mem>> -> memref<1x!tpu.dma_semaphore, #tpu.memory_space<semaphore_mem>>
      %dma_start3A_1338 = tpu.memref_squeeze %dma_start3A_1337 : memref<1x!tpu.dma_semaphore, #tpu.memory_space<semaphore_mem>> -> memref<!tpu.dma_semaphore, #tpu.memory_space<semaphore_mem>>
      tpu.enqueue_indirect_dma source(%dma_start3A_1336 : memref<10000x128xf32, #tpu.memory_space<hbm>>) target(%dma_start3A_1330 : memref<80x128xf32, #tpu.memory_space<vmem>>) offsets(%dma_start3A_1333 : memref<80xi32, #tpu.memory_space<vmem>>) semaphore(%dma_start3A_1338 : memref<!tpu.dma_semaphore, #tpu.memory_space<semaphore_mem>>)
      %scan3A_1339 = arith.constant 0 : i32
      scf.yield %scan3A_1339 : i32
    }
    %scan3A_936 = arith.constant 7 : i32
    %dma_wait3A_937 = arith.constant 1 : i32
    %dma_wait3A_938 = arith.constant 21 : i32
    %dma_wait3A_939 = arith.constant 0 : i32
    %dma_wait3A_940 = arith.constant 0 : i32
    %dma_wait3A_941 = arith.constant 0 : i32
    %dma_wait3A_942 = arith.constant 0 : i32
    %dma_wait3A_943 = tpu.memref_slice %arg7[%dma_wait3A_939, %dma_wait3A_941, %dma_wait3A_942] : memref<3x80x128xf32, #tpu.memory_space<vmem>> -> memref<1x80x128xf32, #tpu.memory_space<vmem>>
    %dma_wait3A_944 = tpu.memref_squeeze %dma_wait3A_943 : memref<1x80x128xf32, #tpu.memory_space<vmem>> -> memref<80x128xf32, #tpu.memory_space<vmem>>
    %dma_wait3A_945 = arith.constant 0 : i32
    %dma_wait3A_946 = tpu.memref_slice %arg5[%dma_wait3A_937, %dma_wait3A_938, %dma_wait3A_945] : memref<2x25x80xi32, #tpu.memory_space<vmem>> -> memref<1x1x80xi32, #tpu.memory_space<vmem>>
    %dma_wait3A_947 = tpu.memref_squeeze %dma_wait3A_946 : memref<1x1x80xi32, #tpu.memory_space<vmem>> -> memref<80xi32, #tpu.memory_space<vmem>>
    %dma_wait3A_948 = arith.constant 0 : i32
    %dma_wait3A_949 = arith.constant 0 : i32
    %dma_wait3A_950 = tpu.memref_slice %arg2[%dma_wait3A_948, %dma_wait3A_949] : memref<10000x128xf32, #tpu.memory_space<hbm>> -> memref<10000x128xf32, #tpu.memory_space<hbm>>
    %dma_wait3A_951 = tpu.memref_slice %arg9[%dma_wait3A_940] : memref<3x!tpu.dma_semaphore, #tpu.memory_space<semaphore_mem>> -> memref<1x!tpu.dma_semaphore, #tpu.memory_space<semaphore_mem>>
    %dma_wait3A_952 = tpu.memref_squeeze %dma_wait3A_951 : memref<1x!tpu.dma_semaphore, #tpu.memory_space<semaphore_mem>> -> memref<!tpu.dma_semaphore, #tpu.memory_space<semaphore_mem>>
    tpu.wait_indirect_dma semaphore(%dma_wait3A_952 : memref<!tpu.dma_semaphore, #tpu.memory_space<semaphore_mem>>) src(%dma_wait3A_950 : memref<10000x128xf32, #tpu.memory_space<hbm>>) dst(%dma_wait3A_944 : memref<80x128xf32, #tpu.memory_space<vmem>>)
    %run_scoped3A_953 = arith.constant 0 : i32
    %run_scoped3A_954 = arith.constant 1 : i32
    %run_scoped3A_955 = arith.constant 21 : i32
    "tpu.region"() ({
      %run_scoped3A_1223 = tpu.sem_alloc : memref<!tpu.dma_semaphore, #tpu.memory_space<semaphore_mem>>
      %dma_start3A_1224 = arith.constant 0 : i32
      %dma_start3A_1225 = arith.constant 0 : i32
      %dma_start3A_1226 = tpu.memref_slice %arg7[%run_scoped3A_953, %dma_start3A_1224, %dma_start3A_1225] : memref<3x80x128xf32, #tpu.memory_space<vmem>> -> memref<1x80x128xf32, #tpu.memory_space<vmem>>
      %dma_start3A_1227 = tpu.memref_squeeze %dma_start3A_1226 : memref<1x80x128xf32, #tpu.memory_space<vmem>> -> memref<80x128xf32, #tpu.memory_space<vmem>>
      %dma_start3A_1228 = arith.constant 0 : i32
      %dma_start3A_1229 = tpu.memref_slice %arg6[%run_scoped3A_954, %run_scoped3A_955, %dma_start3A_1228] : memref<2x25x80xi32, #tpu.memory_space<vmem>> -> memref<1x1x80xi32, #tpu.memory_space<vmem>>
      %dma_start3A_1230 = tpu.memref_squeeze %dma_start3A_1229 : memref<1x1x80xi32, #tpu.memory_space<vmem>> -> memref<80xi32, #tpu.memory_space<vmem>>
      %dma_start3A_1231 = arith.constant 0 : i32
      %dma_start3A_1232 = arith.constant 0 : i32
      %dma_start3A_1233 = tpu.memref_slice %arg8[%dma_start3A_1231, %dma_start3A_1232] : memref<10240x128xf32, #tpu.memory_space<vmem_shared>> -> memref<10240x128xf32, #tpu.memory_space<vmem_shared>>
      tpu.enqueue_indirect_dma source(%dma_start3A_1227 : memref<80x128xf32, #tpu.memory_space<vmem>>) target(%dma_start3A_1233 : memref<10240x128xf32, #tpu.memory_space<vmem_shared>>) offsets(%dma_start3A_1230 : memref<80xi32, #tpu.memory_space<vmem>>) semaphore(%run_scoped3A_1223 : memref<!tpu.dma_semaphore, #tpu.memory_space<semaphore_mem>>) {add = true}
      %dma_wait3A_1234 = arith.constant 0 : i32
      %dma_wait3A_1235 = arith.constant 0 : i32
      %dma_wait3A_1236 = tpu.memref_slice %arg7[%run_scoped3A_953, %dma_wait3A_1234, %dma_wait3A_1235] : memref<3x80x128xf32, #tpu.memory_space<vmem>> -> memref<1x80x128xf32, #tpu.memory_space<vmem>>
      %dma_wait3A_1237 = tpu.memref_squeeze %dma_wait3A_1236 : memref<1x80x128xf32, #tpu.memory_space<vmem>> -> memref<80x128xf32, #tpu.memory_space<vmem>>
      %dma_wait3A_1238 = arith.constant 0 : i32
      %dma_wait3A_1239 = tpu.memref_slice %arg6[%run_scoped3A_954, %run_scoped3A_955, %dma_wait3A_1238] : memref<2x25x80xi32, #tpu.memory_space<vmem>> -> memref<1x1x80xi32, #tpu.memory_space<vmem>>
      %dma_wait3A_1240 = tpu.memref_squeeze %dma_wait3A_1239 : memref<1x1x80xi32, #tpu.memory_space<vmem>> -> memref<80xi32, #tpu.memory_space<vmem>>
      %dma_wait3A_1241 = arith.constant 0 : i32
      %dma_wait3A_1242 = arith.constant 0 : i32
      %dma_wait3A_1243 = tpu.memref_slice %arg8[%dma_wait3A_1241, %dma_wait3A_1242] : memref<10240x128xf32, #tpu.memory_space<vmem_shared>> -> memref<10240x128xf32, #tpu.memory_space<vmem_shared>>
      tpu.wait_indirect_dma semaphore(%run_scoped3A_1223 : memref<!tpu.dma_semaphore, #tpu.memory_space<semaphore_mem>>) src(%dma_wait3A_1237 : memref<80x128xf32, #tpu.memory_space<vmem>>) dst(%dma_wait3A_1243 : memref<10240x128xf32, #tpu.memory_space<vmem_shared>>)
      tpu.yield
    }) : () -> ()
    %dma_start3A_956 = arith.constant 1 : i32
    %dma_start3A_957 = arith.constant 24 : i32
    %dma_start3A_958 = arith.constant 0 : i32
    %dma_start3A_959 = arith.constant 0 : i32
    %dma_start3A_960 = arith.constant 0 : i32
    %dma_start3A_961 = arith.constant 0 : i32
    %dma_start3A_962 = tpu.memref_slice %arg7[%dma_start3A_958, %dma_start3A_960, %dma_start3A_961] : memref<3x80x128xf32, #tpu.memory_space<vmem>> -> memref<1x80x128xf32, #tpu.memory_space<vmem>>
    %dma_start3A_963 = tpu.memref_squeeze %dma_start3A_962 : memref<1x80x128xf32, #tpu.memory_space<vmem>> -> memref<80x128xf32, #tpu.memory_space<vmem>>
    %dma_start3A_964 = arith.constant 0 : i32
    %dma_start3A_965 = tpu.memref_slice %arg5[%dma_start3A_956, %dma_start3A_957, %dma_start3A_964] : memref<2x25x80xi32, #tpu.memory_space<vmem>> -> memref<1x1x80xi32, #tpu.memory_space<vmem>>
    %dma_start3A_966 = tpu.memref_squeeze %dma_start3A_965 : memref<1x1x80xi32, #tpu.memory_space<vmem>> -> memref<80xi32, #tpu.memory_space<vmem>>
    %dma_start3A_967 = arith.constant 0 : i32
    %dma_start3A_968 = arith.constant 0 : i32
    %dma_start3A_969 = tpu.memref_slice %arg2[%dma_start3A_967, %dma_start3A_968] : memref<10000x128xf32, #tpu.memory_space<hbm>> -> memref<10000x128xf32, #tpu.memory_space<hbm>>
    %dma_start3A_970 = tpu.memref_slice %arg9[%dma_start3A_959] : memref<3x!tpu.dma_semaphore, #tpu.memory_space<semaphore_mem>> -> memref<1x!tpu.dma_semaphore, #tpu.memory_space<semaphore_mem>>
    %dma_start3A_971 = tpu.memref_squeeze %dma_start3A_970 : memref<1x!tpu.dma_semaphore, #tpu.memory_space<semaphore_mem>> -> memref<!tpu.dma_semaphore, #tpu.memory_space<semaphore_mem>>
    tpu.enqueue_indirect_dma source(%dma_start3A_969 : memref<10000x128xf32, #tpu.memory_space<hbm>>) target(%dma_start3A_963 : memref<80x128xf32, #tpu.memory_space<vmem>>) offsets(%dma_start3A_966 : memref<80xi32, #tpu.memory_space<vmem>>) semaphore(%dma_start3A_971 : memref<!tpu.dma_semaphore, #tpu.memory_space<semaphore_mem>>)
    %dma_wait3A_972 = arith.constant 1 : i32
    %dma_wait3A_973 = arith.constant 22 : i32
    %dma_wait3A_974 = arith.constant 1 : i32
    %dma_wait3A_975 = arith.constant 1 : i32
    %dma_wait3A_976 = arith.constant 0 : i32
    %dma_wait3A_977 = arith.constant 0 : i32
    %dma_wait3A_978 = tpu.memref_slice %arg7[%dma_wait3A_974, %dma_wait3A_976, %dma_wait3A_977] : memref<3x80x128xf32, #tpu.memory_space<vmem>> -> memref<1x80x128xf32, #tpu.memory_space<vmem>>
    %dma_wait3A_979 = tpu.memref_squeeze %dma_wait3A_978 : memref<1x80x128xf32, #tpu.memory_space<vmem>> -> memref<80x128xf32, #tpu.memory_space<vmem>>
    %dma_wait3A_980 = arith.constant 0 : i32
    %dma_wait3A_981 = tpu.memref_slice %arg5[%dma_wait3A_972, %dma_wait3A_973, %dma_wait3A_980] : memref<2x25x80xi32, #tpu.memory_space<vmem>> -> memref<1x1x80xi32, #tpu.memory_space<vmem>>
    %dma_wait3A_982 = tpu.memref_squeeze %dma_wait3A_981 : memref<1x1x80xi32, #tpu.memory_space<vmem>> -> memref<80xi32, #tpu.memory_space<vmem>>
    %dma_wait3A_983 = arith.constant 0 : i32
    %dma_wait3A_984 = arith.constant 0 : i32
    %dma_wait3A_985 = tpu.memref_slice %arg2[%dma_wait3A_983, %dma_wait3A_984] : memref<10000x128xf32, #tpu.memory_space<hbm>> -> memref<10000x128xf32, #tpu.memory_space<hbm>>
    %dma_wait3A_986 = tpu.memref_slice %arg9[%dma_wait3A_975] : memref<3x!tpu.dma_semaphore, #tpu.memory_space<semaphore_mem>> -> memref<1x!tpu.dma_semaphore, #tpu.memory_space<semaphore_mem>>
    %dma_wait3A_987 = tpu.memref_squeeze %dma_wait3A_986 : memref<1x!tpu.dma_semaphore, #tpu.memory_space<semaphore_mem>> -> memref<!tpu.dma_semaphore, #tpu.memory_space<semaphore_mem>>
    tpu.wait_indirect_dma semaphore(%dma_wait3A_987 : memref<!tpu.dma_semaphore, #tpu.memory_space<semaphore_mem>>) src(%dma_wait3A_985 : memref<10000x128xf32, #tpu.memory_space<hbm>>) dst(%dma_wait3A_979 : memref<80x128xf32, #tpu.memory_space<vmem>>)
    %run_scoped3A_988 = arith.constant 1 : i32
    %run_scoped3A_989 = arith.constant 1 : i32
    %run_scoped3A_990 = arith.constant 22 : i32
    "tpu.region"() ({
      %run_scoped3A_1223 = tpu.sem_alloc : memref<!tpu.dma_semaphore, #tpu.memory_space<semaphore_mem>>
      %dma_start3A_1224 = arith.constant 0 : i32
      %dma_start3A_1225 = arith.constant 0 : i32
      %dma_start3A_1226 = tpu.memref_slice %arg7[%run_scoped3A_988, %dma_start3A_1224, %dma_start3A_1225] : memref<3x80x128xf32, #tpu.memory_space<vmem>> -> memref<1x80x128xf32, #tpu.memory_space<vmem>>
      %dma_start3A_1227 = tpu.memref_squeeze %dma_start3A_1226 : memref<1x80x128xf32, #tpu.memory_space<vmem>> -> memref<80x128xf32, #tpu.memory_space<vmem>>
      %dma_start3A_1228 = arith.constant 0 : i32
      %dma_start3A_1229 = tpu.memref_slice %arg6[%run_scoped3A_989, %run_scoped3A_990, %dma_start3A_1228] : memref<2x25x80xi32, #tpu.memory_space<vmem>> -> memref<1x1x80xi32, #tpu.memory_space<vmem>>
      %dma_start3A_1230 = tpu.memref_squeeze %dma_start3A_1229 : memref<1x1x80xi32, #tpu.memory_space<vmem>> -> memref<80xi32, #tpu.memory_space<vmem>>
      %dma_start3A_1231 = arith.constant 0 : i32
      %dma_start3A_1232 = arith.constant 0 : i32
      %dma_start3A_1233 = tpu.memref_slice %arg8[%dma_start3A_1231, %dma_start3A_1232] : memref<10240x128xf32, #tpu.memory_space<vmem_shared>> -> memref<10240x128xf32, #tpu.memory_space<vmem_shared>>
      tpu.enqueue_indirect_dma source(%dma_start3A_1227 : memref<80x128xf32, #tpu.memory_space<vmem>>) target(%dma_start3A_1233 : memref<10240x128xf32, #tpu.memory_space<vmem_shared>>) offsets(%dma_start3A_1230 : memref<80xi32, #tpu.memory_space<vmem>>) semaphore(%run_scoped3A_1223 : memref<!tpu.dma_semaphore, #tpu.memory_space<semaphore_mem>>) {add = true}
      %dma_wait3A_1234 = arith.constant 0 : i32
      %dma_wait3A_1235 = arith.constant 0 : i32
      %dma_wait3A_1236 = tpu.memref_slice %arg7[%run_scoped3A_988, %dma_wait3A_1234, %dma_wait3A_1235] : memref<3x80x128xf32, #tpu.memory_space<vmem>> -> memref<1x80x128xf32, #tpu.memory_space<vmem>>
      %dma_wait3A_1237 = tpu.memref_squeeze %dma_wait3A_1236 : memref<1x80x128xf32, #tpu.memory_space<vmem>> -> memref<80x128xf32, #tpu.memory_space<vmem>>
      %dma_wait3A_1238 = arith.constant 0 : i32
      %dma_wait3A_1239 = tpu.memref_slice %arg6[%run_scoped3A_989, %run_scoped3A_990, %dma_wait3A_1238] : memref<2x25x80xi32, #tpu.memory_space<vmem>> -> memref<1x1x80xi32, #tpu.memory_space<vmem>>
      %dma_wait3A_1240 = tpu.memref_squeeze %dma_wait3A_1239 : memref<1x1x80xi32, #tpu.memory_space<vmem>> -> memref<80xi32, #tpu.memory_space<vmem>>
      %dma_wait3A_1241 = arith.constant 0 : i32
      %dma_wait3A_1242 = arith.constant 0 : i32
      %dma_wait3A_1243 = tpu.memref_slice %arg8[%dma_wait3A_1241, %dma_wait3A_1242] : memref<10240x128xf32, #tpu.memory_space<vmem_shared>> -> memref<10240x128xf32, #tpu.memory_space<vmem_shared>>
      tpu.wait_indirect_dma semaphore(%run_scoped3A_1223 : memref<!tpu.dma_semaphore, #tpu.memory_space<semaphore_mem>>) src(%dma_wait3A_1237 : memref<80x128xf32, #tpu.memory_space<vmem>>) dst(%dma_wait3A_1243 : memref<10240x128xf32, #tpu.memory_space<vmem_shared>>)
      tpu.yield
    }) : () -> ()
    %dma_wait3A_991 = arith.constant 1 : i32
    %dma_wait3A_992 = arith.constant 23 : i32
    %dma_wait3A_993 = arith.constant 2 : i32
    %dma_wait3A_994 = arith.constant 2 : i32
    %dma_wait3A_995 = arith.constant 0 : i32
    %dma_wait3A_996 = arith.constant 0 : i32
    %dma_wait3A_997 = tpu.memref_slice %arg7[%dma_wait3A_993, %dma_wait3A_995, %dma_wait3A_996] : memref<3x80x128xf32, #tpu.memory_space<vmem>> -> memref<1x80x128xf32, #tpu.memory_space<vmem>>
    %dma_wait3A_998 = tpu.memref_squeeze %dma_wait3A_997 : memref<1x80x128xf32, #tpu.memory_space<vmem>> -> memref<80x128xf32, #tpu.memory_space<vmem>>
    %dma_wait3A_999 = arith.constant 0 : i32
    %dma_wait3A_1000 = tpu.memref_slice %arg5[%dma_wait3A_991, %dma_wait3A_992, %dma_wait3A_999] : memref<2x25x80xi32, #tpu.memory_space<vmem>> -> memref<1x1x80xi32, #tpu.memory_space<vmem>>
    %dma_wait3A_1001 = tpu.memref_squeeze %dma_wait3A_1000 : memref<1x1x80xi32, #tpu.memory_space<vmem>> -> memref<80xi32, #tpu.memory_space<vmem>>
    %dma_wait3A_1002 = arith.constant 0 : i32
    %dma_wait3A_1003 = arith.constant 0 : i32
    %dma_wait3A_1004 = tpu.memref_slice %arg2[%dma_wait3A_1002, %dma_wait3A_1003] : memref<10000x128xf32, #tpu.memory_space<hbm>> -> memref<10000x128xf32, #tpu.memory_space<hbm>>
    %dma_wait3A_1005 = tpu.memref_slice %arg9[%dma_wait3A_994] : memref<3x!tpu.dma_semaphore, #tpu.memory_space<semaphore_mem>> -> memref<1x!tpu.dma_semaphore, #tpu.memory_space<semaphore_mem>>
    %dma_wait3A_1006 = tpu.memref_squeeze %dma_wait3A_1005 : memref<1x!tpu.dma_semaphore, #tpu.memory_space<semaphore_mem>> -> memref<!tpu.dma_semaphore, #tpu.memory_space<semaphore_mem>>
    tpu.wait_indirect_dma semaphore(%dma_wait3A_1006 : memref<!tpu.dma_semaphore, #tpu.memory_space<semaphore_mem>>) src(%dma_wait3A_1004 : memref<10000x128xf32, #tpu.memory_space<hbm>>) dst(%dma_wait3A_998 : memref<80x128xf32, #tpu.memory_space<vmem>>)
    %run_scoped3A_1007 = arith.constant 2 : i32
    %run_scoped3A_1008 = arith.constant 1 : i32
    %run_scoped3A_1009 = arith.constant 23 : i32
    "tpu.region"() ({
      %run_scoped3A_1223 = tpu.sem_alloc : memref<!tpu.dma_semaphore, #tpu.memory_space<semaphore_mem>>
      %dma_start3A_1224 = arith.constant 0 : i32
      %dma_start3A_1225 = arith.constant 0 : i32
      %dma_start3A_1226 = tpu.memref_slice %arg7[%run_scoped3A_1007, %dma_start3A_1224, %dma_start3A_1225] : memref<3x80x128xf32, #tpu.memory_space<vmem>> -> memref<1x80x128xf32, #tpu.memory_space<vmem>>
      %dma_start3A_1227 = tpu.memref_squeeze %dma_start3A_1226 : memref<1x80x128xf32, #tpu.memory_space<vmem>> -> memref<80x128xf32, #tpu.memory_space<vmem>>
      %dma_start3A_1228 = arith.constant 0 : i32
      %dma_start3A_1229 = tpu.memref_slice %arg6[%run_scoped3A_1008, %run_scoped3A_1009, %dma_start3A_1228] : memref<2x25x80xi32, #tpu.memory_space<vmem>> -> memref<1x1x80xi32, #tpu.memory_space<vmem>>
      %dma_start3A_1230 = tpu.memref_squeeze %dma_start3A_1229 : memref<1x1x80xi32, #tpu.memory_space<vmem>> -> memref<80xi32, #tpu.memory_space<vmem>>
      %dma_start3A_1231 = arith.constant 0 : i32
      %dma_start3A_1232 = arith.constant 0 : i32
      %dma_start3A_1233 = tpu.memref_slice %arg8[%dma_start3A_1231, %dma_start3A_1232] : memref<10240x128xf32, #tpu.memory_space<vmem_shared>> -> memref<10240x128xf32, #tpu.memory_space<vmem_shared>>
      tpu.enqueue_indirect_dma source(%dma_start3A_1227 : memref<80x128xf32, #tpu.memory_space<vmem>>) target(%dma_start3A_1233 : memref<10240x128xf32, #tpu.memory_space<vmem_shared>>) offsets(%dma_start3A_1230 : memref<80xi32, #tpu.memory_space<vmem>>) semaphore(%run_scoped3A_1223 : memref<!tpu.dma_semaphore, #tpu.memory_space<semaphore_mem>>) {add = true}
      %dma_wait3A_1234 = arith.constant 0 : i32
      %dma_wait3A_1235 = arith.constant 0 : i32
      %dma_wait3A_1236 = tpu.memref_slice %arg7[%run_scoped3A_1007, %dma_wait3A_1234, %dma_wait3A_1235] : memref<3x80x128xf32, #tpu.memory_space<vmem>> -> memref<1x80x128xf32, #tpu.memory_space<vmem>>
      %dma_wait3A_1237 = tpu.memref_squeeze %dma_wait3A_1236 : memref<1x80x128xf32, #tpu.memory_space<vmem>> -> memref<80x128xf32, #tpu.memory_space<vmem>>
      %dma_wait3A_1238 = arith.constant 0 : i32
      %dma_wait3A_1239 = tpu.memref_slice %arg6[%run_scoped3A_1008, %run_scoped3A_1009, %dma_wait3A_1238] : memref<2x25x80xi32, #tpu.memory_space<vmem>> -> memref<1x1x80xi32, #tpu.memory_space<vmem>>
      %dma_wait3A_1240 = tpu.memref_squeeze %dma_wait3A_1239 : memref<1x1x80xi32, #tpu.memory_space<vmem>> -> memref<80xi32, #tpu.memory_space<vmem>>
      %dma_wait3A_1241 = arith.constant 0 : i32
      %dma_wait3A_1242 = arith.constant 0 : i32
      %dma_wait3A_1243 = tpu.memref_slice %arg8[%dma_wait3A_1241, %dma_wait3A_1242] : memref<10240x128xf32, #tpu.memory_space<vmem_shared>> -> memref<10240x128xf32, #tpu.memory_space<vmem_shared>>
      tpu.wait_indirect_dma semaphore(%run_scoped3A_1223 : memref<!tpu.dma_semaphore, #tpu.memory_space<semaphore_mem>>) src(%dma_wait3A_1237 : memref<80x128xf32, #tpu.memory_space<vmem>>) dst(%dma_wait3A_1243 : memref<10240x128xf32, #tpu.memory_space<vmem_shared>>)
      tpu.yield
    }) : () -> ()
    %dma_wait3A_1010 = arith.constant 1 : i32
    %dma_wait3A_1011 = arith.constant 24 : i32
    %dma_wait3A_1012 = arith.constant 0 : i32
    %dma_wait3A_1013 = arith.constant 0 : i32
    %dma_wait3A_1014 = arith.constant 0 : i32
    %dma_wait3A_1015 = arith.constant 0 : i32
    %dma_wait3A_1016 = tpu.memref_slice %arg7[%dma_wait3A_1012, %dma_wait3A_1014, %dma_wait3A_1015] : memref<3x80x128xf32, #tpu.memory_space<vmem>> -> memref<1x80x128xf32, #tpu.memory_space<vmem>>
    %dma_wait3A_1017 = tpu.memref_squeeze %dma_wait3A_1016 : memref<1x80x128xf32, #tpu.memory_space<vmem>> -> memref<80x128xf32, #tpu.memory_space<vmem>>
    %dma_wait3A_1018 = arith.constant 0 : i32
    %dma_wait3A_1019 = tpu.memref_slice %arg5[%dma_wait3A_1010, %dma_wait3A_1011, %dma_wait3A_1018] : memref<2x25x80xi32, #tpu.memory_space<vmem>> -> memref<1x1x80xi32, #tpu.memory_space<vmem>>
    %dma_wait3A_1020 = tpu.memref_squeeze %dma_wait3A_1019 : memref<1x1x80xi32, #tpu.memory_space<vmem>> -> memref<80xi32, #tpu.memory_space<vmem>>
    %dma_wait3A_1021 = arith.constant 0 : i32
    %dma_wait3A_1022 = arith.constant 0 : i32
    %dma_wait3A_1023 = tpu.memref_slice %arg2[%dma_wait3A_1021, %dma_wait3A_1022] : memref<10000x128xf32, #tpu.memory_space<hbm>> -> memref<10000x128xf32, #tpu.memory_space<hbm>>
    %dma_wait3A_1024 = tpu.memref_slice %arg9[%dma_wait3A_1013] : memref<3x!tpu.dma_semaphore, #tpu.memory_space<semaphore_mem>> -> memref<1x!tpu.dma_semaphore, #tpu.memory_space<semaphore_mem>>
    %dma_wait3A_1025 = tpu.memref_squeeze %dma_wait3A_1024 : memref<1x!tpu.dma_semaphore, #tpu.memory_space<semaphore_mem>> -> memref<!tpu.dma_semaphore, #tpu.memory_space<semaphore_mem>>
    tpu.wait_indirect_dma semaphore(%dma_wait3A_1025 : memref<!tpu.dma_semaphore, #tpu.memory_space<semaphore_mem>>) src(%dma_wait3A_1023 : memref<10000x128xf32, #tpu.memory_space<hbm>>) dst(%dma_wait3A_1017 : memref<80x128xf32, #tpu.memory_space<vmem>>)
    %run_scoped3A_1026 = arith.constant 0 : i32
    %run_scoped3A_1027 = arith.constant 1 : i32
    %run_scoped3A_1028 = arith.constant 24 : i32
    "tpu.region"() ({
      %run_scoped3A_1223 = tpu.sem_alloc : memref<!tpu.dma_semaphore, #tpu.memory_space<semaphore_mem>>
      %dma_start3A_1224 = arith.constant 0 : i32
      %dma_start3A_1225 = arith.constant 0 : i32
      %dma_start3A_1226 = tpu.memref_slice %arg7[%run_scoped3A_1026, %dma_start3A_1224, %dma_start3A_1225] : memref<3x80x128xf32, #tpu.memory_space<vmem>> -> memref<1x80x128xf32, #tpu.memory_space<vmem>>
      %dma_start3A_1227 = tpu.memref_squeeze %dma_start3A_1226 : memref<1x80x128xf32, #tpu.memory_space<vmem>> -> memref<80x128xf32, #tpu.memory_space<vmem>>
      %dma_start3A_1228 = arith.constant 0 : i32
      %dma_start3A_1229 = tpu.memref_slice %arg6[%run_scoped3A_1027, %run_scoped3A_1028, %dma_start3A_1228] : memref<2x25x80xi32, #tpu.memory_space<vmem>> -> memref<1x1x80xi32, #tpu.memory_space<vmem>>
      %dma_start3A_1230 = tpu.memref_squeeze %dma_start3A_1229 : memref<1x1x80xi32, #tpu.memory_space<vmem>> -> memref<80xi32, #tpu.memory_space<vmem>>
      %dma_start3A_1231 = arith.constant 0 : i32
      %dma_start3A_1232 = arith.constant 0 : i32
      %dma_start3A_1233 = tpu.memref_slice %arg8[%dma_start3A_1231, %dma_start3A_1232] : memref<10240x128xf32, #tpu.memory_space<vmem_shared>> -> memref<10240x128xf32, #tpu.memory_space<vmem_shared>>
      tpu.enqueue_indirect_dma source(%dma_start3A_1227 : memref<80x128xf32, #tpu.memory_space<vmem>>) target(%dma_start3A_1233 : memref<10240x128xf32, #tpu.memory_space<vmem_shared>>) offsets(%dma_start3A_1230 : memref<80xi32, #tpu.memory_space<vmem>>) semaphore(%run_scoped3A_1223 : memref<!tpu.dma_semaphore, #tpu.memory_space<semaphore_mem>>) {add = true}
      %dma_wait3A_1234 = arith.constant 0 : i32
      %dma_wait3A_1235 = arith.constant 0 : i32
      %dma_wait3A_1236 = tpu.memref_slice %arg7[%run_scoped3A_1026, %dma_wait3A_1234, %dma_wait3A_1235] : memref<3x80x128xf32, #tpu.memory_space<vmem>> -> memref<1x80x128xf32, #tpu.memory_space<vmem>>
      %dma_wait3A_1237 = tpu.memref_squeeze %dma_wait3A_1236 : memref<1x80x128xf32, #tpu.memory_space<vmem>> -> memref<80x128xf32, #tpu.memory_space<vmem>>
      %dma_wait3A_1238 = arith.constant 0 : i32
      %dma_wait3A_1239 = tpu.memref_slice %arg6[%run_scoped3A_1027, %run_scoped3A_1028, %dma_wait3A_1238] : memref<2x25x80xi32, #tpu.memory_space<vmem>> -> memref<1x1x80xi32, #tpu.memory_space<vmem>>
      %dma_wait3A_1240 = tpu.memref_squeeze %dma_wait3A_1239 : memref<1x1x80xi32, #tpu.memory_space<vmem>> -> memref<80xi32, #tpu.memory_space<vmem>>
      %dma_wait3A_1241 = arith.constant 0 : i32
      %dma_wait3A_1242 = arith.constant 0 : i32
      %dma_wait3A_1243 = tpu.memref_slice %arg8[%dma_wait3A_1241, %dma_wait3A_1242] : memref<10240x128xf32, #tpu.memory_space<vmem_shared>> -> memref<10240x128xf32, #tpu.memory_space<vmem_shared>>
      tpu.wait_indirect_dma semaphore(%run_scoped3A_1223 : memref<!tpu.dma_semaphore, #tpu.memory_space<semaphore_mem>>) src(%dma_wait3A_1237 : memref<80x128xf32, #tpu.memory_space<vmem>>) dst(%dma_wait3A_1243 : memref<10240x128xf32, #tpu.memory_space<vmem_shared>>)
      tpu.yield
    }) : () -> ()
    %dma_wait3A_1029 = arith.constant 0 : i32
    %dma_wait3A_1030 = arith.constant 0 : i32
    %dma_wait3A_1031 = arith.constant 0 : i32
    %dma_wait3A_1032 = arith.constant 0 : i32
    "tpu.trace_stop"() : () -> ()
    "tpu.trace_start"() <{level = 10 : i32, message = "idx_stage"}> : () -> ()
    %dma_wait3A_1033 = arith.constant 0 : i32
    %dma_wait3A_1034 = arith.constant 0 : i32
    %dma_wait3A_1035 = tpu.memref_slice %arg5[%dma_wait3A_1031, %dma_wait3A_1033, %dma_wait3A_1034] : memref<2x25x80xi32, #tpu.memory_space<vmem>> -> memref<1x25x80xi32, #tpu.memory_space<vmem>>
    %dma_wait3A_1036 = tpu.memref_squeeze %dma_wait3A_1035 : memref<1x25x80xi32, #tpu.memory_space<vmem>> -> memref<25x80xi32, #tpu.memory_space<vmem>>
    %dma_wait3A_1037 = arith.constant 0 : i32
    %dma_wait3A_1038 = arith.constant 0 : i32
    %dma_wait3A_1039 = tpu.memref_slice %arg3[%dma_wait3A_1029, %add3A, %dma_wait3A_1030, %dma_wait3A_1037, %dma_wait3A_1038] : memref<2x32x5x25x80xi32, #tpu.memory_space<hbm>> -> memref<1x1x1x25x80xi32, #tpu.memory_space<hbm>>
    %dma_wait3A_1040 = tpu.memref_squeeze %dma_wait3A_1039 : memref<1x1x1x25x80xi32, #tpu.memory_space<hbm>> -> memref<25x80xi32, #tpu.memory_space<hbm>>
    %dma_wait3A_1041 = tpu.memref_slice %arg10[%dma_wait3A_1032] : memref<2x!tpu.dma_semaphore, #tpu.memory_space<semaphore_mem>> -> memref<1x!tpu.dma_semaphore, #tpu.memory_space<semaphore_mem>>
    %dma_wait3A_1042 = tpu.memref_squeeze %dma_wait3A_1041 : memref<1x!tpu.dma_semaphore, #tpu.memory_space<semaphore_mem>> -> memref<!tpu.dma_semaphore, #tpu.memory_space<semaphore_mem>>
    %dma_wait3A_1043 = arith.constant 0 : i32
    %dma_wait3A_1044 = arith.constant 0 : i32
    %dma_wait3A_1045 = tpu.memref_slice %arg5[%dma_wait3A_1031, %dma_wait3A_1043, %dma_wait3A_1044] : memref<2x25x80xi32, #tpu.memory_space<vmem>> -> memref<1x25x80xi32, #tpu.memory_space<vmem>>
    %dma_wait3A_1046 = tpu.memref_squeeze %dma_wait3A_1045 : memref<1x25x80xi32, #tpu.memory_space<vmem>> -> memref<25x80xi32, #tpu.memory_space<vmem>>
    %dma_wait3A_1047 = arith.constant 0 : i32
    %dma_wait3A_1048 = arith.constant 0 : i32
    %dma_wait3A_1049 = tpu.memref_slice %arg3[%dma_wait3A_1029, %add3A, %dma_wait3A_1030, %dma_wait3A_1047, %dma_wait3A_1048] : memref<2x32x5x25x80xi32, #tpu.memory_space<hbm>> -> memref<1x1x1x25x80xi32, #tpu.memory_space<hbm>>
    %dma_wait3A_1050 = tpu.memref_squeeze %dma_wait3A_1049 : memref<1x1x1x25x80xi32, #tpu.memory_space<hbm>> -> memref<25x80xi32, #tpu.memory_space<hbm>>
    tpu.wait_dma2 semaphore(%dma_wait3A_1042 : memref<!tpu.dma_semaphore, #tpu.memory_space<semaphore_mem>>) src(%dma_wait3A_1050 : memref<25x80xi32, #tpu.memory_space<hbm>>) dst(%dma_wait3A_1046 : memref<25x80xi32, #tpu.memory_space<vmem>>)
    %dma_wait3A_1051 = arith.constant 1 : i32
    %dma_wait3A_1052 = arith.constant 0 : i32
    %dma_wait3A_1053 = arith.constant 0 : i32
    %dma_wait3A_1054 = arith.constant 0 : i32
    %dma_wait3A_1055 = arith.constant 0 : i32
    %dma_wait3A_1056 = arith.constant 0 : i32
    %dma_wait3A_1057 = tpu.memref_slice %arg6[%dma_wait3A_1053, %dma_wait3A_1055, %dma_wait3A_1056] : memref<2x25x80xi32, #tpu.memory_space<vmem>> -> memref<1x25x80xi32, #tpu.memory_space<vmem>>
    %dma_wait3A_1058 = tpu.memref_squeeze %dma_wait3A_1057 : memref<1x25x80xi32, #tpu.memory_space<vmem>> -> memref<25x80xi32, #tpu.memory_space<vmem>>
    %dma_wait3A_1059 = arith.constant 0 : i32
    %dma_wait3A_1060 = arith.constant 0 : i32
    %dma_wait3A_1061 = tpu.memref_slice %arg3[%dma_wait3A_1051, %add3A, %dma_wait3A_1052, %dma_wait3A_1059, %dma_wait3A_1060] : memref<2x32x5x25x80xi32, #tpu.memory_space<hbm>> -> memref<1x1x1x25x80xi32, #tpu.memory_space<hbm>>
    %dma_wait3A_1062 = tpu.memref_squeeze %dma_wait3A_1061 : memref<1x1x1x25x80xi32, #tpu.memory_space<hbm>> -> memref<25x80xi32, #tpu.memory_space<hbm>>
    %dma_wait3A_1063 = tpu.memref_slice %arg10[%dma_wait3A_1054] : memref<2x!tpu.dma_semaphore, #tpu.memory_space<semaphore_mem>> -> memref<1x!tpu.dma_semaphore, #tpu.memory_space<semaphore_mem>>
    %dma_wait3A_1064 = tpu.memref_squeeze %dma_wait3A_1063 : memref<1x!tpu.dma_semaphore, #tpu.memory_space<semaphore_mem>> -> memref<!tpu.dma_semaphore, #tpu.memory_space<semaphore_mem>>
    %dma_wait3A_1065 = arith.constant 0 : i32
    %dma_wait3A_1066 = arith.constant 0 : i32
    %dma_wait3A_1067 = tpu.memref_slice %arg6[%dma_wait3A_1053, %dma_wait3A_1065, %dma_wait3A_1066] : memref<2x25x80xi32, #tpu.memory_space<vmem>> -> memref<1x25x80xi32, #tpu.memory_space<vmem>>
    %dma_wait3A_1068 = tpu.memref_squeeze %dma_wait3A_1067 : memref<1x25x80xi32, #tpu.memory_space<vmem>> -> memref<25x80xi32, #tpu.memory_space<vmem>>
    %dma_wait3A_1069 = arith.constant 0 : i32
    %dma_wait3A_1070 = arith.constant 0 : i32
    %dma_wait3A_1071 = tpu.memref_slice %arg3[%dma_wait3A_1051, %add3A, %dma_wait3A_1052, %dma_wait3A_1069, %dma_wait3A_1070] : memref<2x32x5x25x80xi32, #tpu.memory_space<hbm>> -> memref<1x1x1x25x80xi32, #tpu.memory_space<hbm>>
    %dma_wait3A_1072 = tpu.memref_squeeze %dma_wait3A_1071 : memref<1x1x1x25x80xi32, #tpu.memory_space<hbm>> -> memref<25x80xi32, #tpu.memory_space<hbm>>
    tpu.wait_dma2 semaphore(%dma_wait3A_1064 : memref<!tpu.dma_semaphore, #tpu.memory_space<semaphore_mem>>) src(%dma_wait3A_1072 : memref<25x80xi32, #tpu.memory_space<hbm>>) dst(%dma_wait3A_1068 : memref<25x80xi32, #tpu.memory_space<vmem>>)
    %dma_start3A_1073 = arith.constant 0 : i32
    %dma_start3A_1074 = arith.constant 0 : i32
    %dma_start3A_1075 = arith.constant 0 : i32
    %dma_start3A_1076 = arith.constant 0 : i32
    "tpu.trace_stop"() : () -> ()
    "tpu.trace_start"() <{level = 10 : i32, message = "edge_loop"}> : () -> ()
    %dma_start3A_1077 = arith.constant 0 : i32
    %dma_start3A_1078 = arith.constant 0 : i32
    %dma_start3A_1079 = tpu.memref_slice %arg7[%dma_start3A_1075, %dma_start3A_1077, %dma_start3A_1078] : memref<3x80x128xf32, #tpu.memory_space<vmem>> -> memref<1x80x128xf32, #tpu.memory_space<vmem>>
    %dma_start3A_1080 = tpu.memref_squeeze %dma_start3A_1079 : memref<1x80x128xf32, #tpu.memory_space<vmem>> -> memref<80x128xf32, #tpu.memory_space<vmem>>
    %dma_start3A_1081 = arith.constant 0 : i32
    %dma_start3A_1082 = tpu.memref_slice %arg5[%dma_start3A_1073, %dma_start3A_1074, %dma_start3A_1081] : memref<2x25x80xi32, #tpu.memory_space<vmem>> -> memref<1x1x80xi32, #tpu.memory_space<vmem>>
    %dma_start3A_1083 = tpu.memref_squeeze %dma_start3A_1082 : memref<1x1x80xi32, #tpu.memory_space<vmem>> -> memref<80xi32, #tpu.memory_space<vmem>>
    %dma_start3A_1084 = arith.constant 0 : i32
    %dma_start3A_1085 = arith.constant 0 : i32
    %dma_start3A_1086 = tpu.memref_slice %arg2[%dma_start3A_1084, %dma_start3A_1085] : memref<10000x128xf32, #tpu.memory_space<hbm>> -> memref<10000x128xf32, #tpu.memory_space<hbm>>
    %dma_start3A_1087 = tpu.memref_slice %arg9[%dma_start3A_1076] : memref<3x!tpu.dma_semaphore, #tpu.memory_space<semaphore_mem>> -> memref<1x!tpu.dma_semaphore, #tpu.memory_space<semaphore_mem>>
    %dma_start3A_1088 = tpu.memref_squeeze %dma_start3A_1087 : memref<1x!tpu.dma_semaphore, #tpu.memory_space<semaphore_mem>> -> memref<!tpu.dma_semaphore, #tpu.memory_space<semaphore_mem>>
    tpu.enqueue_indirect_dma source(%dma_start3A_1086 : memref<10000x128xf32, #tpu.memory_space<hbm>>) target(%dma_start3A_1080 : memref<80x128xf32, #tpu.memory_space<vmem>>) offsets(%dma_start3A_1083 : memref<80xi32, #tpu.memory_space<vmem>>) semaphore(%dma_start3A_1088 : memref<!tpu.dma_semaphore, #tpu.memory_space<semaphore_mem>>)
    %dma_start3A_1089 = arith.constant 0 : i32
    %dma_start3A_1090 = arith.constant 1 : i32
    %dma_start3A_1091 = arith.constant 1 : i32
    %dma_start3A_1092 = arith.constant 1 : i32
    %dma_start3A_1093 = arith.constant 0 : i32
    %dma_start3A_1094 = arith.constant 0 : i32
    %dma_start3A_1095 = tpu.memref_slice %arg7[%dma_start3A_1091, %dma_start3A_1093, %dma_start3A_1094] : memref<3x80x128xf32, #tpu.memory_space<vmem>> -> memref<1x80x128xf32, #tpu.memory_space<vmem>>
    %dma_start3A_1096 = tpu.memref_squeeze %dma_start3A_1095 : memref<1x80x128xf32, #tpu.memory_space<vmem>> -> memref<80x128xf32, #tpu.memory_space<vmem>>
    %dma_start3A_1097 = arith.constant 0 : i32
    %dma_start3A_1098 = tpu.memref_slice %arg5[%dma_start3A_1089, %dma_start3A_1090, %dma_start3A_1097] : memref<2x25x80xi32, #tpu.memory_space<vmem>> -> memref<1x1x80xi32, #tpu.memory_space<vmem>>
    %dma_start3A_1099 = tpu.memref_squeeze %dma_start3A_1098 : memref<1x1x80xi32, #tpu.memory_space<vmem>> -> memref<80xi32, #tpu.memory_space<vmem>>
    %dma_start3A_1100 = arith.constant 0 : i32
    %dma_start3A_1101 = arith.constant 0 : i32
    %dma_start3A_1102 = tpu.memref_slice %arg2[%dma_start3A_1100, %dma_start3A_1101] : memref<10000x128xf32, #tpu.memory_space<hbm>> -> memref<10000x128xf32, #tpu.memory_space<hbm>>
    %dma_start3A_1103 = tpu.memref_slice %arg9[%dma_start3A_1092] : memref<3x!tpu.dma_semaphore, #tpu.memory_space<semaphore_mem>> -> memref<1x!tpu.dma_semaphore, #tpu.memory_space<semaphore_mem>>
    %dma_start3A_1104 = tpu.memref_squeeze %dma_start3A_1103 : memref<1x!tpu.dma_semaphore, #tpu.memory_space<semaphore_mem>> -> memref<!tpu.dma_semaphore, #tpu.memory_space<semaphore_mem>>
    tpu.enqueue_indirect_dma source(%dma_start3A_1102 : memref<10000x128xf32, #tpu.memory_space<hbm>>) target(%dma_start3A_1096 : memref<80x128xf32, #tpu.memory_space<vmem>>) offsets(%dma_start3A_1099 : memref<80xi32, #tpu.memory_space<vmem>>) semaphore(%dma_start3A_1104 : memref<!tpu.dma_semaphore, #tpu.memory_space<semaphore_mem>>)
    %dma_start3A_1105 = arith.constant 0 : i32
    %dma_start3A_1106 = arith.constant 2 : i32
    %dma_start3A_1107 = arith.constant 2 : i32
    %dma_start3A_1108 = arith.constant 2 : i32
    %dma_start3A_1109 = arith.constant 0 : i32
    %dma_start3A_1110 = arith.constant 0 : i32
    %dma_start3A_1111 = tpu.memref_slice %arg7[%dma_start3A_1107, %dma_start3A_1109, %dma_start3A_1110] : memref<3x80x128xf32, #tpu.memory_space<vmem>> -> memref<1x80x128xf32, #tpu.memory_space<vmem>>
    %dma_start3A_1112 = tpu.memref_squeeze %dma_start3A_1111 : memref<1x80x128xf32, #tpu.memory_space<vmem>> -> memref<80x128xf32, #tpu.memory_space<vmem>>
    %dma_start3A_1113 = arith.constant 0 : i32
    %dma_start3A_1114 = tpu.memref_slice %arg5[%dma_start3A_1105, %dma_start3A_1106, %dma_start3A_1113] : memref<2x25x80xi32, #tpu.memory_space<vmem>> -> memref<1x1x80xi32, #tpu.memory_space<vmem>>
    %dma_start3A_1115 = tpu.memref_squeeze %dma_start3A_1114 : memref<1x1x80xi32, #tpu.memory_space<vmem>> -> memref<80xi32, #tpu.memory_space<vmem>>
    %dma_start3A_1116 = arith.constant 0 : i32
    %dma_start3A_1117 = arith.constant 0 : i32
    %dma_start3A_1118 = tpu.memref_slice %arg2[%dma_start3A_1116, %dma_start3A_1117] : memref<10000x128xf32, #tpu.memory_space<hbm>> -> memref<10000x128xf32, #tpu.memory_space<hbm>>
    %dma_start3A_1119 = tpu.memref_slice %arg9[%dma_start3A_1108] : memref<3x!tpu.dma_semaphore, #tpu.memory_space<semaphore_mem>> -> memref<1x!tpu.dma_semaphore, #tpu.memory_space<semaphore_mem>>
    %dma_start3A_1120 = tpu.memref_squeeze %dma_start3A_1119 : memref<1x!tpu.dma_semaphore, #tpu.memory_space<semaphore_mem>> -> memref<!tpu.dma_semaphore, #tpu.memory_space<semaphore_mem>>
    tpu.enqueue_indirect_dma source(%dma_start3A_1118 : memref<10000x128xf32, #tpu.memory_space<hbm>>) target(%dma_start3A_1112 : memref<80x128xf32, #tpu.memory_space<vmem>>) offsets(%dma_start3A_1115 : memref<80xi32, #tpu.memory_space<vmem>>) semaphore(%dma_start3A_1120 : memref<!tpu.dma_semaphore, #tpu.memory_space<semaphore_mem>>)
    %scan3A_1121 = arith.constant 0 : i32
    %scan3A_1122 = arith.constant 0 : i32
    %scan3A_1123 = arith.constant 7 : i32
    %scan3A_1124 = arith.addi %scan3A_1122, %scan3A_1123 : i32
    %scan3A_1125 = arith.constant 1 : i32
    %scan3A_1126 = scf.for %scan3A_1223 = %scan3A_1122 to %scan3A_1124 step %scan3A_1125 iter_args(%scan3A_1224 = %scan3A_1121) -> (i32)  : i32 {
      %mul3A_1225 = arith.constant 3 : i32
      %mul3A_1226 = arith.muli %scan3A_1223, %mul3A_1225 : i32
      %add3A_1227 = arith.constant 0 : i32
      %add3A_1228 = arith.addi %mul3A_1226, %add3A_1227 : i32
      %dma_wait3A_1229 = arith.constant 0 : i32
      %dma_wait3A_1230 = arith.constant 0 : i32
      %dma_wait3A_1231 = arith.constant 0 : i32
      %dma_wait3A_1232 = arith.constant 0 : i32
      %dma_wait3A_1233 = arith.constant 0 : i32
      %dma_wait3A_1234 = tpu.memref_slice %arg7[%dma_wait3A_1230, %dma_wait3A_1232, %dma_wait3A_1233] : memref<3x80x128xf32, #tpu.memory_space<vmem>> -> memref<1x80x128xf32, #tpu.memory_space<vmem>>
      %dma_wait3A_1235 = tpu.memref_squeeze %dma_wait3A_1234 : memref<1x80x128xf32, #tpu.memory_space<vmem>> -> memref<80x128xf32, #tpu.memory_space<vmem>>
      %dma_wait3A_1236 = arith.constant 0 : i32
      %dma_wait3A_1237 = tpu.memref_slice %arg5[%dma_wait3A_1229, %add3A_1228, %dma_wait3A_1236] : memref<2x25x80xi32, #tpu.memory_space<vmem>> -> memref<1x1x80xi32, #tpu.memory_space<vmem>>
      %dma_wait3A_1238 = tpu.memref_squeeze %dma_wait3A_1237 : memref<1x1x80xi32, #tpu.memory_space<vmem>> -> memref<80xi32, #tpu.memory_space<vmem>>
      %dma_wait3A_1239 = arith.constant 0 : i32
      %dma_wait3A_1240 = arith.constant 0 : i32
      %dma_wait3A_1241 = tpu.memref_slice %arg2[%dma_wait3A_1239, %dma_wait3A_1240] : memref<10000x128xf32, #tpu.memory_space<hbm>> -> memref<10000x128xf32, #tpu.memory_space<hbm>>
      %dma_wait3A_1242 = tpu.memref_slice %arg9[%dma_wait3A_1231] : memref<3x!tpu.dma_semaphore, #tpu.memory_space<semaphore_mem>> -> memref<1x!tpu.dma_semaphore, #tpu.memory_space<semaphore_mem>>
      %dma_wait3A_1243 = tpu.memref_squeeze %dma_wait3A_1242 : memref<1x!tpu.dma_semaphore, #tpu.memory_space<semaphore_mem>> -> memref<!tpu.dma_semaphore, #tpu.memory_space<semaphore_mem>>
      tpu.wait_indirect_dma semaphore(%dma_wait3A_1243 : memref<!tpu.dma_semaphore, #tpu.memory_space<semaphore_mem>>) src(%dma_wait3A_1241 : memref<10000x128xf32, #tpu.memory_space<hbm>>) dst(%dma_wait3A_1235 : memref<80x128xf32, #tpu.memory_space<vmem>>)
      %run_scoped3A_1244 = arith.constant 0 : i32
      %run_scoped3A_1245 = arith.constant 0 : i32
      "tpu.region"() ({
        %run_scoped3A_1340 = tpu.sem_alloc : memref<!tpu.dma_semaphore, #tpu.memory_space<semaphore_mem>>
        %dma_start3A_1341 = arith.constant 0 : i32
        %dma_start3A_1342 = arith.constant 0 : i32
        %dma_start3A_1343 = tpu.memref_slice %arg7[%run_scoped3A_1244, %dma_start3A_1341, %dma_start3A_1342] : memref<3x80x128xf32, #tpu.memory_space<vmem>> -> memref<1x80x128xf32, #tpu.memory_space<vmem>>
        %dma_start3A_1344 = tpu.memref_squeeze %dma_start3A_1343 : memref<1x80x128xf32, #tpu.memory_space<vmem>> -> memref<80x128xf32, #tpu.memory_space<vmem>>
        %dma_start3A_1345 = arith.constant 0 : i32
        %dma_start3A_1346 = tpu.memref_slice %arg6[%run_scoped3A_1245, %add3A_1228, %dma_start3A_1345] : memref<2x25x80xi32, #tpu.memory_space<vmem>> -> memref<1x1x80xi32, #tpu.memory_space<vmem>>
        %dma_start3A_1347 = tpu.memref_squeeze %dma_start3A_1346 : memref<1x1x80xi32, #tpu.memory_space<vmem>> -> memref<80xi32, #tpu.memory_space<vmem>>
        %dma_start3A_1348 = arith.constant 0 : i32
        %dma_start3A_1349 = arith.constant 0 : i32
        %dma_start3A_1350 = tpu.memref_slice %arg8[%dma_start3A_1348, %dma_start3A_1349] : memref<10240x128xf32, #tpu.memory_space<vmem_shared>> -> memref<10240x128xf32, #tpu.memory_space<vmem_shared>>
        tpu.enqueue_indirect_dma source(%dma_start3A_1344 : memref<80x128xf32, #tpu.memory_space<vmem>>) target(%dma_start3A_1350 : memref<10240x128xf32, #tpu.memory_space<vmem_shared>>) offsets(%dma_start3A_1347 : memref<80xi32, #tpu.memory_space<vmem>>) semaphore(%run_scoped3A_1340 : memref<!tpu.dma_semaphore, #tpu.memory_space<semaphore_mem>>) {add = true}
        %dma_wait3A_1351 = arith.constant 0 : i32
        %dma_wait3A_1352 = arith.constant 0 : i32
        %dma_wait3A_1353 = tpu.memref_slice %arg7[%run_scoped3A_1244, %dma_wait3A_1351, %dma_wait3A_1352] : memref<3x80x128xf32, #tpu.memory_space<vmem>> -> memref<1x80x128xf32, #tpu.memory_space<vmem>>
        %dma_wait3A_1354 = tpu.memref_squeeze %dma_wait3A_1353 : memref<1x80x128xf32, #tpu.memory_space<vmem>> -> memref<80x128xf32, #tpu.memory_space<vmem>>
        %dma_wait3A_1355 = arith.constant 0 : i32
        %dma_wait3A_1356 = tpu.memref_slice %arg6[%run_scoped3A_1245, %add3A_1228, %dma_wait3A_1355] : memref<2x25x80xi32, #tpu.memory_space<vmem>> -> memref<1x1x80xi32, #tpu.memory_space<vmem>>
        %dma_wait3A_1357 = tpu.memref_squeeze %dma_wait3A_1356 : memref<1x1x80xi32, #tpu.memory_space<vmem>> -> memref<80xi32, #tpu.memory_space<vmem>>
        %dma_wait3A_1358 = arith.constant 0 : i32
        %dma_wait3A_1359 = arith.constant 0 : i32
        %dma_wait3A_1360 = tpu.memref_slice %arg8[%dma_wait3A_1358, %dma_wait3A_1359] : memref<10240x128xf32, #tpu.memory_space<vmem_shared>> -> memref<10240x128xf32, #tpu.memory_space<vmem_shared>>
        tpu.wait_indirect_dma semaphore(%run_scoped3A_1340 : memref<!tpu.dma_semaphore, #tpu.memory_space<semaphore_mem>>) src(%dma_wait3A_1354 : memref<80x128xf32, #tpu.memory_space<vmem>>) dst(%dma_wait3A_1360 : memref<10240x128xf32, #tpu.memory_space<vmem_shared>>)
        tpu.yield
      }) : () -> ()
      %add3A_1246 = arith.constant 3 : i32
      %add3A_1247 = arith.addi %add3A_1228, %add3A_1246 : i32
      %dma_start3A_1248 = arith.constant 0 : i32
      %dma_start3A_1249 = arith.constant 0 : i32
      %dma_start3A_1250 = arith.constant 0 : i32
      %dma_start3A_1251 = arith.constant 0 : i32
      %dma_start3A_1252 = arith.constant 0 : i32
      %dma_start3A_1253 = tpu.memref_slice %arg7[%dma_start3A_1249, %dma_start3A_1251, %dma_start3A_1252] : memref<3x80x128xf32, #tpu.memory_space<vmem>> -> memref<1x80x128xf32, #tpu.memory_space<vmem>>
      %dma_start3A_1254 = tpu.memref_squeeze %dma_start3A_1253 : memref<1x80x128xf32, #tpu.memory_space<vmem>> -> memref<80x128xf32, #tpu.memory_space<vmem>>
      %dma_start3A_1255 = arith.constant 0 : i32
      %dma_start3A_1256 = tpu.memref_slice %arg5[%dma_start3A_1248, %add3A_1247, %dma_start3A_1255] : memref<2x25x80xi32, #tpu.memory_space<vmem>> -> memref<1x1x80xi32, #tpu.memory_space<vmem>>
      %dma_start3A_1257 = tpu.memref_squeeze %dma_start3A_1256 : memref<1x1x80xi32, #tpu.memory_space<vmem>> -> memref<80xi32, #tpu.memory_space<vmem>>
      %dma_start3A_1258 = arith.constant 0 : i32
      %dma_start3A_1259 = arith.constant 0 : i32
      %dma_start3A_1260 = tpu.memref_slice %arg2[%dma_start3A_1258, %dma_start3A_1259] : memref<10000x128xf32, #tpu.memory_space<hbm>> -> memref<10000x128xf32, #tpu.memory_space<hbm>>
      %dma_start3A_1261 = tpu.memref_slice %arg9[%dma_start3A_1250] : memref<3x!tpu.dma_semaphore, #tpu.memory_space<semaphore_mem>> -> memref<1x!tpu.dma_semaphore, #tpu.memory_space<semaphore_mem>>
      %dma_start3A_1262 = tpu.memref_squeeze %dma_start3A_1261 : memref<1x!tpu.dma_semaphore, #tpu.memory_space<semaphore_mem>> -> memref<!tpu.dma_semaphore, #tpu.memory_space<semaphore_mem>>
      tpu.enqueue_indirect_dma source(%dma_start3A_1260 : memref<10000x128xf32, #tpu.memory_space<hbm>>) target(%dma_start3A_1254 : memref<80x128xf32, #tpu.memory_space<vmem>>) offsets(%dma_start3A_1257 : memref<80xi32, #tpu.memory_space<vmem>>) semaphore(%dma_start3A_1262 : memref<!tpu.dma_semaphore, #tpu.memory_space<semaphore_mem>>)
      %mul3A_1263 = arith.constant 3 : i32
      %mul3A_1264 = arith.muli %scan3A_1223, %mul3A_1263 : i32
      %add3A_1265 = arith.constant 1 : i32
      %add3A_1266 = arith.addi %mul3A_1264, %add3A_1265 : i32
      %dma_wait3A_1267 = arith.constant 0 : i32
      %dma_wait3A_1268 = arith.constant 1 : i32
      %dma_wait3A_1269 = arith.constant 1 : i32
      %dma_wait3A_1270 = arith.constant 0 : i32
      %dma_wait3A_1271 = arith.constant 0 : i32
      %dma_wait3A_1272 = tpu.memref_slice %arg7[%dma_wait3A_1268, %dma_wait3A_1270, %dma_wait3A_1271] : memref<3x80x128xf32, #tpu.memory_space<vmem>> -> memref<1x80x128xf32, #tpu.memory_space<vmem>>
      %dma_wait3A_1273 = tpu.memref_squeeze %dma_wait3A_1272 : memref<1x80x128xf32, #tpu.memory_space<vmem>> -> memref<80x128xf32, #tpu.memory_space<vmem>>
      %dma_wait3A_1274 = arith.constant 0 : i32
      %dma_wait3A_1275 = tpu.memref_slice %arg5[%dma_wait3A_1267, %add3A_1266, %dma_wait3A_1274] : memref<2x25x80xi32, #tpu.memory_space<vmem>> -> memref<1x1x80xi32, #tpu.memory_space<vmem>>
      %dma_wait3A_1276 = tpu.memref_squeeze %dma_wait3A_1275 : memref<1x1x80xi32, #tpu.memory_space<vmem>> -> memref<80xi32, #tpu.memory_space<vmem>>
      %dma_wait3A_1277 = arith.constant 0 : i32
      %dma_wait3A_1278 = arith.constant 0 : i32
      %dma_wait3A_1279 = tpu.memref_slice %arg2[%dma_wait3A_1277, %dma_wait3A_1278] : memref<10000x128xf32, #tpu.memory_space<hbm>> -> memref<10000x128xf32, #tpu.memory_space<hbm>>
      %dma_wait3A_1280 = tpu.memref_slice %arg9[%dma_wait3A_1269] : memref<3x!tpu.dma_semaphore, #tpu.memory_space<semaphore_mem>> -> memref<1x!tpu.dma_semaphore, #tpu.memory_space<semaphore_mem>>
      %dma_wait3A_1281 = tpu.memref_squeeze %dma_wait3A_1280 : memref<1x!tpu.dma_semaphore, #tpu.memory_space<semaphore_mem>> -> memref<!tpu.dma_semaphore, #tpu.memory_space<semaphore_mem>>
      tpu.wait_indirect_dma semaphore(%dma_wait3A_1281 : memref<!tpu.dma_semaphore, #tpu.memory_space<semaphore_mem>>) src(%dma_wait3A_1279 : memref<10000x128xf32, #tpu.memory_space<hbm>>) dst(%dma_wait3A_1273 : memref<80x128xf32, #tpu.memory_space<vmem>>)
      %run_scoped3A_1282 = arith.constant 1 : i32
      %run_scoped3A_1283 = arith.constant 0 : i32
      "tpu.region"() ({
        %run_scoped3A_1340 = tpu.sem_alloc : memref<!tpu.dma_semaphore, #tpu.memory_space<semaphore_mem>>
        %dma_start3A_1341 = arith.constant 0 : i32
        %dma_start3A_1342 = arith.constant 0 : i32
        %dma_start3A_1343 = tpu.memref_slice %arg7[%run_scoped3A_1282, %dma_start3A_1341, %dma_start3A_1342] : memref<3x80x128xf32, #tpu.memory_space<vmem>> -> memref<1x80x128xf32, #tpu.memory_space<vmem>>
        %dma_start3A_1344 = tpu.memref_squeeze %dma_start3A_1343 : memref<1x80x128xf32, #tpu.memory_space<vmem>> -> memref<80x128xf32, #tpu.memory_space<vmem>>
        %dma_start3A_1345 = arith.constant 0 : i32
        %dma_start3A_1346 = tpu.memref_slice %arg6[%run_scoped3A_1283, %add3A_1266, %dma_start3A_1345] : memref<2x25x80xi32, #tpu.memory_space<vmem>> -> memref<1x1x80xi32, #tpu.memory_space<vmem>>
        %dma_start3A_1347 = tpu.memref_squeeze %dma_start3A_1346 : memref<1x1x80xi32, #tpu.memory_space<vmem>> -> memref<80xi32, #tpu.memory_space<vmem>>
        %dma_start3A_1348 = arith.constant 0 : i32
        %dma_start3A_1349 = arith.constant 0 : i32
        %dma_start3A_1350 = tpu.memref_slice %arg8[%dma_start3A_1348, %dma_start3A_1349] : memref<10240x128xf32, #tpu.memory_space<vmem_shared>> -> memref<10240x128xf32, #tpu.memory_space<vmem_shared>>
        tpu.enqueue_indirect_dma source(%dma_start3A_1344 : memref<80x128xf32, #tpu.memory_space<vmem>>) target(%dma_start3A_1350 : memref<10240x128xf32, #tpu.memory_space<vmem_shared>>) offsets(%dma_start3A_1347 : memref<80xi32, #tpu.memory_space<vmem>>) semaphore(%run_scoped3A_1340 : memref<!tpu.dma_semaphore, #tpu.memory_space<semaphore_mem>>) {add = true}
        %dma_wait3A_1351 = arith.constant 0 : i32
        %dma_wait3A_1352 = arith.constant 0 : i32
        %dma_wait3A_1353 = tpu.memref_slice %arg7[%run_scoped3A_1282, %dma_wait3A_1351, %dma_wait3A_1352] : memref<3x80x128xf32, #tpu.memory_space<vmem>> -> memref<1x80x128xf32, #tpu.memory_space<vmem>>
        %dma_wait3A_1354 = tpu.memref_squeeze %dma_wait3A_1353 : memref<1x80x128xf32, #tpu.memory_space<vmem>> -> memref<80x128xf32, #tpu.memory_space<vmem>>
        %dma_wait3A_1355 = arith.constant 0 : i32
        %dma_wait3A_1356 = tpu.memref_slice %arg6[%run_scoped3A_1283, %add3A_1266, %dma_wait3A_1355] : memref<2x25x80xi32, #tpu.memory_space<vmem>> -> memref<1x1x80xi32, #tpu.memory_space<vmem>>
        %dma_wait3A_1357 = tpu.memref_squeeze %dma_wait3A_1356 : memref<1x1x80xi32, #tpu.memory_space<vmem>> -> memref<80xi32, #tpu.memory_space<vmem>>
        %dma_wait3A_1358 = arith.constant 0 : i32
        %dma_wait3A_1359 = arith.constant 0 : i32
        %dma_wait3A_1360 = tpu.memref_slice %arg8[%dma_wait3A_1358, %dma_wait3A_1359] : memref<10240x128xf32, #tpu.memory_space<vmem_shared>> -> memref<10240x128xf32, #tpu.memory_space<vmem_shared>>
        tpu.wait_indirect_dma semaphore(%run_scoped3A_1340 : memref<!tpu.dma_semaphore, #tpu.memory_space<semaphore_mem>>) src(%dma_wait3A_1354 : memref<80x128xf32, #tpu.memory_space<vmem>>) dst(%dma_wait3A_1360 : memref<10240x128xf32, #tpu.memory_space<vmem_shared>>)
        tpu.yield
      }) : () -> ()
      %add3A_1284 = arith.constant 3 : i32
      %add3A_1285 = arith.addi %add3A_1266, %add3A_1284 : i32
      %dma_start3A_1286 = arith.constant 0 : i32
      %dma_start3A_1287 = arith.constant 1 : i32
      %dma_start3A_1288 = arith.constant 1 : i32
      %dma_start3A_1289 = arith.constant 0 : i32
      %dma_start3A_1290 = arith.constant 0 : i32
      %dma_start3A_1291 = tpu.memref_slice %arg7[%dma_start3A_1287, %dma_start3A_1289, %dma_start3A_1290] : memref<3x80x128xf32, #tpu.memory_space<vmem>> -> memref<1x80x128xf32, #tpu.memory_space<vmem>>
      %dma_start3A_1292 = tpu.memref_squeeze %dma_start3A_1291 : memref<1x80x128xf32, #tpu.memory_space<vmem>> -> memref<80x128xf32, #tpu.memory_space<vmem>>
      %dma_start3A_1293 = arith.constant 0 : i32
      %dma_start3A_1294 = tpu.memref_slice %arg5[%dma_start3A_1286, %add3A_1285, %dma_start3A_1293] : memref<2x25x80xi32, #tpu.memory_space<vmem>> -> memref<1x1x80xi32, #tpu.memory_space<vmem>>
      %dma_start3A_1295 = tpu.memref_squeeze %dma_start3A_1294 : memref<1x1x80xi32, #tpu.memory_space<vmem>> -> memref<80xi32, #tpu.memory_space<vmem>>
      %dma_start3A_1296 = arith.constant 0 : i32
      %dma_start3A_1297 = arith.constant 0 : i32
      %dma_start3A_1298 = tpu.memref_slice %arg2[%dma_start3A_1296, %dma_start3A_1297] : memref<10000x128xf32, #tpu.memory_space<hbm>> -> memref<10000x128xf32, #tpu.memory_space<hbm>>
      %dma_start3A_1299 = tpu.memref_slice %arg9[%dma_start3A_1288] : memref<3x!tpu.dma_semaphore, #tpu.memory_space<semaphore_mem>> -> memref<1x!tpu.dma_semaphore, #tpu.memory_space<semaphore_mem>>
      %dma_start3A_1300 = tpu.memref_squeeze %dma_start3A_1299 : memref<1x!tpu.dma_semaphore, #tpu.memory_space<semaphore_mem>> -> memref<!tpu.dma_semaphore, #tpu.memory_space<semaphore_mem>>
      tpu.enqueue_indirect_dma source(%dma_start3A_1298 : memref<10000x128xf32, #tpu.memory_space<hbm>>) target(%dma_start3A_1292 : memref<80x128xf32, #tpu.memory_space<vmem>>) offsets(%dma_start3A_1295 : memref<80xi32, #tpu.memory_space<vmem>>) semaphore(%dma_start3A_1300 : memref<!tpu.dma_semaphore, #tpu.memory_space<semaphore_mem>>)
      %mul3A_1301 = arith.constant 3 : i32
      %mul3A_1302 = arith.muli %scan3A_1223, %mul3A_1301 : i32
      %add3A_1303 = arith.constant 2 : i32
      %add3A_1304 = arith.addi %mul3A_1302, %add3A_1303 : i32
      %dma_wait3A_1305 = arith.constant 0 : i32
      %dma_wait3A_1306 = arith.constant 2 : i32
      %dma_wait3A_1307 = arith.constant 2 : i32
      %dma_wait3A_1308 = arith.constant 0 : i32
      %dma_wait3A_1309 = arith.constant 0 : i32
      %dma_wait3A_1310 = tpu.memref_slice %arg7[%dma_wait3A_1306, %dma_wait3A_1308, %dma_wait3A_1309] : memref<3x80x128xf32, #tpu.memory_space<vmem>> -> memref<1x80x128xf32, #tpu.memory_space<vmem>>
      %dma_wait3A_1311 = tpu.memref_squeeze %dma_wait3A_1310 : memref<1x80x128xf32, #tpu.memory_space<vmem>> -> memref<80x128xf32, #tpu.memory_space<vmem>>
      %dma_wait3A_1312 = arith.constant 0 : i32
      %dma_wait3A_1313 = tpu.memref_slice %arg5[%dma_wait3A_1305, %add3A_1304, %dma_wait3A_1312] : memref<2x25x80xi32, #tpu.memory_space<vmem>> -> memref<1x1x80xi32, #tpu.memory_space<vmem>>
      %dma_wait3A_1314 = tpu.memref_squeeze %dma_wait3A_1313 : memref<1x1x80xi32, #tpu.memory_space<vmem>> -> memref<80xi32, #tpu.memory_space<vmem>>
      %dma_wait3A_1315 = arith.constant 0 : i32
      %dma_wait3A_1316 = arith.constant 0 : i32
      %dma_wait3A_1317 = tpu.memref_slice %arg2[%dma_wait3A_1315, %dma_wait3A_1316] : memref<10000x128xf32, #tpu.memory_space<hbm>> -> memref<10000x128xf32, #tpu.memory_space<hbm>>
      %dma_wait3A_1318 = tpu.memref_slice %arg9[%dma_wait3A_1307] : memref<3x!tpu.dma_semaphore, #tpu.memory_space<semaphore_mem>> -> memref<1x!tpu.dma_semaphore, #tpu.memory_space<semaphore_mem>>
      %dma_wait3A_1319 = tpu.memref_squeeze %dma_wait3A_1318 : memref<1x!tpu.dma_semaphore, #tpu.memory_space<semaphore_mem>> -> memref<!tpu.dma_semaphore, #tpu.memory_space<semaphore_mem>>
      tpu.wait_indirect_dma semaphore(%dma_wait3A_1319 : memref<!tpu.dma_semaphore, #tpu.memory_space<semaphore_mem>>) src(%dma_wait3A_1317 : memref<10000x128xf32, #tpu.memory_space<hbm>>) dst(%dma_wait3A_1311 : memref<80x128xf32, #tpu.memory_space<vmem>>)
      %run_scoped3A_1320 = arith.constant 2 : i32
      %run_scoped3A_1321 = arith.constant 0 : i32
      "tpu.region"() ({
        %run_scoped3A_1340 = tpu.sem_alloc : memref<!tpu.dma_semaphore, #tpu.memory_space<semaphore_mem>>
        %dma_start3A_1341 = arith.constant 0 : i32
        %dma_start3A_1342 = arith.constant 0 : i32
        %dma_start3A_1343 = tpu.memref_slice %arg7[%run_scoped3A_1320, %dma_start3A_1341, %dma_start3A_1342] : memref<3x80x128xf32, #tpu.memory_space<vmem>> -> memref<1x80x128xf32, #tpu.memory_space<vmem>>
        %dma_start3A_1344 = tpu.memref_squeeze %dma_start3A_1343 : memref<1x80x128xf32, #tpu.memory_space<vmem>> -> memref<80x128xf32, #tpu.memory_space<vmem>>
        %dma_start3A_1345 = arith.constant 0 : i32
        %dma_start3A_1346 = tpu.memref_slice %arg6[%run_scoped3A_1321, %add3A_1304, %dma_start3A_1345] : memref<2x25x80xi32, #tpu.memory_space<vmem>> -> memref<1x1x80xi32, #tpu.memory_space<vmem>>
        %dma_start3A_1347 = tpu.memref_squeeze %dma_start3A_1346 : memref<1x1x80xi32, #tpu.memory_space<vmem>> -> memref<80xi32, #tpu.memory_space<vmem>>
        %dma_start3A_1348 = arith.constant 0 : i32
        %dma_start3A_1349 = arith.constant 0 : i32
        %dma_start3A_1350 = tpu.memref_slice %arg8[%dma_start3A_1348, %dma_start3A_1349] : memref<10240x128xf32, #tpu.memory_space<vmem_shared>> -> memref<10240x128xf32, #tpu.memory_space<vmem_shared>>
        tpu.enqueue_indirect_dma source(%dma_start3A_1344 : memref<80x128xf32, #tpu.memory_space<vmem>>) target(%dma_start3A_1350 : memref<10240x128xf32, #tpu.memory_space<vmem_shared>>) offsets(%dma_start3A_1347 : memref<80xi32, #tpu.memory_space<vmem>>) semaphore(%run_scoped3A_1340 : memref<!tpu.dma_semaphore, #tpu.memory_space<semaphore_mem>>) {add = true}
        %dma_wait3A_1351 = arith.constant 0 : i32
        %dma_wait3A_1352 = arith.constant 0 : i32
        %dma_wait3A_1353 = tpu.memref_slice %arg7[%run_scoped3A_1320, %dma_wait3A_1351, %dma_wait3A_1352] : memref<3x80x128xf32, #tpu.memory_space<vmem>> -> memref<1x80x128xf32, #tpu.memory_space<vmem>>
        %dma_wait3A_1354 = tpu.memref_squeeze %dma_wait3A_1353 : memref<1x80x128xf32, #tpu.memory_space<vmem>> -> memref<80x128xf32, #tpu.memory_space<vmem>>
        %dma_wait3A_1355 = arith.constant 0 : i32
        %dma_wait3A_1356 = tpu.memref_slice %arg6[%run_scoped3A_1321, %add3A_1304, %dma_wait3A_1355] : memref<2x25x80xi32, #tpu.memory_space<vmem>> -> memref<1x1x80xi32, #tpu.memory_space<vmem>>
        %dma_wait3A_1357 = tpu.memref_squeeze %dma_wait3A_1356 : memref<1x1x80xi32, #tpu.memory_space<vmem>> -> memref<80xi32, #tpu.memory_space<vmem>>
        %dma_wait3A_1358 = arith.constant 0 : i32
        %dma_wait3A_1359 = arith.constant 0 : i32
        %dma_wait3A_1360 = tpu.memref_slice %arg8[%dma_wait3A_1358, %dma_wait3A_1359] : memref<10240x128xf32, #tpu.memory_space<vmem_shared>> -> memref<10240x128xf32, #tpu.memory_space<vmem_shared>>
        tpu.wait_indirect_dma semaphore(%run_scoped3A_1340 : memref<!tpu.dma_semaphore, #tpu.memory_space<semaphore_mem>>) src(%dma_wait3A_1354 : memref<80x128xf32, #tpu.memory_space<vmem>>) dst(%dma_wait3A_1360 : memref<10240x128xf32, #tpu.memory_space<vmem_shared>>)
        tpu.yield
      }) : () -> ()
      %add3A_1322 = arith.constant 3 : i32
      %add3A_1323 = arith.addi %add3A_1304, %add3A_1322 : i32
      %dma_start3A_1324 = arith.constant 0 : i32
      %dma_start3A_1325 = arith.constant 2 : i32
      %dma_start3A_1326 = arith.constant 2 : i32
      %dma_start3A_1327 = arith.constant 0 : i32
      %dma_start3A_1328 = arith.constant 0 : i32
      %dma_start3A_1329 = tpu.memref_slice %arg7[%dma_start3A_1325, %dma_start3A_1327, %dma_start3A_1328] : memref<3x80x128xf32, #tpu.memory_space<vmem>> -> memref<1x80x128xf32, #tpu.memory_space<vmem>>
      %dma_start3A_1330 = tpu.memref_squeeze %dma_start3A_1329 : memref<1x80x128xf32, #tpu.memory_space<vmem>> -> memref<80x128xf32, #tpu.memory_space<vmem>>
      %dma_start3A_1331 = arith.constant 0 : i32
      %dma_start3A_1332 = tpu.memref_slice %arg5[%dma_start3A_1324, %add3A_1323, %dma_start3A_1331] : memref<2x25x80xi32, #tpu.memory_space<vmem>> -> memref<1x1x80xi32, #tpu.memory_space<vmem>>
      %dma_start3A_1333 = tpu.memref_squeeze %dma_start3A_1332 : memref<1x1x80xi32, #tpu.memory_space<vmem>> -> memref<80xi32, #tpu.memory_space<vmem>>
      %dma_start3A_1334 = arith.constant 0 : i32
      %dma_start3A_1335 = arith.constant 0 : i32
      %dma_start3A_1336 = tpu.memref_slice %arg2[%dma_start3A_1334, %dma_start3A_1335] : memref<10000x128xf32, #tpu.memory_space<hbm>> -> memref<10000x128xf32, #tpu.memory_space<hbm>>
      %dma_start3A_1337 = tpu.memref_slice %arg9[%dma_start3A_1326] : memref<3x!tpu.dma_semaphore, #tpu.memory_space<semaphore_mem>> -> memref<1x!tpu.dma_semaphore, #tpu.memory_space<semaphore_mem>>
      %dma_start3A_1338 = tpu.memref_squeeze %dma_start3A_1337 : memref<1x!tpu.dma_semaphore, #tpu.memory_space<semaphore_mem>> -> memref<!tpu.dma_semaphore, #tpu.memory_space<semaphore_mem>>
      tpu.enqueue_indirect_dma source(%dma_start3A_1336 : memref<10000x128xf32, #tpu.memory_space<hbm>>) target(%dma_start3A_1330 : memref<80x128xf32, #tpu.memory_space<vmem>>) offsets(%dma_start3A_1333 : memref<80xi32, #tpu.memory_space<vmem>>) semaphore(%dma_start3A_1338 : memref<!tpu.dma_semaphore, #tpu.memory_space<semaphore_mem>>)
      %scan3A_1339 = arith.constant 0 : i32
      scf.yield %scan3A_1339 : i32
    }
    %scan3A_1127 = arith.constant 7 : i32
    %dma_wait3A_1128 = arith.constant 0 : i32
    %dma_wait3A_1129 = arith.constant 21 : i32
    %dma_wait3A_1130 = arith.constant 0 : i32
    %dma_wait3A_1131 = arith.constant 0 : i32
    %dma_wait3A_1132 = arith.constant 0 : i32
    %dma_wait3A_1133 = arith.constant 0 : i32
    %dma_wait3A_1134 = tpu.memref_slice %arg7[%dma_wait3A_1130, %dma_wait3A_1132, %dma_wait3A_1133] : memref<3x80x128xf32, #tpu.memory_space<vmem>> -> memref<1x80x128xf32, #tpu.memory_space<vmem>>
    %dma_wait3A_1135 = tpu.memref_squeeze %dma_wait3A_1134 : memref<1x80x128xf32, #tpu.memory_space<vmem>> -> memref<80x128xf32, #tpu.memory_space<vmem>>
    %dma_wait3A_1136 = arith.constant 0 : i32
    %dma_wait3A_1137 = tpu.memref_slice %arg5[%dma_wait3A_1128, %dma_wait3A_1129, %dma_wait3A_1136] : memref<2x25x80xi32, #tpu.memory_space<vmem>> -> memref<1x1x80xi32, #tpu.memory_space<vmem>>
    %dma_wait3A_1138 = tpu.memref_squeeze %dma_wait3A_1137 : memref<1x1x80xi32, #tpu.memory_space<vmem>> -> memref<80xi32, #tpu.memory_space<vmem>>
    %dma_wait3A_1139 = arith.constant 0 : i32
    %dma_wait3A_1140 = arith.constant 0 : i32
    %dma_wait3A_1141 = tpu.memref_slice %arg2[%dma_wait3A_1139, %dma_wait3A_1140] : memref<10000x128xf32, #tpu.memory_space<hbm>> -> memref<10000x128xf32, #tpu.memory_space<hbm>>
    %dma_wait3A_1142 = tpu.memref_slice %arg9[%dma_wait3A_1131] : memref<3x!tpu.dma_semaphore, #tpu.memory_space<semaphore_mem>> -> memref<1x!tpu.dma_semaphore, #tpu.memory_space<semaphore_mem>>
    %dma_wait3A_1143 = tpu.memref_squeeze %dma_wait3A_1142 : memref<1x!tpu.dma_semaphore, #tpu.memory_space<semaphore_mem>> -> memref<!tpu.dma_semaphore, #tpu.memory_space<semaphore_mem>>
    tpu.wait_indirect_dma semaphore(%dma_wait3A_1143 : memref<!tpu.dma_semaphore, #tpu.memory_space<semaphore_mem>>) src(%dma_wait3A_1141 : memref<10000x128xf32, #tpu.memory_space<hbm>>) dst(%dma_wait3A_1135 : memref<80x128xf32, #tpu.memory_space<vmem>>)
    %run_scoped3A_1144 = arith.constant 0 : i32
    %run_scoped3A_1145 = arith.constant 0 : i32
    %run_scoped3A_1146 = arith.constant 21 : i32
    "tpu.region"() ({
      %run_scoped3A_1223 = tpu.sem_alloc : memref<!tpu.dma_semaphore, #tpu.memory_space<semaphore_mem>>
      %dma_start3A_1224 = arith.constant 0 : i32
      %dma_start3A_1225 = arith.constant 0 : i32
      %dma_start3A_1226 = tpu.memref_slice %arg7[%run_scoped3A_1144, %dma_start3A_1224, %dma_start3A_1225] : memref<3x80x128xf32, #tpu.memory_space<vmem>> -> memref<1x80x128xf32, #tpu.memory_space<vmem>>
      %dma_start3A_1227 = tpu.memref_squeeze %dma_start3A_1226 : memref<1x80x128xf32, #tpu.memory_space<vmem>> -> memref<80x128xf32, #tpu.memory_space<vmem>>
      %dma_start3A_1228 = arith.constant 0 : i32
      %dma_start3A_1229 = tpu.memref_slice %arg6[%run_scoped3A_1145, %run_scoped3A_1146, %dma_start3A_1228] : memref<2x25x80xi32, #tpu.memory_space<vmem>> -> memref<1x1x80xi32, #tpu.memory_space<vmem>>
      %dma_start3A_1230 = tpu.memref_squeeze %dma_start3A_1229 : memref<1x1x80xi32, #tpu.memory_space<vmem>> -> memref<80xi32, #tpu.memory_space<vmem>>
      %dma_start3A_1231 = arith.constant 0 : i32
      %dma_start3A_1232 = arith.constant 0 : i32
      %dma_start3A_1233 = tpu.memref_slice %arg8[%dma_start3A_1231, %dma_start3A_1232] : memref<10240x128xf32, #tpu.memory_space<vmem_shared>> -> memref<10240x128xf32, #tpu.memory_space<vmem_shared>>
      tpu.enqueue_indirect_dma source(%dma_start3A_1227 : memref<80x128xf32, #tpu.memory_space<vmem>>) target(%dma_start3A_1233 : memref<10240x128xf32, #tpu.memory_space<vmem_shared>>) offsets(%dma_start3A_1230 : memref<80xi32, #tpu.memory_space<vmem>>) semaphore(%run_scoped3A_1223 : memref<!tpu.dma_semaphore, #tpu.memory_space<semaphore_mem>>) {add = true}
      %dma_wait3A_1234 = arith.constant 0 : i32
      %dma_wait3A_1235 = arith.constant 0 : i32
      %dma_wait3A_1236 = tpu.memref_slice %arg7[%run_scoped3A_1144, %dma_wait3A_1234, %dma_wait3A_1235] : memref<3x80x128xf32, #tpu.memory_space<vmem>> -> memref<1x80x128xf32, #tpu.memory_space<vmem>>
      %dma_wait3A_1237 = tpu.memref_squeeze %dma_wait3A_1236 : memref<1x80x128xf32, #tpu.memory_space<vmem>> -> memref<80x128xf32, #tpu.memory_space<vmem>>
      %dma_wait3A_1238 = arith.constant 0 : i32
      %dma_wait3A_1239 = tpu.memref_slice %arg6[%run_scoped3A_1145, %run_scoped3A_1146, %dma_wait3A_1238] : memref<2x25x80xi32, #tpu.memory_space<vmem>> -> memref<1x1x80xi32, #tpu.memory_space<vmem>>
      %dma_wait3A_1240 = tpu.memref_squeeze %dma_wait3A_1239 : memref<1x1x80xi32, #tpu.memory_space<vmem>> -> memref<80xi32, #tpu.memory_space<vmem>>
      %dma_wait3A_1241 = arith.constant 0 : i32
      %dma_wait3A_1242 = arith.constant 0 : i32
      %dma_wait3A_1243 = tpu.memref_slice %arg8[%dma_wait3A_1241, %dma_wait3A_1242] : memref<10240x128xf32, #tpu.memory_space<vmem_shared>> -> memref<10240x128xf32, #tpu.memory_space<vmem_shared>>
      tpu.wait_indirect_dma semaphore(%run_scoped3A_1223 : memref<!tpu.dma_semaphore, #tpu.memory_space<semaphore_mem>>) src(%dma_wait3A_1237 : memref<80x128xf32, #tpu.memory_space<vmem>>) dst(%dma_wait3A_1243 : memref<10240x128xf32, #tpu.memory_space<vmem_shared>>)
      tpu.yield
    }) : () -> ()
    %dma_start3A_1147 = arith.constant 0 : i32
    %dma_start3A_1148 = arith.constant 24 : i32
    %dma_start3A_1149 = arith.constant 0 : i32
    %dma_start3A_1150 = arith.constant 0 : i32
    %dma_start3A_1151 = arith.constant 0 : i32
    %dma_start3A_1152 = arith.constant 0 : i32
    %dma_start3A_1153 = tpu.memref_slice %arg7[%dma_start3A_1149, %dma_start3A_1151, %dma_start3A_1152] : memref<3x80x128xf32, #tpu.memory_space<vmem>> -> memref<1x80x128xf32, #tpu.memory_space<vmem>>
    %dma_start3A_1154 = tpu.memref_squeeze %dma_start3A_1153 : memref<1x80x128xf32, #tpu.memory_space<vmem>> -> memref<80x128xf32, #tpu.memory_space<vmem>>
    %dma_start3A_1155 = arith.constant 0 : i32
    %dma_start3A_1156 = tpu.memref_slice %arg5[%dma_start3A_1147, %dma_start3A_1148, %dma_start3A_1155] : memref<2x25x80xi32, #tpu.memory_space<vmem>> -> memref<1x1x80xi32, #tpu.memory_space<vmem>>
    %dma_start3A_1157 = tpu.memref_squeeze %dma_start3A_1156 : memref<1x1x80xi32, #tpu.memory_space<vmem>> -> memref<80xi32, #tpu.memory_space<vmem>>
    %dma_start3A_1158 = arith.constant 0 : i32
    %dma_start3A_1159 = arith.constant 0 : i32
    %dma_start3A_1160 = tpu.memref_slice %arg2[%dma_start3A_1158, %dma_start3A_1159] : memref<10000x128xf32, #tpu.memory_space<hbm>> -> memref<10000x128xf32, #tpu.memory_space<hbm>>
    %dma_start3A_1161 = tpu.memref_slice %arg9[%dma_start3A_1150] : memref<3x!tpu.dma_semaphore, #tpu.memory_space<semaphore_mem>> -> memref<1x!tpu.dma_semaphore, #tpu.memory_space<semaphore_mem>>
    %dma_start3A_1162 = tpu.memref_squeeze %dma_start3A_1161 : memref<1x!tpu.dma_semaphore, #tpu.memory_space<semaphore_mem>> -> memref<!tpu.dma_semaphore, #tpu.memory_space<semaphore_mem>>
    tpu.enqueue_indirect_dma source(%dma_start3A_1160 : memref<10000x128xf32, #tpu.memory_space<hbm>>) target(%dma_start3A_1154 : memref<80x128xf32, #tpu.memory_space<vmem>>) offsets(%dma_start3A_1157 : memref<80xi32, #tpu.memory_space<vmem>>) semaphore(%dma_start3A_1162 : memref<!tpu.dma_semaphore, #tpu.memory_space<semaphore_mem>>)
    %dma_wait3A_1163 = arith.constant 0 : i32
    %dma_wait3A_1164 = arith.constant 22 : i32
    %dma_wait3A_1165 = arith.constant 1 : i32
    %dma_wait3A_1166 = arith.constant 1 : i32
    %dma_wait3A_1167 = arith.constant 0 : i32
    %dma_wait3A_1168 = arith.constant 0 : i32
    %dma_wait3A_1169 = tpu.memref_slice %arg7[%dma_wait3A_1165, %dma_wait3A_1167, %dma_wait3A_1168] : memref<3x80x128xf32, #tpu.memory_space<vmem>> -> memref<1x80x128xf32, #tpu.memory_space<vmem>>
    %dma_wait3A_1170 = tpu.memref_squeeze %dma_wait3A_1169 : memref<1x80x128xf32, #tpu.memory_space<vmem>> -> memref<80x128xf32, #tpu.memory_space<vmem>>
    %dma_wait3A_1171 = arith.constant 0 : i32
    %dma_wait3A_1172 = tpu.memref_slice %arg5[%dma_wait3A_1163, %dma_wait3A_1164, %dma_wait3A_1171] : memref<2x25x80xi32, #tpu.memory_space<vmem>> -> memref<1x1x80xi32, #tpu.memory_space<vmem>>
    %dma_wait3A_1173 = tpu.memref_squeeze %dma_wait3A_1172 : memref<1x1x80xi32, #tpu.memory_space<vmem>> -> memref<80xi32, #tpu.memory_space<vmem>>
    %dma_wait3A_1174 = arith.constant 0 : i32
    %dma_wait3A_1175 = arith.constant 0 : i32
    %dma_wait3A_1176 = tpu.memref_slice %arg2[%dma_wait3A_1174, %dma_wait3A_1175] : memref<10000x128xf32, #tpu.memory_space<hbm>> -> memref<10000x128xf32, #tpu.memory_space<hbm>>
    %dma_wait3A_1177 = tpu.memref_slice %arg9[%dma_wait3A_1166] : memref<3x!tpu.dma_semaphore, #tpu.memory_space<semaphore_mem>> -> memref<1x!tpu.dma_semaphore, #tpu.memory_space<semaphore_mem>>
    %dma_wait3A_1178 = tpu.memref_squeeze %dma_wait3A_1177 : memref<1x!tpu.dma_semaphore, #tpu.memory_space<semaphore_mem>> -> memref<!tpu.dma_semaphore, #tpu.memory_space<semaphore_mem>>
    tpu.wait_indirect_dma semaphore(%dma_wait3A_1178 : memref<!tpu.dma_semaphore, #tpu.memory_space<semaphore_mem>>) src(%dma_wait3A_1176 : memref<10000x128xf32, #tpu.memory_space<hbm>>) dst(%dma_wait3A_1170 : memref<80x128xf32, #tpu.memory_space<vmem>>)
    %run_scoped3A_1179 = arith.constant 1 : i32
    %run_scoped3A_1180 = arith.constant 0 : i32
    %run_scoped3A_1181 = arith.constant 22 : i32
    "tpu.region"() ({
      %run_scoped3A_1223 = tpu.sem_alloc : memref<!tpu.dma_semaphore, #tpu.memory_space<semaphore_mem>>
      %dma_start3A_1224 = arith.constant 0 : i32
      %dma_start3A_1225 = arith.constant 0 : i32
      %dma_start3A_1226 = tpu.memref_slice %arg7[%run_scoped3A_1179, %dma_start3A_1224, %dma_start3A_1225] : memref<3x80x128xf32, #tpu.memory_space<vmem>> -> memref<1x80x128xf32, #tpu.memory_space<vmem>>
      %dma_start3A_1227 = tpu.memref_squeeze %dma_start3A_1226 : memref<1x80x128xf32, #tpu.memory_space<vmem>> -> memref<80x128xf32, #tpu.memory_space<vmem>>
      %dma_start3A_1228 = arith.constant 0 : i32
      %dma_start3A_1229 = tpu.memref_slice %arg6[%run_scoped3A_1180, %run_scoped3A_1181, %dma_start3A_1228] : memref<2x25x80xi32, #tpu.memory_space<vmem>> -> memref<1x1x80xi32, #tpu.memory_space<vmem>>
      %dma_start3A_1230 = tpu.memref_squeeze %dma_start3A_1229 : memref<1x1x80xi32, #tpu.memory_space<vmem>> -> memref<80xi32, #tpu.memory_space<vmem>>
      %dma_start3A_1231 = arith.constant 0 : i32
      %dma_start3A_1232 = arith.constant 0 : i32
      %dma_start3A_1233 = tpu.memref_slice %arg8[%dma_start3A_1231, %dma_start3A_1232] : memref<10240x128xf32, #tpu.memory_space<vmem_shared>> -> memref<10240x128xf32, #tpu.memory_space<vmem_shared>>
      tpu.enqueue_indirect_dma source(%dma_start3A_1227 : memref<80x128xf32, #tpu.memory_space<vmem>>) target(%dma_start3A_1233 : memref<10240x128xf32, #tpu.memory_space<vmem_shared>>) offsets(%dma_start3A_1230 : memref<80xi32, #tpu.memory_space<vmem>>) semaphore(%run_scoped3A_1223 : memref<!tpu.dma_semaphore, #tpu.memory_space<semaphore_mem>>) {add = true}
      %dma_wait3A_1234 = arith.constant 0 : i32
      %dma_wait3A_1235 = arith.constant 0 : i32
      %dma_wait3A_1236 = tpu.memref_slice %arg7[%run_scoped3A_1179, %dma_wait3A_1234, %dma_wait3A_1235] : memref<3x80x128xf32, #tpu.memory_space<vmem>> -> memref<1x80x128xf32, #tpu.memory_space<vmem>>
      %dma_wait3A_1237 = tpu.memref_squeeze %dma_wait3A_1236 : memref<1x80x128xf32, #tpu.memory_space<vmem>> -> memref<80x128xf32, #tpu.memory_space<vmem>>
      %dma_wait3A_1238 = arith.constant 0 : i32
      %dma_wait3A_1239 = tpu.memref_slice %arg6[%run_scoped3A_1180, %run_scoped3A_1181, %dma_wait3A_1238] : memref<2x25x80xi32, #tpu.memory_space<vmem>> -> memref<1x1x80xi32, #tpu.memory_space<vmem>>
      %dma_wait3A_1240 = tpu.memref_squeeze %dma_wait3A_1239 : memref<1x1x80xi32, #tpu.memory_space<vmem>> -> memref<80xi32, #tpu.memory_space<vmem>>
      %dma_wait3A_1241 = arith.constant 0 : i32
      %dma_wait3A_1242 = arith.constant 0 : i32
      %dma_wait3A_1243 = tpu.memref_slice %arg8[%dma_wait3A_1241, %dma_wait3A_1242] : memref<10240x128xf32, #tpu.memory_space<vmem_shared>> -> memref<10240x128xf32, #tpu.memory_space<vmem_shared>>
      tpu.wait_indirect_dma semaphore(%run_scoped3A_1223 : memref<!tpu.dma_semaphore, #tpu.memory_space<semaphore_mem>>) src(%dma_wait3A_1237 : memref<80x128xf32, #tpu.memory_space<vmem>>) dst(%dma_wait3A_1243 : memref<10240x128xf32, #tpu.memory_space<vmem_shared>>)
      tpu.yield
    }) : () -> ()
    %dma_wait3A_1182 = arith.constant 0 : i32
    %dma_wait3A_1183 = arith.constant 23 : i32
    %dma_wait3A_1184 = arith.constant 2 : i32
    %dma_wait3A_1185 = arith.constant 2 : i32
    %dma_wait3A_1186 = arith.constant 0 : i32
    %dma_wait3A_1187 = arith.constant 0 : i32
    %dma_wait3A_1188 = tpu.memref_slice %arg7[%dma_wait3A_1184, %dma_wait3A_1186, %dma_wait3A_1187] : memref<3x80x128xf32, #tpu.memory_space<vmem>> -> memref<1x80x128xf32, #tpu.memory_space<vmem>>
    %dma_wait3A_1189 = tpu.memref_squeeze %dma_wait3A_1188 : memref<1x80x128xf32, #tpu.memory_space<vmem>> -> memref<80x128xf32, #tpu.memory_space<vmem>>
    %dma_wait3A_1190 = arith.constant 0 : i32
    %dma_wait3A_1191 = tpu.memref_slice %arg5[%dma_wait3A_1182, %dma_wait3A_1183, %dma_wait3A_1190] : memref<2x25x80xi32, #tpu.memory_space<vmem>> -> memref<1x1x80xi32, #tpu.memory_space<vmem>>
    %dma_wait3A_1192 = tpu.memref_squeeze %dma_wait3A_1191 : memref<1x1x80xi32, #tpu.memory_space<vmem>> -> memref<80xi32, #tpu.memory_space<vmem>>
    %dma_wait3A_1193 = arith.constant 0 : i32
    %dma_wait3A_1194 = arith.constant 0 : i32
    %dma_wait3A_1195 = tpu.memref_slice %arg2[%dma_wait3A_1193, %dma_wait3A_1194] : memref<10000x128xf32, #tpu.memory_space<hbm>> -> memref<10000x128xf32, #tpu.memory_space<hbm>>
    %dma_wait3A_1196 = tpu.memref_slice %arg9[%dma_wait3A_1185] : memref<3x!tpu.dma_semaphore, #tpu.memory_space<semaphore_mem>> -> memref<1x!tpu.dma_semaphore, #tpu.memory_space<semaphore_mem>>
    %dma_wait3A_1197 = tpu.memref_squeeze %dma_wait3A_1196 : memref<1x!tpu.dma_semaphore, #tpu.memory_space<semaphore_mem>> -> memref<!tpu.dma_semaphore, #tpu.memory_space<semaphore_mem>>
    tpu.wait_indirect_dma semaphore(%dma_wait3A_1197 : memref<!tpu.dma_semaphore, #tpu.memory_space<semaphore_mem>>) src(%dma_wait3A_1195 : memref<10000x128xf32, #tpu.memory_space<hbm>>) dst(%dma_wait3A_1189 : memref<80x128xf32, #tpu.memory_space<vmem>>)
    %run_scoped3A_1198 = arith.constant 2 : i32
    %run_scoped3A_1199 = arith.constant 0 : i32
    %run_scoped3A_1200 = arith.constant 23 : i32
    "tpu.region"() ({
      %run_scoped3A_1223 = tpu.sem_alloc : memref<!tpu.dma_semaphore, #tpu.memory_space<semaphore_mem>>
      %dma_start3A_1224 = arith.constant 0 : i32
      %dma_start3A_1225 = arith.constant 0 : i32
      %dma_start3A_1226 = tpu.memref_slice %arg7[%run_scoped3A_1198, %dma_start3A_1224, %dma_start3A_1225] : memref<3x80x128xf32, #tpu.memory_space<vmem>> -> memref<1x80x128xf32, #tpu.memory_space<vmem>>
      %dma_start3A_1227 = tpu.memref_squeeze %dma_start3A_1226 : memref<1x80x128xf32, #tpu.memory_space<vmem>> -> memref<80x128xf32, #tpu.memory_space<vmem>>
      %dma_start3A_1228 = arith.constant 0 : i32
      %dma_start3A_1229 = tpu.memref_slice %arg6[%run_scoped3A_1199, %run_scoped3A_1200, %dma_start3A_1228] : memref<2x25x80xi32, #tpu.memory_space<vmem>> -> memref<1x1x80xi32, #tpu.memory_space<vmem>>
      %dma_start3A_1230 = tpu.memref_squeeze %dma_start3A_1229 : memref<1x1x80xi32, #tpu.memory_space<vmem>> -> memref<80xi32, #tpu.memory_space<vmem>>
      %dma_start3A_1231 = arith.constant 0 : i32
      %dma_start3A_1232 = arith.constant 0 : i32
      %dma_start3A_1233 = tpu.memref_slice %arg8[%dma_start3A_1231, %dma_start3A_1232] : memref<10240x128xf32, #tpu.memory_space<vmem_shared>> -> memref<10240x128xf32, #tpu.memory_space<vmem_shared>>
      tpu.enqueue_indirect_dma source(%dma_start3A_1227 : memref<80x128xf32, #tpu.memory_space<vmem>>) target(%dma_start3A_1233 : memref<10240x128xf32, #tpu.memory_space<vmem_shared>>) offsets(%dma_start3A_1230 : memref<80xi32, #tpu.memory_space<vmem>>) semaphore(%run_scoped3A_1223 : memref<!tpu.dma_semaphore, #tpu.memory_space<semaphore_mem>>) {add = true}
      %dma_wait3A_1234 = arith.constant 0 : i32
      %dma_wait3A_1235 = arith.constant 0 : i32
      %dma_wait3A_1236 = tpu.memref_slice %arg7[%run_scoped3A_1198, %dma_wait3A_1234, %dma_wait3A_1235] : memref<3x80x128xf32, #tpu.memory_space<vmem>> -> memref<1x80x128xf32, #tpu.memory_space<vmem>>
      %dma_wait3A_1237 = tpu.memref_squeeze %dma_wait3A_1236 : memref<1x80x128xf32, #tpu.memory_space<vmem>> -> memref<80x128xf32, #tpu.memory_space<vmem>>
      %dma_wait3A_1238 = arith.constant 0 : i32
      %dma_wait3A_1239 = tpu.memref_slice %arg6[%run_scoped3A_1199, %run_scoped3A_1200, %dma_wait3A_1238] : memref<2x25x80xi32, #tpu.memory_space<vmem>> -> memref<1x1x80xi32, #tpu.memory_space<vmem>>
      %dma_wait3A_1240 = tpu.memref_squeeze %dma_wait3A_1239 : memref<1x1x80xi32, #tpu.memory_space<vmem>> -> memref<80xi32, #tpu.memory_space<vmem>>
      %dma_wait3A_1241 = arith.constant 0 : i32
      %dma_wait3A_1242 = arith.constant 0 : i32
      %dma_wait3A_1243 = tpu.memref_slice %arg8[%dma_wait3A_1241, %dma_wait3A_1242] : memref<10240x128xf32, #tpu.memory_space<vmem_shared>> -> memref<10240x128xf32, #tpu.memory_space<vmem_shared>>
      tpu.wait_indirect_dma semaphore(%run_scoped3A_1223 : memref<!tpu.dma_semaphore, #tpu.memory_space<semaphore_mem>>) src(%dma_wait3A_1237 : memref<80x128xf32, #tpu.memory_space<vmem>>) dst(%dma_wait3A_1243 : memref<10240x128xf32, #tpu.memory_space<vmem_shared>>)
      tpu.yield
    }) : () -> ()
    %dma_wait3A_1201 = arith.constant 0 : i32
    %dma_wait3A_1202 = arith.constant 24 : i32
    %dma_wait3A_1203 = arith.constant 0 : i32
    %dma_wait3A_1204 = arith.constant 0 : i32
    %dma_wait3A_1205 = arith.constant 0 : i32
    %dma_wait3A_1206 = arith.constant 0 : i32
    %dma_wait3A_1207 = tpu.memref_slice %arg7[%dma_wait3A_1203, %dma_wait3A_1205, %dma_wait3A_1206] : memref<3x80x128xf32, #tpu.memory_space<vmem>> -> memref<1x80x128xf32, #tpu.memory_space<vmem>>
    %dma_wait3A_1208 = tpu.memref_squeeze %dma_wait3A_1207 : memref<1x80x128xf32, #tpu.memory_space<vmem>> -> memref<80x128xf32, #tpu.memory_space<vmem>>
    %dma_wait3A_1209 = arith.constant 0 : i32
    %dma_wait3A_1210 = tpu.memref_slice %arg5[%dma_wait3A_1201, %dma_wait3A_1202, %dma_wait3A_1209] : memref<2x25x80xi32, #tpu.memory_space<vmem>> -> memref<1x1x80xi32, #tpu.memory_space<vmem>>
    %dma_wait3A_1211 = tpu.memref_squeeze %dma_wait3A_1210 : memref<1x1x80xi32, #tpu.memory_space<vmem>> -> memref<80xi32, #tpu.memory_space<vmem>>
    %dma_wait3A_1212 = arith.constant 0 : i32
    %dma_wait3A_1213 = arith.constant 0 : i32
    %dma_wait3A_1214 = tpu.memref_slice %arg2[%dma_wait3A_1212, %dma_wait3A_1213] : memref<10000x128xf32, #tpu.memory_space<hbm>> -> memref<10000x128xf32, #tpu.memory_space<hbm>>
    %dma_wait3A_1215 = tpu.memref_slice %arg9[%dma_wait3A_1204] : memref<3x!tpu.dma_semaphore, #tpu.memory_space<semaphore_mem>> -> memref<1x!tpu.dma_semaphore, #tpu.memory_space<semaphore_mem>>
    %dma_wait3A_1216 = tpu.memref_squeeze %dma_wait3A_1215 : memref<1x!tpu.dma_semaphore, #tpu.memory_space<semaphore_mem>> -> memref<!tpu.dma_semaphore, #tpu.memory_space<semaphore_mem>>
    tpu.wait_indirect_dma semaphore(%dma_wait3A_1216 : memref<!tpu.dma_semaphore, #tpu.memory_space<semaphore_mem>>) src(%dma_wait3A_1214 : memref<10000x128xf32, #tpu.memory_space<hbm>>) dst(%dma_wait3A_1208 : memref<80x128xf32, #tpu.memory_space<vmem>>)
    %run_scoped3A_1217 = arith.constant 0 : i32
    %run_scoped3A_1218 = arith.constant 0 : i32
    %run_scoped3A_1219 = arith.constant 24 : i32
    "tpu.region"() ({
      %run_scoped3A_1223 = tpu.sem_alloc : memref<!tpu.dma_semaphore, #tpu.memory_space<semaphore_mem>>
      %dma_start3A_1224 = arith.constant 0 : i32
      %dma_start3A_1225 = arith.constant 0 : i32
      %dma_start3A_1226 = tpu.memref_slice %arg7[%run_scoped3A_1217, %dma_start3A_1224, %dma_start3A_1225] : memref<3x80x128xf32, #tpu.memory_space<vmem>> -> memref<1x80x128xf32, #tpu.memory_space<vmem>>
      %dma_start3A_1227 = tpu.memref_squeeze %dma_start3A_1226 : memref<1x80x128xf32, #tpu.memory_space<vmem>> -> memref<80x128xf32, #tpu.memory_space<vmem>>
      %dma_start3A_1228 = arith.constant 0 : i32
      %dma_start3A_1229 = tpu.memref_slice %arg6[%run_scoped3A_1218, %run_scoped3A_1219, %dma_start3A_1228] : memref<2x25x80xi32, #tpu.memory_space<vmem>> -> memref<1x1x80xi32, #tpu.memory_space<vmem>>
      %dma_start3A_1230 = tpu.memref_squeeze %dma_start3A_1229 : memref<1x1x80xi32, #tpu.memory_space<vmem>> -> memref<80xi32, #tpu.memory_space<vmem>>
      %dma_start3A_1231 = arith.constant 0 : i32
      %dma_start3A_1232 = arith.constant 0 : i32
      %dma_start3A_1233 = tpu.memref_slice %arg8[%dma_start3A_1231, %dma_start3A_1232] : memref<10240x128xf32, #tpu.memory_space<vmem_shared>> -> memref<10240x128xf32, #tpu.memory_space<vmem_shared>>
      tpu.enqueue_indirect_dma source(%dma_start3A_1227 : memref<80x128xf32, #tpu.memory_space<vmem>>) target(%dma_start3A_1233 : memref<10240x128xf32, #tpu.memory_space<vmem_shared>>) offsets(%dma_start3A_1230 : memref<80xi32, #tpu.memory_space<vmem>>) semaphore(%run_scoped3A_1223 : memref<!tpu.dma_semaphore, #tpu.memory_space<semaphore_mem>>) {add = true}
      %dma_wait3A_1234 = arith.constant 0 : i32
      %dma_wait3A_1235 = arith.constant 0 : i32
      %dma_wait3A_1236 = tpu.memref_slice %arg7[%run_scoped3A_1217, %dma_wait3A_1234, %dma_wait3A_1235] : memref<3x80x128xf32, #tpu.memory_space<vmem>> -> memref<1x80x128xf32, #tpu.memory_space<vmem>>
      %dma_wait3A_1237 = tpu.memref_squeeze %dma_wait3A_1236 : memref<1x80x128xf32, #tpu.memory_space<vmem>> -> memref<80x128xf32, #tpu.memory_space<vmem>>
      %dma_wait3A_1238 = arith.constant 0 : i32
      %dma_wait3A_1239 = tpu.memref_slice %arg6[%run_scoped3A_1218, %run_scoped3A_1219, %dma_wait3A_1238] : memref<2x25x80xi32, #tpu.memory_space<vmem>> -> memref<1x1x80xi32, #tpu.memory_space<vmem>>
      %dma_wait3A_1240 = tpu.memref_squeeze %dma_wait3A_1239 : memref<1x1x80xi32, #tpu.memory_space<vmem>> -> memref<80xi32, #tpu.memory_space<vmem>>
      %dma_wait3A_1241 = arith.constant 0 : i32
      %dma_wait3A_1242 = arith.constant 0 : i32
      %dma_wait3A_1243 = tpu.memref_slice %arg8[%dma_wait3A_1241, %dma_wait3A_1242] : memref<10240x128xf32, #tpu.memory_space<vmem_shared>> -> memref<10240x128xf32, #tpu.memory_space<vmem_shared>>
      tpu.wait_indirect_dma semaphore(%run_scoped3A_1223 : memref<!tpu.dma_semaphore, #tpu.memory_space<semaphore_mem>>) src(%dma_wait3A_1237 : memref<80x128xf32, #tpu.memory_space<vmem>>) dst(%dma_wait3A_1243 : memref<10240x128xf32, #tpu.memory_space<vmem_shared>>)
      tpu.yield
    }) : () -> ()
    "tpu.trace_stop"() : () -> ()
    %barrier3A_1220 = arith.constant 0 : index
    tpu.barrier barrier_id(%barrier3A_1220)
    "tpu.trace_start"() <{level = 10 : i32, message = "flush"}> : () -> ()
    %mul3A_1221 = arith.constant 640 : i32
    %mul3A_1222 = arith.muli %arg1, %mul3A_1221 : i32
    "tpu.region"() ({
      %run_scoped3A_1223 = tpu.sem_alloc : memref<!tpu.dma_semaphore, #tpu.memory_space<semaphore_mem>>
      %dma_start3A_1224 = arith.constant 0 : i32
      %dma_start3A_1225 = tpu.memref_slice %arg4[%arg0, %mul3A_1222, %dma_start3A_1224] : memref<2x10240x128xf32, #tpu.memory_space<hbm>> -> memref<1x640x128xf32, #tpu.memory_space<hbm>>
      %dma_start3A_1226 = tpu.memref_squeeze %dma_start3A_1225 : memref<1x640x128xf32, #tpu.memory_space<hbm>> -> memref<640x128xf32, #tpu.memory_space<hbm>>
      %dma_start3A_1227 = arith.constant 0 : i32
      %dma_start3A_1228 = tpu.memref_slice %arg8[%mul3A_1222, %dma_start3A_1227] : memref<10240x128xf32, #tpu.memory_space<vmem_shared>> -> memref<640x128xf32, #tpu.memory_space<vmem_shared>>
      tpu.enqueue_dma source(%dma_start3A_1228 : memref<640x128xf32, #tpu.memory_space<vmem_shared>>) target(%dma_start3A_1226 : memref<640x128xf32, #tpu.memory_space<hbm>>) target_semaphore(%run_scoped3A_1223 : memref<!tpu.dma_semaphore, #tpu.memory_space<semaphore_mem>>)
      %dma_wait3A_1229 = arith.constant 0 : i32
      %dma_wait3A_1230 = tpu.memref_slice %arg4[%arg0, %mul3A_1222, %dma_wait3A_1229] : memref<2x10240x128xf32, #tpu.memory_space<hbm>> -> memref<1x640x128xf32, #tpu.memory_space<hbm>>
      %dma_wait3A_1231 = tpu.memref_squeeze %dma_wait3A_1230 : memref<1x640x128xf32, #tpu.memory_space<hbm>> -> memref<640x128xf32, #tpu.memory_space<hbm>>
      %dma_wait3A_1232 = arith.constant 0 : i32
      %dma_wait3A_1233 = tpu.memref_slice %arg8[%mul3A_1222, %dma_wait3A_1232] : memref<10240x128xf32, #tpu.memory_space<vmem_shared>> -> memref<640x128xf32, #tpu.memory_space<vmem_shared>>
      tpu.wait_dma2 semaphore(%run_scoped3A_1223 : memref<!tpu.dma_semaphore, #tpu.memory_space<semaphore_mem>>) src(%dma_wait3A_1233 : memref<640x128xf32, #tpu.memory_space<vmem_shared>>) dst(%dma_wait3A_1231 : memref<640x128xf32, #tpu.memory_space<hbm>>)
      tpu.yield
    }) : () -> ()
    "tpu.trace_stop"() : () -> ()
    return
  }
}

module attributes {stable_mosaic.version = 14 : i64} {
  func.func @_tc_epilogue_body(%arg0: i32, %arg1: memref<2x1000x128xf32, #tpu.memory_space<vmem>>, %arg2: memref<128x128xf32, #tpu.memory_space<vmem>>, %arg3: memref<1000x128xf32, #tpu.memory_space<vmem>>) attributes {dimension_semantics = [#tpu.dimension_semantics<arbitrary>], iteration_bounds = array<i64: 10>, scalar_prefetch = 0 : i64, scratch_operands = 0 : i64, tpu.core_type = #tpu.core_type<tc>, window_params = [{transform_indices = @transform_0, window_bounds = array<i64: 2, 1000, 128>}, {pipeline_mode = #tpu.pipeline_mode<synchronous>, transform_indices = @transform_1, window_bounds = array<i64: 128, 128>}, {transform_indices = @transform_2, window_bounds = array<i64: 1000, 128>}]} {
    %get3A = arith.constant 0 : index
    %get3A_0 = arith.constant 0 : index
    %get3A_1 = arith.constant 0 : index
    %get3A_2 = vector.load %arg1[%get3A, %get3A_0, %get3A_1] : memref<2x1000x128xf32, #tpu.memory_space<vmem>>, vector<1x1000x128xf32>
    %get3A_3 = vector.shape_cast %get3A_2 : vector<1x1000x128xf32> to vector<1000x128xf32>
    %get3A_4 = arith.constant 1 : index
    %get3A_5 = arith.constant 0 : index
    %get3A_6 = arith.constant 0 : index
    %get3A_7 = vector.load %arg1[%get3A_4, %get3A_5, %get3A_6] : memref<2x1000x128xf32, #tpu.memory_space<vmem>>, vector<1x1000x128xf32>
    %get3A_8 = vector.shape_cast %get3A_7 : vector<1x1000x128xf32> to vector<1000x128xf32>
    %add3A = arith.addf %get3A_3, %get3A_8 : vector<1000x128xf32>
    %get3A_9 = arith.constant 0 : index
    %get3A_10 = arith.constant 0 : index
    %get3A_11 = vector.load %arg2[%get3A_9, %get3A_10] : memref<128x128xf32, #tpu.memory_space<vmem>>, vector<128x128xf32>
    %dot_general3A = arith.constant dense<0.000000e+00> : vector<1000x128xf32>
    %dot_general3A_12 = tpu.matmul %add3A, %get3A_11, %dot_general3A {dimension_numbers = #tpu.dot_dimension_numbers<[1], [0], [0], [1], [0, 0, 1, 1], [], []>, transpose_lhs_hint = false} : vector<1000x128xf32>, vector<128x128xf32>, vector<1000x128xf32> -> vector<1000x128xf32>
    %gt3A = arith.constant 0.000000e+00 : f32
    %gt3A_13 = vector.broadcast %gt3A : f32 to vector<1000x128xf32>
    %gt3A_14 = arith.cmpf ogt, %dot_general3A_12, %gt3A_13 : vector<1000x128xf32>
    %min3A = arith.constant 0.000000e+00 : f32
    %min3A_15 = vector.broadcast %min3A : f32 to vector<1000x128xf32>
    %min3A_16 = arith.minimumf %dot_general3A_12, %min3A_15 : vector<1000x128xf32>
    %exp3A = math.exp %min3A_16 : vector<1000x128xf32>
    %sub3A = arith.constant 1.000000e+00 : f32
    %sub3A_17 = vector.broadcast %sub3A : f32 to vector<1000x128xf32>
    %sub3A_18 = arith.subf %exp3A, %sub3A_17 : vector<1000x128xf32>
    %select_n3A = arith.select %gt3A_14, %dot_general3A_12, %sub3A_18 : vector<1000x128xi1>, vector<1000x128xf32>
    %swap3A = arith.constant 0 : index
    %swap3A_19 = arith.constant 0 : index
    %swap3A_20 = vector.load %arg3[%swap3A, %swap3A_19] : memref<1000x128xf32, #tpu.memory_space<vmem>>, vector<1000x128xf32>
    tpu.vector_store %arg3[%swap3A, %swap3A_19], %select_n3A {strides = array<i32>} : memref<1000x128xf32, #tpu.memory_space<vmem>>, vector<1000x128xf32>,
    return
  }
  func.func @transform_0(%arg0: i32) -> (i32, i32, i32) {
    %c0_i32 = arith.constant 0 : i32
    %c0_i32_0 = arith.constant 0 : i32
    %c0_i32_1 = arith.constant 0 : i32
    return %c0_i32, %arg0, %c0_i32_0 : i32, i32, i32
  }
  func.func @transform_1(%arg0: i32) -> (i32, i32) {
    %c0_i32 = arith.constant 0 : i32
    %c0_i32_0 = arith.constant 0 : i32
    %c0_i32_1 = arith.constant 0 : i32
    return %c0_i32, %c0_i32_0 : i32, i32
  }
  func.func @transform_2(%arg0: i32) -> (i32, i32) {
    %c0_i32 = arith.constant 0 : i32
    %c0_i32_0 = arith.constant 0 : i32
    return %arg0, %c0_i32 : i32, i32
  }
}

</mosaic_0001>

<sc_bundles>
// kernel: kernel.4.cloned.1.call-start
scs
__scs_entry_jumppad:
0x0: {  	(pc) =	sbr.rel $0x88, $3  }
0x1: {  	(tag) =	ssettag $0x0;
	lr =	simm.s32 $0x1  }
0x2: {  	[smem:$0x3F9E] =	sst lr;
	_ =	strace $0xD0000000  }
0x3: {  	_ = 	snop  }
0x4: {  	_ = 	snop  }
0x5: {  	_ = 	snop  }
0x6: {  	_ = 	snop  }
0x7: {  	_ = 	snop  }
__scs_overlays_trampoline_lowered:
0x8: {  	[smem:$0x3FAD] =	sst s0  }
0x9: {  	[smem:$0x3FAE] =	sst s1  }
0xa: {  	[smem:$0x3FAF] =	sst s2  }
0xb: {  	[smem:$0x3FB0] =	sst s3  }
0xc: {  	[smem:$0x3FB1] =	sst s4  }
0xd: {  	[smem:$0x3FB2] =	sst s5  }
0xe: {  	[smem:$0x3FB3] =	sst s6  }
0xf: {  	[smem:$0x3FB4] =	sst s7  }
0x10: {  	[smem:$0x3FB5] =	sst s8  }
0x11: {  	[smem:$0x3FB6] =	sst s9;
	s0 =	simm.s32 @!p0 $0x0  }
0x12: {  	s1 =	sld [smem:$0x3F9C];
	s0 =	simm.s32 @p0 $0x1  }
0x13: {  	[smem:$0x3FB7] =	sst s0;
	s0 =	simm.s32 @!p1 $0x0  }
0x14: {  	s2 =	sld [smem:$0x3F9B];
	s0 =	simm.s32 @p1 $0x1  }
0x15: {  	[smem:$0x3FB8] =	sst s0;
	s0 =	simm.s32 @!p2 $0x0  }
0x16: {  	s3 =	sld [smem:$0x3FDB];
	s0 =	simm.s32 @p2 $0x1  }
0x17: {  	s4 =	simm.s32 $0x1BF5;
	[smem:$0x3FBA] =	sst s0  }
0x18: {  	s0 =	sld [smem:$0x3F9D];
	_ =	swait.ge [sflag:s4], $0x0  }
0x19: {  	s7 =	sld [smem:$0x3F9E]  }
0x1a: {  	s8 =	sadd.s32 $0xFFFFE003, lr  }
0x1b: {  	s9 =	sadd.s32 $0xFFFFFEF7, lr;
	s5 =	simm.s32 $0xFFFFFFFF;
	p2 =	slt.u32 s8, $0xFFFFF086  }
0x1c: {  	p1 =	slt.u32 s9, $0xF7A;
	s5 =	simm.s32 @!p2 $0x0  }
0x1d: {  	s5 =	simm.s32 @p1 $0x1;
	p0 =	seq.s32 s7, s2  }
0x1e: {  	s7 =	smul.u32 @!p0 $0xF7A, s2;
	p2 =	seq.s32 @!p0 s5, $0x0  }
0x1f: {  	s9 =	smul.u32 $0xF7A, s1;
	s8 =	simm.s32 @!p0 $0x1BF5;
	p2 =	por !p2, p0  }
0x20: {  	[sflag:s8] =	ssyncset.s32 @!p0 $0xFFFFF086;
	s6 =	sadd.s32 @!p0 s3, s7;
	s7 =	simm.s32 @!p0 $0x108  }
0x21: {  	s3 =	sadd.s32 s3, s9;
	s6 =	sadd.s32 @!p0 $0x88, s6;
	s7 =	simm.s32 @p2 $0x1082  }
0x22: {  	[simem:s7], [sflag:s8] =	dma.local @!p0 [hbm:s6], $0xF7A  }
0x23: {  	s9 =	sor.u32 $0xD0000000, s2;
	s6 =	simm.s32 $0x108;
	_ =	swait.ge @!p0 [sflag:s8], $0x0  }
0x24: {  	s3 =	sadd.s32 $0x88, s3;
	s6 =	simm.s32 @!p1 $0x1082;
	[sflag:s4] =	ssyncset.s32 $0xFFFFF086  }
0x25: {  	[simem:s6], [sflag:s4] =	dma.local [hbm:s3], $0xF7A  }
0x26: {  	[smem:$0x3F9E] =	sst s1;
	(tag) =	ssettag s2;
	_ =	strace s9  }
0x27: {  	s1 =	sld [smem:$0x3FAE]  }
0x28: {  	s2 =	sld [smem:$0x3FAF]  }
0x29: {  	s4 =	sld [smem:$0x3FB1]  }
0x2a: {  	p0 =	seq.s32 s5, $0x0;
	s5 =	sld [smem:$0x3FB2]  }
0x2b: {  	s6 =	sld [smem:$0x3FB3]  }
0x2c: {  	s7 =	sld [smem:$0x3FB4]  }
0x2d: {  	s3 =	simm.s32 $0x108;
	s8 =	sld [smem:$0x3FB5]  }
0x2e: {  	s3 =	simm.s32 @!p0 $0x1082;
	s9 =	sld [smem:$0x3FB6]  }
0x2f: {  	lr =	sadd.s32 s0, s3;
	s0 =	sld [smem:$0x3FAD]  }
0x30: {  	s3 =	sld [smem:$0x3FB0]  }
0x31: {  	[smem:$0x3FB9] =	sst s10  }
0x32: {  	s10 =	sld [smem:$0x3FB7];
	_ =	sdelay $0x3  }
0x33: {  	p0 =	seq.s32 s10, $0x1;
	s10 =	sld [smem:$0x3FB9];
	_ =	sdelay $0x3  }
0x34: {  	[smem:$0x3FB9] =	sst s10  }
0x35: {  	s10 =	sld [smem:$0x3FB8];
	_ =	sdelay $0x3  }
0x36: {  	p1 =	seq.s32 s10, $0x1;
	s10 =	sld [smem:$0x3FB9];
	_ =	sdelay $0x3  }
0x37: {  	[smem:$0x3FB9] =	sst s10  }
0x38: {  	s10 =	sld [smem:$0x3FBA]  }
0x39: {  	_ = 	snop;
	(pc) =	sbr.ind lr, $3  }
0x3a: {  	_ = 	snop  }
0x3b: {  	_ = 	snop  }
0x3c: {  	p2 =	seq.s32 s10, $0x1;
	s10 =	sld [smem:$0x3FB9]  }
0x3d: {  	_ =	shalt  }
0x3e: {  	_ =	shalt  }
0x3f: {  	_ =	shalt  }
0x40: {  	_ =	shalt  }
0x41: {  	_ =	shalt  }
0x42: {  	_ =	shalt  }
0x43: {  	_ =	shalt  }
0x44: {  	_ =	shalt  }
0x45: {  	_ =	shalt  }
0x46: {  	_ =	shalt  }
0x47: {  	_ =	shalt  }
0x48: {  	_ =	shalt  }
0x49: {  	_ =	shalt  }
0x4a: {  	_ =	shalt  }
0x4b: {  	_ =	shalt  }
0x4c: {  	_ =	shalt  }
0x4d: {  	_ =	shalt  }
0x4e: {  	_ =	shalt  }
0x4f: {  	_ =	shalt  }
0x50: {  	_ =	shalt  }
0x51: {  	_ =	shalt  }
0x52: {  	_ =	shalt  }
0x53: {  	_ =	shalt  }
0x54: {  	_ =	shalt  }
0x55: {  	_ =	shalt  }
0x56: {  	_ =	shalt  }
0x57: {  	_ =	shalt  }
0x58: {  	_ =	shalt  }
0x59: {  	_ =	shalt  }
0x5a: {  	_ =	shalt  }
0x5b: {  	_ =	shalt  }
0x5c: {  	_ =	shalt  }
0x5d: {  	_ =	shalt  }
0x5e: {  	_ =	shalt  }
0x5f: {  	_ =	shalt  }
0x60: {  	_ =	shalt  }
0x61: {  	_ =	shalt  }
0x62: {  	_ =	shalt  }
0x63: {  	_ =	shalt  }
0x64: {  	_ =	shalt  }
0x65: {  	_ =	shalt  }
0x66: {  	_ =	shalt  }
0x67: {  	_ =	shalt  }
0x68: {  	_ =	shalt  }
0x69: {  	_ =	shalt  }
0x6a: {  	_ =	shalt  }
0x6b: {  	_ =	shalt  }
0x6c: {  	_ =	shalt  }
0x6d: {  	_ =	shalt  }
0x6e: {  	_ =	shalt  }
0x6f: {  	_ =	shalt  }
0x70: {  	_ =	shalt  }
0x71: {  	_ =	shalt  }
0x72: {  	_ =	shalt  }
0x73: {  	_ =	shalt  }
0x74: {  	_ =	shalt  }
0x75: {  	_ =	shalt  }
0x76: {  	_ =	shalt  }
0x77: {  	_ =	shalt  }
0x78: {  	_ =	shalt  }
0x79: {  	_ =	shalt  }
0x7a: {  	_ =	shalt  }
0x7b: {  	_ =	shalt  }
0x7c: {  	_ =	shalt  }
0x7d: {  	_ =	shalt  }
0x7e: {  	_ =	shalt  }
0x7f: {  	_ =	shalt  }
0x80: {  	_ =	shalt  }
0x81: {  	_ =	shalt  }
0x82: {  	_ =	shalt  }
0x83: {  	_ =	shalt  }
0x84: {  	_ =	shalt  }
0x85: {  	_ =	shalt  }
0x86: {  	_ =	shalt  }
0x87: {  	_ =	shalt  }
.Lfunc_end0:
.L_simem_size_0:
called_computation_lowered:
.L_overlay_start_0:
0x88: {  	s2 =	sld [smem:$0x3FD9]  }
0x89: {  	s3 =	sld [smem:$0x3FFE];
	_ =	sdelay $0x1  }
0x8a: {  	s1 =	srdreg.scid  }
0x8b: {  	s0 =	sand.u32 $0x1, s1  }
0x8c: {  	s17 =	sshll.u32 s0, $0xA;
	s2 =	sadd.s32 s3, s2  }
0x8d: {  	s2 =	sadd.s32 s2, s17  }
0x8e: {  	[smem:$0x3FC5] =	sst s2  }
0x8f: {  	_ = 	snop  }
0x90: {  	s2 =	sld [smem:$0x3FC9];
	(tm) =	ssettm $0x1  }
0x91: {  	s18 =	sld [smem:$0x3FFB];
	_ =	sdelay $0x3  }
0x92: {  	_ =	strace s18  }
0x93: {  	s3 =	sld [smem:$0x3FFC];
	_ =	sdelay $0x3  }
0x94: {  	_ =	strace s3  }
0x95: {  	s3 =	sld [smem:$0x3FFD];
	_ =	sdelay $0x3  }
0x96: {  	_ =	strace s3  }
0x97: {  	_ =	strace $0x8FFFFFFF  }
0x98: {  	s19 =	sld [smem:$0x3FDB];
	_ =	sdelay $0x1  }
0x99: {  	s4 =	simm.s32 $_scs_section_size  }
0x9a: {  	s5 =	simm.s32 $_size__tile_overlayer_lowered;
	s6 =	simm.s32 $_tile_overlayer_lowered  }
0x9b: {  	s22 =	simm.s32 $0x1BFF;
	s21 =	sshll.u32 s6, $0x1;
	s3 =	sadd.s32 s4, s19  }
0x9c: {  	s7 =	simm.s32 $0x0;
	s20 =	sshll.u32 s5, $0x1;
	s5 =	sadd.s32 s21, s3  }
0x9d: {  	[timem:s7], [sflag:s22] =	dma.local [hbm:s5], s20  }
0x9e: {  	_ =	swait.ge [sflag:s22], s20  }
0x9f: {  	s4 =	ssub.s32 $0x0, s20;
	[sflag:s22] =	ssyncset.done $0x0  }
0xa0: {  	[sflag:s22] =	ssyncadd.s32 s4;
	_ =	sdelay $0x1  }
0xa1: {  	s23 =	simm.s32 $0x1B8B  }
0xa2: {  	_ =	swait.ge [sflag:s23], $0x1  }
0xa3: {  	[sflag:s23] =	ssyncset.done $0x0  }
0xa4: {  	s25 =	simm.s32 $0x1B8E;
	s24 =	sld [smem:$0x3FFE];
	[sflag:s23] =	ssyncadd.s32 $0xFFFFFFFF  }
0xa5: {  	s26 =	simm.s32 $execute0_lowered;
	[smem:$0x3FD2] =	sst s25  }
0xa6: {  	s5 =	sshll.u32 s26, $0x1;
	_ =	strace $0x80000046;
	[dreg:$0x1] =	wrdreg $0xFFFFFFFF  }
0xa7: {  	s28 =	simm.s32 $_size_execute0_lowered;
	s3 =	sadd.s32 s3, s5;
	[dreg:$0x0] =	wrdreg $0x0  }
0xa8: {  	s5 =	sshll.u32 s28, $0x1;
	[dreg:$0x2] =	wrdreg s3  }
0xa9: {  	[dreg:$0x3] =	wrdreg s5  }
0xaa: {  	[dreg:$0x4] =	wrdreg $0xC0  }
0xab: {  	_ =	task [dreg:s7], $0x5FFFF  }
0xac: {  	[dreg:$0x1] =	wrdreg $0xFFFFFFFF  }
0xad: {  	[dreg:$0x0] =	wrdreg $0x60  }
0xae: {  	[dreg:$0x2] =	wrdreg s2  }
0xaf: {  	[dreg:$0x3] =	wrdreg s24  }
0xb0: {  	[dreg:$0x4] =	wrdreg $0xB8000  }
0xb1: {  	[dreg:$0x5] =	wrdreg $0x9  }
0xb2: {  	_ =	task.clear_ibuf [dreg:s7], $0x6FFFF;
	_ =	strace $0x90000046  }
0xb3: {  	s29 =	simm.s32 $0x9;
	_ =	strace $0x80000054  }
0xb4: {  	_ =	swait.ge [sflag:s29], $0x1  }
0xb5: {  	[sflag:s29] =	ssyncadd.s32 $0xFFFFFFFF  }
0xb6: {  	_ =	strace $0x90000054  }
0xb7: {  	_ =	sfence  }
0xb8: {  	s30 =	sld [smem:$0x0];
	_ =	sdelay $0x2  }
0xb9: {  	s31 =	sshll.u32 s1, $0xD;
	s1 =	sshrl.u32 s1, $0x2  }
0xba: {  	s3 =	sand.u32 $0x4000, s31;
	s1 =	sadd.s32 s1, s30  }
0xbb: {  	s0 =	sor.u32 s3, s0;
	s1 =	sshll.u32 s1, $0x11  }
0xbc: {  	s0 =	sor.u32 s1, s0  }
0xbd: {  	s0 =	sadd.s32 $0x8F2B, s0  }
0xbe: {  	[sflag:s0] =	ssyncadd.remote.s32 $0x1  }
0xbf: {  	_ =	sfence.sel $0xFFFF  }
0xc0: {  	[dreg:$0x0] =	wrdreg $0xFFFFFFFF;
	(pc) =	sbr.abs _section_cstart, $3  }
0xc1: {  	[dreg:$0x1] =	wrdreg $0xFFFFFFFF  }
0xc2: {  	_ =	task.clear_ibuf [dreg:s7], $0x2FFFF;
	_ =	strace $0x9FFFFFFF  }
0xc3: {  	(tm) =	ssettm $0x7FFFFFFF  }
tec
execute0_lowered:
.L_overlay_start_1:
0x0: {  	(tag) =	ssettag $0x1  }
0x1: {  	s0 =	srdreg.scid  }
0x2: {  	s8 =	stileid.u32;
	s1 =	rddreg [dreg:$0x0]  }
0x3: {  	s5 =	rddreg [dreg:$0x1];
	s7 =	smul.u32 $0x14000, s8  }
0x4: {  	s3 =	rddreg [dreg:$0x2];
	s2 =	sshll.u32 s8, $0x1;
	s8 =	smul.u32 $0x50000, s8  }
0x5: {  	s4 =	simm.s32 $0x0;
	s29 =	simm.s32 $0x4;
	s31 =	simm.s32 $0x1000  }
0x6: {  	s28 =	simm.s32 $0x1080;
	s0 =	sand.u32 $0x1, s0;
	s8 =	sshrl.u32 s8, $0x2  }
0x7: {  	[smem:$0x7FF] =	sst s4;
	s2 =	sor.u32 s0, s2;
	s9 =	sadd.s32 s8, s3  }
0x8: {  	_ =	strace $0x80000047;
	s10 =	sadd.s32 $0x2800, s9;
	[dreg:$0x17] =	wrdreg s9  }
0x9: {  	s6 =	smul.u32 $0x140000, s0;
	s11 =	sadd.s32 $0x5000, s9;
	[dreg:$0x4] =	wrdreg s10  }
0xa: {  	s0 =	ssub.s32 $0x2, s0;
	s12 =	sadd.s32 $0x7800, s9;
	[dreg:$0x5] =	wrdreg s11  }
0xb: {  	s2 =	smul.u32 $0x5000, s2;
	s13 =	sadd.s32 $0xA000, s9;
	[dreg:$0x6] =	wrdreg s12  }
0xc: {  	s26 =	sshrl.u32 s0, $0x1;
	s14 =	sadd.s32 $0xC800, s9;
	[dreg:$0x7] =	wrdreg s13  }
0xd: {  	s0 =	ssub.s32 s0, s26;
	s15 =	sadd.s32 $0xF000, s9;
	[dreg:$0x8] =	wrdreg s14  }
0xe: {  	s2 =	sshrl.u32 s2, $0x3;
	s16 =	sadd.s32 $0x11800, s9;
	[dreg:$0x9] =	wrdreg s15  }
0xf: {  	s0 =	smax.u32 s0, $0x1;
	s2 =	sadd.s32 s2, s5;
	[dreg:$0xa] =	wrdreg s16  }
0x10: {  	s30 =	simm.s32 $0x1380;
	[dreg:$0x16] =	wrdreg s0;
	s17 =	sadd.s32 $0x800, s2  }
0x11: {  	s6 =	sadd.s32 s7, s6;
	s18 =	sadd.s32 $0x14800, s2;
	[dreg:$0xb] =	wrdreg s17  }
0x12: {  	s8 =	simm.s32 $0x9000;
	s19 =	sadd.s32 $0xA00, s2;
	[dreg:$0xc] =	wrdreg s18  }
0x13: {  	s6 =	sshrl.u32 s6, $0x3;
	s20 =	sadd.s32 $0x14A00, s2;
	[dreg:$0xd] =	wrdreg s19  }
0x14: {  	s9 =	simm.s32 $0x1;
	s21 =	sadd.s32 $0xC00, s2;
	[dreg:$0xe] =	wrdreg s20  }
0x15: {  	s6 =	sadd.s32 s6, s5;
	s22 =	sadd.s32 $0x14C00, s2;
	[dreg:$0xf] =	wrdreg s21  }
0x16: {  	s11 =	simm.s32 $0x2;
	s23 =	sadd.s32 $0xE00, s2;
	[dreg:$0x10] =	wrdreg s22  }
0x17: {  	s14 =	simm.s32 $0x3;
	s24 =	sadd.s32 $0x14E00, s2;
	[dreg:$0x11] =	wrdreg s23  }
0x18: {  	s12 =	simm.s32 $0x5;
	s25 =	sadd.s32 $0x1000, s2;
	[dreg:$0x12] =	wrdreg s24  }
0x19: {  	s13 =	simm.s32 $0x0;
	s2 =	sadd.s32 $0x15000, s2;
	[dreg:$0x13] =	wrdreg s25  }
0x1a: {  	s10 =	simm.s32 $0x1180;
	s26 =	sadd.s32 $0x28800, s6;
	[dreg:$0x14] =	wrdreg s2  }
0x1b: {  	s6 =	simm.s32 $0x6800;
	[dreg:$0x15] =	wrdreg s26;
	s25 =	simm.s32 $0x4000  }
0x1c: {  	s26 =	simm.s32 $0x6;
	s2 =	simm.s32 $0x50;
	s18 =	simm.s32 $0x3080  }
0x1d: {  	s19 =	simm.s32 $0x1200;
	s20 =	simm.s32 $0x3100;
	s21 =	simm.s32 $0x1280  }
0x1e: {  	v0 =	vimm.f32 $0.0e+00;
	s22 =	simm.s32 $0x3180;
	s23 =	simm.s32 $0x1300;
	s24 =	simm.s32 $0x3200  }
.LBB2_1:
0x1f: {  	_ =	strace $0x80000048;
	s15 =	simm.s32 $0x0;
	s16 =	simm.s32 $0x200  }
.LBB2_2:
0x20: {  	p0 =	sne.s32 s16, $0x9E00;
	[tilespmem:s15+$0x4070] =	vst v0  }
0x21: {  	[tilespmem:s15+$0x4000] =	vst v0  }
0x22: {  	[tilespmem:s15+$0x4010] =	vst v0  }
.Ltmp0:
0x23: {  	[tilespmem:s15+$0x4020] =	vst v0;
	(pc) =	sbr.rel @p0 .LBB2_2-.Ltmp0, $4  }
0x24: {  	[tilespmem:s15+$0x4030] =	vst v0  }
0x25: {  	[tilespmem:s15+$0x4040] =	vst v0  }
0x26: {  	[tilespmem:s15+$0x4050] =	vst v0  }
0x27: {  	[tilespmem:s15+$0x4060] =	vst v0;
	s15 =	sshra.s32 s16, $0x2;
	s16 =	sadd.s32 $0x200, s16  }
0x28: {  	[tilespmem:s15+$0x4070] =	vst v0  }
0x29: {  	[tilespmem:s15+$0x4000] =	vst v0  }
0x2a: {  	[tilespmem:s15+$0x4010] =	vst v0  }
0x2b: {  	[tilespmem:s15+$0x4020] =	vst v0  }
0x2c: {  	[tilespmem:s15+$0x4030] =	vst v0  }
0x2d: {  	[tilespmem:s15+$0x4040] =	vst v0  }
0x2e: {  	[tilespmem:s15+$0x4050] =	vst v0  }
0x2f: {  	[tilespmem:s15+$0x4060] =	vst v0;
	s0 =	rddreg [dreg:$0x17]  }
0x30: {  	[spmem:s0] =	stream.linear.scatter [tilespmem:s25], [sflag:$0x6], $0x2800, $0x200038;
	[tilespmem:$0x1F800] =	vst v63  }
0x31: {  	_ =	swait.ge [sflag:s26], $0x2800  }
0x32: {  	[sflag:s26] =	ssyncset.done $0x0  }
0x33: {  	s16 =	rddreg [dreg:$0x4];
	[sflag:s26] =	ssyncadd.s32 $0xFFFFD800  }
0x34: {  	[spmem:s16] =	stream.linear.scatter [tilespmem:s25], [sflag:$0x6], $0x2800, $0x200038;
	[tilespmem:$0x1F800] =	vst v63  }
0x35: {  	_ =	swait.ge [sflag:s26], $0x2800  }
0x36: {  	[sflag:s26] =	ssyncset.done $0x0  }
0x37: {  	s17 =	rddreg [dreg:$0x5];
	[sflag:s26] =	ssyncadd.s32 $0xFFFFD800  }
0x38: {  	[spmem:s17] =	stream.linear.scatter [tilespmem:s25], [sflag:$0x6], $0x2800, $0x200038;
	[tilespmem:$0x1F800] =	vst v63  }
0x39: {  	_ =	swait.ge [sflag:s26], $0x2800  }
0x3a: {  	[sflag:s26] =	ssyncset.done $0x0  }
0x3b: {  	s0 =	rddreg [dreg:$0x6];
	[sflag:s26] =	ssyncadd.s32 $0xFFFFD800  }
0x3c: {  	[spmem:s0] =	stream.linear.scatter [tilespmem:s25], [sflag:$0x6], $0x2800, $0x200038;
	[tilespmem:$0x1F800] =	vst v63  }
0x3d: {  	_ =	swait.ge [sflag:s26], $0x2800  }
0x3e: {  	[sflag:s26] =	ssyncset.done $0x0  }
0x3f: {  	s5 =	rddreg [dreg:$0x7];
	[sflag:s26] =	ssyncadd.s32 $0xFFFFD800  }
0x40: {  	[spmem:s5] =	stream.linear.scatter [tilespmem:s25], [sflag:$0x6], $0x2800, $0x200038;
	[tilespmem:$0x1F800] =	vst v63  }
0x41: {  	_ =	swait.ge [sflag:s26], $0x2800  }
0x42: {  	[sflag:s26] =	ssyncset.done $0x0  }
0x43: {  	s7 =	rddreg [dreg:$0x8];
	[sflag:s26] =	ssyncadd.s32 $0xFFFFD800  }
0x44: {  	[spmem:s7] =	stream.linear.scatter [tilespmem:s25], [sflag:$0x6], $0x2800, $0x200038;
	[tilespmem:$0x1F800] =	vst v63  }
0x45: {  	_ =	swait.ge [sflag:s26], $0x2800  }
0x46: {  	[sflag:s26] =	ssyncset.done $0x0  }
0x47: {  	s16 =	rddreg [dreg:$0x9];
	[sflag:s26] =	ssyncadd.s32 $0xFFFFD800  }
0x48: {  	[spmem:s16] =	stream.linear.scatter [tilespmem:s25], [sflag:$0x6], $0x2800, $0x200038;
	[tilespmem:$0x1F800] =	vst v63  }
0x49: {  	_ =	swait.ge [sflag:s26], $0x2800  }
0x4a: {  	[sflag:s26] =	ssyncset.done $0x0  }
0x4b: {  	s17 =	rddreg [dreg:$0xa];
	[sflag:s26] =	ssyncadd.s32 $0xFFFFD800  }
0x4c: {  	[spmem:s17] =	stream.linear.scatter [tilespmem:s25], [sflag:$0x6], $0x2800, $0x200038;
	[tilespmem:$0x1F800] =	vst v63  }
0x4d: {  	_ =	swait.ge [sflag:s26], $0x2800  }
0x4e: {  	[sflag:s26] =	ssyncset.done $0x0  }
0x4f: {  	[sflag:s26] =	ssyncadd.s32 $0xFFFFD800  }
0x50: {  	[bflag:$0x0] =	sbarrier.arrive $0xFFFF  }
0x51: {  	_ =	strace $0x90000048  }
0x52: {  	s0 =	rddreg [dreg:$0xb]  }
0x53: {  	[tilespmem:s4], [sflag:$0x4] =	stream.linear.gather [hbm4b:s0+s4], $0xC80, $0x38;
	[tilespmem:$0x1F800] =	vst v63  }
0x54: {  	s5 =	rddreg [dreg:$0xc];
	s0 =	simm.s32 $0x2000  }
0x55: {  	[tilespmem:s0], [sflag:$0x4] =	stream.linear.gather [hbm4b:s5+s4], $0xC80, $0x38;
	[tilespmem:$0x1F800] =	vst v63  }
0x56: {  	_ =	strace $0x80000049  }
0x57: {  	_ =	swait.ge [sflag:s29], $0xC80  }
0x58: {  	[sflag:s29] =	ssyncset.done $0x0  }
0x59: {  	[sflag:s29] =	ssyncadd.s32 $0xFFFFF380  }
0x5a: {  	_ =	swait.ge [sflag:s29], $0xC80  }
0x5b: {  	[sflag:s29] =	ssyncset.done $0x0  }
0x5c: {  	s7 =	rddreg [dreg:$0xd];
	[sflag:s29] =	ssyncadd.s32 $0xFFFFF380  }
0x5d: {  	[tilespmem:s31], [sflag:$0x5] =	stream.linear.gather [hbm4b:s7+s4], $0xC80, $0x200038;
	[tilespmem:$0x1F800] =	vst v63  }
0x5e: {  	s5 =	simm.s32 $0x3000;
	s16 =	rddreg [dreg:$0xe]  }
0x5f: {  	[tilespmem:s5], [sflag:$0x5] =	stream.linear.gather [hbm4b:s16+s4], $0xC80, $0x200038;
	[tilespmem:$0x1F800] =	vst v63  }
0x60: {  	_ =	strace $0x90000049  }
0x61: {  	_ =	strace $0x8000004A  }
0x62: {  	[tilespmem:s25], [sflag:$0x1] =	stream.indirect.gather [hbm4b:s1+s2], $0x80, s4, s2, $0x2000b8;
	[tilespmem:$0x1F800] =	vst v63  }
0x63: {  	s7 =	simm.s32 $0x80  }
0x64: {  	[tilespmem:s6], [sflag:$0x2] =	stream.indirect.gather [hbm4b:s1+s2], $0x80, s7, s2, $0x2000b8;
	[tilespmem:$0x1F800] =	vst v63  }
0x65: {  	s17 =	simm.s32 $0x100  }
0x66: {  	[tilespmem:s8], [sflag:$0x3] =	stream.indirect.gather [hbm4b:s1+s2], $0x80, s17, s2, $0x2000b8;
	[tilespmem:$0x1F800] =	vst v63  }
0x67: {  	_ =	swait.ge [sflag:s9], $0x2800  }
0x68: {  	[sflag:s9] =	ssyncset.done $0x0  }
0x69: {  	[sflag:s9] =	ssyncadd.s32 $0xFFFFD800  }
0x6a: {  	[spmem:s3] =	stream.indirect.scatter.add.f32 [tilespmem:s25], [sflag:$0x6], $0x80, s0, s2, $0x2000b8;
	[tilespmem:$0x1F800] =	vst v63  }
0x6b: {  	_ =	swait.ge [sflag:s26], $0x2800  }
0x6c: {  	[sflag:s26] =	ssyncset.done $0x0  }
0x6d: {  	s15 =	simm.s32 $0x180;
	[sflag:s26] =	ssyncadd.s32 $0xFFFFD800  }
0x6e: {  	[tilespmem:s25], [sflag:$0x1] =	stream.indirect.gather [hbm4b:s1+s2], $0x80, s15, s2, $0x2000b8;
	[tilespmem:$0x1F800] =	vst v63  }
0x6f: {  	_ =	swait.ge [sflag:s11], $0x2800  }
0x70: {  	[sflag:s11] =	ssyncset.done $0x0  }
0x71: {  	s16 =	simm.s32 $0x2080;
	[sflag:s11] =	ssyncadd.s32 $0xFFFFD800  }
0x72: {  	[spmem:s3] =	stream.indirect.scatter.add.f32 [tilespmem:s6], [sflag:$0x6], $0x80, s16, s2, $0x2000b8;
	[tilespmem:$0x1F800] =	vst v63  }
0x73: {  	_ =	swait.ge [sflag:s26], $0x2800  }
0x74: {  	[sflag:s26] =	ssyncset.done $0x0  }
0x75: {  	s17 =	simm.s32 $0x200;
	[sflag:s26] =	ssyncadd.s32 $0xFFFFD800  }
0x76: {  	[tilespmem:s6], [sflag:$0x2] =	stream.indirect.gather [hbm4b:s1+s2], $0x80, s17, s2, $0x2000b8;
	[tilespmem:$0x1F800] =	vst v63  }
0x77: {  	_ =	swait.ge [sflag:s14], $0x2800  }
0x78: {  	[sflag:s14] =	ssyncset.done $0x0  }
0x79: {  	s15 =	simm.s32 $0x2100;
	[sflag:s14] =	ssyncadd.s32 $0xFFFFD800  }
0x7a: {  	[spmem:s3] =	stream.indirect.scatter.add.f32 [tilespmem:s8], [sflag:$0x6], $0x80, s15, s2, $0x2000b8;
	[tilespmem:$0x1F800] =	vst v63  }
0x7b: {  	_ =	swait.ge [sflag:s26], $0x2800  }
0x7c: {  	[sflag:s26] =	ssyncset.done $0x0  }
0x7d: {  	s16 =	simm.s32 $0x280;
	[sflag:s26] =	ssyncadd.s32 $0xFFFFD800  }
0x7e: {  	[tilespmem:s8], [sflag:$0x3] =	stream.indirect.gather [hbm4b:s1+s2], $0x80, s16, s2, $0x2000b8;
	[tilespmem:$0x1F800] =	vst v63  }
0x7f: {  	_ =	swait.ge [sflag:s9], $0x2800  }
0x80: {  	[sflag:s9] =	ssyncset.done $0x0  }
0x81: {  	s17 =	simm.s32 $0x2180;
	[sflag:s9] =	ssyncadd.s32 $0xFFFFD800  }
0x82: {  	[spmem:s3] =	stream.indirect.scatter.add.f32 [tilespmem:s25], [sflag:$0x6], $0x80, s17, s2, $0x2000b8;
	[tilespmem:$0x1F800] =	vst v63  }
0x83: {  	_ =	swait.ge [sflag:s26], $0x2800  }
0x84: {  	[sflag:s26] =	ssyncset.done $0x0  }
0x85: {  	s15 =	simm.s32 $0x300;
	[sflag:s26] =	ssyncadd.s32 $0xFFFFD800  }
0x86: {  	[tilespmem:s25], [sflag:$0x1] =	stream.indirect.gather [hbm4b:s1+s2], $0x80, s15, s2, $0x2000b8;
	[tilespmem:$0x1F800] =	vst v63  }
0x87: {  	_ =	swait.ge [sflag:s11], $0x2800  }
0x88: {  	[sflag:s11] =	ssyncset.done $0x0  }
0x89: {  	s16 =	simm.s32 $0x2200;
	[sflag:s11] =	ssyncadd.s32 $0xFFFFD800  }
0x8a: {  	[spmem:s3] =	stream.indirect.scatter.add.f32 [tilespmem:s6], [sflag:$0x6], $0x80, s16, s2, $0x2000b8;
	[tilespmem:$0x1F800] =	vst v63  }
0x8b: {  	_ =	swait.ge [sflag:s26], $0x2800  }
0x8c: {  	[sflag:s26] =	ssyncset.done $0x0  }
0x8d: {  	s17 =	simm.s32 $0x380;
	[sflag:s26] =	ssyncadd.s32 $0xFFFFD800  }
0x8e: {  	[tilespmem:s6], [sflag:$0x2] =	stream.indirect.gather [hbm4b:s1+s2], $0x80, s17, s2, $0x2000b8;
	[tilespmem:$0x1F800] =	vst v63  }
0x8f: {  	_ =	swait.ge [sflag:s14], $0x2800  }
0x90: {  	[sflag:s14] =	ssyncset.done $0x0  }
0x91: {  	s15 =	simm.s32 $0x2280;
	[sflag:s14] =	ssyncadd.s32 $0xFFFFD800  }
0x92: {  	[spmem:s3] =	stream.indirect.scatter.add.f32 [tilespmem:s8], [sflag:$0x6], $0x80, s15, s2, $0x2000b8;
	[tilespmem:$0x1F800] =	vst v63  }
0x93: {  	_ =	swait.ge [sflag:s26], $0x2800  }
0x94: {  	[sflag:s26] =	ssyncset.done $0x0  }
0x95: {  	s16 =	simm.s32 $0x400;
	[sflag:s26] =	ssyncadd.s32 $0xFFFFD800  }
0x96: {  	[tilespmem:s8], [sflag:$0x3] =	stream.indirect.gather [hbm4b:s1+s2], $0x80, s16, s2, $0x2000b8;
	[tilespmem:$0x1F800] =	vst v63  }
0x97: {  	_ =	swait.ge [sflag:s9], $0x2800  }
0x98: {  	[sflag:s9] =	ssyncset.done $0x0  }
0x99: {  	s17 =	simm.s32 $0x2300;
	[sflag:s9] =	ssyncadd.s32 $0xFFFFD800  }
0x9a: {  	[spmem:s3] =	stream.indirect.scatter.add.f32 [tilespmem:s25], [sflag:$0x6], $0x80, s17, s2, $0x2000b8;
	[tilespmem:$0x1F800] =	vst v63  }
0x9b: {  	_ =	swait.ge [sflag:s26], $0x2800  }
0x9c: {  	[sflag:s26] =	ssyncset.done $0x0  }
0x9d: {  	s15 =	simm.s32 $0x480;
	[sflag:s26] =	ssyncadd.s32 $0xFFFFD800  }
0x9e: {  	[tilespmem:s25], [sflag:$0x1] =	stream.indirect.gather [hbm4b:s1+s2], $0x80, s15, s2, $0x2000b8;
	[tilespmem:$0x1F800] =	vst v63  }
0x9f: {  	_ =	swait.ge [sflag:s11], $0x2800  }
0xa0: {  	[sflag:s11] =	ssyncset.done $0x0  }
0xa1: {  	s16 =	simm.s32 $0x2380;
	[sflag:s11] =	ssyncadd.s32 $0xFFFFD800  }
0xa2: {  	[spmem:s3] =	stream.indirect.scatter.add.f32 [tilespmem:s6], [sflag:$0x6], $0x80, s16, s2, $0x2000b8;
	[tilespmem:$0x1F800] =	vst v63  }
0xa3: {  	_ =	swait.ge [sflag:s26], $0x2800  }
0xa4: {  	[sflag:s26] =	ssyncset.done $0x0  }
0xa5: {  	s17 =	simm.s32 $0x500;
	[sflag:s26] =	ssyncadd.s32 $0xFFFFD800  }
0xa6: {  	[tilespmem:s6], [sflag:$0x2] =	stream.indirect.gather [hbm4b:s1+s2], $0x80, s17, s2, $0x2000b8;
	[tilespmem:$0x1F800] =	vst v63  }
0xa7: {  	_ =	swait.ge [sflag:s14], $0x2800  }
0xa8: {  	[sflag:s14] =	ssyncset.done $0x0  }
0xa9: {  	s15 =	simm.s32 $0x2400;
	[sflag:s14] =	ssyncadd.s32 $0xFFFFD800  }
0xaa: {  	[spmem:s3] =	stream.indirect.scatter.add.f32 [tilespmem:s8], [sflag:$0x6], $0x80, s15, s2, $0x2000b8;
	[tilespmem:$0x1F800] =	vst v63  }
0xab: {  	_ =	swait.ge [sflag:s26], $0x2800  }
0xac: {  	[sflag:s26] =	ssyncset.done $0x0  }
0xad: {  	s16 =	simm.s32 $0x580;
	[sflag:s26] =	ssyncadd.s32 $0xFFFFD800  }
0xae: {  	[tilespmem:s8], [sflag:$0x3] =	stream.indirect.gather [hbm4b:s1+s2], $0x80, s16, s2, $0x2000b8;
	[tilespmem:$0x1F800] =	vst v63  }
0xaf: {  	_ =	swait.ge [sflag:s9], $0x2800  }
0xb0: {  	[sflag:s9] =	ssyncset.done $0x0  }
0xb1: {  	s17 =	simm.s32 $0x2480;
	[sflag:s9] =	ssyncadd.s32 $0xFFFFD800  }
0xb2: {  	[spmem:s3] =	stream.indirect.scatter.add.f32 [tilespmem:s25], [sflag:$0x6], $0x80, s17, s2, $0x2000b8;
	[tilespmem:$0x1F800] =	vst v63  }
0xb3: {  	_ =	swait.ge [sflag:s26], $0x2800  }
0xb4: {  	[sflag:s26] =	ssyncset.done $0x0  }
0xb5: {  	s15 =	simm.s32 $0x600;
	[sflag:s26] =	ssyncadd.s32 $0xFFFFD800  }
0xb6: {  	[tilespmem:s25], [sflag:$0x1] =	stream.indirect.gather [hbm4b:s1+s2], $0x80, s15, s2, $0x2000b8;
	[tilespmem:$0x1F800] =	vst v63  }
0xb7: {  	_ =	swait.ge [sflag:s11], $0x2800  }
0xb8: {  	[sflag:s11] =	ssyncset.done $0x0  }
0xb9: {  	s16 =	simm.s32 $0x2500;
	[sflag:s11] =	ssyncadd.s32 $0xFFFFD800  }
0xba: {  	[spmem:s3] =	stream.indirect.scatter.add.f32 [tilespmem:s6], [sflag:$0x6], $0x80, s16, s2, $0x2000b8;
	[tilespmem:$0x1F800] =	vst v63  }
0xbb: {  	_ =	swait.ge [sflag:s26], $0x2800  }
0xbc: {  	[sflag:s26] =	ssyncset.done $0x0  }
0xbd: {  	s17 =	simm.s32 $0x680;
	[sflag:s26] =	ssyncadd.s32 $0xFFFFD800  }
0xbe: {  	[tilespmem:s6], [sflag:$0x2] =	stream.indirect.gather [hbm4b:s1+s2], $0x80, s17, s2, $0x2000b8;
	[tilespmem:$0x1F800] =	vst v63  }
0xbf: {  	_ =	swait.ge [sflag:s14], $0x2800  }
0xc0: {  	[sflag:s14] =	ssyncset.done $0x0  }
0xc1: {  	s15 =	simm.s32 $0x2580;
	[sflag:s14] =	ssyncadd.s32 $0xFFFFD800  }
0xc2: {  	[spmem:s3] =	stream.indirect.scatter.add.f32 [tilespmem:s8], [sflag:$0x6], $0x80, s15, s2, $0x2000b8;
	[tilespmem:$0x1F800] =	vst v63  }
0xc3: {  	_ =	swait.ge [sflag:s26], $0x2800  }
0xc4: {  	[sflag:s26] =	ssyncset.done $0x0  }
0xc5: {  	s16 =	simm.s32 $0x700;
	[sflag:s26] =	ssyncadd.s32 $0xFFFFD800  }
0xc6: {  	[tilespmem:s8], [sflag:$0x3] =	stream.indirect.gather [hbm4b:s1+s2], $0x80, s16, s2, $0x2000b8;
	[tilespmem:$0x1F800] =	vst v63  }
0xc7: {  	_ =	swait.ge [sflag:s9], $0x2800  }
0xc8: {  	[sflag:s9] =	ssyncset.done $0x0  }
0xc9: {  	s17 =	simm.s32 $0x2600;
	[sflag:s9] =	ssyncadd.s32 $0xFFFFD800  }
0xca: {  	[spmem:s3] =	stream.indirect.scatter.add.f32 [tilespmem:s25], [sflag:$0x6], $0x80, s17, s2, $0x2000b8;
	[tilespmem:$0x1F800] =	vst v63  }
0xcb: {  	_ =	swait.ge [sflag:s26], $0x2800  }
0xcc: {  	[sflag:s26] =	ssyncset.done $0x0  }
0xcd: {  	s15 =	simm.s32 $0x780;
	[sflag:s26] =	ssyncadd.s32 $0xFFFFD800  }
0xce: {  	[tilespmem:s25], [sflag:$0x1] =	stream.indirect.gather [hbm4b:s1+s2], $0x80, s15, s2, $0x2000b8;
	[tilespmem:$0x1F800] =	vst v63  }
0xcf: {  	_ =	swait.ge [sflag:s11], $0x2800  }
0xd0: {  	[sflag:s11] =	ssyncset.done $0x0  }
0xd1: {  	s16 =	simm.s32 $0x2680;
	[sflag:s11] =	ssyncadd.s32 $0xFFFFD800  }
0xd2: {  	[spmem:s3] =	stream.indirect.scatter.add.f32 [tilespmem:s6], [sflag:$0x6], $0x80, s16, s2, $0x2000b8;
	[tilespmem:$0x1F800] =	vst v63  }
0xd3: {  	_ =	swait.ge [sflag:s26], $0x2800  }
0xd4: {  	[sflag:s26] =	ssyncset.done $0x0  }
0xd5: {  	s17 =	simm.s32 $0x800;
	[sflag:s26] =	ssyncadd.s32 $0xFFFFD800  }
0xd6: {  	[tilespmem:s6], [sflag:$0x2] =	stream.indirect.gather [hbm4b:s1+s2], $0x80, s17, s2, $0x2000b8;
	[tilespmem:$0x1F800] =	vst v63  }
0xd7: {  	_ =	swait.ge [sflag:s14], $0x2800  }
0xd8: {  	[sflag:s14] =	ssyncset.done $0x0  }
0xd9: {  	s15 =	simm.s32 $0x2700;
	[sflag:s14] =	ssyncadd.s32 $0xFFFFD800  }
0xda: {  	[spmem:s3] =	stream.indirect.scatter.add.f32 [tilespmem:s8], [sflag:$0x6], $0x80, s15, s2, $0x2000b8;
	[tilespmem:$0x1F800] =	vst v63  }
0xdb: {  	_ =	swait.ge [sflag:s26], $0x2800  }
0xdc: {  	[sflag:s26] =	ssyncset.done $0x0  }
0xdd: {  	s16 =	simm.s32 $0x880;
	[sflag:s26] =	ssyncadd.s32 $0xFFFFD800  }
0xde: {  	[tilespmem:s8], [sflag:$0x3] =	stream.indirect.gather [hbm4b:s1+s2], $0x80, s16, s2, $0x2000b8;
	[tilespmem:$0x1F800] =	vst v63  }
0xdf: {  	_ =	swait.ge [sflag:s9], $0x2800  }
0xe0: {  	[sflag:s9] =	ssyncset.done $0x0  }
0xe1: {  	s17 =	simm.s32 $0x2780;
	[sflag:s9] =	ssyncadd.s32 $0xFFFFD800  }
0xe2: {  	[spmem:s3] =	stream.indirect.scatter.add.f32 [tilespmem:s25], [sflag:$0x6], $0x80, s17, s2, $0x2000b8;
	[tilespmem:$0x1F800] =	vst v63  }
0xe3: {  	_ =	swait.ge [sflag:s26], $0x2800  }
0xe4: {  	[sflag:s26] =	ssyncset.done $0x0  }
0xe5: {  	s15 =	simm.s32 $0x900;
	[sflag:s26] =	ssyncadd.s32 $0xFFFFD800  }
0xe6: {  	[tilespmem:s25], [sflag:$0x1] =	stream.indirect.gather [hbm4b:s1+s2], $0x80, s15, s2, $0x2000b8;
	[tilespmem:$0x1F800] =	vst v63  }
0xe7: {  	_ =	swait.ge [sflag:s11], $0x2800  }
0xe8: {  	[sflag:s11] =	ssyncset.done $0x0  }
0xe9: {  	s16 =	simm.s32 $0x2800;
	[sflag:s11] =	ssyncadd.s32 $0xFFFFD800  }
0xea: {  	[spmem:s3] =	stream.indirect.scatter.add.f32 [tilespmem:s6], [sflag:$0x6], $0x80, s16, s2, $0x2000b8;
	[tilespmem:$0x1F800] =	vst v63  }
0xeb: {  	_ =	swait.ge [sflag:s26], $0x2800  }
0xec: {  	[sflag:s26] =	ssyncset.done $0x0  }
0xed: {  	s17 =	simm.s32 $0x980;
	[sflag:s26] =	ssyncadd.s32 $0xFFFFD800  }
0xee: {  	[tilespmem:s6], [sflag:$0x2] =	stream.indirect.gather [hbm4b:s1+s2], $0x80, s17, s2, $0x2000b8;
	[tilespmem:$0x1F800] =	vst v63  }
0xef: {  	_ =	swait.ge [sflag:s14], $0x2800  }
0xf0: {  	[sflag:s14] =	ssyncset.done $0x0  }
0xf1: {  	s15 =	simm.s32 $0x2880;
	[sflag:s14] =	ssyncadd.s32 $0xFFFFD800  }
0xf2: {  	[spmem:s3] =	stream.indirect.scatter.add.f32 [tilespmem:s8], [sflag:$0x6], $0x80, s15, s2, $0x2000b8;
	[tilespmem:$0x1F800] =	vst v63  }
0xf3: {  	_ =	swait.ge [sflag:s26], $0x2800  }
0xf4: {  	[sflag:s26] =	ssyncset.done $0x0  }
0xf5: {  	s16 =	simm.s32 $0xA00;
	[sflag:s26] =	ssyncadd.s32 $0xFFFFD800  }
0xf6: {  	[tilespmem:s8], [sflag:$0x3] =	stream.indirect.gather [hbm4b:s1+s2], $0x80, s16, s2, $0x2000b8;
	[tilespmem:$0x1F800] =	vst v63  }
0xf7: {  	_ =	swait.ge [sflag:s9], $0x2800  }
0xf8: {  	[sflag:s9] =	ssyncset.done $0x0  }
0xf9: {  	s17 =	simm.s32 $0x2900;
	[sflag:s9] =	ssyncadd.s32 $0xFFFFD800  }
0xfa: {  	[spmem:s3] =	stream.indirect.scatter.add.f32 [tilespmem:s25], [sflag:$0x6], $0x80, s17, s2, $0x2000b8;
	[tilespmem:$0x1F800] =	vst v63  }
0xfb: {  	_ =	swait.ge [sflag:s26], $0x2800  }
0xfc: {  	[sflag:s26] =	ssyncset.done $0x0  }
0xfd: {  	s15 =	simm.s32 $0xA80;
	[sflag:s26] =	ssyncadd.s32 $0xFFFFD800  }
0xfe: {  	[tilespmem:s25], [sflag:$0x1] =	stream.indirect.gather [hbm4b:s1+s2], $0x80, s15, s2, $0x2000b8;
	[tilespmem:$0x1F800] =	vst v63  }
0xff: {  	_ =	swait.ge [sflag:s11], $0x2800  }
0x100: {  	[sflag:s11] =	ssyncset.done $0x0  }
0x101: {  	s16 =	simm.s32 $0x2980;
	[sflag:s11] =	ssyncadd.s32 $0xFFFFD800  }
0x102: {  	[spmem:s3] =	stream.indirect.scatter.add.f32 [tilespmem:s6], [sflag:$0x6], $0x80, s16, s2, $0x2000b8;
	[tilespmem:$0x1F800] =	vst v63  }
0x103: {  	_ =	swait.ge [sflag:s26], $0x2800  }
0x104: {  	[sflag:s26] =	ssyncset.done $0x0  }
0x105: {  	s17 =	simm.s32 $0xB00;
	[sflag:s26] =	ssyncadd.s32 $0xFFFFD800  }
0x106: {  	[tilespmem:s6], [sflag:$0x2] =	stream.indirect.gather [hbm4b:s1+s2], $0x80, s17, s2, $0x2000b8;
	[tilespmem:$0x1F800] =	vst v63  }
0x107: {  	_ =	swait.ge [sflag:s14], $0x2800  }
0x108: {  	[sflag:s14] =	ssyncset.done $0x0  }
0x109: {  	s15 =	simm.s32 $0x2A00;
	[sflag:s14] =	ssyncadd.s32 $0xFFFFD800  }
0x10a: {  	[spmem:s3] =	stream.indirect.scatter.add.f32 [tilespmem:s8], [sflag:$0x6], $0x80, s15, s2, $0x2000b8;
	[tilespmem:$0x1F800] =	vst v63  }
0x10b: {  	_ =	swait.ge [sflag:s26], $0x2800  }
0x10c: {  	[sflag:s26] =	ssyncset.done $0x0  }
0x10d: {  	s16 =	simm.s32 $0xB80;
	[sflag:s26] =	ssyncadd.s32 $0xFFFFD800  }
0x10e: {  	[tilespmem:s8], [sflag:$0x3] =	stream.indirect.gather [hbm4b:s1+s2], $0x80, s16, s2, $0x2000b8;
	[tilespmem:$0x1F800] =	vst v63  }
0x10f: {  	_ =	swait.ge [sflag:s9], $0x2800  }
0x110: {  	[sflag:s9] =	ssyncset.done $0x0  }
0x111: {  	s17 =	simm.s32 $0x2A80;
	[sflag:s9] =	ssyncadd.s32 $0xFFFFD800  }
0x112: {  	[spmem:s3] =	stream.indirect.scatter.add.f32 [tilespmem:s25], [sflag:$0x6], $0x80, s17, s2, $0x2000b8;
	[tilespmem:$0x1F800] =	vst v63  }
0x113: {  	_ =	swait.ge [sflag:s26], $0x2800  }
0x114: {  	[sflag:s26] =	ssyncset.done $0x0  }
0x115: {  	s15 =	simm.s32 $0xC00;
	[sflag:s26] =	ssyncadd.s32 $0xFFFFD800  }
0x116: {  	[tilespmem:s25], [sflag:$0x1] =	stream.indirect.gather [hbm4b:s1+s2], $0x80, s15, s2, $0x2000b8;
	[tilespmem:$0x1F800] =	vst v63  }
0x117: {  	_ =	swait.ge [sflag:s11], $0x2800  }
0x118: {  	[sflag:s11] =	ssyncset.done $0x0  }
0x119: {  	s16 =	simm.s32 $0x2B00;
	[sflag:s11] =	ssyncadd.s32 $0xFFFFD800  }
0x11a: {  	[spmem:s3] =	stream.indirect.scatter.add.f32 [tilespmem:s6], [sflag:$0x6], $0x80, s16, s2, $0x2000b8;
	[tilespmem:$0x1F800] =	vst v63  }
0x11b: {  	_ =	swait.ge [sflag:s26], $0x2800  }
0x11c: {  	[sflag:s26] =	ssyncset.done $0x0  }
0x11d: {  	[sflag:s26] =	ssyncadd.s32 $0xFFFFD800  }
0x11e: {  	_ =	swait.ge [sflag:s14], $0x2800  }
0x11f: {  	[sflag:s14] =	ssyncset.done $0x0  }
0x120: {  	s17 =	simm.s32 $0x2B80;
	[sflag:s14] =	ssyncadd.s32 $0xFFFFD800  }
0x121: {  	[spmem:s3] =	stream.indirect.scatter.add.f32 [tilespmem:s8], [sflag:$0x6], $0x80, s17, s2, $0x2000b8;
	[tilespmem:$0x1F800] =	vst v63  }
0x122: {  	_ =	swait.ge [sflag:s26], $0x2800  }
0x123: {  	[sflag:s26] =	ssyncset.done $0x0  }
0x124: {  	[sflag:s26] =	ssyncadd.s32 $0xFFFFD800  }
0x125: {  	_ =	swait.ge [sflag:s9], $0x2800  }
0x126: {  	[sflag:s9] =	ssyncset.done $0x0  }
0x127: {  	s15 =	simm.s32 $0x2C00;
	[sflag:s9] =	ssyncadd.s32 $0xFFFFD800  }
0x128: {  	[spmem:s3] =	stream.indirect.scatter.add.f32 [tilespmem:s25], [sflag:$0x6], $0x80, s15, s2, $0x2000b8;
	[tilespmem:$0x1F800] =	vst v63  }
0x129: {  	_ =	swait.ge [sflag:s26], $0x2800  }
0x12a: {  	[sflag:s26] =	ssyncset.done $0x0  }
0x12b: {  	[sflag:s26] =	ssyncadd.s32 $0xFFFFD800  }
0x12c: {  	_ =	strace $0x9000004A  }
0x12d: {  	_ =	strace $0x8000004B  }
0x12e: {  	_ =	swait.ge [sflag:s12], $0xC80  }
0x12f: {  	[sflag:s12] =	ssyncset.done $0x0  }
0x130: {  	[sflag:s12] =	ssyncadd.s32 $0xFFFFF380  }
0x131: {  	_ =	swait.ge [sflag:s12], $0xC80  }
0x132: {  	[sflag:s12] =	ssyncset.done $0x0  }
0x133: {  	s16 =	rddreg [dreg:$0xf];
	[sflag:s12] =	ssyncadd.s32 $0xFFFFF380  }
0x134: {  	[tilespmem:s4], [sflag:$0x4] =	stream.linear.gather [hbm4b:s16+s4], $0xC80, $0x200038;
	[tilespmem:$0x1F800] =	vst v63  }
0x135: {  	s17 =	rddreg [dreg:$0x10]  }
0x136: {  	[tilespmem:s0], [sflag:$0x4] =	stream.linear.gather [hbm4b:s17+s4], $0xC80, $0x200038;
	[tilespmem:$0x1F800] =	vst v63  }
0x137: {  	_ =	strace $0x9000004B  }
0x138: {  	_ =	strace $0x8000004C  }
0x139: {  	[tilespmem:s25], [sflag:$0x1] =	stream.indirect.gather [hbm4b:s1+s2], $0x80, s31, s2, $0x2000b8;
	[tilespmem:$0x1F800] =	vst v63  }
0x13a: {  	_ = 	snop  }
0x13b: {  	[tilespmem:s6], [sflag:$0x2] =	stream.indirect.gather [hbm4b:s1+s2], $0x80, s28, s2, $0x2000b8;
	[tilespmem:$0x1F800] =	vst v63  }
0x13c: {  	s7 =	simm.s32 $0x1100  }
0x13d: {  	[tilespmem:s8], [sflag:$0x3] =	stream.indirect.gather [hbm4b:s1+s2], $0x80, s7, s2, $0x2000b8;
	[tilespmem:$0x1F800] =	vst v63  }
0x13e: {  	_ =	swait.ge [sflag:s9], $0x2800  }
0x13f: {  	[sflag:s9] =	ssyncset.done $0x0  }
0x140: {  	[sflag:s9] =	ssyncadd.s32 $0xFFFFD800  }
0x141: {  	[spmem:s3] =	stream.indirect.scatter.add.f32 [tilespmem:s25], [sflag:$0x6], $0x80, s5, s2, $0x2000b8;
	[tilespmem:$0x1F800] =	vst v63  }
0x142: {  	_ =	swait.ge [sflag:s26], $0x2800  }
0x143: {  	[sflag:s26] =	ssyncset.done $0x0  }
0x144: {  	[sflag:s26] =	ssyncadd.s32 $0xFFFFD800  }
0x145: {  	[tilespmem:s25], [sflag:$0x1] =	stream.indirect.gather [hbm4b:s1+s2], $0x80, s10, s2, $0x2000b8;
	[tilespmem:$0x1F800] =	vst v63  }
0x146: {  	_ =	swait.ge [sflag:s11], $0x2800  }
0x147: {  	[sflag:s11] =	ssyncset.done $0x0  }
0x148: {  	[sflag:s11] =	ssyncadd.s32 $0xFFFFD800  }
0x149: {  	[spmem:s3] =	stream.indirect.scatter.add.f32 [tilespmem:s6], [sflag:$0x6], $0x80, s18, s2, $0x2000b8;
	[tilespmem:$0x1F800] =	vst v63  }
0x14a: {  	_ =	swait.ge [sflag:s26], $0x2800  }
0x14b: {  	[sflag:s26] =	ssyncset.done $0x0  }
0x14c: {  	[sflag:s26] =	ssyncadd.s32 $0xFFFFD800  }
0x14d: {  	[tilespmem:s6], [sflag:$0x2] =	stream.indirect.gather [hbm4b:s1+s2], $0x80, s19, s2, $0x2000b8;
	[tilespmem:$0x1F800] =	vst v63  }
0x14e: {  	_ =	swait.ge [sflag:s14], $0x2800  }
0x14f: {  	[sflag:s14] =	ssyncset.done $0x0  }
0x150: {  	[sflag:s14] =	ssyncadd.s32 $0xFFFFD800  }
0x151: {  	[spmem:s3] =	stream.indirect.scatter.add.f32 [tilespmem:s8], [sflag:$0x6], $0x80, s20, s2, $0x2000b8;
	[tilespmem:$0x1F800] =	vst v63  }
0x152: {  	_ =	swait.ge [sflag:s26], $0x2800  }
0x153: {  	[sflag:s26] =	ssyncset.done $0x0  }
0x154: {  	[sflag:s26] =	ssyncadd.s32 $0xFFFFD800  }
0x155: {  	[tilespmem:s8], [sflag:$0x3] =	stream.indirect.gather [hbm4b:s1+s2], $0x80, s21, s2, $0x2000b8;
	[tilespmem:$0x1F800] =	vst v63  }
0x156: {  	_ =	swait.ge [sflag:s9], $0x2800  }
0x157: {  	[sflag:s9] =	ssyncset.done $0x0  }
0x158: {  	[sflag:s9] =	ssyncadd.s32 $0xFFFFD800  }
0x159: {  	[spmem:s3] =	stream.indirect.scatter.add.f32 [tilespmem:s25], [sflag:$0x6], $0x80, s22, s2, $0x2000b8;
	[tilespmem:$0x1F800] =	vst v63  }
0x15a: {  	_ =	swait.ge [sflag:s26], $0x2800  }
0x15b: {  	[sflag:s26] =	ssyncset.done $0x0  }
0x15c: {  	[sflag:s26] =	ssyncadd.s32 $0xFFFFD800  }
0x15d: {  	[tilespmem:s25], [sflag:$0x1] =	stream.indirect.gather [hbm4b:s1+s2], $0x80, s23, s2, $0x2000b8;
	[tilespmem:$0x1F800] =	vst v63  }
0x15e: {  	_ =	swait.ge [sflag:s11], $0x2800  }
0x15f: {  	[sflag:s11] =	ssyncset.done $0x0  }
0x160: {  	[sflag:s11] =	ssyncadd.s32 $0xFFFFD800  }
0x161: {  	[spmem:s3] =	stream.indirect.scatter.add.f32 [tilespmem:s6], [sflag:$0x6], $0x80, s24, s2, $0x2000b8;
	[tilespmem:$0x1F800] =	vst v63  }
0x162: {  	_ =	swait.ge [sflag:s26], $0x2800  }
0x163: {  	[sflag:s26] =	ssyncset.done $0x0  }
0x164: {  	[sflag:s26] =	ssyncadd.s32 $0xFFFFD800  }
0x165: {  	[tilespmem:s6], [sflag:$0x2] =	stream.indirect.gather [hbm4b:s1+s2], $0x80, s30, s2, $0x2000b8;
	[tilespmem:$0x1F800] =	vst v63  }
0x166: {  	_ =	swait.ge [sflag:s14], $0x2800  }
0x167: {  	[sflag:s14] =	ssyncset.done $0x0  }
0x168: {  	s16 =	simm.s32 $0x3280;
	[sflag:s14] =	ssyncadd.s32 $0xFFFFD800  }
0x169: {  	[spmem:s3] =	stream.indirect.scatter.add.f32 [tilespmem:s8], [sflag:$0x6], $0x80, s16, s2, $0x2000b8;
	[tilespmem:$0x1F800] =	vst v63  }
0x16a: {  	_ =	swait.ge [sflag:s26], $0x2800  }
0x16b: {  	[sflag:s26] =	ssyncset.done $0x0  }
0x16c: {  	s17 =	simm.s32 $0x1400;
	[sflag:s26] =	ssyncadd.s32 $0xFFFFD800  }
0x16d: {  	[tilespmem:s8], [sflag:$0x3] =	stream.indirect.gather [hbm4b:s1+s2], $0x80, s17, s2, $0x2000b8;
	[tilespmem:$0x1F800] =	vst v63  }
0x16e: {  	_ =	swait.ge [sflag:s9], $0x2800  }
0x16f: {  	[sflag:s9] =	ssyncset.done $0x0  }
0x170: {  	s15 =	simm.s32 $0x3300;
	[sflag:s9] =	ssyncadd.s32 $0xFFFFD800  }
0x171: {  	[spmem:s3] =	stream.indirect.scatter.add.f32 [tilespmem:s25], [sflag:$0x6], $0x80, s15, s2, $0x2000b8;
	[tilespmem:$0x1F800] =	vst v63  }
0x172: {  	_ =	swait.ge [sflag:s26], $0x2800  }
0x173: {  	[sflag:s26] =	ssyncset.done $0x0  }
0x174: {  	s15 =	simm.s32 $0x1480;
	[sflag:s26] =	ssyncadd.s32 $0xFFFFD800  }
0x175: {  	[tilespmem:s25], [sflag:$0x1] =	stream.indirect.gather [hbm4b:s1+s2], $0x80, s15, s2, $0x2000b8;
	[tilespmem:$0x1F800] =	vst v63  }
0x176: {  	_ =	swait.ge [sflag:s11], $0x2800  }
0x177: {  	[sflag:s11] =	ssyncset.done $0x0  }
0x178: {  	s15 =	simm.s32 $0x3380;
	[sflag:s11] =	ssyncadd.s32 $0xFFFFD800  }
0x179: {  	[spmem:s3] =	stream.indirect.scatter.add.f32 [tilespmem:s6], [sflag:$0x6], $0x80, s15, s2, $0x2000b8;
	[tilespmem:$0x1F800] =	vst v63  }
0x17a: {  	_ =	swait.ge [sflag:s26], $0x2800  }
0x17b: {  	[sflag:s26] =	ssyncset.done $0x0  }
0x17c: {  	s15 =	simm.s32 $0x1500;
	[sflag:s26] =	ssyncadd.s32 $0xFFFFD800  }
0x17d: {  	[tilespmem:s6], [sflag:$0x2] =	stream.indirect.gather [hbm4b:s1+s2], $0x80, s15, s2, $0x2000b8;
	[tilespmem:$0x1F800] =	vst v63  }
0x17e: {  	_ =	swait.ge [sflag:s14], $0x2800  }
0x17f: {  	[sflag:s14] =	ssyncset.done $0x0  }
0x180: {  	s15 =	simm.s32 $0x3400;
	[sflag:s14] =	ssyncadd.s32 $0xFFFFD800  }
0x181: {  	[spmem:s3] =	stream.indirect.scatter.add.f32 [tilespmem:s8], [sflag:$0x6], $0x80, s15, s2, $0x2000b8;
	[tilespmem:$0x1F800] =	vst v63  }
0x182: {  	_ =	swait.ge [sflag:s26], $0x2800  }
0x183: {  	[sflag:s26] =	ssyncset.done $0x0  }
0x184: {  	s15 =	simm.s32 $0x1580;
	[sflag:s26] =	ssyncadd.s32 $0xFFFFD800  }
0x185: {  	[tilespmem:s8], [sflag:$0x3] =	stream.indirect.gather [hbm4b:s1+s2], $0x80, s15, s2, $0x2000b8;
	[tilespmem:$0x1F800] =	vst v63  }
0x186: {  	_ =	swait.ge [sflag:s9], $0x2800  }
0x187: {  	[sflag:s9] =	ssyncset.done $0x0  }
0x188: {  	s15 =	simm.s32 $0x3480;
	[sflag:s9] =	ssyncadd.s32 $0xFFFFD800  }
0x189: {  	[spmem:s3] =	stream.indirect.scatter.add.f32 [tilespmem:s25], [sflag:$0x6], $0x80, s15, s2, $0x2000b8;
	[tilespmem:$0x1F800] =	vst v63  }
0x18a: {  	_ =	swait.ge [sflag:s26], $0x2800  }
0x18b: {  	[sflag:s26] =	ssyncset.done $0x0  }
0x18c: {  	s15 =	simm.s32 $0x1600;
	[sflag:s26] =	ssyncadd.s32 $0xFFFFD800  }
0x18d: {  	[tilespmem:s25], [sflag:$0x1] =	stream.indirect.gather [hbm4b:s1+s2], $0x80, s15, s2, $0x2000b8;
	[tilespmem:$0x1F800] =	vst v63  }
0x18e: {  	_ =	swait.ge [sflag:s11], $0x2800  }
0x18f: {  	[sflag:s11] =	ssyncset.done $0x0  }
0x190: {  	s15 =	simm.s32 $0x3500;
	[sflag:s11] =	ssyncadd.s32 $0xFFFFD800  }
0x191: {  	[spmem:s3] =	stream.indirect.scatter.add.f32 [tilespmem:s6], [sflag:$0x6], $0x80, s15, s2, $0x2000b8;
	[tilespmem:$0x1F800] =	vst v63  }
0x192: {  	_ =	swait.ge [sflag:s26], $0x2800  }
0x193: {  	[sflag:s26] =	ssyncset.done $0x0  }
0x194: {  	s15 =	simm.s32 $0x1680;
	[sflag:s26] =	ssyncadd.s32 $0xFFFFD800  }
0x195: {  	[tilespmem:s6], [sflag:$0x2] =	stream.indirect.gather [hbm4b:s1+s2], $0x80, s15, s2, $0x2000b8;
	[tilespmem:$0x1F800] =	vst v63  }
0x196: {  	_ =	swait.ge [sflag:s14], $0x2800  }
0x197: {  	[sflag:s14] =	ssyncset.done $0x0  }
0x198: {  	s15 =	simm.s32 $0x3580;
	[sflag:s14] =	ssyncadd.s32 $0xFFFFD800  }
0x199: {  	[spmem:s3] =	stream.indirect.scatter.add.f32 [tilespmem:s8], [sflag:$0x6], $0x80, s15, s2, $0x2000b8;
	[tilespmem:$0x1F800] =	vst v63  }
0x19a: {  	_ =	swait.ge [sflag:s26], $0x2800  }
0x19b: {  	[sflag:s26] =	ssyncset.done $0x0  }
0x19c: {  	s15 =	simm.s32 $0x1700;
	[sflag:s26] =	ssyncadd.s32 $0xFFFFD800  }
0x19d: {  	[tilespmem:s8], [sflag:$0x3] =	stream.indirect.gather [hbm4b:s1+s2], $0x80, s15, s2, $0x2000b8;
	[tilespmem:$0x1F800] =	vst v63  }
0x19e: {  	_ =	swait.ge [sflag:s9], $0x2800  }
0x19f: {  	[sflag:s9] =	ssyncset.done $0x0  }
0x1a0: {  	s15 =	simm.s32 $0x3600;
	[sflag:s9] =	ssyncadd.s32 $0xFFFFD800  }
0x1a1: {  	[spmem:s3] =	stream.indirect.scatter.add.f32 [tilespmem:s25], [sflag:$0x6], $0x80, s15, s2, $0x2000b8;
	[tilespmem:$0x1F800] =	vst v63  }
0x1a2: {  	_ =	swait.ge [sflag:s26], $0x2800  }
0x1a3: {  	[sflag:s26] =	ssyncset.done $0x0  }
0x1a4: {  	s15 =	simm.s32 $0x1780;
	[sflag:s26] =	ssyncadd.s32 $0xFFFFD800  }
0x1a5: {  	[tilespmem:s25], [sflag:$0x1] =	stream.indirect.gather [hbm4b:s1+s2], $0x80, s15, s2, $0x2000b8;
	[tilespmem:$0x1F800] =	vst v63  }
0x1a6: {  	_ =	swait.ge [sflag:s11], $0x2800  }
0x1a7: {  	[sflag:s11] =	ssyncset.done $0x0  }
0x1a8: {  	s15 =	simm.s32 $0x3680;
	[sflag:s11] =	ssyncadd.s32 $0xFFFFD800  }
0x1a9: {  	[spmem:s3] =	stream.indirect.scatter.add.f32 [tilespmem:s6], [sflag:$0x6], $0x80, s15, s2, $0x2000b8;
	[tilespmem:$0x1F800] =	vst v63  }
0x1aa: {  	_ =	swait.ge [sflag:s26], $0x2800  }
0x1ab: {  	[sflag:s26] =	ssyncset.done $0x0  }
0x1ac: {  	s15 =	simm.s32 $0x1800;
	[sflag:s26] =	ssyncadd.s32 $0xFFFFD800  }
0x1ad: {  	[tilespmem:s6], [sflag:$0x2] =	stream.indirect.gather [hbm4b:s1+s2], $0x80, s15, s2, $0x2000b8;
	[tilespmem:$0x1F800] =	vst v63  }
0x1ae: {  	_ =	swait.ge [sflag:s14], $0x2800  }
0x1af: {  	[sflag:s14] =	ssyncset.done $0x0  }
0x1b0: {  	s15 =	simm.s32 $0x3700;
	[sflag:s14] =	ssyncadd.s32 $0xFFFFD800  }
0x1b1: {  	[spmem:s3] =	stream.indirect.scatter.add.f32 [tilespmem:s8], [sflag:$0x6], $0x80, s15, s2, $0x2000b8;
	[tilespmem:$0x1F800] =	vst v63  }
0x1b2: {  	_ =	swait.ge [sflag:s26], $0x2800  }
0x1b3: {  	[sflag:s26] =	ssyncset.done $0x0  }
0x1b4: {  	s15 =	simm.s32 $0x1880;
	[sflag:s26] =	ssyncadd.s32 $0xFFFFD800  }
0x1b5: {  	[tilespmem:s8], [sflag:$0x3] =	stream.indirect.gather [hbm4b:s1+s2], $0x80, s15, s2, $0x2000b8;
	[tilespmem:$0x1F800] =	vst v63  }
0x1b6: {  	_ =	swait.ge [sflag:s9], $0x2800  }
0x1b7: {  	[sflag:s9] =	ssyncset.done $0x0  }
0x1b8: {  	s15 =	simm.s32 $0x3780;
	[sflag:s9] =	ssyncadd.s32 $0xFFFFD800  }
0x1b9: {  	[spmem:s3] =	stream.indirect.scatter.add.f32 [tilespmem:s25], [sflag:$0x6], $0x80, s15, s2, $0x2000b8;
	[tilespmem:$0x1F800] =	vst v63  }
0x1ba: {  	_ =	swait.ge [sflag:s26], $0x2800  }
0x1bb: {  	[sflag:s26] =	ssyncset.done $0x0  }
0x1bc: {  	s15 =	simm.s32 $0x1900;
	[sflag:s26] =	ssyncadd.s32 $0xFFFFD800  }
0x1bd: {  	[tilespmem:s25], [sflag:$0x1] =	stream.indirect.gather [hbm4b:s1+s2], $0x80, s15, s2, $0x2000b8;
	[tilespmem:$0x1F800] =	vst v63  }
0x1be: {  	_ =	swait.ge [sflag:s11], $0x2800  }
0x1bf: {  	[sflag:s11] =	ssyncset.done $0x0  }
0x1c0: {  	s15 =	simm.s32 $0x3800;
	[sflag:s11] =	ssyncadd.s32 $0xFFFFD800  }
0x1c1: {  	[spmem:s3] =	stream.indirect.scatter.add.f32 [tilespmem:s6], [sflag:$0x6], $0x80, s15, s2, $0x2000b8;
	[tilespmem:$0x1F800] =	vst v63  }
0x1c2: {  	_ =	swait.ge [sflag:s26], $0x2800  }
0x1c3: {  	[sflag:s26] =	ssyncset.done $0x0  }
0x1c4: {  	s15 =	simm.s32 $0x1980;
	[sflag:s26] =	ssyncadd.s32 $0xFFFFD800  }
0x1c5: {  	[tilespmem:s6], [sflag:$0x2] =	stream.indirect.gather [hbm4b:s1+s2], $0x80, s15, s2, $0x2000b8;
	[tilespmem:$0x1F800] =	vst v63  }
0x1c6: {  	_ =	swait.ge [sflag:s14], $0x2800  }
0x1c7: {  	[sflag:s14] =	ssyncset.done $0x0  }
0x1c8: {  	s15 =	simm.s32 $0x3880;
	[sflag:s14] =	ssyncadd.s32 $0xFFFFD800  }
0x1c9: {  	[spmem:s3] =	stream.indirect.scatter.add.f32 [tilespmem:s8], [sflag:$0x6], $0x80, s15, s2, $0x2000b8;
	[tilespmem:$0x1F800] =	vst v63  }
0x1ca: {  	_ =	swait.ge [sflag:s26], $0x2800  }
0x1cb: {  	[sflag:s26] =	ssyncset.done $0x0  }
0x1cc: {  	s15 =	simm.s32 $0x1A00;
	[sflag:s26] =	ssyncadd.s32 $0xFFFFD800  }
0x1cd: {  	[tilespmem:s8], [sflag:$0x3] =	stream.indirect.gather [hbm4b:s1+s2], $0x80, s15, s2, $0x2000b8;
	[tilespmem:$0x1F800] =	vst v63  }
0x1ce: {  	_ =	swait.ge [sflag:s9], $0x2800  }
0x1cf: {  	[sflag:s9] =	ssyncset.done $0x0  }
0x1d0: {  	s15 =	simm.s32 $0x3900;
	[sflag:s9] =	ssyncadd.s32 $0xFFFFD800  }
0x1d1: {  	[spmem:s3] =	stream.indirect.scatter.add.f32 [tilespmem:s25], [sflag:$0x6], $0x80, s15, s2, $0x2000b8;
	[tilespmem:$0x1F800] =	vst v63  }
0x1d2: {  	_ =	swait.ge [sflag:s26], $0x2800  }
0x1d3: {  	[sflag:s26] =	ssyncset.done $0x0  }
0x1d4: {  	s15 =	simm.s32 $0x1A80;
	[sflag:s26] =	ssyncadd.s32 $0xFFFFD800  }
0x1d5: {  	[tilespmem:s25], [sflag:$0x1] =	stream.indirect.gather [hbm4b:s1+s2], $0x80, s15, s2, $0x2000b8;
	[tilespmem:$0x1F800] =	vst v63  }
0x1d6: {  	_ =	swait.ge [sflag:s11], $0x2800  }
0x1d7: {  	[sflag:s11] =	ssyncset.done $0x0  }
0x1d8: {  	s15 =	simm.s32 $0x3980;
	[sflag:s11] =	ssyncadd.s32 $0xFFFFD800  }
0x1d9: {  	[spmem:s3] =	stream.indirect.scatter.add.f32 [tilespmem:s6], [sflag:$0x6], $0x80, s15, s2, $0x2000b8;
	[tilespmem:$0x1F800] =	vst v63  }
0x1da: {  	_ =	swait.ge [sflag:s26], $0x2800  }
0x1db: {  	[sflag:s26] =	ssyncset.done $0x0  }
0x1dc: {  	s15 =	simm.s32 $0x1B00;
	[sflag:s26] =	ssyncadd.s32 $0xFFFFD800  }
0x1dd: {  	[tilespmem:s6], [sflag:$0x2] =	stream.indirect.gather [hbm4b:s1+s2], $0x80, s15, s2, $0x2000b8;
	[tilespmem:$0x1F800] =	vst v63  }
0x1de: {  	_ =	swait.ge [sflag:s14], $0x2800  }
0x1df: {  	[sflag:s14] =	ssyncset.done $0x0  }
0x1e0: {  	s15 =	simm.s32 $0x3A00;
	[sflag:s14] =	ssyncadd.s32 $0xFFFFD800  }
0x1e1: {  	[spmem:s3] =	stream.indirect.scatter.add.f32 [tilespmem:s8], [sflag:$0x6], $0x80, s15, s2, $0x2000b8;
	[tilespmem:$0x1F800] =	vst v63  }
0x1e2: {  	_ =	swait.ge [sflag:s26], $0x2800  }
0x1e3: {  	[sflag:s26] =	ssyncset.done $0x0  }
0x1e4: {  	s15 =	simm.s32 $0x1B80;
	[sflag:s26] =	ssyncadd.s32 $0xFFFFD800  }
0x1e5: {  	[tilespmem:s8], [sflag:$0x3] =	stream.indirect.gather [hbm4b:s1+s2], $0x80, s15, s2, $0x2000b8;
	[tilespmem:$0x1F800] =	vst v63  }
0x1e6: {  	_ =	swait.ge [sflag:s9], $0x2800  }
0x1e7: {  	[sflag:s9] =	ssyncset.done $0x0  }
0x1e8: {  	s15 =	simm.s32 $0x3A80;
	[sflag:s9] =	ssyncadd.s32 $0xFFFFD800  }
0x1e9: {  	[spmem:s3] =	stream.indirect.scatter.add.f32 [tilespmem:s25], [sflag:$0x6], $0x80, s15, s2, $0x2000b8;
	[tilespmem:$0x1F800] =	vst v63  }
0x1ea: {  	_ =	swait.ge [sflag:s26], $0x2800  }
0x1eb: {  	[sflag:s26] =	ssyncset.done $0x0  }
0x1ec: {  	s15 =	simm.s32 $0x1C00;
	[sflag:s26] =	ssyncadd.s32 $0xFFFFD800  }
0x1ed: {  	[tilespmem:s25], [sflag:$0x1] =	stream.indirect.gather [hbm4b:s1+s2], $0x80, s15, s2, $0x2000b8;
	[tilespmem:$0x1F800] =	vst v63  }
0x1ee: {  	_ =	swait.ge [sflag:s11], $0x2800  }
0x1ef: {  	[sflag:s11] =	ssyncset.done $0x0  }
0x1f0: {  	s15 =	simm.s32 $0x3B00;
	[sflag:s11] =	ssyncadd.s32 $0xFFFFD800  }
0x1f1: {  	[spmem:s3] =	stream.indirect.scatter.add.f32 [tilespmem:s6], [sflag:$0x6], $0x80, s15, s2, $0x2000b8;
	[tilespmem:$0x1F800] =	vst v63  }
0x1f2: {  	_ =	swait.ge [sflag:s26], $0x2800  }
0x1f3: {  	[sflag:s26] =	ssyncset.done $0x0  }
0x1f4: {  	[sflag:s26] =	ssyncadd.s32 $0xFFFFD800  }
0x1f5: {  	_ =	swait.ge [sflag:s14], $0x2800  }
0x1f6: {  	[sflag:s14] =	ssyncset.done $0x0  }
0x1f7: {  	s15 =	simm.s32 $0x3B80;
	[sflag:s14] =	ssyncadd.s32 $0xFFFFD800  }
0x1f8: {  	[spmem:s3] =	stream.indirect.scatter.add.f32 [tilespmem:s8], [sflag:$0x6], $0x80, s15, s2, $0x2000b8;
	[tilespmem:$0x1F800] =	vst v63  }
0x1f9: {  	_ =	swait.ge [sflag:s26], $0x2800  }
0x1fa: {  	[sflag:s26] =	ssyncset.done $0x0  }
0x1fb: {  	[sflag:s26] =	ssyncadd.s32 $0xFFFFD800  }
0x1fc: {  	_ =	swait.ge [sflag:s9], $0x2800  }
0x1fd: {  	[sflag:s9] =	ssyncset.done $0x0  }
0x1fe: {  	s15 =	simm.s32 $0x3C00;
	[sflag:s9] =	ssyncadd.s32 $0xFFFFD800  }
0x1ff: {  	[spmem:s3] =	stream.indirect.scatter.add.f32 [tilespmem:s25], [sflag:$0x6], $0x80, s15, s2, $0x2000b8;
	[tilespmem:$0x1F800] =	vst v63  }
0x200: {  	_ =	swait.ge [sflag:s26], $0x2800  }
0x201: {  	[sflag:s26] =	ssyncset.done $0x0  }
0x202: {  	[sflag:s26] =	ssyncadd.s32 $0xFFFFD800  }
0x203: {  	_ =	strace $0x9000004C  }
0x204: {  	_ =	strace $0x8000004D  }
0x205: {  	_ =	swait.ge [sflag:s29], $0xC80  }
0x206: {  	[sflag:s29] =	ssyncset.done $0x0  }
0x207: {  	[sflag:s29] =	ssyncadd.s32 $0xFFFFF380  }
0x208: {  	_ =	swait.ge [sflag:s29], $0xC80  }
0x209: {  	[sflag:s29] =	ssyncset.done $0x0  }
0x20a: {  	s15 =	rddreg [dreg:$0x11];
	[sflag:s29] =	ssyncadd.s32 $0xFFFFF380  }
0x20b: {  	[tilespmem:s31], [sflag:$0x5] =	stream.linear.gather [hbm4b:s15+s4], $0xC80, $0x200038;
	[tilespmem:$0x1F800] =	vst v63  }
0x20c: {  	s15 =	rddreg [dreg:$0x12]  }
0x20d: {  	[tilespmem:s5], [sflag:$0x5] =	stream.linear.gather [hbm4b:s15+s4], $0xC80, $0x200038;
	[tilespmem:$0x1F800] =	vst v63  }
0x20e: {  	_ =	strace $0x9000004D  }
0x20f: {  	_ =	strace $0x8000004E  }
0x210: {  	[tilespmem:s25], [sflag:$0x1] =	stream.indirect.gather [hbm4b:s1+s2], $0x80, s4, s2, $0x2000b8;
	[tilespmem:$0x1F800] =	vst v63  }
0x211: {  	s15 =	simm.s32 $0x80  }
0x212: {  	[tilespmem:s6], [sflag:$0x2] =	stream.indirect.gather [hbm4b:s1+s2], $0x80, s15, s2, $0x2000b8;
	[tilespmem:$0x1F800] =	vst v63  }
0x213: {  	s15 =	simm.s32 $0x100  }
0x214: {  	[tilespmem:s8], [sflag:$0x3] =	stream.indirect.gather [hbm4b:s1+s2], $0x80, s15, s2, $0x2000b8;
	[tilespmem:$0x1F800] =	vst v63  }
0x215: {  	_ =	swait.ge [sflag:s9], $0x2800  }
0x216: {  	[sflag:s9] =	ssyncset.done $0x0  }
0x217: {  	[sflag:s9] =	ssyncadd.s32 $0xFFFFD800  }
0x218: {  	[spmem:s3] =	stream.indirect.scatter.add.f32 [tilespmem:s25], [sflag:$0x6], $0x80, s0, s2, $0x2000b8;
	[tilespmem:$0x1F800] =	vst v63  }
0x219: {  	_ =	swait.ge [sflag:s26], $0x2800  }
0x21a: {  	[sflag:s26] =	ssyncset.done $0x0  }
0x21b: {  	s15 =	simm.s32 $0x180;
	[sflag:s26] =	ssyncadd.s32 $0xFFFFD800  }
0x21c: {  	[tilespmem:s25], [sflag:$0x1] =	stream.indirect.gather [hbm4b:s1+s2], $0x80, s15, s2, $0x2000b8;
	[tilespmem:$0x1F800] =	vst v63  }
0x21d: {  	_ =	swait.ge [sflag:s11], $0x2800  }
0x21e: {  	[sflag:s11] =	ssyncset.done $0x0  }
0x21f: {  	s15 =	simm.s32 $0x2080;
	[sflag:s11] =	ssyncadd.s32 $0xFFFFD800  }
0x220: {  	[spmem:s3] =	stream.indirect.scatter.add.f32 [tilespmem:s6], [sflag:$0x6], $0x80, s15, s2, $0x2000b8;
	[tilespmem:$0x1F800] =	vst v63  }
0x221: {  	_ =	swait.ge [sflag:s26], $0x2800  }
0x222: {  	[sflag:s26] =	ssyncset.done $0x0  }
0x223: {  	s15 =	simm.s32 $0x200;
	[sflag:s26] =	ssyncadd.s32 $0xFFFFD800  }
0x224: {  	[tilespmem:s6], [sflag:$0x2] =	stream.indirect.gather [hbm4b:s1+s2], $0x80, s15, s2, $0x2000b8;
	[tilespmem:$0x1F800] =	vst v63  }
0x225: {  	_ =	swait.ge [sflag:s14], $0x2800  }
0x226: {  	[sflag:s14] =	ssyncset.done $0x0  }
0x227: {  	s15 =	simm.s32 $0x2100;
	[sflag:s14] =	ssyncadd.s32 $0xFFFFD800  }
0x228: {  	[spmem:s3] =	stream.indirect.scatter.add.f32 [tilespmem:s8], [sflag:$0x6], $0x80, s15, s2, $0x2000b8;
	[tilespmem:$0x1F800] =	vst v63  }
0x229: {  	_ =	swait.ge [sflag:s26], $0x2800  }
0x22a: {  	[sflag:s26] =	ssyncset.done $0x0  }
0x22b: {  	s15 =	simm.s32 $0x280;
	[sflag:s26] =	ssyncadd.s32 $0xFFFFD800  }
0x22c: {  	[tilespmem:s8], [sflag:$0x3] =	stream.indirect.gather [hbm4b:s1+s2], $0x80, s15, s2, $0x2000b8;
	[tilespmem:$0x1F800] =	vst v63  }
0x22d: {  	_ =	swait.ge [sflag:s9], $0x2800  }
0x22e: {  	[sflag:s9] =	ssyncset.done $0x0  }
0x22f: {  	s15 =	simm.s32 $0x2180;
	[sflag:s9] =	ssyncadd.s32 $0xFFFFD800  }
0x230: {  	[spmem:s3] =	stream.indirect.scatter.add.f32 [tilespmem:s25], [sflag:$0x6], $0x80, s15, s2, $0x2000b8;
	[tilespmem:$0x1F800] =	vst v63  }
0x231: {  	_ =	swait.ge [sflag:s26], $0x2800  }
0x232: {  	[sflag:s26] =	ssyncset.done $0x0  }
0x233: {  	s15 =	simm.s32 $0x300;
	[sflag:s26] =	ssyncadd.s32 $0xFFFFD800  }
0x234: {  	[tilespmem:s25], [sflag:$0x1] =	stream.indirect.gather [hbm4b:s1+s2], $0x80, s15, s2, $0x2000b8;
	[tilespmem:$0x1F800] =	vst v63  }
0x235: {  	_ =	swait.ge [sflag:s11], $0x2800  }
0x236: {  	[sflag:s11] =	ssyncset.done $0x0  }
0x237: {  	s15 =	simm.s32 $0x2200;
	[sflag:s11] =	ssyncadd.s32 $0xFFFFD800  }
0x238: {  	[spmem:s3] =	stream.indirect.scatter.add.f32 [tilespmem:s6], [sflag:$0x6], $0x80, s15, s2, $0x2000b8;
	[tilespmem:$0x1F800] =	vst v63  }
0x239: {  	_ =	swait.ge [sflag:s26], $0x2800  }
0x23a: {  	[sflag:s26] =	ssyncset.done $0x0  }
0x23b: {  	s15 =	simm.s32 $0x380;
	[sflag:s26] =	ssyncadd.s32 $0xFFFFD800  }
0x23c: {  	[tilespmem:s6], [sflag:$0x2] =	stream.indirect.gather [hbm4b:s1+s2], $0x80, s15, s2, $0x2000b8;
	[tilespmem:$0x1F800] =	vst v63  }
0x23d: {  	_ =	swait.ge [sflag:s14], $0x2800  }
0x23e: {  	[sflag:s14] =	ssyncset.done $0x0  }
0x23f: {  	s15 =	simm.s32 $0x2280;
	[sflag:s14] =	ssyncadd.s32 $0xFFFFD800  }
0x240: {  	[spmem:s3] =	stream.indirect.scatter.add.f32 [tilespmem:s8], [sflag:$0x6], $0x80, s15, s2, $0x2000b8;
	[tilespmem:$0x1F800] =	vst v63  }
0x241: {  	_ =	swait.ge [sflag:s26], $0x2800  }
0x242: {  	[sflag:s26] =	ssyncset.done $0x0  }
0x243: {  	s15 =	simm.s32 $0x400;
	[sflag:s26] =	ssyncadd.s32 $0xFFFFD800  }
0x244: {  	[tilespmem:s8], [sflag:$0x3] =	stream.indirect.gather [hbm4b:s1+s2], $0x80, s15, s2, $0x2000b8;
	[tilespmem:$0x1F800] =	vst v63  }
0x245: {  	_ =	swait.ge [sflag:s9], $0x2800  }
0x246: {  	[sflag:s9] =	ssyncset.done $0x0  }
0x247: {  	s15 =	simm.s32 $0x2300;
	[sflag:s9] =	ssyncadd.s32 $0xFFFFD800  }
0x248: {  	[spmem:s3] =	stream.indirect.scatter.add.f32 [tilespmem:s25], [sflag:$0x6], $0x80, s15, s2, $0x2000b8;
	[tilespmem:$0x1F800] =	vst v63  }
0x249: {  	_ =	swait.ge [sflag:s26], $0x2800  }
0x24a: {  	[sflag:s26] =	ssyncset.done $0x0  }
0x24b: {  	s15 =	simm.s32 $0x480;
	[sflag:s26] =	ssyncadd.s32 $0xFFFFD800  }
0x24c: {  	[tilespmem:s25], [sflag:$0x1] =	stream.indirect.gather [hbm4b:s1+s2], $0x80, s15, s2, $0x2000b8;
	[tilespmem:$0x1F800] =	vst v63  }
0x24d: {  	_ =	swait.ge [sflag:s11], $0x2800  }
0x24e: {  	[sflag:s11] =	ssyncset.done $0x0  }
0x24f: {  	s15 =	simm.s32 $0x2380;
	[sflag:s11] =	ssyncadd.s32 $0xFFFFD800  }
0x250: {  	[spmem:s3] =	stream.indirect.scatter.add.f32 [tilespmem:s6], [sflag:$0x6], $0x80, s15, s2, $0x2000b8;
	[tilespmem:$0x1F800] =	vst v63  }
0x251: {  	_ =	swait.ge [sflag:s26], $0x2800  }
0x252: {  	[sflag:s26] =	ssyncset.done $0x0  }
0x253: {  	s15 =	simm.s32 $0x500;
	[sflag:s26] =	ssyncadd.s32 $0xFFFFD800  }
0x254: {  	[tilespmem:s6], [sflag:$0x2] =	stream.indirect.gather [hbm4b:s1+s2], $0x80, s15, s2, $0x2000b8;
	[tilespmem:$0x1F800] =	vst v63  }
0x255: {  	_ =	swait.ge [sflag:s14], $0x2800  }
0x256: {  	[sflag:s14] =	ssyncset.done $0x0  }
0x257: {  	s15 =	simm.s32 $0x2400;
	[sflag:s14] =	ssyncadd.s32 $0xFFFFD800  }
0x258: {  	[spmem:s3] =	stream.indirect.scatter.add.f32 [tilespmem:s8], [sflag:$0x6], $0x80, s15, s2, $0x2000b8;
	[tilespmem:$0x1F800] =	vst v63  }
0x259: {  	_ =	swait.ge [sflag:s26], $0x2800  }
0x25a: {  	[sflag:s26] =	ssyncset.done $0x0  }
0x25b: {  	s15 =	simm.s32 $0x580;
	[sflag:s26] =	ssyncadd.s32 $0xFFFFD800  }
0x25c: {  	[tilespmem:s8], [sflag:$0x3] =	stream.indirect.gather [hbm4b:s1+s2], $0x80, s15, s2, $0x2000b8;
	[tilespmem:$0x1F800] =	vst v63  }
0x25d: {  	_ =	swait.ge [sflag:s9], $0x2800  }
0x25e: {  	[sflag:s9] =	ssyncset.done $0x0  }
0x25f: {  	s15 =	simm.s32 $0x2480;
	[sflag:s9] =	ssyncadd.s32 $0xFFFFD800  }
0x260: {  	[spmem:s3] =	stream.indirect.scatter.add.f32 [tilespmem:s25], [sflag:$0x6], $0x80, s15, s2, $0x2000b8;
	[tilespmem:$0x1F800] =	vst v63  }
0x261: {  	_ =	swait.ge [sflag:s26], $0x2800  }
0x262: {  	[sflag:s26] =	ssyncset.done $0x0  }
0x263: {  	s15 =	simm.s32 $0x600;
	[sflag:s26] =	ssyncadd.s32 $0xFFFFD800  }
0x264: {  	[tilespmem:s25], [sflag:$0x1] =	stream.indirect.gather [hbm4b:s1+s2], $0x80, s15, s2, $0x2000b8;
	[tilespmem:$0x1F800] =	vst v63  }
0x265: {  	_ =	swait.ge [sflag:s11], $0x2800  }
0x266: {  	[sflag:s11] =	ssyncset.done $0x0  }
0x267: {  	s15 =	simm.s32 $0x2500;
	[sflag:s11] =	ssyncadd.s32 $0xFFFFD800  }
0x268: {  	[spmem:s3] =	stream.indirect.scatter.add.f32 [tilespmem:s6], [sflag:$0x6], $0x80, s15, s2, $0x2000b8;
	[tilespmem:$0x1F800] =	vst v63  }
0x269: {  	_ =	swait.ge [sflag:s26], $0x2800  }
0x26a: {  	[sflag:s26] =	ssyncset.done $0x0  }
0x26b: {  	s15 =	simm.s32 $0x680;
	[sflag:s26] =	ssyncadd.s32 $0xFFFFD800  }
0x26c: {  	[tilespmem:s6], [sflag:$0x2] =	stream.indirect.gather [hbm4b:s1+s2], $0x80, s15, s2, $0x2000b8;
	[tilespmem:$0x1F800] =	vst v63  }
0x26d: {  	_ =	swait.ge [sflag:s14], $0x2800  }
0x26e: {  	[sflag:s14] =	ssyncset.done $0x0  }
0x26f: {  	s15 =	simm.s32 $0x2580;
	[sflag:s14] =	ssyncadd.s32 $0xFFFFD800  }
0x270: {  	[spmem:s3] =	stream.indirect.scatter.add.f32 [tilespmem:s8], [sflag:$0x6], $0x80, s15, s2, $0x2000b8;
	[tilespmem:$0x1F800] =	vst v63  }
0x271: {  	_ =	swait.ge [sflag:s26], $0x2800  }
0x272: {  	[sflag:s26] =	ssyncset.done $0x0  }
0x273: {  	s15 =	simm.s32 $0x700;
	[sflag:s26] =	ssyncadd.s32 $0xFFFFD800  }
0x274: {  	[tilespmem:s8], [sflag:$0x3] =	stream.indirect.gather [hbm4b:s1+s2], $0x80, s15, s2, $0x2000b8;
	[tilespmem:$0x1F800] =	vst v63  }
0x275: {  	_ =	swait.ge [sflag:s9], $0x2800  }
0x276: {  	[sflag:s9] =	ssyncset.done $0x0  }
0x277: {  	s15 =	simm.s32 $0x2600;
	[sflag:s9] =	ssyncadd.s32 $0xFFFFD800  }
0x278: {  	[spmem:s3] =	stream.indirect.scatter.add.f32 [tilespmem:s25], [sflag:$0x6], $0x80, s15, s2, $0x2000b8;
	[tilespmem:$0x1F800] =	vst v63  }
0x279: {  	_ =	swait.ge [sflag:s26], $0x2800  }
0x27a: {  	[sflag:s26] =	ssyncset.done $0x0  }
0x27b: {  	s15 =	simm.s32 $0x780;
	[sflag:s26] =	ssyncadd.s32 $0xFFFFD800  }
0x27c: {  	[tilespmem:s25], [sflag:$0x1] =	stream.indirect.gather [hbm4b:s1+s2], $0x80, s15, s2, $0x2000b8;
	[tilespmem:$0x1F800] =	vst v63  }
0x27d: {  	_ =	swait.ge [sflag:s11], $0x2800  }
0x27e: {  	[sflag:s11] =	ssyncset.done $0x0  }
0x27f: {  	s15 =	simm.s32 $0x2680;
	[sflag:s11] =	ssyncadd.s32 $0xFFFFD800  }
0x280: {  	[spmem:s3] =	stream.indirect.scatter.add.f32 [tilespmem:s6], [sflag:$0x6], $0x80, s15, s2, $0x2000b8;
	[tilespmem:$0x1F800] =	vst v63  }
0x281: {  	_ =	swait.ge [sflag:s26], $0x2800  }
0x282: {  	[sflag:s26] =	ssyncset.done $0x0  }
0x283: {  	s15 =	simm.s32 $0x800;
	[sflag:s26] =	ssyncadd.s32 $0xFFFFD800  }
0x284: {  	[tilespmem:s6], [sflag:$0x2] =	stream.indirect.gather [hbm4b:s1+s2], $0x80, s15, s2, $0x2000b8;
	[tilespmem:$0x1F800] =	vst v63  }
0x285: {  	_ =	swait.ge [sflag:s14], $0x2800  }
0x286: {  	[sflag:s14] =	ssyncset.done $0x0  }
0x287: {  	s15 =	simm.s32 $0x2700;
	[sflag:s14] =	ssyncadd.s32 $0xFFFFD800  }
0x288: {  	[spmem:s3] =	stream.indirect.scatter.add.f32 [tilespmem:s8], [sflag:$0x6], $0x80, s15, s2, $0x2000b8;
	[tilespmem:$0x1F800] =	vst v63  }
0x289: {  	_ =	swait.ge [sflag:s26], $0x2800  }
0x28a: {  	[sflag:s26] =	ssyncset.done $0x0  }
0x28b: {  	s15 =	simm.s32 $0x880;
	[sflag:s26] =	ssyncadd.s32 $0xFFFFD800  }
0x28c: {  	[tilespmem:s8], [sflag:$0x3] =	stream.indirect.gather [hbm4b:s1+s2], $0x80, s15, s2, $0x2000b8;
	[tilespmem:$0x1F800] =	vst v63  }
0x28d: {  	_ =	swait.ge [sflag:s9], $0x2800  }
0x28e: {  	[sflag:s9] =	ssyncset.done $0x0  }
0x28f: {  	s15 =	simm.s32 $0x2780;
	[sflag:s9] =	ssyncadd.s32 $0xFFFFD800  }
0x290: {  	[spmem:s3] =	stream.indirect.scatter.add.f32 [tilespmem:s25], [sflag:$0x6], $0x80, s15, s2, $0x2000b8;
	[tilespmem:$0x1F800] =	vst v63  }
0x291: {  	_ =	swait.ge [sflag:s26], $0x2800  }
0x292: {  	[sflag:s26] =	ssyncset.done $0x0  }
0x293: {  	s15 =	simm.s32 $0x900;
	[sflag:s26] =	ssyncadd.s32 $0xFFFFD800  }
0x294: {  	[tilespmem:s25], [sflag:$0x1] =	stream.indirect.gather [hbm4b:s1+s2], $0x80, s15, s2, $0x2000b8;
	[tilespmem:$0x1F800] =	vst v63  }
0x295: {  	_ =	swait.ge [sflag:s11], $0x2800  }
0x296: {  	[sflag:s11] =	ssyncset.done $0x0  }
0x297: {  	s15 =	simm.s32 $0x2800;
	[sflag:s11] =	ssyncadd.s32 $0xFFFFD800  }
0x298: {  	[spmem:s3] =	stream.indirect.scatter.add.f32 [tilespmem:s6], [sflag:$0x6], $0x80, s15, s2, $0x2000b8;
	[tilespmem:$0x1F800] =	vst v63  }
0x299: {  	_ =	swait.ge [sflag:s26], $0x2800  }
0x29a: {  	[sflag:s26] =	ssyncset.done $0x0  }
0x29b: {  	s15 =	simm.s32 $0x980;
	[sflag:s26] =	ssyncadd.s32 $0xFFFFD800  }
0x29c: {  	[tilespmem:s6], [sflag:$0x2] =	stream.indirect.gather [hbm4b:s1+s2], $0x80, s15, s2, $0x2000b8;
	[tilespmem:$0x1F800] =	vst v63  }
0x29d: {  	_ =	swait.ge [sflag:s14], $0x2800  }
0x29e: {  	[sflag:s14] =	ssyncset.done $0x0  }
0x29f: {  	s15 =	simm.s32 $0x2880;
	[sflag:s14] =	ssyncadd.s32 $0xFFFFD800  }
0x2a0: {  	[spmem:s3] =	stream.indirect.scatter.add.f32 [tilespmem:s8], [sflag:$0x6], $0x80, s15, s2, $0x2000b8;
	[tilespmem:$0x1F800] =	vst v63  }
0x2a1: {  	_ =	swait.ge [sflag:s26], $0x2800  }
0x2a2: {  	[sflag:s26] =	ssyncset.done $0x0  }
0x2a3: {  	s15 =	simm.s32 $0xA00;
	[sflag:s26] =	ssyncadd.s32 $0xFFFFD800  }
0x2a4: {  	[tilespmem:s8], [sflag:$0x3] =	stream.indirect.gather [hbm4b:s1+s2], $0x80, s15, s2, $0x2000b8;
	[tilespmem:$0x1F800] =	vst v63  }
0x2a5: {  	_ =	swait.ge [sflag:s9], $0x2800  }
0x2a6: {  	[sflag:s9] =	ssyncset.done $0x0  }
0x2a7: {  	s15 =	simm.s32 $0x2900;
	[sflag:s9] =	ssyncadd.s32 $0xFFFFD800  }
0x2a8: {  	[spmem:s3] =	stream.indirect.scatter.add.f32 [tilespmem:s25], [sflag:$0x6], $0x80, s15, s2, $0x2000b8;
	[tilespmem:$0x1F800] =	vst v63  }
0x2a9: {  	_ =	swait.ge [sflag:s26], $0x2800  }
0x2aa: {  	[sflag:s26] =	ssyncset.done $0x0  }
0x2ab: {  	s15 =	simm.s32 $0xA80;
	[sflag:s26] =	ssyncadd.s32 $0xFFFFD800  }
0x2ac: {  	[tilespmem:s25], [sflag:$0x1] =	stream.indirect.gather [hbm4b:s1+s2], $0x80, s15, s2, $0x2000b8;
	[tilespmem:$0x1F800] =	vst v63  }
0x2ad: {  	_ =	swait.ge [sflag:s11], $0x2800  }
0x2ae: {  	[sflag:s11] =	ssyncset.done $0x0  }
0x2af: {  	s15 =	simm.s32 $0x2980;
	[sflag:s11] =	ssyncadd.s32 $0xFFFFD800  }
0x2b0: {  	[spmem:s3] =	stream.indirect.scatter.add.f32 [tilespmem:s6], [sflag:$0x6], $0x80, s15, s2, $0x2000b8;
	[tilespmem:$0x1F800] =	vst v63  }
0x2b1: {  	_ =	swait.ge [sflag:s26], $0x2800  }
0x2b2: {  	[sflag:s26] =	ssyncset.done $0x0  }
0x2b3: {  	s15 =	simm.s32 $0xB00;
	[sflag:s26] =	ssyncadd.s32 $0xFFFFD800  }
0x2b4: {  	[tilespmem:s6], [sflag:$0x2] =	stream.indirect.gather [hbm4b:s1+s2], $0x80, s15, s2, $0x2000b8;
	[tilespmem:$0x1F800] =	vst v63  }
0x2b5: {  	_ =	swait.ge [sflag:s14], $0x2800  }
0x2b6: {  	[sflag:s14] =	ssyncset.done $0x0  }
0x2b7: {  	s15 =	simm.s32 $0x2A00;
	[sflag:s14] =	ssyncadd.s32 $0xFFFFD800  }
0x2b8: {  	[spmem:s3] =	stream.indirect.scatter.add.f32 [tilespmem:s8], [sflag:$0x6], $0x80, s15, s2, $0x2000b8;
	[tilespmem:$0x1F800] =	vst v63  }
0x2b9: {  	_ =	swait.ge [sflag:s26], $0x2800  }
0x2ba: {  	[sflag:s26] =	ssyncset.done $0x0  }
0x2bb: {  	s15 =	simm.s32 $0xB80;
	[sflag:s26] =	ssyncadd.s32 $0xFFFFD800  }
0x2bc: {  	[tilespmem:s8], [sflag:$0x3] =	stream.indirect.gather [hbm4b:s1+s2], $0x80, s15, s2, $0x2000b8;
	[tilespmem:$0x1F800] =	vst v63  }
0x2bd: {  	_ =	swait.ge [sflag:s9], $0x2800  }
0x2be: {  	[sflag:s9] =	ssyncset.done $0x0  }
0x2bf: {  	s15 =	simm.s32 $0x2A80;
	[sflag:s9] =	ssyncadd.s32 $0xFFFFD800  }
0x2c0: {  	[spmem:s3] =	stream.indirect.scatter.add.f32 [tilespmem:s25], [sflag:$0x6], $0x80, s15, s2, $0x2000b8;
	[tilespmem:$0x1F800] =	vst v63  }
0x2c1: {  	_ =	swait.ge [sflag:s26], $0x2800  }
0x2c2: {  	[sflag:s26] =	ssyncset.done $0x0  }
0x2c3: {  	s15 =	simm.s32 $0xC00;
	[sflag:s26] =	ssyncadd.s32 $0xFFFFD800  }
0x2c4: {  	[tilespmem:s25], [sflag:$0x1] =	stream.indirect.gather [hbm4b:s1+s2], $0x80, s15, s2, $0x2000b8;
	[tilespmem:$0x1F800] =	vst v63  }
0x2c5: {  	_ =	swait.ge [sflag:s11], $0x2800  }
0x2c6: {  	[sflag:s11] =	ssyncset.done $0x0  }
0x2c7: {  	s15 =	simm.s32 $0x2B00;
	[sflag:s11] =	ssyncadd.s32 $0xFFFFD800  }
0x2c8: {  	[spmem:s3] =	stream.indirect.scatter.add.f32 [tilespmem:s6], [sflag:$0x6], $0x80, s15, s2, $0x2000b8;
	[tilespmem:$0x1F800] =	vst v63  }
0x2c9: {  	_ =	swait.ge [sflag:s26], $0x2800  }
0x2ca: {  	[sflag:s26] =	ssyncset.done $0x0  }
0x2cb: {  	[sflag:s26] =	ssyncadd.s32 $0xFFFFD800  }
0x2cc: {  	_ =	swait.ge [sflag:s14], $0x2800  }
0x2cd: {  	[sflag:s14] =	ssyncset.done $0x0  }
0x2ce: {  	s15 =	simm.s32 $0x2B80;
	[sflag:s14] =	ssyncadd.s32 $0xFFFFD800  }
0x2cf: {  	[spmem:s3] =	stream.indirect.scatter.add.f32 [tilespmem:s8], [sflag:$0x6], $0x80, s15, s2, $0x2000b8;
	[tilespmem:$0x1F800] =	vst v63  }
0x2d0: {  	_ =	swait.ge [sflag:s26], $0x2800  }
0x2d1: {  	[sflag:s26] =	ssyncset.done $0x0  }
0x2d2: {  	[sflag:s26] =	ssyncadd.s32 $0xFFFFD800  }
0x2d3: {  	_ =	swait.ge [sflag:s9], $0x2800  }
0x2d4: {  	[sflag:s9] =	ssyncset.done $0x0  }
0x2d5: {  	s15 =	simm.s32 $0x2C00;
	[sflag:s9] =	ssyncadd.s32 $0xFFFFD800  }
0x2d6: {  	[spmem:s3] =	stream.indirect.scatter.add.f32 [tilespmem:s25], [sflag:$0x6], $0x80, s15, s2, $0x2000b8;
	[tilespmem:$0x1F800] =	vst v63  }
0x2d7: {  	_ =	swait.ge [sflag:s26], $0x2800  }
0x2d8: {  	[sflag:s26] =	ssyncset.done $0x0  }
0x2d9: {  	[sflag:s26] =	ssyncadd.s32 $0xFFFFD800  }
0x2da: {  	_ =	strace $0x9000004E  }
0x2db: {  	_ =	strace $0x8000004F  }
0x2dc: {  	_ =	swait.ge [sflag:s12], $0xC80  }
0x2dd: {  	[sflag:s12] =	ssyncset.done $0x0  }
0x2de: {  	[sflag:s12] =	ssyncadd.s32 $0xFFFFF380  }
0x2df: {  	_ =	swait.ge [sflag:s12], $0xC80  }
0x2e0: {  	[sflag:s12] =	ssyncset.done $0x0  }
0x2e1: {  	s15 =	rddreg [dreg:$0x13];
	[sflag:s12] =	ssyncadd.s32 $0xFFFFF380  }
0x2e2: {  	[tilespmem:s4], [sflag:$0x4] =	stream.linear.gather [hbm4b:s15+s4], $0xC80, $0x200038;
	[tilespmem:$0x1F800] =	vst v63  }
0x2e3: {  	s15 =	rddreg [dreg:$0x14]  }
0x2e4: {  	[tilespmem:s0], [sflag:$0x4] =	stream.linear.gather [hbm4b:s15+s4], $0xC80, $0x200038;
	[tilespmem:$0x1F800] =	vst v63  }
0x2e5: {  	_ =	strace $0x9000004F  }
0x2e6: {  	_ =	strace $0x80000050  }
0x2e7: {  	[tilespmem:s25], [sflag:$0x1] =	stream.indirect.gather [hbm4b:s1+s2], $0x80, s31, s2, $0x2000b8;
	[tilespmem:$0x1F800] =	vst v63  }
0x2e8: {  	_ = 	snop  }
0x2e9: {  	[tilespmem:s6], [sflag:$0x2] =	stream.indirect.gather [hbm4b:s1+s2], $0x80, s28, s2, $0x2000b8;
	[tilespmem:$0x1F800] =	vst v63  }
0x2ea: {  	_ = 	snop  }
0x2eb: {  	[tilespmem:s8], [sflag:$0x3] =	stream.indirect.gather [hbm4b:s1+s2], $0x80, s7, s2, $0x2000b8;
	[tilespmem:$0x1F800] =	vst v63  }
0x2ec: {  	_ =	swait.ge [sflag:s9], $0x2800  }
0x2ed: {  	[sflag:s9] =	ssyncset.done $0x0  }
0x2ee: {  	[sflag:s9] =	ssyncadd.s32 $0xFFFFD800  }
0x2ef: {  	[spmem:s3] =	stream.indirect.scatter.add.f32 [tilespmem:s25], [sflag:$0x6], $0x80, s5, s2, $0x2000b8;
	[tilespmem:$0x1F800] =	vst v63  }
0x2f0: {  	_ =	swait.ge [sflag:s26], $0x2800  }
0x2f1: {  	[sflag:s26] =	ssyncset.done $0x0  }
0x2f2: {  	[sflag:s26] =	ssyncadd.s32 $0xFFFFD800  }
0x2f3: {  	[tilespmem:s25], [sflag:$0x1] =	stream.indirect.gather [hbm4b:s1+s2], $0x80, s10, s2, $0x2000b8;
	[tilespmem:$0x1F800] =	vst v63  }
0x2f4: {  	_ =	swait.ge [sflag:s11], $0x2800  }
0x2f5: {  	[sflag:s11] =	ssyncset.done $0x0  }
0x2f6: {  	[sflag:s11] =	ssyncadd.s32 $0xFFFFD800  }
0x2f7: {  	[spmem:s3] =	stream.indirect.scatter.add.f32 [tilespmem:s6], [sflag:$0x6], $0x80, s18, s2, $0x2000b8;
	[tilespmem:$0x1F800] =	vst v63  }
0x2f8: {  	_ =	swait.ge [sflag:s26], $0x2800  }
0x2f9: {  	[sflag:s26] =	ssyncset.done $0x0  }
0x2fa: {  	[sflag:s26] =	ssyncadd.s32 $0xFFFFD800  }
0x2fb: {  	[tilespmem:s6], [sflag:$0x2] =	stream.indirect.gather [hbm4b:s1+s2], $0x80, s19, s2, $0x2000b8;
	[tilespmem:$0x1F800] =	vst v63  }
0x2fc: {  	_ =	swait.ge [sflag:s14], $0x2800  }
0x2fd: {  	[sflag:s14] =	ssyncset.done $0x0  }
0x2fe: {  	[sflag:s14] =	ssyncadd.s32 $0xFFFFD800  }
0x2ff: {  	[spmem:s3] =	stream.indirect.scatter.add.f32 [tilespmem:s8], [sflag:$0x6], $0x80, s20, s2, $0x2000b8;
	[tilespmem:$0x1F800] =	vst v63  }
0x300: {  	_ =	swait.ge [sflag:s26], $0x2800  }
0x301: {  	[sflag:s26] =	ssyncset.done $0x0  }
0x302: {  	[sflag:s26] =	ssyncadd.s32 $0xFFFFD800  }
0x303: {  	[tilespmem:s8], [sflag:$0x3] =	stream.indirect.gather [hbm4b:s1+s2], $0x80, s21, s2, $0x2000b8;
	[tilespmem:$0x1F800] =	vst v63  }
0x304: {  	_ =	swait.ge [sflag:s9], $0x2800  }
0x305: {  	[sflag:s9] =	ssyncset.done $0x0  }
0x306: {  	[sflag:s9] =	ssyncadd.s32 $0xFFFFD800  }
0x307: {  	[spmem:s3] =	stream.indirect.scatter.add.f32 [tilespmem:s25], [sflag:$0x6], $0x80, s22, s2, $0x2000b8;
	[tilespmem:$0x1F800] =	vst v63  }
0x308: {  	_ =	swait.ge [sflag:s26], $0x2800  }
0x309: {  	[sflag:s26] =	ssyncset.done $0x0  }
0x30a: {  	[sflag:s26] =	ssyncadd.s32 $0xFFFFD800  }
0x30b: {  	[tilespmem:s25], [sflag:$0x1] =	stream.indirect.gather [hbm4b:s1+s2], $0x80, s23, s2, $0x2000b8;
	[tilespmem:$0x1F800] =	vst v63  }
0x30c: {  	_ =	swait.ge [sflag:s11], $0x2800  }
0x30d: {  	[sflag:s11] =	ssyncset.done $0x0  }
0x30e: {  	[sflag:s11] =	ssyncadd.s32 $0xFFFFD800  }
0x30f: {  	[spmem:s3] =	stream.indirect.scatter.add.f32 [tilespmem:s6], [sflag:$0x6], $0x80, s24, s2, $0x2000b8;
	[tilespmem:$0x1F800] =	vst v63  }
0x310: {  	_ =	swait.ge [sflag:s26], $0x2800  }
0x311: {  	[sflag:s26] =	ssyncset.done $0x0  }
0x312: {  	[sflag:s26] =	ssyncadd.s32 $0xFFFFD800  }
0x313: {  	[tilespmem:s6], [sflag:$0x2] =	stream.indirect.gather [hbm4b:s1+s2], $0x80, s30, s2, $0x2000b8;
	[tilespmem:$0x1F800] =	vst v63  }
0x314: {  	_ =	swait.ge [sflag:s14], $0x2800  }
0x315: {  	[sflag:s14] =	ssyncset.done $0x0  }
0x316: {  	[sflag:s14] =	ssyncadd.s32 $0xFFFFD800  }
0x317: {  	[spmem:s3] =	stream.indirect.scatter.add.f32 [tilespmem:s8], [sflag:$0x6], $0x80, s16, s2, $0x2000b8;
	[tilespmem:$0x1F800] =	vst v63  }
0x318: {  	_ =	swait.ge [sflag:s26], $0x2800  }
0x319: {  	[sflag:s26] =	ssyncset.done $0x0  }
0x31a: {  	[sflag:s26] =	ssyncadd.s32 $0xFFFFD800  }
0x31b: {  	[tilespmem:s8], [sflag:$0x3] =	stream.indirect.gather [hbm4b:s1+s2], $0x80, s17, s2, $0x2000b8;
	[tilespmem:$0x1F800] =	vst v63  }
0x31c: {  	_ =	swait.ge [sflag:s9], $0x2800  }
0x31d: {  	[sflag:s9] =	ssyncset.done $0x0  }
0x31e: {  	s7 =	simm.s32 $0x3300;
	[sflag:s9] =	ssyncadd.s32 $0xFFFFD800  }
0x31f: {  	[spmem:s3] =	stream.indirect.scatter.add.f32 [tilespmem:s25], [sflag:$0x6], $0x80, s7, s2, $0x2000b8;
	[tilespmem:$0x1F800] =	vst v63  }
0x320: {  	_ =	swait.ge [sflag:s26], $0x2800  }
0x321: {  	[sflag:s26] =	ssyncset.done $0x0  }
0x322: {  	s15 =	simm.s32 $0x1480;
	[sflag:s26] =	ssyncadd.s32 $0xFFFFD800  }
0x323: {  	[tilespmem:s25], [sflag:$0x1] =	stream.indirect.gather [hbm4b:s1+s2], $0x80, s15, s2, $0x2000b8;
	[tilespmem:$0x1F800] =	vst v63  }
0x324: {  	_ =	swait.ge [sflag:s11], $0x2800  }
0x325: {  	[sflag:s11] =	ssyncset.done $0x0  }
0x326: {  	s16 =	simm.s32 $0x3380;
	[sflag:s11] =	ssyncadd.s32 $0xFFFFD800  }
0x327: {  	[spmem:s3] =	stream.indirect.scatter.add.f32 [tilespmem:s6], [sflag:$0x6], $0x80, s16, s2, $0x2000b8;
	[tilespmem:$0x1F800] =	vst v63  }
0x328: {  	_ =	swait.ge [sflag:s26], $0x2800  }
0x329: {  	[sflag:s26] =	ssyncset.done $0x0  }
0x32a: {  	s17 =	simm.s32 $0x1500;
	[sflag:s26] =	ssyncadd.s32 $0xFFFFD800  }
0x32b: {  	[tilespmem:s6], [sflag:$0x2] =	stream.indirect.gather [hbm4b:s1+s2], $0x80, s17, s2, $0x2000b8;
	[tilespmem:$0x1F800] =	vst v63  }
0x32c: {  	_ =	swait.ge [sflag:s14], $0x2800  }
0x32d: {  	[sflag:s14] =	ssyncset.done $0x0  }
0x32e: {  	s7 =	simm.s32 $0x3400;
	[sflag:s14] =	ssyncadd.s32 $0xFFFFD800  }
0x32f: {  	[spmem:s3] =	stream.indirect.scatter.add.f32 [tilespmem:s8], [sflag:$0x6], $0x80, s7, s2, $0x2000b8;
	[tilespmem:$0x1F800] =	vst v63  }
0x330: {  	_ =	swait.ge [sflag:s26], $0x2800  }
0x331: {  	[sflag:s26] =	ssyncset.done $0x0  }
0x332: {  	s15 =	simm.s32 $0x1580;
	[sflag:s26] =	ssyncadd.s32 $0xFFFFD800  }
0x333: {  	[tilespmem:s8], [sflag:$0x3] =	stream.indirect.gather [hbm4b:s1+s2], $0x80, s15, s2, $0x2000b8;
	[tilespmem:$0x1F800] =	vst v63  }
0x334: {  	_ =	swait.ge [sflag:s9], $0x2800  }
0x335: {  	[sflag:s9] =	ssyncset.done $0x0  }
0x336: {  	s16 =	simm.s32 $0x3480;
	[sflag:s9] =	ssyncadd.s32 $0xFFFFD800  }
0x337: {  	[spmem:s3] =	stream.indirect.scatter.add.f32 [tilespmem:s25], [sflag:$0x6], $0x80, s16, s2, $0x2000b8;
	[tilespmem:$0x1F800] =	vst v63  }
0x338: {  	_ =	swait.ge [sflag:s26], $0x2800  }
0x339: {  	[sflag:s26] =	ssyncset.done $0x0  }
0x33a: {  	s17 =	simm.s32 $0x1600;
	[sflag:s26] =	ssyncadd.s32 $0xFFFFD800  }
0x33b: {  	[tilespmem:s25], [sflag:$0x1] =	stream.indirect.gather [hbm4b:s1+s2], $0x80, s17, s2, $0x2000b8;
	[tilespmem:$0x1F800] =	vst v63  }
0x33c: {  	_ =	swait.ge [sflag:s11], $0x2800  }
0x33d: {  	[sflag:s11] =	ssyncset.done $0x0  }
0x33e: {  	s7 =	simm.s32 $0x3500;
	[sflag:s11] =	ssyncadd.s32 $0xFFFFD800  }
0x33f: {  	[spmem:s3] =	stream.indirect.scatter.add.f32 [tilespmem:s6], [sflag:$0x6], $0x80, s7, s2, $0x2000b8;
	[tilespmem:$0x1F800] =	vst v63  }
0x340: {  	_ =	swait.ge [sflag:s26], $0x2800  }
0x341: {  	[sflag:s26] =	ssyncset.done $0x0  }
0x342: {  	s15 =	simm.s32 $0x1680;
	[sflag:s26] =	ssyncadd.s32 $0xFFFFD800  }
0x343: {  	[tilespmem:s6], [sflag:$0x2] =	stream.indirect.gather [hbm4b:s1+s2], $0x80, s15, s2, $0x2000b8;
	[tilespmem:$0x1F800] =	vst v63  }
0x344: {  	_ =	swait.ge [sflag:s14], $0x2800  }
0x345: {  	[sflag:s14] =	ssyncset.done $0x0  }
0x346: {  	s16 =	simm.s32 $0x3580;
	[sflag:s14] =	ssyncadd.s32 $0xFFFFD800  }
0x347: {  	[spmem:s3] =	stream.indirect.scatter.add.f32 [tilespmem:s8], [sflag:$0x6], $0x80, s16, s2, $0x2000b8;
	[tilespmem:$0x1F800] =	vst v63  }
0x348: {  	_ =	swait.ge [sflag:s26], $0x2800  }
0x349: {  	[sflag:s26] =	ssyncset.done $0x0  }
0x34a: {  	s17 =	simm.s32 $0x1700;
	[sflag:s26] =	ssyncadd.s32 $0xFFFFD800  }
0x34b: {  	[tilespmem:s8], [sflag:$0x3] =	stream.indirect.gather [hbm4b:s1+s2], $0x80, s17, s2, $0x2000b8;
	[tilespmem:$0x1F800] =	vst v63  }
0x34c: {  	_ =	swait.ge [sflag:s9], $0x2800  }
0x34d: {  	[sflag:s9] =	ssyncset.done $0x0  }
0x34e: {  	s7 =	simm.s32 $0x3600;
	[sflag:s9] =	ssyncadd.s32 $0xFFFFD800  }
0x34f: {  	[spmem:s3] =	stream.indirect.scatter.add.f32 [tilespmem:s25], [sflag:$0x6], $0x80, s7, s2, $0x2000b8;
	[tilespmem:$0x1F800] =	vst v63  }
0x350: {  	_ =	swait.ge [sflag:s26], $0x2800  }
0x351: {  	[sflag:s26] =	ssyncset.done $0x0  }
0x352: {  	s15 =	simm.s32 $0x1780;
	[sflag:s26] =	ssyncadd.s32 $0xFFFFD800  }
0x353: {  	[tilespmem:s25], [sflag:$0x1] =	stream.indirect.gather [hbm4b:s1+s2], $0x80, s15, s2, $0x2000b8;
	[tilespmem:$0x1F800] =	vst v63  }
0x354: {  	_ =	swait.ge [sflag:s11], $0x2800  }
0x355: {  	[sflag:s11] =	ssyncset.done $0x0  }
0x356: {  	s16 =	simm.s32 $0x3680;
	[sflag:s11] =	ssyncadd.s32 $0xFFFFD800  }
0x357: {  	[spmem:s3] =	stream.indirect.scatter.add.f32 [tilespmem:s6], [sflag:$0x6], $0x80, s16, s2, $0x2000b8;
	[tilespmem:$0x1F800] =	vst v63  }
0x358: {  	_ =	swait.ge [sflag:s26], $0x2800  }
0x359: {  	[sflag:s26] =	ssyncset.done $0x0  }
0x35a: {  	s17 =	simm.s32 $0x1800;
	[sflag:s26] =	ssyncadd.s32 $0xFFFFD800  }
0x35b: {  	[tilespmem:s6], [sflag:$0x2] =	stream.indirect.gather [hbm4b:s1+s2], $0x80, s17, s2, $0x2000b8;
	[tilespmem:$0x1F800] =	vst v63  }
0x35c: {  	_ =	swait.ge [sflag:s14], $0x2800  }
0x35d: {  	[sflag:s14] =	ssyncset.done $0x0  }
0x35e: {  	s7 =	simm.s32 $0x3700;
	[sflag:s14] =	ssyncadd.s32 $0xFFFFD800  }
0x35f: {  	[spmem:s3] =	stream.indirect.scatter.add.f32 [tilespmem:s8], [sflag:$0x6], $0x80, s7, s2, $0x2000b8;
	[tilespmem:$0x1F800] =	vst v63  }
0x360: {  	_ =	swait.ge [sflag:s26], $0x2800  }
0x361: {  	[sflag:s26] =	ssyncset.done $0x0  }
0x362: {  	s15 =	simm.s32 $0x1880;
	[sflag:s26] =	ssyncadd.s32 $0xFFFFD800  }
0x363: {  	[tilespmem:s8], [sflag:$0x3] =	stream.indirect.gather [hbm4b:s1+s2], $0x80, s15, s2, $0x2000b8;
	[tilespmem:$0x1F800] =	vst v63  }
0x364: {  	_ =	swait.ge [sflag:s9], $0x2800  }
0x365: {  	[sflag:s9] =	ssyncset.done $0x0  }
0x366: {  	s16 =	simm.s32 $0x3780;
	[sflag:s9] =	ssyncadd.s32 $0xFFFFD800  }
0x367: {  	[spmem:s3] =	stream.indirect.scatter.add.f32 [tilespmem:s25], [sflag:$0x6], $0x80, s16, s2, $0x2000b8;
	[tilespmem:$0x1F800] =	vst v63  }
0x368: {  	_ =	swait.ge [sflag:s26], $0x2800  }
0x369: {  	[sflag:s26] =	ssyncset.done $0x0  }
0x36a: {  	s17 =	simm.s32 $0x1900;
	[sflag:s26] =	ssyncadd.s32 $0xFFFFD800  }
0x36b: {  	[tilespmem:s25], [sflag:$0x1] =	stream.indirect.gather [hbm4b:s1+s2], $0x80, s17, s2, $0x2000b8;
	[tilespmem:$0x1F800] =	vst v63  }
0x36c: {  	_ =	swait.ge [sflag:s11], $0x2800  }
0x36d: {  	[sflag:s11] =	ssyncset.done $0x0  }
0x36e: {  	s7 =	simm.s32 $0x3800;
	[sflag:s11] =	ssyncadd.s32 $0xFFFFD800  }
0x36f: {  	[spmem:s3] =	stream.indirect.scatter.add.f32 [tilespmem:s6], [sflag:$0x6], $0x80, s7, s2, $0x2000b8;
	[tilespmem:$0x1F800] =	vst v63  }
0x370: {  	_ =	swait.ge [sflag:s26], $0x2800  }
0x371: {  	[sflag:s26] =	ssyncset.done $0x0  }
0x372: {  	s15 =	simm.s32 $0x1980;
	[sflag:s26] =	ssyncadd.s32 $0xFFFFD800  }
0x373: {  	[tilespmem:s6], [sflag:$0x2] =	stream.indirect.gather [hbm4b:s1+s2], $0x80, s15, s2, $0x2000b8;
	[tilespmem:$0x1F800] =	vst v63  }
0x374: {  	_ =	swait.ge [sflag:s14], $0x2800  }
0x375: {  	[sflag:s14] =	ssyncset.done $0x0  }
0x376: {  	s16 =	simm.s32 $0x3880;
	[sflag:s14] =	ssyncadd.s32 $0xFFFFD800  }
0x377: {  	[spmem:s3] =	stream.indirect.scatter.add.f32 [tilespmem:s8], [sflag:$0x6], $0x80, s16, s2, $0x2000b8;
	[tilespmem:$0x1F800] =	vst v63  }
0x378: {  	_ =	swait.ge [sflag:s26], $0x2800  }
0x379: {  	[sflag:s26] =	ssyncset.done $0x0  }
0x37a: {  	s17 =	simm.s32 $0x1A00;
	[sflag:s26] =	ssyncadd.s32 $0xFFFFD800  }
0x37b: {  	[tilespmem:s8], [sflag:$0x3] =	stream.indirect.gather [hbm4b:s1+s2], $0x80, s17, s2, $0x2000b8;
	[tilespmem:$0x1F800] =	vst v63  }
0x37c: {  	_ =	swait.ge [sflag:s9], $0x2800  }
0x37d: {  	[sflag:s9] =	ssyncset.done $0x0  }
0x37e: {  	s7 =	simm.s32 $0x3900;
	[sflag:s9] =	ssyncadd.s32 $0xFFFFD800  }
0x37f: {  	[spmem:s3] =	stream.indirect.scatter.add.f32 [tilespmem:s25], [sflag:$0x6], $0x80, s7, s2, $0x2000b8;
	[tilespmem:$0x1F800] =	vst v63  }
0x380: {  	_ =	swait.ge [sflag:s26], $0x2800  }
0x381: {  	[sflag:s26] =	ssyncset.done $0x0  }
0x382: {  	s15 =	simm.s32 $0x1A80;
	[sflag:s26] =	ssyncadd.s32 $0xFFFFD800  }
0x383: {  	[tilespmem:s25], [sflag:$0x1] =	stream.indirect.gather [hbm4b:s1+s2], $0x80, s15, s2, $0x2000b8;
	[tilespmem:$0x1F800] =	vst v63  }
0x384: {  	_ =	swait.ge [sflag:s11], $0x2800  }
0x385: {  	[sflag:s11] =	ssyncset.done $0x0  }
0x386: {  	s16 =	simm.s32 $0x3980;
	[sflag:s11] =	ssyncadd.s32 $0xFFFFD800  }
0x387: {  	[spmem:s3] =	stream.indirect.scatter.add.f32 [tilespmem:s6], [sflag:$0x6], $0x80, s16, s2, $0x2000b8;
	[tilespmem:$0x1F800] =	vst v63  }
0x388: {  	_ =	swait.ge [sflag:s26], $0x2800  }
0x389: {  	[sflag:s26] =	ssyncset.done $0x0  }
0x38a: {  	s17 =	simm.s32 $0x1B00;
	[sflag:s26] =	ssyncadd.s32 $0xFFFFD800  }
0x38b: {  	[tilespmem:s6], [sflag:$0x2] =	stream.indirect.gather [hbm4b:s1+s2], $0x80, s17, s2, $0x2000b8;
	[tilespmem:$0x1F800] =	vst v63  }
0x38c: {  	_ =	swait.ge [sflag:s14], $0x2800  }
0x38d: {  	[sflag:s14] =	ssyncset.done $0x0  }
0x38e: {  	s7 =	simm.s32 $0x3A00;
	[sflag:s14] =	ssyncadd.s32 $0xFFFFD800  }
0x38f: {  	[spmem:s3] =	stream.indirect.scatter.add.f32 [tilespmem:s8], [sflag:$0x6], $0x80, s7, s2, $0x2000b8;
	[tilespmem:$0x1F800] =	vst v63  }
0x390: {  	_ =	swait.ge [sflag:s26], $0x2800  }
0x391: {  	[sflag:s26] =	ssyncset.done $0x0  }
0x392: {  	s15 =	simm.s32 $0x1B80;
	[sflag:s26] =	ssyncadd.s32 $0xFFFFD800  }
0x393: {  	[tilespmem:s8], [sflag:$0x3] =	stream.indirect.gather [hbm4b:s1+s2], $0x80, s15, s2, $0x2000b8;
	[tilespmem:$0x1F800] =	vst v63  }
0x394: {  	_ =	swait.ge [sflag:s9], $0x2800  }
0x395: {  	[sflag:s9] =	ssyncset.done $0x0  }
0x396: {  	s16 =	simm.s32 $0x3A80;
	[sflag:s9] =	ssyncadd.s32 $0xFFFFD800  }
0x397: {  	[spmem:s3] =	stream.indirect.scatter.add.f32 [tilespmem:s25], [sflag:$0x6], $0x80, s16, s2, $0x2000b8;
	[tilespmem:$0x1F800] =	vst v63  }
0x398: {  	_ =	swait.ge [sflag:s26], $0x2800  }
0x399: {  	[sflag:s26] =	ssyncset.done $0x0  }
0x39a: {  	s17 =	simm.s32 $0x1C00;
	[sflag:s26] =	ssyncadd.s32 $0xFFFFD800  }
0x39b: {  	[tilespmem:s25], [sflag:$0x1] =	stream.indirect.gather [hbm4b:s1+s2], $0x80, s17, s2, $0x2000b8;
	[tilespmem:$0x1F800] =	vst v63  }
0x39c: {  	_ =	swait.ge [sflag:s11], $0x2800  }
0x39d: {  	[sflag:s11] =	ssyncset.done $0x0  }
0x39e: {  	s7 =	simm.s32 $0x3B00;
	[sflag:s11] =	ssyncadd.s32 $0xFFFFD800  }
0x39f: {  	[spmem:s3] =	stream.indirect.scatter.add.f32 [tilespmem:s6], [sflag:$0x6], $0x80, s7, s2, $0x2000b8;
	[tilespmem:$0x1F800] =	vst v63  }
0x3a0: {  	_ =	swait.ge [sflag:s26], $0x2800  }
0x3a1: {  	[sflag:s26] =	ssyncset.done $0x0  }
0x3a2: {  	[sflag:s26] =	ssyncadd.s32 $0xFFFFD800  }
0x3a3: {  	_ =	swait.ge [sflag:s14], $0x2800  }
0x3a4: {  	[sflag:s14] =	ssyncset.done $0x0  }
0x3a5: {  	s15 =	simm.s32 $0x3B80;
	[sflag:s14] =	ssyncadd.s32 $0xFFFFD800  }
0x3a6: {  	[spmem:s3] =	stream.indirect.scatter.add.f32 [tilespmem:s8], [sflag:$0x6], $0x80, s15, s2, $0x2000b8;
	[tilespmem:$0x1F800] =	vst v63  }
0x3a7: {  	_ =	swait.ge [sflag:s26], $0x2800  }
0x3a8: {  	[sflag:s26] =	ssyncset.done $0x0  }
0x3a9: {  	[sflag:s26] =	ssyncadd.s32 $0xFFFFD800  }
0x3aa: {  	_ =	swait.ge [sflag:s9], $0x2800  }
0x3ab: {  	[sflag:s9] =	ssyncset.done $0x0  }
0x3ac: {  	s16 =	simm.s32 $0x3C00;
	[sflag:s9] =	ssyncadd.s32 $0xFFFFD800  }
0x3ad: {  	[spmem:s3] =	stream.indirect.scatter.add.f32 [tilespmem:s25], [sflag:$0x6], $0x80, s16, s2, $0x2000b8;
	[tilespmem:$0x1F800] =	vst v63  }
0x3ae: {  	_ =	swait.ge [sflag:s26], $0x2800  }
0x3af: {  	[sflag:s26] =	ssyncset.done $0x0  }
0x3b0: {  	[sflag:s26] =	ssyncadd.s32 $0xFFFFD800  }
0x3b1: {  	_ =	strace $0x90000050  }
0x3b2: {  	_ =	strace $0x80000051  }
0x3b3: {  	_ =	swait.ge [sflag:s29], $0xC80  }
0x3b4: {  	[sflag:s29] =	ssyncset.done $0x0  }
0x3b5: {  	[sflag:s29] =	ssyncadd.s32 $0xFFFFF380  }
0x3b6: {  	_ =	swait.ge [sflag:s29], $0xC80  }
0x3b7: {  	[sflag:s29] =	ssyncset.done $0x0  }
0x3b8: {  	[sflag:s29] =	ssyncadd.s32 $0xFFFFF380  }
0x3b9: {  	_ =	strace $0x90000051  }
0x3ba: {  	_ =	strace $0x80000052  }
0x3bb: {  	[tilespmem:s25], [sflag:$0x1] =	stream.indirect.gather [hbm4b:s1+s2], $0x80, s4, s2, $0x2000b8;
	[tilespmem:$0x1F800] =	vst v63  }
0x3bc: {  	s17 =	simm.s32 $0x80  }
0x3bd: {  	[tilespmem:s6], [sflag:$0x2] =	stream.indirect.gather [hbm4b:s1+s2], $0x80, s17, s2, $0x2000b8;
	[tilespmem:$0x1F800] =	vst v63  }
0x3be: {  	s7 =	simm.s32 $0x100  }
0x3bf: {  	[tilespmem:s8], [sflag:$0x3] =	stream.indirect.gather [hbm4b:s1+s2], $0x80, s7, s2, $0x2000b8;
	[tilespmem:$0x1F800] =	vst v63  }
0x3c0: {  	_ =	swait.ge [sflag:s9], $0x2800  }
0x3c1: {  	[sflag:s9] =	ssyncset.done $0x0  }
0x3c2: {  	[sflag:s9] =	ssyncadd.s32 $0xFFFFD800  }
0x3c3: {  	[spmem:s3] =	stream.indirect.scatter.add.f32 [tilespmem:s25], [sflag:$0x6], $0x80, s0, s2, $0x2000b8;
	[tilespmem:$0x1F800] =	vst v63  }
0x3c4: {  	_ =	swait.ge [sflag:s26], $0x2800  }
0x3c5: {  	[sflag:s26] =	ssyncset.done $0x0  }
0x3c6: {  	s15 =	simm.s32 $0x180;
	[sflag:s26] =	ssyncadd.s32 $0xFFFFD800  }
0x3c7: {  	[tilespmem:s25], [sflag:$0x1] =	stream.indirect.gather [hbm4b:s1+s2], $0x80, s15, s2, $0x2000b8;
	[tilespmem:$0x1F800] =	vst v63  }
0x3c8: {  	_ =	swait.ge [sflag:s11], $0x2800  }
0x3c9: {  	[sflag:s11] =	ssyncset.done $0x0  }
0x3ca: {  	s16 =	simm.s32 $0x2080;
	[sflag:s11] =	ssyncadd.s32 $0xFFFFD800  }
0x3cb: {  	[spmem:s3] =	stream.indirect.scatter.add.f32 [tilespmem:s6], [sflag:$0x6], $0x80, s16, s2, $0x2000b8;
	[tilespmem:$0x1F800] =	vst v63  }
0x3cc: {  	_ =	swait.ge [sflag:s26], $0x2800  }
0x3cd: {  	[sflag:s26] =	ssyncset.done $0x0  }
0x3ce: {  	s17 =	simm.s32 $0x200;
	[sflag:s26] =	ssyncadd.s32 $0xFFFFD800  }
0x3cf: {  	[tilespmem:s6], [sflag:$0x2] =	stream.indirect.gather [hbm4b:s1+s2], $0x80, s17, s2, $0x2000b8;
	[tilespmem:$0x1F800] =	vst v63  }
0x3d0: {  	_ =	swait.ge [sflag:s14], $0x2800  }
0x3d1: {  	[sflag:s14] =	ssyncset.done $0x0  }
0x3d2: {  	s5 =	simm.s32 $0x2100;
	[sflag:s14] =	ssyncadd.s32 $0xFFFFD800  }
0x3d3: {  	[spmem:s3] =	stream.indirect.scatter.add.f32 [tilespmem:s8], [sflag:$0x6], $0x80, s5, s2, $0x2000b8;
	[tilespmem:$0x1F800] =	vst v63  }
0x3d4: {  	_ =	swait.ge [sflag:s26], $0x2800  }
0x3d5: {  	[sflag:s26] =	ssyncset.done $0x0  }
0x3d6: {  	s7 =	simm.s32 $0x280;
	[sflag:s26] =	ssyncadd.s32 $0xFFFFD800  }
0x3d7: {  	[tilespmem:s8], [sflag:$0x3] =	stream.indirect.gather [hbm4b:s1+s2], $0x80, s7, s2, $0x2000b8;
	[tilespmem:$0x1F800] =	vst v63  }
0x3d8: {  	_ =	swait.ge [sflag:s9], $0x2800  }
0x3d9: {  	[sflag:s9] =	ssyncset.done $0x0  }
0x3da: {  	s15 =	simm.s32 $0x2180;
	[sflag:s9] =	ssyncadd.s32 $0xFFFFD800  }
0x3db: {  	[spmem:s3] =	stream.indirect.scatter.add.f32 [tilespmem:s25], [sflag:$0x6], $0x80, s15, s2, $0x2000b8;
	[tilespmem:$0x1F800] =	vst v63  }
0x3dc: {  	_ =	swait.ge [sflag:s26], $0x2800  }
0x3dd: {  	[sflag:s26] =	ssyncset.done $0x0  }
0x3de: {  	s16 =	simm.s32 $0x300;
	[sflag:s26] =	ssyncadd.s32 $0xFFFFD800  }
0x3df: {  	[tilespmem:s25], [sflag:$0x1] =	stream.indirect.gather [hbm4b:s1+s2], $0x80, s16, s2, $0x2000b8;
	[tilespmem:$0x1F800] =	vst v63  }
0x3e0: {  	_ =	swait.ge [sflag:s11], $0x2800  }
0x3e1: {  	[sflag:s11] =	ssyncset.done $0x0  }
0x3e2: {  	s17 =	simm.s32 $0x2200;
	[sflag:s11] =	ssyncadd.s32 $0xFFFFD800  }
0x3e3: {  	[spmem:s3] =	stream.indirect.scatter.add.f32 [tilespmem:s6], [sflag:$0x6], $0x80, s17, s2, $0x2000b8;
	[tilespmem:$0x1F800] =	vst v63  }
0x3e4: {  	_ =	swait.ge [sflag:s26], $0x2800  }
0x3e5: {  	[sflag:s26] =	ssyncset.done $0x0  }
0x3e6: {  	s5 =	simm.s32 $0x380;
	[sflag:s26] =	ssyncadd.s32 $0xFFFFD800  }
0x3e7: {  	[tilespmem:s6], [sflag:$0x2] =	stream.indirect.gather [hbm4b:s1+s2], $0x80, s5, s2, $0x2000b8;
	[tilespmem:$0x1F800] =	vst v63  }
0x3e8: {  	_ =	swait.ge [sflag:s14], $0x2800  }
0x3e9: {  	[sflag:s14] =	ssyncset.done $0x0  }
0x3ea: {  	s7 =	simm.s32 $0x2280;
	[sflag:s14] =	ssyncadd.s32 $0xFFFFD800  }
0x3eb: {  	[spmem:s3] =	stream.indirect.scatter.add.f32 [tilespmem:s8], [sflag:$0x6], $0x80, s7, s2, $0x2000b8;
	[tilespmem:$0x1F800] =	vst v63  }
0x3ec: {  	_ =	swait.ge [sflag:s26], $0x2800  }
0x3ed: {  	[sflag:s26] =	ssyncset.done $0x0  }
0x3ee: {  	s15 =	simm.s32 $0x400;
	[sflag:s26] =	ssyncadd.s32 $0xFFFFD800  }
0x3ef: {  	[tilespmem:s8], [sflag:$0x3] =	stream.indirect.gather [hbm4b:s1+s2], $0x80, s15, s2, $0x2000b8;
	[tilespmem:$0x1F800] =	vst v63  }
0x3f0: {  	_ =	swait.ge [sflag:s9], $0x2800  }
0x3f1: {  	[sflag:s9] =	ssyncset.done $0x0  }
0x3f2: {  	s16 =	simm.s32 $0x2300;
	[sflag:s9] =	ssyncadd.s32 $0xFFFFD800  }
0x3f3: {  	[spmem:s3] =	stream.indirect.scatter.add.f32 [tilespmem:s25], [sflag:$0x6], $0x80, s16, s2, $0x2000b8;
	[tilespmem:$0x1F800] =	vst v63  }
0x3f4: {  	_ =	swait.ge [sflag:s26], $0x2800  }
0x3f5: {  	[sflag:s26] =	ssyncset.done $0x0  }
0x3f6: {  	s17 =	simm.s32 $0x480;
	[sflag:s26] =	ssyncadd.s32 $0xFFFFD800  }
0x3f7: {  	[tilespmem:s25], [sflag:$0x1] =	stream.indirect.gather [hbm4b:s1+s2], $0x80, s17, s2, $0x2000b8;
	[tilespmem:$0x1F800] =	vst v63  }
0x3f8: {  	_ =	swait.ge [sflag:s11], $0x2800  }
0x3f9: {  	[sflag:s11] =	ssyncset.done $0x0  }
0x3fa: {  	s5 =	simm.s32 $0x2380;
	[sflag:s11] =	ssyncadd.s32 $0xFFFFD800  }
0x3fb: {  	[spmem:s3] =	stream.indirect.scatter.add.f32 [tilespmem:s6], [sflag:$0x6], $0x80, s5, s2, $0x2000b8;
	[tilespmem:$0x1F800] =	vst v63  }
0x3fc: {  	_ =	swait.ge [sflag:s26], $0x2800  }
0x3fd: {  	[sflag:s26] =	ssyncset.done $0x0  }
0x3fe: {  	s7 =	simm.s32 $0x500;
	[sflag:s26] =	ssyncadd.s32 $0xFFFFD800  }
0x3ff: {  	[tilespmem:s6], [sflag:$0x2] =	stream.indirect.gather [hbm4b:s1+s2], $0x80, s7, s2, $0x2000b8;
	[tilespmem:$0x1F800] =	vst v63  }
0x400: {  	_ =	swait.ge [sflag:s14], $0x2800  }
0x401: {  	[sflag:s14] =	ssyncset.done $0x0  }
0x402: {  	s15 =	simm.s32 $0x2400;
	[sflag:s14] =	ssyncadd.s32 $0xFFFFD800  }
0x403: {  	[spmem:s3] =	stream.indirect.scatter.add.f32 [tilespmem:s8], [sflag:$0x6], $0x80, s15, s2, $0x2000b8;
	[tilespmem:$0x1F800] =	vst v63  }
0x404: {  	_ =	swait.ge [sflag:s26], $0x2800  }
0x405: {  	[sflag:s26] =	ssyncset.done $0x0  }
0x406: {  	s16 =	simm.s32 $0x580;
	[sflag:s26] =	ssyncadd.s32 $0xFFFFD800  }
0x407: {  	[tilespmem:s8], [sflag:$0x3] =	stream.indirect.gather [hbm4b:s1+s2], $0x80, s16, s2, $0x2000b8;
	[tilespmem:$0x1F800] =	vst v63  }
0x408: {  	_ =	swait.ge [sflag:s9], $0x2800  }
0x409: {  	[sflag:s9] =	ssyncset.done $0x0  }
0x40a: {  	s17 =	simm.s32 $0x2480;
	[sflag:s9] =	ssyncadd.s32 $0xFFFFD800  }
0x40b: {  	[spmem:s3] =	stream.indirect.scatter.add.f32 [tilespmem:s25], [sflag:$0x6], $0x80, s17, s2, $0x2000b8;
	[tilespmem:$0x1F800] =	vst v63  }
0x40c: {  	_ =	swait.ge [sflag:s26], $0x2800  }
0x40d: {  	[sflag:s26] =	ssyncset.done $0x0  }
0x40e: {  	s5 =	simm.s32 $0x600;
	[sflag:s26] =	ssyncadd.s32 $0xFFFFD800  }
0x40f: {  	[tilespmem:s25], [sflag:$0x1] =	stream.indirect.gather [hbm4b:s1+s2], $0x80, s5, s2, $0x2000b8;
	[tilespmem:$0x1F800] =	vst v63  }
0x410: {  	_ =	swait.ge [sflag:s11], $0x2800  }
0x411: {  	[sflag:s11] =	ssyncset.done $0x0  }
0x412: {  	s7 =	simm.s32 $0x2500;
	[sflag:s11] =	ssyncadd.s32 $0xFFFFD800  }
0x413: {  	[spmem:s3] =	stream.indirect.scatter.add.f32 [tilespmem:s6], [sflag:$0x6], $0x80, s7, s2, $0x2000b8;
	[tilespmem:$0x1F800] =	vst v63  }
0x414: {  	_ =	swait.ge [sflag:s26], $0x2800  }
0x415: {  	[sflag:s26] =	ssyncset.done $0x0  }
0x416: {  	s15 =	simm.s32 $0x680;
	[sflag:s26] =	ssyncadd.s32 $0xFFFFD800  }
0x417: {  	[tilespmem:s6], [sflag:$0x2] =	stream.indirect.gather [hbm4b:s1+s2], $0x80, s15, s2, $0x2000b8;
	[tilespmem:$0x1F800] =	vst v63  }
0x418: {  	_ =	swait.ge [sflag:s14], $0x2800  }
0x419: {  	[sflag:s14] =	ssyncset.done $0x0  }
0x41a: {  	s16 =	simm.s32 $0x2580;
	[sflag:s14] =	ssyncadd.s32 $0xFFFFD800  }
0x41b: {  	[spmem:s3] =	stream.indirect.scatter.add.f32 [tilespmem:s8], [sflag:$0x6], $0x80, s16, s2, $0x2000b8;
	[tilespmem:$0x1F800] =	vst v63  }
0x41c: {  	_ =	swait.ge [sflag:s26], $0x2800  }
0x41d: {  	[sflag:s26] =	ssyncset.done $0x0  }
0x41e: {  	s17 =	simm.s32 $0x700;
	[sflag:s26] =	ssyncadd.s32 $0xFFFFD800  }
0x41f: {  	[tilespmem:s8], [sflag:$0x3] =	stream.indirect.gather [hbm4b:s1+s2], $0x80, s17, s2, $0x2000b8;
	[tilespmem:$0x1F800] =	vst v63  }
0x420: {  	_ =	swait.ge [sflag:s9], $0x2800  }
0x421: {  	[sflag:s9] =	ssyncset.done $0x0  }
0x422: {  	s5 =	simm.s32 $0x2600;
	[sflag:s9] =	ssyncadd.s32 $0xFFFFD800  }
0x423: {  	[spmem:s3] =	stream.indirect.scatter.add.f32 [tilespmem:s25], [sflag:$0x6], $0x80, s5, s2, $0x2000b8;
	[tilespmem:$0x1F800] =	vst v63  }
0x424: {  	_ =	swait.ge [sflag:s26], $0x2800  }
0x425: {  	[sflag:s26] =	ssyncset.done $0x0  }
0x426: {  	s7 =	simm.s32 $0x780;
	[sflag:s26] =	ssyncadd.s32 $0xFFFFD800  }
0x427: {  	[tilespmem:s25], [sflag:$0x1] =	stream.indirect.gather [hbm4b:s1+s2], $0x80, s7, s2, $0x2000b8;
	[tilespmem:$0x1F800] =	vst v63  }
0x428: {  	_ =	swait.ge [sflag:s11], $0x2800  }
0x429: {  	[sflag:s11] =	ssyncset.done $0x0  }
0x42a: {  	s15 =	simm.s32 $0x2680;
	[sflag:s11] =	ssyncadd.s32 $0xFFFFD800  }
0x42b: {  	[spmem:s3] =	stream.indirect.scatter.add.f32 [tilespmem:s6], [sflag:$0x6], $0x80, s15, s2, $0x2000b8;
	[tilespmem:$0x1F800] =	vst v63  }
0x42c: {  	_ =	swait.ge [sflag:s26], $0x2800  }
0x42d: {  	[sflag:s26] =	ssyncset.done $0x0  }
0x42e: {  	s16 =	simm.s32 $0x800;
	[sflag:s26] =	ssyncadd.s32 $0xFFFFD800  }
0x42f: {  	[tilespmem:s6], [sflag:$0x2] =	stream.indirect.gather [hbm4b:s1+s2], $0x80, s16, s2, $0x2000b8;
	[tilespmem:$0x1F800] =	vst v63  }
0x430: {  	_ =	swait.ge [sflag:s14], $0x2800  }
0x431: {  	[sflag:s14] =	ssyncset.done $0x0  }
0x432: {  	s17 =	simm.s32 $0x2700;
	[sflag:s14] =	ssyncadd.s32 $0xFFFFD800  }
0x433: {  	[spmem:s3] =	stream.indirect.scatter.add.f32 [tilespmem:s8], [sflag:$0x6], $0x80, s17, s2, $0x2000b8;
	[tilespmem:$0x1F800] =	vst v63  }
0x434: {  	_ =	swait.ge [sflag:s26], $0x2800  }
0x435: {  	[sflag:s26] =	ssyncset.done $0x0  }
0x436: {  	s5 =	simm.s32 $0x880;
	[sflag:s26] =	ssyncadd.s32 $0xFFFFD800  }
0x437: {  	[tilespmem:s8], [sflag:$0x3] =	stream.indirect.gather [hbm4b:s1+s2], $0x80, s5, s2, $0x2000b8;
	[tilespmem:$0x1F800] =	vst v63  }
0x438: {  	_ =	swait.ge [sflag:s9], $0x2800  }
0x439: {  	[sflag:s9] =	ssyncset.done $0x0  }
0x43a: {  	s7 =	simm.s32 $0x2780;
	[sflag:s9] =	ssyncadd.s32 $0xFFFFD800  }
0x43b: {  	[spmem:s3] =	stream.indirect.scatter.add.f32 [tilespmem:s25], [sflag:$0x6], $0x80, s7, s2, $0x2000b8;
	[tilespmem:$0x1F800] =	vst v63  }
0x43c: {  	_ =	swait.ge [sflag:s26], $0x2800  }
0x43d: {  	[sflag:s26] =	ssyncset.done $0x0  }
0x43e: {  	s15 =	simm.s32 $0x900;
	[sflag:s26] =	ssyncadd.s32 $0xFFFFD800  }
0x43f: {  	[tilespmem:s25], [sflag:$0x1] =	stream.indirect.gather [hbm4b:s1+s2], $0x80, s15, s2, $0x2000b8;
	[tilespmem:$0x1F800] =	vst v63  }
0x440: {  	_ =	swait.ge [sflag:s11], $0x2800  }
0x441: {  	[sflag:s11] =	ssyncset.done $0x0  }
0x442: {  	s16 =	simm.s32 $0x2800;
	[sflag:s11] =	ssyncadd.s32 $0xFFFFD800  }
0x443: {  	[spmem:s3] =	stream.indirect.scatter.add.f32 [tilespmem:s6], [sflag:$0x6], $0x80, s16, s2, $0x2000b8;
	[tilespmem:$0x1F800] =	vst v63  }
0x444: {  	_ =	swait.ge [sflag:s26], $0x2800  }
0x445: {  	[sflag:s26] =	ssyncset.done $0x0  }
0x446: {  	s17 =	simm.s32 $0x980;
	[sflag:s26] =	ssyncadd.s32 $0xFFFFD800  }
0x447: {  	[tilespmem:s6], [sflag:$0x2] =	stream.indirect.gather [hbm4b:s1+s2], $0x80, s17, s2, $0x2000b8;
	[tilespmem:$0x1F800] =	vst v63  }
0x448: {  	_ =	swait.ge [sflag:s14], $0x2800  }
0x449: {  	[sflag:s14] =	ssyncset.done $0x0  }
0x44a: {  	s5 =	simm.s32 $0x2880;
	[sflag:s14] =	ssyncadd.s32 $0xFFFFD800  }
0x44b: {  	[spmem:s3] =	stream.indirect.scatter.add.f32 [tilespmem:s8], [sflag:$0x6], $0x80, s5, s2, $0x2000b8;
	[tilespmem:$0x1F800] =	vst v63  }
0x44c: {  	_ =	swait.ge [sflag:s26], $0x2800  }
0x44d: {  	[sflag:s26] =	ssyncset.done $0x0  }
0x44e: {  	s7 =	simm.s32 $0xA00;
	[sflag:s26] =	ssyncadd.s32 $0xFFFFD800  }
0x44f: {  	[tilespmem:s8], [sflag:$0x3] =	stream.indirect.gather [hbm4b:s1+s2], $0x80, s7, s2, $0x2000b8;
	[tilespmem:$0x1F800] =	vst v63  }
0x450: {  	_ =	swait.ge [sflag:s9], $0x2800  }
0x451: {  	[sflag:s9] =	ssyncset.done $0x0  }
0x452: {  	s15 =	simm.s32 $0x2900;
	[sflag:s9] =	ssyncadd.s32 $0xFFFFD800  }
0x453: {  	[spmem:s3] =	stream.indirect.scatter.add.f32 [tilespmem:s25], [sflag:$0x6], $0x80, s15, s2, $0x2000b8;
	[tilespmem:$0x1F800] =	vst v63  }
0x454: {  	_ =	swait.ge [sflag:s26], $0x2800  }
0x455: {  	[sflag:s26] =	ssyncset.done $0x0  }
0x456: {  	s16 =	simm.s32 $0xA80;
	[sflag:s26] =	ssyncadd.s32 $0xFFFFD800  }
0x457: {  	[tilespmem:s25], [sflag:$0x1] =	stream.indirect.gather [hbm4b:s1+s2], $0x80, s16, s2, $0x2000b8;
	[tilespmem:$0x1F800] =	vst v63  }
0x458: {  	_ =	swait.ge [sflag:s11], $0x2800  }
0x459: {  	[sflag:s11] =	ssyncset.done $0x0  }
0x45a: {  	s17 =	simm.s32 $0x2980;
	[sflag:s11] =	ssyncadd.s32 $0xFFFFD800  }
0x45b: {  	[spmem:s3] =	stream.indirect.scatter.add.f32 [tilespmem:s6], [sflag:$0x6], $0x80, s17, s2, $0x2000b8;
	[tilespmem:$0x1F800] =	vst v63  }
0x45c: {  	_ =	swait.ge [sflag:s26], $0x2800  }
0x45d: {  	[sflag:s26] =	ssyncset.done $0x0  }
0x45e: {  	s5 =	simm.s32 $0xB00;
	[sflag:s26] =	ssyncadd.s32 $0xFFFFD800  }
0x45f: {  	[tilespmem:s6], [sflag:$0x2] =	stream.indirect.gather [hbm4b:s1+s2], $0x80, s5, s2, $0x2000b8;
	[tilespmem:$0x1F800] =	vst v63  }
0x460: {  	_ =	swait.ge [sflag:s14], $0x2800  }
0x461: {  	[sflag:s14] =	ssyncset.done $0x0  }
0x462: {  	s7 =	simm.s32 $0x2A00;
	[sflag:s14] =	ssyncadd.s32 $0xFFFFD800  }
0x463: {  	[spmem:s3] =	stream.indirect.scatter.add.f32 [tilespmem:s8], [sflag:$0x6], $0x80, s7, s2, $0x2000b8;
	[tilespmem:$0x1F800] =	vst v63  }
0x464: {  	_ =	swait.ge [sflag:s26], $0x2800  }
0x465: {  	[sflag:s26] =	ssyncset.done $0x0  }
0x466: {  	s15 =	simm.s32 $0xB80;
	[sflag:s26] =	ssyncadd.s32 $0xFFFFD800  }
0x467: {  	[tilespmem:s8], [sflag:$0x3] =	stream.indirect.gather [hbm4b:s1+s2], $0x80, s15, s2, $0x2000b8;
	[tilespmem:$0x1F800] =	vst v63  }
0x468: {  	_ =	swait.ge [sflag:s9], $0x2800  }
0x469: {  	[sflag:s9] =	ssyncset.done $0x0  }
0x46a: {  	s16 =	simm.s32 $0x2A80;
	[sflag:s9] =	ssyncadd.s32 $0xFFFFD800  }
0x46b: {  	[spmem:s3] =	stream.indirect.scatter.add.f32 [tilespmem:s25], [sflag:$0x6], $0x80, s16, s2, $0x2000b8;
	[tilespmem:$0x1F800] =	vst v63  }
0x46c: {  	_ =	swait.ge [sflag:s26], $0x2800  }
0x46d: {  	[sflag:s26] =	ssyncset.done $0x0  }
0x46e: {  	s17 =	simm.s32 $0xC00;
	[sflag:s26] =	ssyncadd.s32 $0xFFFFD800  }
0x46f: {  	[tilespmem:s25], [sflag:$0x1] =	stream.indirect.gather [hbm4b:s1+s2], $0x80, s17, s2, $0x2000b8;
	[tilespmem:$0x1F800] =	vst v63  }
0x470: {  	_ =	swait.ge [sflag:s11], $0x2800  }
0x471: {  	[sflag:s11] =	ssyncset.done $0x0  }
0x472: {  	s5 =	simm.s32 $0x2B00;
	[sflag:s11] =	ssyncadd.s32 $0xFFFFD800  }
0x473: {  	[spmem:s3] =	stream.indirect.scatter.add.f32 [tilespmem:s6], [sflag:$0x6], $0x80, s5, s2, $0x2000b8;
	[tilespmem:$0x1F800] =	vst v63  }
0x474: {  	_ =	swait.ge [sflag:s26], $0x2800  }
0x475: {  	[sflag:s26] =	ssyncset.done $0x0  }
0x476: {  	[sflag:s26] =	ssyncadd.s32 $0xFFFFD800  }
0x477: {  	_ =	swait.ge [sflag:s14], $0x2800  }
0x478: {  	[sflag:s14] =	ssyncset.done $0x0  }
0x479: {  	s7 =	simm.s32 $0x2B80;
	[sflag:s14] =	ssyncadd.s32 $0xFFFFD800  }
0x47a: {  	[spmem:s3] =	stream.indirect.scatter.add.f32 [tilespmem:s8], [sflag:$0x6], $0x80, s7, s2, $0x2000b8;
	[tilespmem:$0x1F800] =	vst v63  }
0x47b: {  	_ =	swait.ge [sflag:s26], $0x2800  }
0x47c: {  	[sflag:s26] =	ssyncset.done $0x0  }
0x47d: {  	[sflag:s26] =	ssyncadd.s32 $0xFFFFD800  }
0x47e: {  	_ =	swait.ge [sflag:s9], $0x2800  }
0x47f: {  	[sflag:s9] =	ssyncset.done $0x0  }
0x480: {  	s15 =	simm.s32 $0x2C00;
	[sflag:s9] =	ssyncadd.s32 $0xFFFFD800  }
0x481: {  	[spmem:s3] =	stream.indirect.scatter.add.f32 [tilespmem:s25], [sflag:$0x6], $0x80, s15, s2, $0x2000b8;
	[tilespmem:$0x1F800] =	vst v63  }
0x482: {  	_ =	swait.ge [sflag:s26], $0x2800  }
0x483: {  	[sflag:s26] =	ssyncset.done $0x0  }
0x484: {  	[sflag:s26] =	ssyncadd.s32 $0xFFFFD800  }
0x485: {  	_ =	strace $0x90000052  }
0x486: {  	[bflag:$0x0] =	sbarrier.arrive $0xFFFF  }
0x487: {  	s16 =	stileid.u32;
	_ =	strace $0x80000053  }
0x488: {  	s15 =	sshll.u32 s16, $0x6;
	s17 =	rddreg [dreg:$0x17]  }
0x489: {  	s15 =	sor.u32 $0x1C06, s15;
	s7 =	rddreg [dreg:$0x15];
	s5 =	sshrl.u32 s17, $0x3  }
0x48a: {  	[hbm:s7], [sflag:s15] =	dma.local [spmem:s5], $0x2800  }
0x48b: {  	_ =	swait.ge [sflag:s26], $0x2800  }
0x48c: {  	s13 =	sadd.s32 $0x1, s13;
	s17 =	rddreg [dreg:$0x16]  }
0x48d: {  	p0 =	sne.s32 s13, s17  }
.Ltmp1:
0x48e: {  	_ = 	snop;
	(pc) =	sbr.rel @p0 .LBB2_1-.Ltmp1, $4  }
0x48f: {  	_ = 	snop  }
0x490: {  	[sflag:s26] =	ssyncset.done $0x0  }
0x491: {  	[sflag:s26] =	ssyncadd.s32 $0xFFFFD800  }
0x492: {  	_ =	strace $0x90000053  }
0x493: {  	_ =	sfence.sel $0x180000  }
0x494: {  	[bflag:$0x0] =	sbarrier.arrive $0xFFFF  }
0x495: {  	_ =	strace $0x90000047  }
0x496: {  	s0 =	stileid.u32;
	[bflag:$0x2] =	sbarrier.arrive $0xFFFF  }
0x497: {  	p0 =	sne.s32 s0, $0x0;
	s0 =	rddreg [dreg:$0x3]  }
0x498: {  	s0 =	sadd.s32 @!p0 $0x100000, s0  }
0x499: {  	[sflag:s0] =	ssyncadd.tile.s32 @!p0 $0x1;
	_ =	shalt  }
.Lfunc_end2:
_tile_overlayer_lowered:
.L_overlay_start_2:
0x49a: {  	(tag) =	ssettag $0x2  }
0x49b: {  	s0 =	rddreg [dreg:$0x0];
	s2 =	stileid.u32  }
0x49c: {  	s1 =	rddreg [dreg:$0x1];
	p0 =	sne.s32 s2, $0x0  }
0x49d: {  	s3 =	rddreg [dreg:$0x2];
	[bflag:$0x3] =	sbarrier.arrive $0xFFFF;
	s2 =	simm.s32 @!p0 $0x1C06  }
0x49e: {  	[timem:s3], [sflag:s2] =	dma.local @!p0 [hbm:s0], s1  }
0x49f: {  	s0 =	simm.s32 @!p0 $0x6  }
0x4a0: {  	_ =	swait.ge @!p0 [sflag:s0], s1  }
0x4a1: {  	s1 =	ssub.s32 @!p0 $0x0, s1;
	[sflag:s0] =	ssyncset.done @!p0 $0x0  }
0x4a2: {  	[sflag:s0] =	ssyncadd.s32 @!p0 s1  }
0x4a3: {  	[bflag:$0x3] =	sbarrier.arrive $0xFFFF  }
0x4a4: {  	_ =	shalt  }

</sc_bundles>
